<compile_context>
chip_gen: v7x
topology: tpu7x:2x2x1
jax: 0.10.2.dev20260603
libtpu: 0.0.44.dev20260713+nightly
codegen_flags: <defaults>
</compile_context>

<pallas_src>
import jax
import jax.numpy as jnp
from jax import lax
from jax.experimental import pallas as pl
from jax.experimental.pallas import tpu as pltpu
from jax.experimental.pallas import tpu_sc as plsc

V = 100000
D = 128
H = 256
B = 1024
C = 50
M = 20
L = 5

_NC = 2
_NS = 16
_LANES = 16
NW = _NC * _NS

NGATHER = B * C + B
G_PER_W = NGATHER // NW
GCK = 96
NGCK = G_PER_W // GCK

PAIRS_PER_W = (B * M) // NW
PCH = 16
PROWS = PCH * L
NPCK = PAIRS_PER_W // PCH
NSEG = D // _LANES

def _wid():
    return lax.axis_index("s") * _NC + lax.axis_index("c")



def _sc_ctx_body(enc_emb, gat_idx, rows_out,
                 gidx_all, grows0, grows1, grows2, grows3,
                 sem_g0, sem_g1, sem_g2, sem_g3,
                 sem_w0, sem_w1, sem_w2, sem_w3):
    gbase = _wid() * G_PER_W
    grows = (grows0, grows1, grows2, grows3)
    sem_g = (sem_g0, sem_g1, sem_g2, sem_g3)
    sem_w = (sem_w0, sem_w1, sem_w2, sem_w3)

    pltpu.sync_copy(gat_idx.at[pl.ds(gbase, G_PER_W)], gidx_all)

    def gather(c, b):
        ids = gidx_all.at[pl.ds(c * GCK, GCK)]
        pltpu.async_copy(enc_emb.at[ids], grows[b], sem_g[b])

    def wait_write(c, b):
        pltpu.make_async_copy(
            grows[b], rows_out.at[pl.ds(gbase + c * GCK, GCK)],
            sem_w[b]).wait()

    def slot(c, b):
        ids = gidx_all.at[pl.ds(c * GCK, GCK)]
        pltpu.make_async_copy(enc_emb.at[ids], grows[b], sem_g[b]).wait()
        pltpu.async_copy(grows[b], rows_out.at[pl.ds(gbase + c * GCK, GCK)],
                         sem_w[b])

        @pl.when(c + 2 < NGCK)
        def _():
            b2 = (b + 2) % 4
            @pl.when(c >= 2)
            def _():
                wait_write(c - 2, b2)
            gather(c + 2, b2)

    gather(0, 0)
    gather(1, 1)

    def loop(k, carry):
        slot(4 * k, 0)
        slot(4 * k + 1, 1)
        slot(4 * k + 2, 2)
        slot(4 * k + 3, 3)
        return carry

    lax.fori_loop(0, (NGCK - 1) // 4, loop, 0)
    slot(jnp.int32(NGCK - 1), 0)
    for c, b in ((13, 1), (14, 2), (15, 3), (16, 0)):
        wait_write(jnp.int32(c), b)


def _sc_ctx(enc_emb, gat_idx):
    mesh = plsc.VectorSubcoreMesh(core_axis_name="c", subcore_axis_name="s")
    f = pl.kernel(
        _sc_ctx_body,
        out_type=jax.ShapeDtypeStruct((NGATHER, D), jnp.float32),
        mesh=mesh,
        compiler_params=pltpu.CompilerParams(use_tc_tiling_on_sc=True),
        scratch_types=[
            pltpu.VMEM((G_PER_W,), jnp.int32),
            pltpu.VMEM((GCK, D), jnp.float32),
            pltpu.VMEM((GCK, D), jnp.float32),
            pltpu.VMEM((GCK, D), jnp.float32),
            pltpu.VMEM((GCK, D), jnp.float32),
            pltpu.SemaphoreType.DMA,
            pltpu.SemaphoreType.DMA,
            pltpu.SemaphoreType.DMA,
            pltpu.SemaphoreType.DMA,
            pltpu.SemaphoreType.DMA,
            pltpu.SemaphoreType.DMA,
            pltpu.SemaphoreType.DMA,
            pltpu.SemaphoreType.DMA,
        ],
    )
    return f(enc_emb, gat_idx)



def _sc_prior_body(emb_mu, emb_ls, lf_idx, mu_sum_out, sig_sum_out,
                   pidx_all, mu_rows0, mu_rows1, ls_rows0, ls_rows1,
                   mu_out0, mu_out1, sig_out0, sig_out1,
                   sem_pg0, sem_pg1, sem_po0, sem_po1):
    rbase = _wid() * PAIRS_PER_W * L
    pbase = _wid() * PAIRS_PER_W

    mu_rows = (mu_rows0, mu_rows1)
    ls_rows = (ls_rows0, ls_rows1)
    mu_out = (mu_out0, mu_out1)
    sig_out = (sig_out0, sig_out1)
    sem_pg = (sem_pg0, sem_pg1)
    sem_po = (sem_po0, sem_po1)

    pltpu.sync_copy(lf_idx.at[pl.ds(rbase, PAIRS_PER_W * L)], pidx_all)

    def gather(c, b):
        ids = pidx_all.at[pl.ds(c * PROWS, PROWS)]
        pltpu.async_copy(emb_mu.at[ids], mu_rows[b], sem_pg[b])
        pltpu.async_copy(emb_ls.at[ids], ls_rows[b], sem_pg[b])

    def slot(c, b):
        ids = pidx_all.at[pl.ds(c * PROWS, PROWS)]
        pltpu.make_async_copy(emb_mu.at[ids], mu_rows[b], sem_pg[b]).wait()
        pltpu.make_async_copy(emb_ls.at[ids], ls_rows[b], sem_pg[b]).wait()

        @pl.when(c >= 2)
        def _():
            poff = pbase + (c - 2) * PCH
            pltpu.make_async_copy(
                mu_out[b], mu_sum_out.at[pl.ds(poff, PCH)], sem_po[b]).wait()
            pltpu.make_async_copy(
                sig_out[b], sig_sum_out.at[pl.ds(poff, PCH)], sem_po[b]).wait()

        @plsc.parallel_loop(0, PCH, unroll=2)
        def pair(p):
            r0 = p * L
            for seg in range(NSEG):
                cs = pl.ds(seg * _LANES, _LANES)
                m0 = mu_rows[b][r0, cs]
                m1 = mu_rows[b][r0 + 1, cs]
                m2 = mu_rows[b][r0 + 2, cs]
                m3 = mu_rows[b][r0 + 3, cs]
                m4 = mu_rows[b][r0 + 4, cs]
                e0 = jnp.exp(ls_rows[b][r0, cs])
                e1 = jnp.exp(ls_rows[b][r0 + 1, cs])
                e2 = jnp.exp(ls_rows[b][r0 + 2, cs])
                e3 = jnp.exp(ls_rows[b][r0 + 3, cs])
                e4 = jnp.exp(ls_rows[b][r0 + 4, cs])
                mu_out[b][p, cs] = ((m0 + m1) + (m2 + m3)) + m4
                sig_out[b][p, cs] = ((e0 + e1) + (e2 + e3)) + e4

        poff = pbase + c * PCH
        pltpu.async_copy(mu_out[b], mu_sum_out.at[pl.ds(poff, PCH)], sem_po[b])
        pltpu.async_copy(sig_out[b], sig_sum_out.at[pl.ds(poff, PCH)],
                         sem_po[b])

        @pl.when(c + 2 < NPCK)
        def _():
            gather(c + 2, b)

    gather(0, 0)
    gather(1, 1)

    def loop(j, carry):
        slot(2 * j, 0)
        slot(2 * j + 1, 1)
        return carry

    lax.fori_loop(0, NPCK // 2, loop, 0)

    for b in (0, 1):
        c = NPCK - 2 + b
        poff = pbase + c * PCH
        pltpu.make_async_copy(
            mu_out[b], mu_sum_out.at[pl.ds(poff, PCH)], sem_po[b]).wait()
        pltpu.make_async_copy(
            sig_out[b], sig_sum_out.at[pl.ds(poff, PCH)], sem_po[b]).wait()


def _sc_priors(emb_mu, emb_ls, lf_idx):
    mesh = plsc.VectorSubcoreMesh(core_axis_name="c", subcore_axis_name="s")
    f = pl.kernel(
        _sc_prior_body,
        out_type=(
            jax.ShapeDtypeStruct((B * M, D), jnp.float32),
            jax.ShapeDtypeStruct((B * M, D), jnp.float32),
        ),
        mesh=mesh,
        compiler_params=pltpu.CompilerParams(use_tc_tiling_on_sc=True),
        scratch_types=[
            pltpu.VMEM((PAIRS_PER_W * L,), jnp.int32),
            pltpu.VMEM((PROWS, D), jnp.float32),
            pltpu.VMEM((PROWS, D), jnp.float32),
            pltpu.VMEM((PROWS, D), jnp.float32),
            pltpu.VMEM((PROWS, D), jnp.float32),
            pltpu.VMEM((PCH, D), jnp.float32),
            pltpu.VMEM((PCH, D), jnp.float32),
            pltpu.VMEM((PCH, D), jnp.float32),
            pltpu.VMEM((PCH, D), jnp.float32),
            pltpu.SemaphoreType.DMA,
            pltpu.SemaphoreType.DMA,
            pltpu.SemaphoreType.DMA,
            pltpu.SemaphoreType.DMA,
        ],
    )
    return f(emb_mu, emb_ls, lf_idx)



BB = 128
NB = B // BB
CEN_BLK0 = (B * C) // BB


def _tc_enc_body(ctx_ref, cen_ref, fw1t_ref, fw2t_ref, fb_ref,
                 uwt_ref, ub_ref, vw_ref, vb_ref, mu_ref, lsq_ref):
    ctx = ctx_ref[...]
    cen = cen_ref[...]
    e = jnp.dot(ctx, fw2t_ref[...], preferred_element_type=jnp.float32)
    a = jnp.dot(cen, fw1t_ref[...], preferred_element_type=jnp.float32)
    a = a + fb_ref[...]
    hr = jax.nn.relu(e.reshape(BB, C, H) + a[:, None, :])
    h = hr.sum(axis=1) * (1.0 / C)
    mu_ref[...] = (jnp.dot(h, uwt_ref[...], preferred_element_type=jnp.float32)
                   + ub_ref[...])
    lsq_ref[...] = (jnp.sum(h * vw_ref[...], axis=1, keepdims=True)
                    + vb_ref[0, 0])


def _tc_encoder(rows_all, fw1t, fw2t, fb2, uwt, ub2, vw, vb2):
    full = lambda shape: pl.BlockSpec(shape, lambda i: (0,) * len(shape))
    return pl.pallas_call(
        _tc_enc_body,
        grid=(NB,),
        in_specs=[
            pl.BlockSpec((BB * C, D), lambda i: (i, 0)),
            pl.BlockSpec((BB, D), lambda i: (CEN_BLK0 + i, 0)),
            full((D, H)),
            full((D, H)),
            full((1, H)),
            full((H, D)),
            full((1, D)),
            full((1, H)),
            full((1, 1)),
        ],
        out_specs=[
            pl.BlockSpec((BB, D), lambda i: (i, 0)),
            pl.BlockSpec((BB, 1), lambda i: (i, 0)),
        ],
        out_shape=[
            jax.ShapeDtypeStruct((B, D), jnp.float32),
            jax.ShapeDtypeStruct((B, 1), jnp.float32),
        ],
    )(rows_all, rows_all, fw1t, fw2t, fb2, uwt, ub2, vw, vb2)



def _tc_kl_body(no_ref, mu_ref, sig_ref, sfmu_ref, lsq_ref, kl_ref):
    mu_s = mu_ref[...].reshape(BB, M, D)
    sig_s = sig_ref[...].reshape(BB, M, D)
    log_sq = lsq_ref[...][:, 0]
    sfL = sfmu_ref[...] * float(L)
    sq2L = (jnp.exp(2.0 * log_sq) * float(L * L))[:, None, None]
    dm = sfL[:, None, :] - mu_s
    elem = (jnp.log(sig_s)
            + (sq2L + dm * dm) * 0.5 / (sig_s * sig_s))
    kl = elem.sum(axis=-1)
    kl = kl - (float(D) * (jnp.log(float(L)) + 0.5)
               + float(D) * log_sq)[:, None]
    no = no_ref[0, 0, :]
    mask = lax.broadcasted_iota(jnp.int32, (BB, M), 1) >= no[:, None]
    kl_ref[...] = jnp.where(mask, -jnp.inf, kl)


def _tc_kl(num_outputs, mu_sum, sig_sum, sf_mu, lsq):
    no3 = num_outputs.reshape(NB, 1, BB)
    return pl.pallas_call(
        _tc_kl_body,
        grid=(NB,),
        in_specs=[
            pl.BlockSpec((1, 1, BB), lambda i: (i, 0, 0)),
            pl.BlockSpec((BB * M, D), lambda i: (i, 0)),
            pl.BlockSpec((BB * M, D), lambda i: (i, 0)),
            pl.BlockSpec((BB, D), lambda i: (i, 0)),
            pl.BlockSpec((BB, 1), lambda i: (i, 0)),
        ],
        out_specs=pl.BlockSpec((BB, M), lambda i: (i, 0)),
        out_shape=jax.ShapeDtypeStruct((B, M), jnp.float32),
    )(no3, mu_sum, sig_sum, sf_mu, lsq)


def kernel(sf_ids, context_ids, lf_ids, target_lf_ids, num_outputs,
           emb_mu, emb_log_sigma, enc_emb, f_w, f_b, u_w, u_b, v_w, v_b):
    gat_idx = jnp.concatenate(
        [context_ids.reshape(-1), sf_ids.reshape(-1)]).astype(jnp.int32)
    lf_flat = lf_ids.reshape(-1).astype(jnp.int32)

    rows_all = _sc_ctx(enc_emb, gat_idx)
    mu_sum, sig_sum = _sc_priors(emb_mu, emb_log_sigma, lf_flat)

    fw1t = f_w[:, :D].T
    fw2t = f_w[:, D:].T
    sf_mu, lsq = _tc_encoder(rows_all, fw1t, fw2t, f_b.reshape(1, H),
                             u_w.T, u_b.reshape(1, D), v_w, v_b.reshape(1, 1))
    kl = _tc_kl(num_outputs.astype(jnp.int32), mu_sum, sig_sum, sf_mu, lsq)
    return kl, target_lf_ids

# --- scband reference (transcript-rebuilt; emitter-appended) ---
"""Pipeline reference for scband-acronym-expander-46935402610845 (READ-ONLY COPY).

The authoritative reference and input builder live on the scoring server;
editing this copy changes nothing except your own understanding.
"""

import jax, jax.numpy as jnp
import numpy as np

V = 100000
D = 128
H = 256
B = 1024
C = 50
M = 20
L = 5


def setup_inputs(seed: int = 0) -> dict:
    key = jax.random.key(seed)
    ks = jax.random.split(key, 12)
    inp = {}
    inp["sf_ids"] = jax.random.randint(ks[0], (B,), 0, V)
    inp["context_ids"] = jax.random.randint(ks[1], (B, C), 0, V)
    inp["lf_ids"] = jax.random.randint(ks[2], (B, M, L), 0, V)
    inp["target_lf_ids"] = jax.random.randint(ks[3], (B,), 0, M)
    inp["num_outputs"] = jax.random.randint(ks[4], (B,), 1, M + 1)
    inp["emb_mu"] = jax.random.normal(ks[5], (V, D), dtype=jnp.float32) * 0.02
    inp["emb_log_sigma"] = jax.random.normal(ks[6], (V, D), dtype=jnp.float32) * 0.02
    inp["enc_emb"] = jax.random.normal(ks[7], (V, D), dtype=jnp.float32) * 0.02
    inp["f_w"] = jax.random.normal(ks[8], (H, 2 * D), dtype=jnp.float32) * (1.0 / np.sqrt(2 * D))
    inp["f_b"] = jnp.zeros((H,), dtype=jnp.float32)
    inp["u_w"] = jax.random.normal(ks[9], (D, H), dtype=jnp.float32) * (1.0 / np.sqrt(H))
    inp["u_b"] = jnp.zeros((D,), dtype=jnp.float32)
    inp["v_w"] = jax.random.normal(ks[10], (1, H), dtype=jnp.float32) * (1.0 / np.sqrt(H))
    inp["v_b"] = jnp.zeros((1,), dtype=jnp.float32)
    return inp


def _compute_kl(mu_q, sigma_q, mu_p, sigma_p):
    # KL(q || p) per-dim, summed over last dim (diagonal Gaussians).
    kl = jnp.log(sigma_p / sigma_q) + (sigma_q ** 2 + (mu_q - mu_p) ** 2) / (2.0 * sigma_p ** 2) - 0.5
    return kl.sum(-1)


def reference(sf_ids, context_ids, lf_ids, target_lf_ids, num_outputs,
              emb_mu, emb_log_sigma, enc_emb, f_w, f_b, u_w, u_b, v_w, v_b):
    batch_size, num_context_ids = context_ids.shape
    max_output_size = lf_ids.shape[1]
    # --- encoder(sf_ids, context_ids, mask=all False) ---
    center = jnp.take(enc_emb, sf_ids, axis=0)                     # [B, D]
    ctx = jnp.take(enc_emb, context_ids, axis=0)                   # [B, C, D]
    center_tiled = jnp.broadcast_to(center[:, None, :], (batch_size, num_context_ids, center.shape[-1]))
    merged = jnp.concatenate([center_tiled, ctx], axis=-1)         # [B, C, 2D]
    # mask is all False in the original forward, so no fill applied
    h_reps = jax.nn.relu(merged @ f_w.T + f_b)                     # [B, C, H]
    h = h_reps.mean(1)                                             # [B, H]
    sf_mu = h @ u_w.T + u_b                                        # [B, D]
    sf_sigma = jnp.exp(h @ v_w.T + v_b)                            # [B, 1]
    # --- priors for long forms ---
    lf_mu = jnp.take(emb_mu, lf_ids, axis=0)                       # [B, M, L, D]
    lf_sigma = jnp.exp(jnp.take(emb_log_sigma, lf_ids, axis=0))    # [B, M, L, D]
    lf_mu_sum = lf_mu.mean(-2)                                     # [B, M, D]
    lf_sigma_sum = lf_sigma.mean(-2)                               # [B, M, D]
    sf_mu_flat = jnp.broadcast_to(sf_mu[:, None, :], (batch_size, max_output_size, sf_mu.shape[-1])).reshape(batch_size * max_output_size, -1)
    sf_sigma_flat = jnp.broadcast_to(sf_sigma[:, None, :], (batch_size, max_output_size, 1)).reshape(batch_size * max_output_size, -1)
    lf_mu_flat = lf_mu_sum.reshape(batch_size * max_output_size, -1)
    lf_sigma_flat = lf_sigma_sum.reshape(batch_size * max_output_size, -1)
    kl = _compute_kl(sf_mu_flat, sf_sigma_flat, lf_mu_flat, lf_sigma_flat).reshape(batch_size, max_output_size)
    output_mask = jnp.arange(max_output_size)[None, :] >= num_outputs[:, None]
    kl = jnp.where(output_mask, -jnp.inf, kl)
    return kl, target_lf_ids


if False:  # reference __main__ guard neutralized (emitter)
    out = reference(**setup_inputs())
    print(out[0].shape, out[1].shape)

if __name__ == "__main__":
    import jax
    _d = setup_inputs()
    print(jax.jit(kernel)(*tuple(_d.values())))

</pallas_src>

<mosaic_0001>
#map = affine_map<(d0, d1) -> (0, 0)>
#map1 = affine_map<(d0, d1) -> (0)>
module attributes {stable_mosaic.version = 14 : i64} {
  func.func @_sc_prior_body(%arg0: i32, %arg1: i32, %arg2: memref<100000x128xf32, #tpu.memory_space<hbm>>, %arg3: memref<100000x128xf32, #tpu.memory_space<hbm>>, %arg4: memref<102400xi32, #tpu.memory_space<hbm>>, %arg5: memref<20480x128xf32, #tpu.memory_space<hbm>>, %arg6: memref<20480x128xf32, #tpu.memory_space<hbm>>, %arg7: memref<3200xi32, #tpu.memory_space<vmem>>, %arg8: memref<80x128xf32, #tpu.memory_space<vmem>>, %arg9: memref<80x128xf32, #tpu.memory_space<vmem>>, %arg10: memref<80x128xf32, #tpu.memory_space<vmem>>, %arg11: memref<80x128xf32, #tpu.memory_space<vmem>>, %arg12: memref<16x128xf32, #tpu.memory_space<vmem>>, %arg13: memref<16x128xf32, #tpu.memory_space<vmem>>, %arg14: memref<16x128xf32, #tpu.memory_space<vmem>>, %arg15: memref<16x128xf32, #tpu.memory_space<vmem>>, %arg16: memref<!tpu.dma_semaphore, #tpu.memory_space<semaphore_mem>>, %arg17: memref<!tpu.dma_semaphore, #tpu.memory_space<semaphore_mem>>, %arg18: memref<!tpu.dma_semaphore, #tpu.memory_space<semaphore_mem>>, %arg19: memref<!tpu.dma_semaphore, #tpu.memory_space<semaphore_mem>>) attributes {dimension_semantics = [#tpu.dimension_semantics<core_parallel>, #tpu.dimension_semantics<subcore_parallel>], iteration_bounds = array<i64: 2, 16>, scalar_prefetch = 0 : i64, scratch_operands = 13 : i64, tpu.core_type = #tpu.core_type<sc_vector_subcore>, window_params = [{transform_indices = #map}, {transform_indices = #map}, {transform_indices = #map1}, {transform_indices = #map}, {transform_indices = #map}]} {
    %mul3A = arith.constant 2 : i32
    %mul3A_0 = arith.muli %arg1, %mul3A : i32
    %add3A = arith.addi %mul3A_0, %arg0 : i32
    %mul3A_1 = arith.constant 640 : i32
    %mul3A_2 = arith.muli %add3A, %mul3A_1 : i32
    %mul3A_3 = arith.constant 5 : i32
    %mul3A_4 = arith.muli %mul3A_2, %mul3A_3 : i32
    %mul3A_5 = arith.constant 2 : i32
    %mul3A_6 = arith.muli %arg1, %mul3A_5 : i32
    %add3A_7 = arith.addi %mul3A_6, %arg0 : i32
    %mul3A_8 = arith.constant 640 : i32
    %mul3A_9 = arith.muli %add3A_7, %mul3A_8 : i32
    "tpu.region"() ({
      %run_scoped3A = tpu.sem_alloc : memref<!tpu.dma_semaphore, #tpu.memory_space<semaphore_mem>>
      %dma_start3A_53 = tpu.memref_slice %arg4[%mul3A_4] : memref<102400xi32, #tpu.memory_space<hbm>> -> memref<3200xi32, #tpu.memory_space<hbm>>
      %dma_start3A_54 = tpu.memref_slice %arg4[%mul3A_4] : memref<102400xi32, #tpu.memory_space<hbm>> -> memref<3200xi32, #tpu.memory_space<hbm>>
      tpu.enqueue_dma source(%dma_start3A_54 : memref<3200xi32, #tpu.memory_space<hbm>>) target(%arg7 : memref<3200xi32, #tpu.memory_space<vmem>>) target_semaphore(%run_scoped3A : memref<!tpu.dma_semaphore, #tpu.memory_space<semaphore_mem>>)
      %dma_wait3A_55 = tpu.memref_slice %arg4[%mul3A_4] : memref<102400xi32, #tpu.memory_space<hbm>> -> memref<3200xi32, #tpu.memory_space<hbm>>
      %dma_wait3A_56 = tpu.memref_slice %arg4[%mul3A_4] : memref<102400xi32, #tpu.memory_space<hbm>> -> memref<3200xi32, #tpu.memory_space<hbm>>
      tpu.wait_dma2 semaphore(%run_scoped3A : memref<!tpu.dma_semaphore, #tpu.memory_space<semaphore_mem>>) src(%dma_wait3A_56 : memref<3200xi32, #tpu.memory_space<hbm>>) dst(%arg7 : memref<3200xi32, #tpu.memory_space<vmem>>)
      tpu.yield
    }) : () -> ()
    %dma_start3A = arith.constant 0 : i32
    %dma_start3A_10 = tpu.memref_slice %arg7[%dma_start3A] : memref<3200xi32, #tpu.memory_space<vmem>> -> memref<80xi32, #tpu.memory_space<vmem>>
    %dma_start3A_11 = arith.constant 0 : i32
    %dma_start3A_12 = arith.constant 0 : i32
    %dma_start3A_13 = tpu.memref_slice %arg2[%dma_start3A_11, %dma_start3A_12] : memref<100000x128xf32, #tpu.memory_space<hbm>> -> memref<100000x128xf32, #tpu.memory_space<hbm>>
    tpu.enqueue_indirect_dma source(%dma_start3A_13 : memref<100000x128xf32, #tpu.memory_space<hbm>>) target(%arg8 : memref<80x128xf32, #tpu.memory_space<vmem>>) offsets(%dma_start3A_10 : memref<80xi32, #tpu.memory_space<vmem>>) semaphore(%arg16 : memref<!tpu.dma_semaphore, #tpu.memory_space<semaphore_mem>>)
    %dma_start3A_14 = arith.constant 0 : i32
    %dma_start3A_15 = tpu.memref_slice %arg7[%dma_start3A_14] : memref<3200xi32, #tpu.memory_space<vmem>> -> memref<80xi32, #tpu.memory_space<vmem>>
    %dma_start3A_16 = arith.constant 0 : i32
    %dma_start3A_17 = arith.constant 0 : i32
    %dma_start3A_18 = tpu.memref_slice %arg3[%dma_start3A_16, %dma_start3A_17] : memref<100000x128xf32, #tpu.memory_space<hbm>> -> memref<100000x128xf32, #tpu.memory_space<hbm>>
    tpu.enqueue_indirect_dma source(%dma_start3A_18 : memref<100000x128xf32, #tpu.memory_space<hbm>>) target(%arg10 : memref<80x128xf32, #tpu.memory_space<vmem>>) offsets(%dma_start3A_15 : memref<80xi32, #tpu.memory_space<vmem>>) semaphore(%arg16 : memref<!tpu.dma_semaphore, #tpu.memory_space<semaphore_mem>>)
    %dma_start3A_19 = arith.constant 80 : i32
    %dma_start3A_20 = tpu.memref_slice %arg7[%dma_start3A_19] : memref<3200xi32, #tpu.memory_space<vmem>> -> memref<80xi32, #tpu.memory_space<vmem>>
    %dma_start3A_21 = arith.constant 0 : i32
    %dma_start3A_22 = arith.constant 0 : i32
    %dma_start3A_23 = tpu.memref_slice %arg2[%dma_start3A_21, %dma_start3A_22] : memref<100000x128xf32, #tpu.memory_space<hbm>> -> memref<100000x128xf32, #tpu.memory_space<hbm>>
    tpu.enqueue_indirect_dma source(%dma_start3A_23 : memref<100000x128xf32, #tpu.memory_space<hbm>>) target(%arg9 : memref<80x128xf32, #tpu.memory_space<vmem>>) offsets(%dma_start3A_20 : memref<80xi32, #tpu.memory_space<vmem>>) semaphore(%arg17 : memref<!tpu.dma_semaphore, #tpu.memory_space<semaphore_mem>>)
    %dma_start3A_24 = arith.constant 80 : i32
    %dma_start3A_25 = tpu.memref_slice %arg7[%dma_start3A_24] : memref<3200xi32, #tpu.memory_space<vmem>> -> memref<80xi32, #tpu.memory_space<vmem>>
    %dma_start3A_26 = arith.constant 0 : i32
    %dma_start3A_27 = arith.constant 0 : i32
    %dma_start3A_28 = tpu.memref_slice %arg3[%dma_start3A_26, %dma_start3A_27] : memref<100000x128xf32, #tpu.memory_space<hbm>> -> memref<100000x128xf32, #tpu.memory_space<hbm>>
    tpu.enqueue_indirect_dma source(%dma_start3A_28 : memref<100000x128xf32, #tpu.memory_space<hbm>>) target(%arg11 : memref<80x128xf32, #tpu.memory_space<vmem>>) offsets(%dma_start3A_25 : memref<80xi32, #tpu.memory_space<vmem>>) semaphore(%arg17 : memref<!tpu.dma_semaphore, #tpu.memory_space<semaphore_mem>>)
    %scan3A = arith.constant 0 : i32
    %scan3A_29 = arith.constant 0 : i32
    %scan3A_30 = arith.constant 20 : i32
    %scan3A_31 = arith.addi %scan3A_29, %scan3A_30 : i32
    %scan3A_32 = arith.constant 1 : i32
    scf.for %scan3A_53 = %scan3A_29 to %scan3A_31 step %scan3A_32  : i32 {
      %mul3A_54 = arith.constant 2 : i32
      %mul3A_55 = arith.muli %mul3A_54, %scan3A_53 : i32
      %mul3A_56 = arith.constant 80 : i32
      %mul3A_57 = arith.muli %mul3A_55, %mul3A_56 : i32
      %dma_wait3A_58 = tpu.memref_slice %arg7[%mul3A_57] : memref<3200xi32, #tpu.memory_space<vmem>> -> memref<80xi32, #tpu.memory_space<vmem>>
      %dma_wait3A_59 = arith.constant 0 : i32
      %dma_wait3A_60 = arith.constant 0 : i32
      %dma_wait3A_61 = tpu.memref_slice %arg2[%dma_wait3A_59, %dma_wait3A_60] : memref<100000x128xf32, #tpu.memory_space<hbm>> -> memref<100000x128xf32, #tpu.memory_space<hbm>>
      tpu.wait_indirect_dma semaphore(%arg16 : memref<!tpu.dma_semaphore, #tpu.memory_space<semaphore_mem>>) src(%dma_wait3A_61 : memref<100000x128xf32, #tpu.memory_space<hbm>>) dst(%arg8 : memref<80x128xf32, #tpu.memory_space<vmem>>)
      %dma_wait3A_62 = tpu.memref_slice %arg7[%mul3A_57] : memref<3200xi32, #tpu.memory_space<vmem>> -> memref<80xi32, #tpu.memory_space<vmem>>
      %dma_wait3A_63 = arith.constant 0 : i32
      %dma_wait3A_64 = arith.constant 0 : i32
      %dma_wait3A_65 = tpu.memref_slice %arg3[%dma_wait3A_63, %dma_wait3A_64] : memref<100000x128xf32, #tpu.memory_space<hbm>> -> memref<100000x128xf32, #tpu.memory_space<hbm>>
      tpu.wait_indirect_dma semaphore(%arg16 : memref<!tpu.dma_semaphore, #tpu.memory_space<semaphore_mem>>) src(%dma_wait3A_65 : memref<100000x128xf32, #tpu.memory_space<hbm>>) dst(%arg10 : memref<80x128xf32, #tpu.memory_space<vmem>>)
      %ge3A = arith.constant 2 : i32
      %ge3A_66 = arith.cmpi sge, %mul3A_55, %ge3A : i32
      %convert_element_type3A = arith.extui %ge3A_66 : i1 to i32
      %cond3A = arith.constant 0 : i32
      %cond3A_67 = arith.cmpi ne, %convert_element_type3A, %cond3A : i32
      scf.if %cond3A_67 {
        %sub3A = arith.constant 2 : i32
        %sub3A_127 = arith.subi %mul3A_55, %sub3A : i32
        %mul3A_128 = arith.constant 16 : i32
        %mul3A_129 = arith.muli %sub3A_127, %mul3A_128 : i32
        %add3A_130 = arith.addi %mul3A_9, %mul3A_129 : i32
        %dma_wait3A_131 = arith.constant 0 : i32
        %dma_wait3A_132 = tpu.memref_slice %arg5[%add3A_130, %dma_wait3A_131] : memref<20480x128xf32, #tpu.memory_space<hbm>> -> memref<16x128xf32, #tpu.memory_space<hbm>>
        %dma_wait3A_133 = arith.constant 0 : i32
        %dma_wait3A_134 = tpu.memref_slice %arg5[%add3A_130, %dma_wait3A_133] : memref<20480x128xf32, #tpu.memory_space<hbm>> -> memref<16x128xf32, #tpu.memory_space<hbm>>
        tpu.wait_dma2 semaphore(%arg18 : memref<!tpu.dma_semaphore, #tpu.memory_space<semaphore_mem>>) src(%arg12 : memref<16x128xf32, #tpu.memory_space<vmem>>) dst(%dma_wait3A_134 : memref<16x128xf32, #tpu.memory_space<hbm>>)
        %dma_wait3A_135 = arith.constant 0 : i32
        %dma_wait3A_136 = tpu.memref_slice %arg6[%add3A_130, %dma_wait3A_135] : memref<20480x128xf32, #tpu.memory_space<hbm>> -> memref<16x128xf32, #tpu.memory_space<hbm>>
        %dma_wait3A_137 = arith.constant 0 : i32
        %dma_wait3A_138 = tpu.memref_slice %arg6[%add3A_130, %dma_wait3A_137] : memref<20480x128xf32, #tpu.memory_space<hbm>> -> memref<16x128xf32, #tpu.memory_space<hbm>>
        tpu.wait_dma2 semaphore(%arg18 : memref<!tpu.dma_semaphore, #tpu.memory_space<semaphore_mem>>) src(%arg14 : memref<16x128xf32, #tpu.memory_space<vmem>>) dst(%dma_wait3A_138 : memref<16x128xf32, #tpu.memory_space<hbm>>)
      } else {
      }
      %parallel_loop3A = arith.constant 0 : i32
      %parallel_loop3A_68 = arith.constant 16 : i32
      %parallel_loop3A_69 = arith.constant 1 : i32
      scf.for %parallel_loop3A_127 = %parallel_loop3A to %parallel_loop3A_68 step %parallel_loop3A_69  : i32 {
        %parallel_loop3A_128 = arith.constant 5 : i32
        %parallel_loop3A_129 = arith.muli %parallel_loop3A_127, %parallel_loop3A_128 : i32
        %parallel_loop3A_130 = arith.index_cast %parallel_loop3A_129 : i32 to index
        %parallel_loop3A_131 = arith.constant 0 : index
        %parallel_loop3A_132 = tpu.vector_load %arg8[%parallel_loop3A_130, %parallel_loop3A_131] {strides = array<i32>} : memref<80x128xf32, #tpu.memory_space<vmem>>, vector<1x16xf32>,
        %parallel_loop3A_133 = vector.shape_cast %parallel_loop3A_132 : vector<1x16xf32> to vector<16xf32>
        %parallel_loop3A_134 = arith.constant 1 : i32
        %parallel_loop3A_135 = arith.addi %parallel_loop3A_129, %parallel_loop3A_134 : i32
        %parallel_loop3A_136 = arith.index_cast %parallel_loop3A_135 : i32 to index
        %parallel_loop3A_137 = arith.constant 0 : index
        %parallel_loop3A_138 = tpu.vector_load %arg8[%parallel_loop3A_136, %parallel_loop3A_137] {strides = array<i32>} : memref<80x128xf32, #tpu.memory_space<vmem>>, vector<1x16xf32>,
        %parallel_loop3A_139 = vector.shape_cast %parallel_loop3A_138 : vector<1x16xf32> to vector<16xf32>
        %parallel_loop3A_140 = arith.constant 2 : i32
        %parallel_loop3A_141 = arith.addi %parallel_loop3A_129, %parallel_loop3A_140 : i32
        %parallel_loop3A_142 = arith.index_cast %parallel_loop3A_141 : i32 to index
        %parallel_loop3A_143 = arith.constant 0 : index
        %parallel_loop3A_144 = tpu.vector_load %arg8[%parallel_loop3A_142, %parallel_loop3A_143] {strides = array<i32>} : memref<80x128xf32, #tpu.memory_space<vmem>>, vector<1x16xf32>,
        %parallel_loop3A_145 = vector.shape_cast %parallel_loop3A_144 : vector<1x16xf32> to vector<16xf32>
        %parallel_loop3A_146 = arith.constant 3 : i32
        %parallel_loop3A_147 = arith.addi %parallel_loop3A_129, %parallel_loop3A_146 : i32
        %parallel_loop3A_148 = arith.index_cast %parallel_loop3A_147 : i32 to index
        %parallel_loop3A_149 = arith.constant 0 : index
        %parallel_loop3A_150 = tpu.vector_load %arg8[%parallel_loop3A_148, %parallel_loop3A_149] {strides = array<i32>} : memref<80x128xf32, #tpu.memory_space<vmem>>, vector<1x16xf32>,
        %parallel_loop3A_151 = vector.shape_cast %parallel_loop3A_150 : vector<1x16xf32> to vector<16xf32>
        %parallel_loop3A_152 = arith.constant 4 : i32
        %parallel_loop3A_153 = arith.addi %parallel_loop3A_129, %parallel_loop3A_152 : i32
        %parallel_loop3A_154 = arith.index_cast %parallel_loop3A_153 : i32 to index
        %parallel_loop3A_155 = arith.constant 0 : index
        %parallel_loop3A_156 = tpu.vector_load %arg8[%parallel_loop3A_154, %parallel_loop3A_155] {strides = array<i32>} : memref<80x128xf32, #tpu.memory_space<vmem>>, vector<1x16xf32>,
        %parallel_loop3A_157 = vector.shape_cast %parallel_loop3A_156 : vector<1x16xf32> to vector<16xf32>
        %parallel_loop3A_158 = arith.index_cast %parallel_loop3A_129 : i32 to index
        %parallel_loop3A_159 = arith.constant 0 : index
        %parallel_loop3A_160 = tpu.vector_load %arg10[%parallel_loop3A_158, %parallel_loop3A_159] {strides = array<i32>} : memref<80x128xf32, #tpu.memory_space<vmem>>, vector<1x16xf32>,
        %parallel_loop3A_161 = vector.shape_cast %parallel_loop3A_160 : vector<1x16xf32> to vector<16xf32>
        %parallel_loop3A_162 = math.exp %parallel_loop3A_161 : vector<16xf32>
        %parallel_loop3A_163 = arith.constant 1 : i32
        %parallel_loop3A_164 = arith.addi %parallel_loop3A_129, %parallel_loop3A_163 : i32
        %parallel_loop3A_165 = arith.index_cast %parallel_loop3A_164 : i32 to index
        %parallel_loop3A_166 = arith.constant 0 : index
        %parallel_loop3A_167 = tpu.vector_load %arg10[%parallel_loop3A_165, %parallel_loop3A_166] {strides = array<i32>} : memref<80x128xf32, #tpu.memory_space<vmem>>, vector<1x16xf32>,
        %parallel_loop3A_168 = vector.shape_cast %parallel_loop3A_167 : vector<1x16xf32> to vector<16xf32>
        %parallel_loop3A_169 = math.exp %parallel_loop3A_168 : vector<16xf32>
        %parallel_loop3A_170 = arith.constant 2 : i32
        %parallel_loop3A_171 = arith.addi %parallel_loop3A_129, %parallel_loop3A_170 : i32
        %parallel_loop3A_172 = arith.index_cast %parallel_loop3A_171 : i32 to index
        %parallel_loop3A_173 = arith.constant 0 : index
        %parallel_loop3A_174 = tpu.vector_load %arg10[%parallel_loop3A_172, %parallel_loop3A_173] {strides = array<i32>} : memref<80x128xf32, #tpu.memory_space<vmem>>, vector<1x16xf32>,
        %parallel_loop3A_175 = vector.shape_cast %parallel_loop3A_174 : vector<1x16xf32> to vector<16xf32>
        %parallel_loop3A_176 = math.exp %parallel_loop3A_175 : vector<16xf32>
        %parallel_loop3A_177 = arith.constant 3 : i32
        %parallel_loop3A_178 = arith.addi %parallel_loop3A_129, %parallel_loop3A_177 : i32
        %parallel_loop3A_179 = arith.index_cast %parallel_loop3A_178 : i32 to index
        %parallel_loop3A_180 = arith.constant 0 : index
        %parallel_loop3A_181 = tpu.vector_load %arg10[%parallel_loop3A_179, %parallel_loop3A_180] {strides = array<i32>} : memref<80x128xf32, #tpu.memory_space<vmem>>, vector<1x16xf32>,
        %parallel_loop3A_182 = vector.shape_cast %parallel_loop3A_181 : vector<1x16xf32> to vector<16xf32>
        %parallel_loop3A_183 = math.exp %parallel_loop3A_182 : vector<16xf32>
        %parallel_loop3A_184 = arith.constant 4 : i32
        %parallel_loop3A_185 = arith.addi %parallel_loop3A_129, %parallel_loop3A_184 : i32
        %parallel_loop3A_186 = arith.index_cast %parallel_loop3A_185 : i32 to index
        %parallel_loop3A_187 = arith.constant 0 : index
        %parallel_loop3A_188 = tpu.vector_load %arg10[%parallel_loop3A_186, %parallel_loop3A_187] {strides = array<i32>} : memref<80x128xf32, #tpu.memory_space<vmem>>, vector<1x16xf32>,
        %parallel_loop3A_189 = vector.shape_cast %parallel_loop3A_188 : vector<1x16xf32> to vector<16xf32>
        %parallel_loop3A_190 = math.exp %parallel_loop3A_189 : vector<16xf32>
        %parallel_loop3A_191 = arith.addf %parallel_loop3A_133, %parallel_loop3A_139 : vector<16xf32>
        %parallel_loop3A_192 = arith.addf %parallel_loop3A_145, %parallel_loop3A_151 : vector<16xf32>
        %parallel_loop3A_193 = arith.addf %parallel_loop3A_191, %parallel_loop3A_192 : vector<16xf32>
        %parallel_loop3A_194 = arith.addf %parallel_loop3A_193, %parallel_loop3A_157 : vector<16xf32>
        %parallel_loop3A_195 = arith.index_cast %parallel_loop3A_127 : i32 to index
        %parallel_loop3A_196 = arith.constant 0 : index
        %parallel_loop3A_197 = tpu.vector_load %arg12[%parallel_loop3A_195, %parallel_loop3A_196] {strides = array<i32>} : memref<16x128xf32, #tpu.memory_space<vmem>>, vector<1x16xf32>,
        %parallel_loop3A_198 = vector.shape_cast %parallel_loop3A_197 : vector<1x16xf32> to vector<16xf32>
        %parallel_loop3A_199 = vector.shape_cast %parallel_loop3A_194 : vector<16xf32> to vector<1x16xf32>
        tpu.vector_store %arg12[%parallel_loop3A_195, %parallel_loop3A_196], %parallel_loop3A_199 {strides = array<i32>} : memref<16x128xf32, #tpu.memory_space<vmem>>, vector<1x16xf32>,
        %parallel_loop3A_200 = arith.addf %parallel_loop3A_162, %parallel_loop3A_169 : vector<16xf32>
        %parallel_loop3A_201 = arith.addf %parallel_loop3A_176, %parallel_loop3A_183 : vector<16xf32>
        %parallel_loop3A_202 = arith.addf %parallel_loop3A_200, %parallel_loop3A_201 : vector<16xf32>
        %parallel_loop3A_203 = arith.addf %parallel_loop3A_202, %parallel_loop3A_190 : vector<16xf32>
        %parallel_loop3A_204 = arith.index_cast %parallel_loop3A_127 : i32 to index
        %parallel_loop3A_205 = arith.constant 0 : index
        %parallel_loop3A_206 = tpu.vector_load %arg14[%parallel_loop3A_204, %parallel_loop3A_205] {strides = array<i32>} : memref<16x128xf32, #tpu.memory_space<vmem>>, vector<1x16xf32>,
        %parallel_loop3A_207 = vector.shape_cast %parallel_loop3A_206 : vector<1x16xf32> to vector<16xf32>
        %parallel_loop3A_208 = vector.shape_cast %parallel_loop3A_203 : vector<16xf32> to vector<1x16xf32>
        tpu.vector_store %arg14[%parallel_loop3A_204, %parallel_loop3A_205], %parallel_loop3A_208 {strides = array<i32>} : memref<16x128xf32, #tpu.memory_space<vmem>>, vector<1x16xf32>,
        %parallel_loop3A_209 = arith.index_cast %parallel_loop3A_129 : i32 to index
        %parallel_loop3A_210 = arith.constant 16 : index
        %parallel_loop3A_211 = tpu.vector_load %arg8[%parallel_loop3A_209, %parallel_loop3A_210] {strides = array<i32>} : memref<80x128xf32, #tpu.memory_space<vmem>>, vector<1x16xf32>,
        %parallel_loop3A_212 = vector.shape_cast %parallel_loop3A_211 : vector<1x16xf32> to vector<16xf32>
        %parallel_loop3A_213 = arith.constant 1 : i32
        %parallel_loop3A_214 = arith.addi %parallel_loop3A_129, %parallel_loop3A_213 : i32
        %parallel_loop3A_215 = arith.index_cast %parallel_loop3A_214 : i32 to index
        %parallel_loop3A_216 = arith.constant 16 : index
        %parallel_loop3A_217 = tpu.vector_load %arg8[%parallel_loop3A_215, %parallel_loop3A_216] {strides = array<i32>} : memref<80x128xf32, #tpu.memory_space<vmem>>, vector<1x16xf32>,
        %parallel_loop3A_218 = vector.shape_cast %parallel_loop3A_217 : vector<1x16xf32> to vector<16xf32>
        %parallel_loop3A_219 = arith.constant 2 : i32
        %parallel_loop3A_220 = arith.addi %parallel_loop3A_129, %parallel_loop3A_219 : i32
        %parallel_loop3A_221 = arith.index_cast %parallel_loop3A_220 : i32 to index
        %parallel_loop3A_222 = arith.constant 16 : index
        %parallel_loop3A_223 = tpu.vector_load %arg8[%parallel_loop3A_221, %parallel_loop3A_222] {strides = array<i32>} : memref<80x128xf32, #tpu.memory_space<vmem>>, vector<1x16xf32>,
        %parallel_loop3A_224 = vector.shape_cast %parallel_loop3A_223 : vector<1x16xf32> to vector<16xf32>
        %parallel_loop3A_225 = arith.constant 3 : i32
        %parallel_loop3A_226 = arith.addi %parallel_loop3A_129, %parallel_loop3A_225 : i32
        %parallel_loop3A_227 = arith.index_cast %parallel_loop3A_226 : i32 to index
        %parallel_loop3A_228 = arith.constant 16 : index
        %parallel_loop3A_229 = tpu.vector_load %arg8[%parallel_loop3A_227, %parallel_loop3A_228] {strides = array<i32>} : memref<80x128xf32, #tpu.memory_space<vmem>>, vector<1x16xf32>,
        %parallel_loop3A_230 = vector.shape_cast %parallel_loop3A_229 : vector<1x16xf32> to vector<16xf32>
        %parallel_loop3A_231 = arith.constant 4 : i32
        %parallel_loop3A_232 = arith.addi %parallel_loop3A_129, %parallel_loop3A_231 : i32
        %parallel_loop3A_233 = arith.index_cast %parallel_loop3A_232 : i32 to index
        %parallel_loop3A_234 = arith.constant 16 : index
        %parallel_loop3A_235 = tpu.vector_load %arg8[%parallel_loop3A_233, %parallel_loop3A_234] {strides = array<i32>} : memref<80x128xf32, #tpu.memory_space<vmem>>, vector<1x16xf32>,
        %parallel_loop3A_236 = vector.shape_cast %parallel_loop3A_235 : vector<1x16xf32> to vector<16xf32>
        %parallel_loop3A_237 = arith.index_cast %parallel_loop3A_129 : i32 to index
        %parallel_loop3A_238 = arith.constant 16 : index
        %parallel_loop3A_239 = tpu.vector_load %arg10[%parallel_loop3A_237, %parallel_loop3A_238] {strides = array<i32>} : memref<80x128xf32, #tpu.memory_space<vmem>>, vector<1x16xf32>,
        %parallel_loop3A_240 = vector.shape_cast %parallel_loop3A_239 : vector<1x16xf32> to vector<16xf32>
        %parallel_loop3A_241 = math.exp %parallel_loop3A_240 : vector<16xf32>
        %parallel_loop3A_242 = arith.constant 1 : i32
        %parallel_loop3A_243 = arith.addi %parallel_loop3A_129, %parallel_loop3A_242 : i32
        %parallel_loop3A_244 = arith.index_cast %parallel_loop3A_243 : i32 to index
        %parallel_loop3A_245 = arith.constant 16 : index
        %parallel_loop3A_246 = tpu.vector_load %arg10[%parallel_loop3A_244, %parallel_loop3A_245] {strides = array<i32>} : memref<80x128xf32, #tpu.memory_space<vmem>>, vector<1x16xf32>,
        %parallel_loop3A_247 = vector.shape_cast %parallel_loop3A_246 : vector<1x16xf32> to vector<16xf32>
        %parallel_loop3A_248 = math.exp %parallel_loop3A_247 : vector<16xf32>
        %parallel_loop3A_249 = arith.constant 2 : i32
        %parallel_loop3A_250 = arith.addi %parallel_loop3A_129, %parallel_loop3A_249 : i32
        %parallel_loop3A_251 = arith.index_cast %parallel_loop3A_250 : i32 to index
        %parallel_loop3A_252 = arith.constant 16 : index
        %parallel_loop3A_253 = tpu.vector_load %arg10[%parallel_loop3A_251, %parallel_loop3A_252] {strides = array<i32>} : memref<80x128xf32, #tpu.memory_space<vmem>>, vector<1x16xf32>,
        %parallel_loop3A_254 = vector.shape_cast %parallel_loop3A_253 : vector<1x16xf32> to vector<16xf32>
        %parallel_loop3A_255 = math.exp %parallel_loop3A_254 : vector<16xf32>
        %parallel_loop3A_256 = arith.constant 3 : i32
        %parallel_loop3A_257 = arith.addi %parallel_loop3A_129, %parallel_loop3A_256 : i32
        %parallel_loop3A_258 = arith.index_cast %parallel_loop3A_257 : i32 to index
        %parallel_loop3A_259 = arith.constant 16 : index
        %parallel_loop3A_260 = tpu.vector_load %arg10[%parallel_loop3A_258, %parallel_loop3A_259] {strides = array<i32>} : memref<80x128xf32, #tpu.memory_space<vmem>>, vector<1x16xf32>,
        %parallel_loop3A_261 = vector.shape_cast %parallel_loop3A_260 : vector<1x16xf32> to vector<16xf32>
        %parallel_loop3A_262 = math.exp %parallel_loop3A_261 : vector<16xf32>
        %parallel_loop3A_263 = arith.constant 4 : i32
        %parallel_loop3A_264 = arith.addi %parallel_loop3A_129, %parallel_loop3A_263 : i32
        %parallel_loop3A_265 = arith.index_cast %parallel_loop3A_264 : i32 to index
        %parallel_loop3A_266 = arith.constant 16 : index
        %parallel_loop3A_267 = tpu.vector_load %arg10[%parallel_loop3A_265, %parallel_loop3A_266] {strides = array<i32>} : memref<80x128xf32, #tpu.memory_space<vmem>>, vector<1x16xf32>,
        %parallel_loop3A_268 = vector.shape_cast %parallel_loop3A_267 : vector<1x16xf32> to vector<16xf32>
        %parallel_loop3A_269 = math.exp %parallel_loop3A_268 : vector<16xf32>
        %parallel_loop3A_270 = arith.addf %parallel_loop3A_212, %parallel_loop3A_218 : vector<16xf32>
        %parallel_loop3A_271 = arith.addf %parallel_loop3A_224, %parallel_loop3A_230 : vector<16xf32>
        %parallel_loop3A_272 = arith.addf %parallel_loop3A_270, %parallel_loop3A_271 : vector<16xf32>
        %parallel_loop3A_273 = arith.addf %parallel_loop3A_272, %parallel_loop3A_236 : vector<16xf32>
        %parallel_loop3A_274 = arith.index_cast %parallel_loop3A_127 : i32 to index
        %parallel_loop3A_275 = arith.constant 16 : index
        %parallel_loop3A_276 = tpu.vector_load %arg12[%parallel_loop3A_274, %parallel_loop3A_275] {strides = array<i32>} : memref<16x128xf32, #tpu.memory_space<vmem>>, vector<1x16xf32>,
        %parallel_loop3A_277 = vector.shape_cast %parallel_loop3A_276 : vector<1x16xf32> to vector<16xf32>
        %parallel_loop3A_278 = vector.shape_cast %parallel_loop3A_273 : vector<16xf32> to vector<1x16xf32>
        tpu.vector_store %arg12[%parallel_loop3A_274, %parallel_loop3A_275], %parallel_loop3A_278 {strides = array<i32>} : memref<16x128xf32, #tpu.memory_space<vmem>>, vector<1x16xf32>,
        %parallel_loop3A_279 = arith.addf %parallel_loop3A_241, %parallel_loop3A_248 : vector<16xf32>
        %parallel_loop3A_280 = arith.addf %parallel_loop3A_255, %parallel_loop3A_262 : vector<16xf32>
        %parallel_loop3A_281 = arith.addf %parallel_loop3A_279, %parallel_loop3A_280 : vector<16xf32>
        %parallel_loop3A_282 = arith.addf %parallel_loop3A_281, %parallel_loop3A_269 : vector<16xf32>
        %parallel_loop3A_283 = arith.index_cast %parallel_loop3A_127 : i32 to index
        %parallel_loop3A_284 = arith.constant 16 : index
        %parallel_loop3A_285 = tpu.vector_load %arg14[%parallel_loop3A_283, %parallel_loop3A_284] {strides = array<i32>} : memref<16x128xf32, #tpu.memory_space<vmem>>, vector<1x16xf32>,
        %parallel_loop3A_286 = vector.shape_cast %parallel_loop3A_285 : vector<1x16xf32> to vector<16xf32>
        %parallel_loop3A_287 = vector.shape_cast %parallel_loop3A_282 : vector<16xf32> to vector<1x16xf32>
        tpu.vector_store %arg14[%parallel_loop3A_283, %parallel_loop3A_284], %parallel_loop3A_287 {strides = array<i32>} : memref<16x128xf32, #tpu.memory_space<vmem>>, vector<1x16xf32>,
        %parallel_loop3A_288 = arith.index_cast %parallel_loop3A_129 : i32 to index
        %parallel_loop3A_289 = arith.constant 32 : index
        %parallel_loop3A_290 = tpu.vector_load %arg8[%parallel_loop3A_288, %parallel_loop3A_289] {strides = array<i32>} : memref<80x128xf32, #tpu.memory_space<vmem>>, vector<1x16xf32>,
        %parallel_loop3A_291 = vector.shape_cast %parallel_loop3A_290 : vector<1x16xf32> to vector<16xf32>
        %parallel_loop3A_292 = arith.constant 1 : i32
        %parallel_loop3A_293 = arith.addi %parallel_loop3A_129, %parallel_loop3A_292 : i32
        %parallel_loop3A_294 = arith.index_cast %parallel_loop3A_293 : i32 to index
        %parallel_loop3A_295 = arith.constant 32 : index
        %parallel_loop3A_296 = tpu.vector_load %arg8[%parallel_loop3A_294, %parallel_loop3A_295] {strides = array<i32>} : memref<80x128xf32, #tpu.memory_space<vmem>>, vector<1x16xf32>,
        %parallel_loop3A_297 = vector.shape_cast %parallel_loop3A_296 : vector<1x16xf32> to vector<16xf32>
        %parallel_loop3A_298 = arith.constant 2 : i32
        %parallel_loop3A_299 = arith.addi %parallel_loop3A_129, %parallel_loop3A_298 : i32
        %parallel_loop3A_300 = arith.index_cast %parallel_loop3A_299 : i32 to index
        %parallel_loop3A_301 = arith.constant 32 : index
        %parallel_loop3A_302 = tpu.vector_load %arg8[%parallel_loop3A_300, %parallel_loop3A_301] {strides = array<i32>} : memref<80x128xf32, #tpu.memory_space<vmem>>, vector<1x16xf32>,
        %parallel_loop3A_303 = vector.shape_cast %parallel_loop3A_302 : vector<1x16xf32> to vector<16xf32>
        %parallel_loop3A_304 = arith.constant 3 : i32
        %parallel_loop3A_305 = arith.addi %parallel_loop3A_129, %parallel_loop3A_304 : i32
        %parallel_loop3A_306 = arith.index_cast %parallel_loop3A_305 : i32 to index
        %parallel_loop3A_307 = arith.constant 32 : index
        %parallel_loop3A_308 = tpu.vector_load %arg8[%parallel_loop3A_306, %parallel_loop3A_307] {strides = array<i32>} : memref<80x128xf32, #tpu.memory_space<vmem>>, vector<1x16xf32>,
        %parallel_loop3A_309 = vector.shape_cast %parallel_loop3A_308 : vector<1x16xf32> to vector<16xf32>
        %parallel_loop3A_310 = arith.constant 4 : i32
        %parallel_loop3A_311 = arith.addi %parallel_loop3A_129, %parallel_loop3A_310 : i32
        %parallel_loop3A_312 = arith.index_cast %parallel_loop3A_311 : i32 to index
        %parallel_loop3A_313 = arith.constant 32 : index
        %parallel_loop3A_314 = tpu.vector_load %arg8[%parallel_loop3A_312, %parallel_loop3A_313] {strides = array<i32>} : memref<80x128xf32, #tpu.memory_space<vmem>>, vector<1x16xf32>,
        %parallel_loop3A_315 = vector.shape_cast %parallel_loop3A_314 : vector<1x16xf32> to vector<16xf32>
        %parallel_loop3A_316 = arith.index_cast %parallel_loop3A_129 : i32 to index
        %parallel_loop3A_317 = arith.constant 32 : index
        %parallel_loop3A_318 = tpu.vector_load %arg10[%parallel_loop3A_316, %parallel_loop3A_317] {strides = array<i32>} : memref<80x128xf32, #tpu.memory_space<vmem>>, vector<1x16xf32>,
        %parallel_loop3A_319 = vector.shape_cast %parallel_loop3A_318 : vector<1x16xf32> to vector<16xf32>
        %parallel_loop3A_320 = math.exp %parallel_loop3A_319 : vector<16xf32>
        %parallel_loop3A_321 = arith.constant 1 : i32
        %parallel_loop3A_322 = arith.addi %parallel_loop3A_129, %parallel_loop3A_321 : i32
        %parallel_loop3A_323 = arith.index_cast %parallel_loop3A_322 : i32 to index
        %parallel_loop3A_324 = arith.constant 32 : index
        %parallel_loop3A_325 = tpu.vector_load %arg10[%parallel_loop3A_323, %parallel_loop3A_324] {strides = array<i32>} : memref<80x128xf32, #tpu.memory_space<vmem>>, vector<1x16xf32>,
        %parallel_loop3A_326 = vector.shape_cast %parallel_loop3A_325 : vector<1x16xf32> to vector<16xf32>
        %parallel_loop3A_327 = math.exp %parallel_loop3A_326 : vector<16xf32>
        %parallel_loop3A_328 = arith.constant 2 : i32
        %parallel_loop3A_329 = arith.addi %parallel_loop3A_129, %parallel_loop3A_328 : i32
        %parallel_loop3A_330 = arith.index_cast %parallel_loop3A_329 : i32 to index
        %parallel_loop3A_331 = arith.constant 32 : index
        %parallel_loop3A_332 = tpu.vector_load %arg10[%parallel_loop3A_330, %parallel_loop3A_331] {strides = array<i32>} : memref<80x128xf32, #tpu.memory_space<vmem>>, vector<1x16xf32>,
        %parallel_loop3A_333 = vector.shape_cast %parallel_loop3A_332 : vector<1x16xf32> to vector<16xf32>
        %parallel_loop3A_334 = math.exp %parallel_loop3A_333 : vector<16xf32>
        %parallel_loop3A_335 = arith.constant 3 : i32
        %parallel_loop3A_336 = arith.addi %parallel_loop3A_129, %parallel_loop3A_335 : i32
        %parallel_loop3A_337 = arith.index_cast %parallel_loop3A_336 : i32 to index
        %parallel_loop3A_338 = arith.constant 32 : index
        %parallel_loop3A_339 = tpu.vector_load %arg10[%parallel_loop3A_337, %parallel_loop3A_338] {strides = array<i32>} : memref<80x128xf32, #tpu.memory_space<vmem>>, vector<1x16xf32>,
        %parallel_loop3A_340 = vector.shape_cast %parallel_loop3A_339 : vector<1x16xf32> to vector<16xf32>
        %parallel_loop3A_341 = math.exp %parallel_loop3A_340 : vector<16xf32>
        %parallel_loop3A_342 = arith.constant 4 : i32
        %parallel_loop3A_343 = arith.addi %parallel_loop3A_129, %parallel_loop3A_342 : i32
        %parallel_loop3A_344 = arith.index_cast %parallel_loop3A_343 : i32 to index
        %parallel_loop3A_345 = arith.constant 32 : index
        %parallel_loop3A_346 = tpu.vector_load %arg10[%parallel_loop3A_344, %parallel_loop3A_345] {strides = array<i32>} : memref<80x128xf32, #tpu.memory_space<vmem>>, vector<1x16xf32>,
        %parallel_loop3A_347 = vector.shape_cast %parallel_loop3A_346 : vector<1x16xf32> to vector<16xf32>
        %parallel_loop3A_348 = math.exp %parallel_loop3A_347 : vector<16xf32>
        %parallel_loop3A_349 = arith.addf %parallel_loop3A_291, %parallel_loop3A_297 : vector<16xf32>
        %parallel_loop3A_350 = arith.addf %parallel_loop3A_303, %parallel_loop3A_309 : vector<16xf32>
        %parallel_loop3A_351 = arith.addf %parallel_loop3A_349, %parallel_loop3A_350 : vector<16xf32>
        %parallel_loop3A_352 = arith.addf %parallel_loop3A_351, %parallel_loop3A_315 : vector<16xf32>
        %parallel_loop3A_353 = arith.index_cast %parallel_loop3A_127 : i32 to index
        %parallel_loop3A_354 = arith.constant 32 : index
        %parallel_loop3A_355 = tpu.vector_load %arg12[%parallel_loop3A_353, %parallel_loop3A_354] {strides = array<i32>} : memref<16x128xf32, #tpu.memory_space<vmem>>, vector<1x16xf32>,
        %parallel_loop3A_356 = vector.shape_cast %parallel_loop3A_355 : vector<1x16xf32> to vector<16xf32>
        %parallel_loop3A_357 = vector.shape_cast %parallel_loop3A_352 : vector<16xf32> to vector<1x16xf32>
        tpu.vector_store %arg12[%parallel_loop3A_353, %parallel_loop3A_354], %parallel_loop3A_357 {strides = array<i32>} : memref<16x128xf32, #tpu.memory_space<vmem>>, vector<1x16xf32>,
        %parallel_loop3A_358 = arith.addf %parallel_loop3A_320, %parallel_loop3A_327 : vector<16xf32>
        %parallel_loop3A_359 = arith.addf %parallel_loop3A_334, %parallel_loop3A_341 : vector<16xf32>
        %parallel_loop3A_360 = arith.addf %parallel_loop3A_358, %parallel_loop3A_359 : vector<16xf32>
        %parallel_loop3A_361 = arith.addf %parallel_loop3A_360, %parallel_loop3A_348 : vector<16xf32>
        %parallel_loop3A_362 = arith.index_cast %parallel_loop3A_127 : i32 to index
        %parallel_loop3A_363 = arith.constant 32 : index
        %parallel_loop3A_364 = tpu.vector_load %arg14[%parallel_loop3A_362, %parallel_loop3A_363] {strides = array<i32>} : memref<16x128xf32, #tpu.memory_space<vmem>>, vector<1x16xf32>,
        %parallel_loop3A_365 = vector.shape_cast %parallel_loop3A_364 : vector<1x16xf32> to vector<16xf32>
        %parallel_loop3A_366 = vector.shape_cast %parallel_loop3A_361 : vector<16xf32> to vector<1x16xf32>
        tpu.vector_store %arg14[%parallel_loop3A_362, %parallel_loop3A_363], %parallel_loop3A_366 {strides = array<i32>} : memref<16x128xf32, #tpu.memory_space<vmem>>, vector<1x16xf32>,
        %parallel_loop3A_367 = arith.index_cast %parallel_loop3A_129 : i32 to index
        %parallel_loop3A_368 = arith.constant 48 : index
        %parallel_loop3A_369 = tpu.vector_load %arg8[%parallel_loop3A_367, %parallel_loop3A_368] {strides = array<i32>} : memref<80x128xf32, #tpu.memory_space<vmem>>, vector<1x16xf32>,
        %parallel_loop3A_370 = vector.shape_cast %parallel_loop3A_369 : vector<1x16xf32> to vector<16xf32>
        %parallel_loop3A_371 = arith.constant 1 : i32
        %parallel_loop3A_372 = arith.addi %parallel_loop3A_129, %parallel_loop3A_371 : i32
        %parallel_loop3A_373 = arith.index_cast %parallel_loop3A_372 : i32 to index
        %parallel_loop3A_374 = arith.constant 48 : index
        %parallel_loop3A_375 = tpu.vector_load %arg8[%parallel_loop3A_373, %parallel_loop3A_374] {strides = array<i32>} : memref<80x128xf32, #tpu.memory_space<vmem>>, vector<1x16xf32>,
        %parallel_loop3A_376 = vector.shape_cast %parallel_loop3A_375 : vector<1x16xf32> to vector<16xf32>
        %parallel_loop3A_377 = arith.constant 2 : i32
        %parallel_loop3A_378 = arith.addi %parallel_loop3A_129, %parallel_loop3A_377 : i32
        %parallel_loop3A_379 = arith.index_cast %parallel_loop3A_378 : i32 to index
        %parallel_loop3A_380 = arith.constant 48 : index
        %parallel_loop3A_381 = tpu.vector_load %arg8[%parallel_loop3A_379, %parallel_loop3A_380] {strides = array<i32>} : memref<80x128xf32, #tpu.memory_space<vmem>>, vector<1x16xf32>,
        %parallel_loop3A_382 = vector.shape_cast %parallel_loop3A_381 : vector<1x16xf32> to vector<16xf32>
        %parallel_loop3A_383 = arith.constant 3 : i32
        %parallel_loop3A_384 = arith.addi %parallel_loop3A_129, %parallel_loop3A_383 : i32
        %parallel_loop3A_385 = arith.index_cast %parallel_loop3A_384 : i32 to index
        %parallel_loop3A_386 = arith.constant 48 : index
        %parallel_loop3A_387 = tpu.vector_load %arg8[%parallel_loop3A_385, %parallel_loop3A_386] {strides = array<i32>} : memref<80x128xf32, #tpu.memory_space<vmem>>, vector<1x16xf32>,
        %parallel_loop3A_388 = vector.shape_cast %parallel_loop3A_387 : vector<1x16xf32> to vector<16xf32>
        %parallel_loop3A_389 = arith.constant 4 : i32
        %parallel_loop3A_390 = arith.addi %parallel_loop3A_129, %parallel_loop3A_389 : i32
        %parallel_loop3A_391 = arith.index_cast %parallel_loop3A_390 : i32 to index
        %parallel_loop3A_392 = arith.constant 48 : index
        %parallel_loop3A_393 = tpu.vector_load %arg8[%parallel_loop3A_391, %parallel_loop3A_392] {strides = array<i32>} : memref<80x128xf32, #tpu.memory_space<vmem>>, vector<1x16xf32>,
        %parallel_loop3A_394 = vector.shape_cast %parallel_loop3A_393 : vector<1x16xf32> to vector<16xf32>
        %parallel_loop3A_395 = arith.index_cast %parallel_loop3A_129 : i32 to index
        %parallel_loop3A_396 = arith.constant 48 : index
        %parallel_loop3A_397 = tpu.vector_load %arg10[%parallel_loop3A_395, %parallel_loop3A_396] {strides = array<i32>} : memref<80x128xf32, #tpu.memory_space<vmem>>, vector<1x16xf32>,
        %parallel_loop3A_398 = vector.shape_cast %parallel_loop3A_397 : vector<1x16xf32> to vector<16xf32>
        %parallel_loop3A_399 = math.exp %parallel_loop3A_398 : vector<16xf32>
        %parallel_loop3A_400 = arith.constant 1 : i32
        %parallel_loop3A_401 = arith.addi %parallel_loop3A_129, %parallel_loop3A_400 : i32
        %parallel_loop3A_402 = arith.index_cast %parallel_loop3A_401 : i32 to index
        %parallel_loop3A_403 = arith.constant 48 : index
        %parallel_loop3A_404 = tpu.vector_load %arg10[%parallel_loop3A_402, %parallel_loop3A_403] {strides = array<i32>} : memref<80x128xf32, #tpu.memory_space<vmem>>, vector<1x16xf32>,
        %parallel_loop3A_405 = vector.shape_cast %parallel_loop3A_404 : vector<1x16xf32> to vector<16xf32>
        %parallel_loop3A_406 = math.exp %parallel_loop3A_405 : vector<16xf32>
        %parallel_loop3A_407 = arith.constant 2 : i32
        %parallel_loop3A_408 = arith.addi %parallel_loop3A_129, %parallel_loop3A_407 : i32
        %parallel_loop3A_409 = arith.index_cast %parallel_loop3A_408 : i32 to index
        %parallel_loop3A_410 = arith.constant 48 : index
        %parallel_loop3A_411 = tpu.vector_load %arg10[%parallel_loop3A_409, %parallel_loop3A_410] {strides = array<i32>} : memref<80x128xf32, #tpu.memory_space<vmem>>, vector<1x16xf32>,
        %parallel_loop3A_412 = vector.shape_cast %parallel_loop3A_411 : vector<1x16xf32> to vector<16xf32>
        %parallel_loop3A_413 = math.exp %parallel_loop3A_412 : vector<16xf32>
        %parallel_loop3A_414 = arith.constant 3 : i32
        %parallel_loop3A_415 = arith.addi %parallel_loop3A_129, %parallel_loop3A_414 : i32
        %parallel_loop3A_416 = arith.index_cast %parallel_loop3A_415 : i32 to index
        %parallel_loop3A_417 = arith.constant 48 : index
        %parallel_loop3A_418 = tpu.vector_load %arg10[%parallel_loop3A_416, %parallel_loop3A_417] {strides = array<i32>} : memref<80x128xf32, #tpu.memory_space<vmem>>, vector<1x16xf32>,
        %parallel_loop3A_419 = vector.shape_cast %parallel_loop3A_418 : vector<1x16xf32> to vector<16xf32>
        %parallel_loop3A_420 = math.exp %parallel_loop3A_419 : vector<16xf32>
        %parallel_loop3A_421 = arith.constant 4 : i32
        %parallel_loop3A_422 = arith.addi %parallel_loop3A_129, %parallel_loop3A_421 : i32
        %parallel_loop3A_423 = arith.index_cast %parallel_loop3A_422 : i32 to index
        %parallel_loop3A_424 = arith.constant 48 : index
        %parallel_loop3A_425 = tpu.vector_load %arg10[%parallel_loop3A_423, %parallel_loop3A_424] {strides = array<i32>} : memref<80x128xf32, #tpu.memory_space<vmem>>, vector<1x16xf32>,
        %parallel_loop3A_426 = vector.shape_cast %parallel_loop3A_425 : vector<1x16xf32> to vector<16xf32>
        %parallel_loop3A_427 = math.exp %parallel_loop3A_426 : vector<16xf32>
        %parallel_loop3A_428 = arith.addf %parallel_loop3A_370, %parallel_loop3A_376 : vector<16xf32>
        %parallel_loop3A_429 = arith.addf %parallel_loop3A_382, %parallel_loop3A_388 : vector<16xf32>
        %parallel_loop3A_430 = arith.addf %parallel_loop3A_428, %parallel_loop3A_429 : vector<16xf32>
        %parallel_loop3A_431 = arith.addf %parallel_loop3A_430, %parallel_loop3A_394 : vector<16xf32>
        %parallel_loop3A_432 = arith.index_cast %parallel_loop3A_127 : i32 to index
        %parallel_loop3A_433 = arith.constant 48 : index
        %parallel_loop3A_434 = tpu.vector_load %arg12[%parallel_loop3A_432, %parallel_loop3A_433] {strides = array<i32>} : memref<16x128xf32, #tpu.memory_space<vmem>>, vector<1x16xf32>,
        %parallel_loop3A_435 = vector.shape_cast %parallel_loop3A_434 : vector<1x16xf32> to vector<16xf32>
        %parallel_loop3A_436 = vector.shape_cast %parallel_loop3A_431 : vector<16xf32> to vector<1x16xf32>
        tpu.vector_store %arg12[%parallel_loop3A_432, %parallel_loop3A_433], %parallel_loop3A_436 {strides = array<i32>} : memref<16x128xf32, #tpu.memory_space<vmem>>, vector<1x16xf32>,
        %parallel_loop3A_437 = arith.addf %parallel_loop3A_399, %parallel_loop3A_406 : vector<16xf32>
        %parallel_loop3A_438 = arith.addf %parallel_loop3A_413, %parallel_loop3A_420 : vector<16xf32>
        %parallel_loop3A_439 = arith.addf %parallel_loop3A_437, %parallel_loop3A_438 : vector<16xf32>
        %parallel_loop3A_440 = arith.addf %parallel_loop3A_439, %parallel_loop3A_427 : vector<16xf32>
        %parallel_loop3A_441 = arith.index_cast %parallel_loop3A_127 : i32 to index
        %parallel_loop3A_442 = arith.constant 48 : index
        %parallel_loop3A_443 = tpu.vector_load %arg14[%parallel_loop3A_441, %parallel_loop3A_442] {strides = array<i32>} : memref<16x128xf32, #tpu.memory_space<vmem>>, vector<1x16xf32>,
        %parallel_loop3A_444 = vector.shape_cast %parallel_loop3A_443 : vector<1x16xf32> to vector<16xf32>
        %parallel_loop3A_445 = vector.shape_cast %parallel_loop3A_440 : vector<16xf32> to vector<1x16xf32>
        tpu.vector_store %arg14[%parallel_loop3A_441, %parallel_loop3A_442], %parallel_loop3A_445 {strides = array<i32>} : memref<16x128xf32, #tpu.memory_space<vmem>>, vector<1x16xf32>,
        %parallel_loop3A_446 = arith.index_cast %parallel_loop3A_129 : i32 to index
        %parallel_loop3A_447 = arith.constant 64 : index
        %parallel_loop3A_448 = tpu.vector_load %arg8[%parallel_loop3A_446, %parallel_loop3A_447] {strides = array<i32>} : memref<80x128xf32, #tpu.memory_space<vmem>>, vector<1x16xf32>,
        %parallel_loop3A_449 = vector.shape_cast %parallel_loop3A_448 : vector<1x16xf32> to vector<16xf32>
        %parallel_loop3A_450 = arith.constant 1 : i32
        %parallel_loop3A_451 = arith.addi %parallel_loop3A_129, %parallel_loop3A_450 : i32
        %parallel_loop3A_452 = arith.index_cast %parallel_loop3A_451 : i32 to index
        %parallel_loop3A_453 = arith.constant 64 : index
        %parallel_loop3A_454 = tpu.vector_load %arg8[%parallel_loop3A_452, %parallel_loop3A_453] {strides = array<i32>} : memref<80x128xf32, #tpu.memory_space<vmem>>, vector<1x16xf32>,
        %parallel_loop3A_455 = vector.shape_cast %parallel_loop3A_454 : vector<1x16xf32> to vector<16xf32>
        %parallel_loop3A_456 = arith.constant 2 : i32
        %parallel_loop3A_457 = arith.addi %parallel_loop3A_129, %parallel_loop3A_456 : i32
        %parallel_loop3A_458 = arith.index_cast %parallel_loop3A_457 : i32 to index
        %parallel_loop3A_459 = arith.constant 64 : index
        %parallel_loop3A_460 = tpu.vector_load %arg8[%parallel_loop3A_458, %parallel_loop3A_459] {strides = array<i32>} : memref<80x128xf32, #tpu.memory_space<vmem>>, vector<1x16xf32>,
        %parallel_loop3A_461 = vector.shape_cast %parallel_loop3A_460 : vector<1x16xf32> to vector<16xf32>
        %parallel_loop3A_462 = arith.constant 3 : i32
        %parallel_loop3A_463 = arith.addi %parallel_loop3A_129, %parallel_loop3A_462 : i32
        %parallel_loop3A_464 = arith.index_cast %parallel_loop3A_463 : i32 to index
        %parallel_loop3A_465 = arith.constant 64 : index
        %parallel_loop3A_466 = tpu.vector_load %arg8[%parallel_loop3A_464, %parallel_loop3A_465] {strides = array<i32>} : memref<80x128xf32, #tpu.memory_space<vmem>>, vector<1x16xf32>,
        %parallel_loop3A_467 = vector.shape_cast %parallel_loop3A_466 : vector<1x16xf32> to vector<16xf32>
        %parallel_loop3A_468 = arith.constant 4 : i32
        %parallel_loop3A_469 = arith.addi %parallel_loop3A_129, %parallel_loop3A_468 : i32
        %parallel_loop3A_470 = arith.index_cast %parallel_loop3A_469 : i32 to index
        %parallel_loop3A_471 = arith.constant 64 : index
        %parallel_loop3A_472 = tpu.vector_load %arg8[%parallel_loop3A_470, %parallel_loop3A_471] {strides = array<i32>} : memref<80x128xf32, #tpu.memory_space<vmem>>, vector<1x16xf32>,
        %parallel_loop3A_473 = vector.shape_cast %parallel_loop3A_472 : vector<1x16xf32> to vector<16xf32>
        %parallel_loop3A_474 = arith.index_cast %parallel_loop3A_129 : i32 to index
        %parallel_loop3A_475 = arith.constant 64 : index
        %parallel_loop3A_476 = tpu.vector_load %arg10[%parallel_loop3A_474, %parallel_loop3A_475] {strides = array<i32>} : memref<80x128xf32, #tpu.memory_space<vmem>>, vector<1x16xf32>,
        %parallel_loop3A_477 = vector.shape_cast %parallel_loop3A_476 : vector<1x16xf32> to vector<16xf32>
        %parallel_loop3A_478 = math.exp %parallel_loop3A_477 : vector<16xf32>
        %parallel_loop3A_479 = arith.constant 1 : i32
        %parallel_loop3A_480 = arith.addi %parallel_loop3A_129, %parallel_loop3A_479 : i32
        %parallel_loop3A_481 = arith.index_cast %parallel_loop3A_480 : i32 to index
        %parallel_loop3A_482 = arith.constant 64 : index
        %parallel_loop3A_483 = tpu.vector_load %arg10[%parallel_loop3A_481, %parallel_loop3A_482] {strides = array<i32>} : memref<80x128xf32, #tpu.memory_space<vmem>>, vector<1x16xf32>,
        %parallel_loop3A_484 = vector.shape_cast %parallel_loop3A_483 : vector<1x16xf32> to vector<16xf32>
        %parallel_loop3A_485 = math.exp %parallel_loop3A_484 : vector<16xf32>
        %parallel_loop3A_486 = arith.constant 2 : i32
        %parallel_loop3A_487 = arith.addi %parallel_loop3A_129, %parallel_loop3A_486 : i32
        %parallel_loop3A_488 = arith.index_cast %parallel_loop3A_487 : i32 to index
        %parallel_loop3A_489 = arith.constant 64 : index
        %parallel_loop3A_490 = tpu.vector_load %arg10[%parallel_loop3A_488, %parallel_loop3A_489] {strides = array<i32>} : memref<80x128xf32, #tpu.memory_space<vmem>>, vector<1x16xf32>,
        %parallel_loop3A_491 = vector.shape_cast %parallel_loop3A_490 : vector<1x16xf32> to vector<16xf32>
        %parallel_loop3A_492 = math.exp %parallel_loop3A_491 : vector<16xf32>
        %parallel_loop3A_493 = arith.constant 3 : i32
        %parallel_loop3A_494 = arith.addi %parallel_loop3A_129, %parallel_loop3A_493 : i32
        %parallel_loop3A_495 = arith.index_cast %parallel_loop3A_494 : i32 to index
        %parallel_loop3A_496 = arith.constant 64 : index
        %parallel_loop3A_497 = tpu.vector_load %arg10[%parallel_loop3A_495, %parallel_loop3A_496] {strides = array<i32>} : memref<80x128xf32, #tpu.memory_space<vmem>>, vector<1x16xf32>,
        %parallel_loop3A_498 = vector.shape_cast %parallel_loop3A_497 : vector<1x16xf32> to vector<16xf32>
        %parallel_loop3A_499 = math.exp %parallel_loop3A_498 : vector<16xf32>
        %parallel_loop3A_500 = arith.constant 4 : i32
        %parallel_loop3A_501 = arith.addi %parallel_loop3A_129, %parallel_loop3A_500 : i32
        %parallel_loop3A_502 = arith.index_cast %parallel_loop3A_501 : i32 to index
        %parallel_loop3A_503 = arith.constant 64 : index
        %parallel_loop3A_504 = tpu.vector_load %arg10[%parallel_loop3A_502, %parallel_loop3A_503] {strides = array<i32>} : memref<80x128xf32, #tpu.memory_space<vmem>>, vector<1x16xf32>,
        %parallel_loop3A_505 = vector.shape_cast %parallel_loop3A_504 : vector<1x16xf32> to vector<16xf32>
        %parallel_loop3A_506 = math.exp %parallel_loop3A_505 : vector<16xf32>
        %parallel_loop3A_507 = arith.addf %parallel_loop3A_449, %parallel_loop3A_455 : vector<16xf32>
        %parallel_loop3A_508 = arith.addf %parallel_loop3A_461, %parallel_loop3A_467 : vector<16xf32>
        %parallel_loop3A_509 = arith.addf %parallel_loop3A_507, %parallel_loop3A_508 : vector<16xf32>
        %parallel_loop3A_510 = arith.addf %parallel_loop3A_509, %parallel_loop3A_473 : vector<16xf32>
        %parallel_loop3A_511 = arith.index_cast %parallel_loop3A_127 : i32 to index
        %parallel_loop3A_512 = arith.constant 64 : index
        %parallel_loop3A_513 = tpu.vector_load %arg12[%parallel_loop3A_511, %parallel_loop3A_512] {strides = array<i32>} : memref<16x128xf32, #tpu.memory_space<vmem>>, vector<1x16xf32>,
        %parallel_loop3A_514 = vector.shape_cast %parallel_loop3A_513 : vector<1x16xf32> to vector<16xf32>
        %parallel_loop3A_515 = vector.shape_cast %parallel_loop3A_510 : vector<16xf32> to vector<1x16xf32>
        tpu.vector_store %arg12[%parallel_loop3A_511, %parallel_loop3A_512], %parallel_loop3A_515 {strides = array<i32>} : memref<16x128xf32, #tpu.memory_space<vmem>>, vector<1x16xf32>,
        %parallel_loop3A_516 = arith.addf %parallel_loop3A_478, %parallel_loop3A_485 : vector<16xf32>
        %parallel_loop3A_517 = arith.addf %parallel_loop3A_492, %parallel_loop3A_499 : vector<16xf32>
        %parallel_loop3A_518 = arith.addf %parallel_loop3A_516, %parallel_loop3A_517 : vector<16xf32>
        %parallel_loop3A_519 = arith.addf %parallel_loop3A_518, %parallel_loop3A_506 : vector<16xf32>
        %parallel_loop3A_520 = arith.index_cast %parallel_loop3A_127 : i32 to index
        %parallel_loop3A_521 = arith.constant 64 : index
        %parallel_loop3A_522 = tpu.vector_load %arg14[%parallel_loop3A_520, %parallel_loop3A_521] {strides = array<i32>} : memref<16x128xf32, #tpu.memory_space<vmem>>, vector<1x16xf32>,
        %parallel_loop3A_523 = vector.shape_cast %parallel_loop3A_522 : vector<1x16xf32> to vector<16xf32>
        %parallel_loop3A_524 = vector.shape_cast %parallel_loop3A_519 : vector<16xf32> to vector<1x16xf32>
        tpu.vector_store %arg14[%parallel_loop3A_520, %parallel_loop3A_521], %parallel_loop3A_524 {strides = array<i32>} : memref<16x128xf32, #tpu.memory_space<vmem>>, vector<1x16xf32>,
        %parallel_loop3A_525 = arith.index_cast %parallel_loop3A_129 : i32 to index
        %parallel_loop3A_526 = arith.constant 80 : index
        %parallel_loop3A_527 = tpu.vector_load %arg8[%parallel_loop3A_525, %parallel_loop3A_526] {strides = array<i32>} : memref<80x128xf32, #tpu.memory_space<vmem>>, vector<1x16xf32>,
        %parallel_loop3A_528 = vector.shape_cast %parallel_loop3A_527 : vector<1x16xf32> to vector<16xf32>
        %parallel_loop3A_529 = arith.constant 1 : i32
        %parallel_loop3A_530 = arith.addi %parallel_loop3A_129, %parallel_loop3A_529 : i32
        %parallel_loop3A_531 = arith.index_cast %parallel_loop3A_530 : i32 to index
        %parallel_loop3A_532 = arith.constant 80 : index
        %parallel_loop3A_533 = tpu.vector_load %arg8[%parallel_loop3A_531, %parallel_loop3A_532] {strides = array<i32>} : memref<80x128xf32, #tpu.memory_space<vmem>>, vector<1x16xf32>,
        %parallel_loop3A_534 = vector.shape_cast %parallel_loop3A_533 : vector<1x16xf32> to vector<16xf32>
        %parallel_loop3A_535 = arith.constant 2 : i32
        %parallel_loop3A_536 = arith.addi %parallel_loop3A_129, %parallel_loop3A_535 : i32
        %parallel_loop3A_537 = arith.index_cast %parallel_loop3A_536 : i32 to index
        %parallel_loop3A_538 = arith.constant 80 : index
        %parallel_loop3A_539 = tpu.vector_load %arg8[%parallel_loop3A_537, %parallel_loop3A_538] {strides = array<i32>} : memref<80x128xf32, #tpu.memory_space<vmem>>, vector<1x16xf32>,
        %parallel_loop3A_540 = vector.shape_cast %parallel_loop3A_539 : vector<1x16xf32> to vector<16xf32>
        %parallel_loop3A_541 = arith.constant 3 : i32
        %parallel_loop3A_542 = arith.addi %parallel_loop3A_129, %parallel_loop3A_541 : i32
        %parallel_loop3A_543 = arith.index_cast %parallel_loop3A_542 : i32 to index
        %parallel_loop3A_544 = arith.constant 80 : index
        %parallel_loop3A_545 = tpu.vector_load %arg8[%parallel_loop3A_543, %parallel_loop3A_544] {strides = array<i32>} : memref<80x128xf32, #tpu.memory_space<vmem>>, vector<1x16xf32>,
        %parallel_loop3A_546 = vector.shape_cast %parallel_loop3A_545 : vector<1x16xf32> to vector<16xf32>
        %parallel_loop3A_547 = arith.constant 4 : i32
        %parallel_loop3A_548 = arith.addi %parallel_loop3A_129, %parallel_loop3A_547 : i32
        %parallel_loop3A_549 = arith.index_cast %parallel_loop3A_548 : i32 to index
        %parallel_loop3A_550 = arith.constant 80 : index
        %parallel_loop3A_551 = tpu.vector_load %arg8[%parallel_loop3A_549, %parallel_loop3A_550] {strides = array<i32>} : memref<80x128xf32, #tpu.memory_space<vmem>>, vector<1x16xf32>,
        %parallel_loop3A_552 = vector.shape_cast %parallel_loop3A_551 : vector<1x16xf32> to vector<16xf32>
        %parallel_loop3A_553 = arith.index_cast %parallel_loop3A_129 : i32 to index
        %parallel_loop3A_554 = arith.constant 80 : index
        %parallel_loop3A_555 = tpu.vector_load %arg10[%parallel_loop3A_553, %parallel_loop3A_554] {strides = array<i32>} : memref<80x128xf32, #tpu.memory_space<vmem>>, vector<1x16xf32>,
        %parallel_loop3A_556 = vector.shape_cast %parallel_loop3A_555 : vector<1x16xf32> to vector<16xf32>
        %parallel_loop3A_557 = math.exp %parallel_loop3A_556 : vector<16xf32>
        %parallel_loop3A_558 = arith.constant 1 : i32
        %parallel_loop3A_559 = arith.addi %parallel_loop3A_129, %parallel_loop3A_558 : i32
        %parallel_loop3A_560 = arith.index_cast %parallel_loop3A_559 : i32 to index
        %parallel_loop3A_561 = arith.constant 80 : index
        %parallel_loop3A_562 = tpu.vector_load %arg10[%parallel_loop3A_560, %parallel_loop3A_561] {strides = array<i32>} : memref<80x128xf32, #tpu.memory_space<vmem>>, vector<1x16xf32>,
        %parallel_loop3A_563 = vector.shape_cast %parallel_loop3A_562 : vector<1x16xf32> to vector<16xf32>
        %parallel_loop3A_564 = math.exp %parallel_loop3A_563 : vector<16xf32>
        %parallel_loop3A_565 = arith.constant 2 : i32
        %parallel_loop3A_566 = arith.addi %parallel_loop3A_129, %parallel_loop3A_565 : i32
        %parallel_loop3A_567 = arith.index_cast %parallel_loop3A_566 : i32 to index
        %parallel_loop3A_568 = arith.constant 80 : index
        %parallel_loop3A_569 = tpu.vector_load %arg10[%parallel_loop3A_567, %parallel_loop3A_568] {strides = array<i32>} : memref<80x128xf32, #tpu.memory_space<vmem>>, vector<1x16xf32>,
        %parallel_loop3A_570 = vector.shape_cast %parallel_loop3A_569 : vector<1x16xf32> to vector<16xf32>
        %parallel_loop3A_571 = math.exp %parallel_loop3A_570 : vector<16xf32>
        %parallel_loop3A_572 = arith.constant 3 : i32
        %parallel_loop3A_573 = arith.addi %parallel_loop3A_129, %parallel_loop3A_572 : i32
        %parallel_loop3A_574 = arith.index_cast %parallel_loop3A_573 : i32 to index
        %parallel_loop3A_575 = arith.constant 80 : index
        %parallel_loop3A_576 = tpu.vector_load %arg10[%parallel_loop3A_574, %parallel_loop3A_575] {strides = array<i32>} : memref<80x128xf32, #tpu.memory_space<vmem>>, vector<1x16xf32>,
        %parallel_loop3A_577 = vector.shape_cast %parallel_loop3A_576 : vector<1x16xf32> to vector<16xf32>
        %parallel_loop3A_578 = math.exp %parallel_loop3A_577 : vector<16xf32>
        %parallel_loop3A_579 = arith.constant 4 : i32
        %parallel_loop3A_580 = arith.addi %parallel_loop3A_129, %parallel_loop3A_579 : i32
        %parallel_loop3A_581 = arith.index_cast %parallel_loop3A_580 : i32 to index
        %parallel_loop3A_582 = arith.constant 80 : index
        %parallel_loop3A_583 = tpu.vector_load %arg10[%parallel_loop3A_581, %parallel_loop3A_582] {strides = array<i32>} : memref<80x128xf32, #tpu.memory_space<vmem>>, vector<1x16xf32>,
        %parallel_loop3A_584 = vector.shape_cast %parallel_loop3A_583 : vector<1x16xf32> to vector<16xf32>
        %parallel_loop3A_585 = math.exp %parallel_loop3A_584 : vector<16xf32>
        %parallel_loop3A_586 = arith.addf %parallel_loop3A_528, %parallel_loop3A_534 : vector<16xf32>
        %parallel_loop3A_587 = arith.addf %parallel_loop3A_540, %parallel_loop3A_546 : vector<16xf32>
        %parallel_loop3A_588 = arith.addf %parallel_loop3A_586, %parallel_loop3A_587 : vector<16xf32>
        %parallel_loop3A_589 = arith.addf %parallel_loop3A_588, %parallel_loop3A_552 : vector<16xf32>
        %parallel_loop3A_590 = arith.index_cast %parallel_loop3A_127 : i32 to index
        %parallel_loop3A_591 = arith.constant 80 : index
        %parallel_loop3A_592 = tpu.vector_load %arg12[%parallel_loop3A_590, %parallel_loop3A_591] {strides = array<i32>} : memref<16x128xf32, #tpu.memory_space<vmem>>, vector<1x16xf32>,
        %parallel_loop3A_593 = vector.shape_cast %parallel_loop3A_592 : vector<1x16xf32> to vector<16xf32>
        %parallel_loop3A_594 = vector.shape_cast %parallel_loop3A_589 : vector<16xf32> to vector<1x16xf32>
        tpu.vector_store %arg12[%parallel_loop3A_590, %parallel_loop3A_591], %parallel_loop3A_594 {strides = array<i32>} : memref<16x128xf32, #tpu.memory_space<vmem>>, vector<1x16xf32>,
        %parallel_loop3A_595 = arith.addf %parallel_loop3A_557, %parallel_loop3A_564 : vector<16xf32>
        %parallel_loop3A_596 = arith.addf %parallel_loop3A_571, %parallel_loop3A_578 : vector<16xf32>
        %parallel_loop3A_597 = arith.addf %parallel_loop3A_595, %parallel_loop3A_596 : vector<16xf32>
        %parallel_loop3A_598 = arith.addf %parallel_loop3A_597, %parallel_loop3A_585 : vector<16xf32>
        %parallel_loop3A_599 = arith.index_cast %parallel_loop3A_127 : i32 to index
        %parallel_loop3A_600 = arith.constant 80 : index
        %parallel_loop3A_601 = tpu.vector_load %arg14[%parallel_loop3A_599, %parallel_loop3A_600] {strides = array<i32>} : memref<16x128xf32, #tpu.memory_space<vmem>>, vector<1x16xf32>,
        %parallel_loop3A_602 = vector.shape_cast %parallel_loop3A_601 : vector<1x16xf32> to vector<16xf32>
        %parallel_loop3A_603 = vector.shape_cast %parallel_loop3A_598 : vector<16xf32> to vector<1x16xf32>
        tpu.vector_store %arg14[%parallel_loop3A_599, %parallel_loop3A_600], %parallel_loop3A_603 {strides = array<i32>} : memref<16x128xf32, #tpu.memory_space<vmem>>, vector<1x16xf32>,
        %parallel_loop3A_604 = arith.index_cast %parallel_loop3A_129 : i32 to index
        %parallel_loop3A_605 = arith.constant 96 : index
        %parallel_loop3A_606 = tpu.vector_load %arg8[%parallel_loop3A_604, %parallel_loop3A_605] {strides = array<i32>} : memref<80x128xf32, #tpu.memory_space<vmem>>, vector<1x16xf32>,
        %parallel_loop3A_607 = vector.shape_cast %parallel_loop3A_606 : vector<1x16xf32> to vector<16xf32>
        %parallel_loop3A_608 = arith.constant 1 : i32
        %parallel_loop3A_609 = arith.addi %parallel_loop3A_129, %parallel_loop3A_608 : i32
        %parallel_loop3A_610 = arith.index_cast %parallel_loop3A_609 : i32 to index
        %parallel_loop3A_611 = arith.constant 96 : index
        %parallel_loop3A_612 = tpu.vector_load %arg8[%parallel_loop3A_610, %parallel_loop3A_611] {strides = array<i32>} : memref<80x128xf32, #tpu.memory_space<vmem>>, vector<1x16xf32>,
        %parallel_loop3A_613 = vector.shape_cast %parallel_loop3A_612 : vector<1x16xf32> to vector<16xf32>
        %parallel_loop3A_614 = arith.constant 2 : i32
        %parallel_loop3A_615 = arith.addi %parallel_loop3A_129, %parallel_loop3A_614 : i32
        %parallel_loop3A_616 = arith.index_cast %parallel_loop3A_615 : i32 to index
        %parallel_loop3A_617 = arith.constant 96 : index
        %parallel_loop3A_618 = tpu.vector_load %arg8[%parallel_loop3A_616, %parallel_loop3A_617] {strides = array<i32>} : memref<80x128xf32, #tpu.memory_space<vmem>>, vector<1x16xf32>,
        %parallel_loop3A_619 = vector.shape_cast %parallel_loop3A_618 : vector<1x16xf32> to vector<16xf32>
        %parallel_loop3A_620 = arith.constant 3 : i32
        %parallel_loop3A_621 = arith.addi %parallel_loop3A_129, %parallel_loop3A_620 : i32
        %parallel_loop3A_622 = arith.index_cast %parallel_loop3A_621 : i32 to index
        %parallel_loop3A_623 = arith.constant 96 : index
        %parallel_loop3A_624 = tpu.vector_load %arg8[%parallel_loop3A_622, %parallel_loop3A_623] {strides = array<i32>} : memref<80x128xf32, #tpu.memory_space<vmem>>, vector<1x16xf32>,
        %parallel_loop3A_625 = vector.shape_cast %parallel_loop3A_624 : vector<1x16xf32> to vector<16xf32>
        %parallel_loop3A_626 = arith.constant 4 : i32
        %parallel_loop3A_627 = arith.addi %parallel_loop3A_129, %parallel_loop3A_626 : i32
        %parallel_loop3A_628 = arith.index_cast %parallel_loop3A_627 : i32 to index
        %parallel_loop3A_629 = arith.constant 96 : index
        %parallel_loop3A_630 = tpu.vector_load %arg8[%parallel_loop3A_628, %parallel_loop3A_629] {strides = array<i32>} : memref<80x128xf32, #tpu.memory_space<vmem>>, vector<1x16xf32>,
        %parallel_loop3A_631 = vector.shape_cast %parallel_loop3A_630 : vector<1x16xf32> to vector<16xf32>
        %parallel_loop3A_632 = arith.index_cast %parallel_loop3A_129 : i32 to index
        %parallel_loop3A_633 = arith.constant 96 : index
        %parallel_loop3A_634 = tpu.vector_load %arg10[%parallel_loop3A_632, %parallel_loop3A_633] {strides = array<i32>} : memref<80x128xf32, #tpu.memory_space<vmem>>, vector<1x16xf32>,
        %parallel_loop3A_635 = vector.shape_cast %parallel_loop3A_634 : vector<1x16xf32> to vector<16xf32>
        %parallel_loop3A_636 = math.exp %parallel_loop3A_635 : vector<16xf32>
        %parallel_loop3A_637 = arith.constant 1 : i32
        %parallel_loop3A_638 = arith.addi %parallel_loop3A_129, %parallel_loop3A_637 : i32
        %parallel_loop3A_639 = arith.index_cast %parallel_loop3A_638 : i32 to index
        %parallel_loop3A_640 = arith.constant 96 : index
        %parallel_loop3A_641 = tpu.vector_load %arg10[%parallel_loop3A_639, %parallel_loop3A_640] {strides = array<i32>} : memref<80x128xf32, #tpu.memory_space<vmem>>, vector<1x16xf32>,
        %parallel_loop3A_642 = vector.shape_cast %parallel_loop3A_641 : vector<1x16xf32> to vector<16xf32>
        %parallel_loop3A_643 = math.exp %parallel_loop3A_642 : vector<16xf32>
        %parallel_loop3A_644 = arith.constant 2 : i32
        %parallel_loop3A_645 = arith.addi %parallel_loop3A_129, %parallel_loop3A_644 : i32
        %parallel_loop3A_646 = arith.index_cast %parallel_loop3A_645 : i32 to index
        %parallel_loop3A_647 = arith.constant 96 : index
        %parallel_loop3A_648 = tpu.vector_load %arg10[%parallel_loop3A_646, %parallel_loop3A_647] {strides = array<i32>} : memref<80x128xf32, #tpu.memory_space<vmem>>, vector<1x16xf32>,
        %parallel_loop3A_649 = vector.shape_cast %parallel_loop3A_648 : vector<1x16xf32> to vector<16xf32>
        %parallel_loop3A_650 = math.exp %parallel_loop3A_649 : vector<16xf32>
        %parallel_loop3A_651 = arith.constant 3 : i32
        %parallel_loop3A_652 = arith.addi %parallel_loop3A_129, %parallel_loop3A_651 : i32
        %parallel_loop3A_653 = arith.index_cast %parallel_loop3A_652 : i32 to index
        %parallel_loop3A_654 = arith.constant 96 : index
        %parallel_loop3A_655 = tpu.vector_load %arg10[%parallel_loop3A_653, %parallel_loop3A_654] {strides = array<i32>} : memref<80x128xf32, #tpu.memory_space<vmem>>, vector<1x16xf32>,
        %parallel_loop3A_656 = vector.shape_cast %parallel_loop3A_655 : vector<1x16xf32> to vector<16xf32>
        %parallel_loop3A_657 = math.exp %parallel_loop3A_656 : vector<16xf32>
        %parallel_loop3A_658 = arith.constant 4 : i32
        %parallel_loop3A_659 = arith.addi %parallel_loop3A_129, %parallel_loop3A_658 : i32
        %parallel_loop3A_660 = arith.index_cast %parallel_loop3A_659 : i32 to index
        %parallel_loop3A_661 = arith.constant 96 : index
        %parallel_loop3A_662 = tpu.vector_load %arg10[%parallel_loop3A_660, %parallel_loop3A_661] {strides = array<i32>} : memref<80x128xf32, #tpu.memory_space<vmem>>, vector<1x16xf32>,
        %parallel_loop3A_663 = vector.shape_cast %parallel_loop3A_662 : vector<1x16xf32> to vector<16xf32>
        %parallel_loop3A_664 = math.exp %parallel_loop3A_663 : vector<16xf32>
        %parallel_loop3A_665 = arith.addf %parallel_loop3A_607, %parallel_loop3A_613 : vector<16xf32>
        %parallel_loop3A_666 = arith.addf %parallel_loop3A_619, %parallel_loop3A_625 : vector<16xf32>
        %parallel_loop3A_667 = arith.addf %parallel_loop3A_665, %parallel_loop3A_666 : vector<16xf32>
        %parallel_loop3A_668 = arith.addf %parallel_loop3A_667, %parallel_loop3A_631 : vector<16xf32>
        %parallel_loop3A_669 = arith.index_cast %parallel_loop3A_127 : i32 to index
        %parallel_loop3A_670 = arith.constant 96 : index
        %parallel_loop3A_671 = tpu.vector_load %arg12[%parallel_loop3A_669, %parallel_loop3A_670] {strides = array<i32>} : memref<16x128xf32, #tpu.memory_space<vmem>>, vector<1x16xf32>,
        %parallel_loop3A_672 = vector.shape_cast %parallel_loop3A_671 : vector<1x16xf32> to vector<16xf32>
        %parallel_loop3A_673 = vector.shape_cast %parallel_loop3A_668 : vector<16xf32> to vector<1x16xf32>
        tpu.vector_store %arg12[%parallel_loop3A_669, %parallel_loop3A_670], %parallel_loop3A_673 {strides = array<i32>} : memref<16x128xf32, #tpu.memory_space<vmem>>, vector<1x16xf32>,
        %parallel_loop3A_674 = arith.addf %parallel_loop3A_636, %parallel_loop3A_643 : vector<16xf32>
        %parallel_loop3A_675 = arith.addf %parallel_loop3A_650, %parallel_loop3A_657 : vector<16xf32>
        %parallel_loop3A_676 = arith.addf %parallel_loop3A_674, %parallel_loop3A_675 : vector<16xf32>
        %parallel_loop3A_677 = arith.addf %parallel_loop3A_676, %parallel_loop3A_664 : vector<16xf32>
        %parallel_loop3A_678 = arith.index_cast %parallel_loop3A_127 : i32 to index
        %parallel_loop3A_679 = arith.constant 96 : index
        %parallel_loop3A_680 = tpu.vector_load %arg14[%parallel_loop3A_678, %parallel_loop3A_679] {strides = array<i32>} : memref<16x128xf32, #tpu.memory_space<vmem>>, vector<1x16xf32>,
        %parallel_loop3A_681 = vector.shape_cast %parallel_loop3A_680 : vector<1x16xf32> to vector<16xf32>
        %parallel_loop3A_682 = vector.shape_cast %parallel_loop3A_677 : vector<16xf32> to vector<1x16xf32>
        tpu.vector_store %arg14[%parallel_loop3A_678, %parallel_loop3A_679], %parallel_loop3A_682 {strides = array<i32>} : memref<16x128xf32, #tpu.memory_space<vmem>>, vector<1x16xf32>,
        %parallel_loop3A_683 = arith.index_cast %parallel_loop3A_129 : i32 to index
        %parallel_loop3A_684 = arith.constant 112 : index
        %parallel_loop3A_685 = tpu.vector_load %arg8[%parallel_loop3A_683, %parallel_loop3A_684] {strides = array<i32>} : memref<80x128xf32, #tpu.memory_space<vmem>>, vector<1x16xf32>,
        %parallel_loop3A_686 = vector.shape_cast %parallel_loop3A_685 : vector<1x16xf32> to vector<16xf32>
        %parallel_loop3A_687 = arith.constant 1 : i32
        %parallel_loop3A_688 = arith.addi %parallel_loop3A_129, %parallel_loop3A_687 : i32
        %parallel_loop3A_689 = arith.index_cast %parallel_loop3A_688 : i32 to index
        %parallel_loop3A_690 = arith.constant 112 : index
        %parallel_loop3A_691 = tpu.vector_load %arg8[%parallel_loop3A_689, %parallel_loop3A_690] {strides = array<i32>} : memref<80x128xf32, #tpu.memory_space<vmem>>, vector<1x16xf32>,
        %parallel_loop3A_692 = vector.shape_cast %parallel_loop3A_691 : vector<1x16xf32> to vector<16xf32>
        %parallel_loop3A_693 = arith.constant 2 : i32
        %parallel_loop3A_694 = arith.addi %parallel_loop3A_129, %parallel_loop3A_693 : i32
        %parallel_loop3A_695 = arith.index_cast %parallel_loop3A_694 : i32 to index
        %parallel_loop3A_696 = arith.constant 112 : index
        %parallel_loop3A_697 = tpu.vector_load %arg8[%parallel_loop3A_695, %parallel_loop3A_696] {strides = array<i32>} : memref<80x128xf32, #tpu.memory_space<vmem>>, vector<1x16xf32>,
        %parallel_loop3A_698 = vector.shape_cast %parallel_loop3A_697 : vector<1x16xf32> to vector<16xf32>
        %parallel_loop3A_699 = arith.constant 3 : i32
        %parallel_loop3A_700 = arith.addi %parallel_loop3A_129, %parallel_loop3A_699 : i32
        %parallel_loop3A_701 = arith.index_cast %parallel_loop3A_700 : i32 to index
        %parallel_loop3A_702 = arith.constant 112 : index
        %parallel_loop3A_703 = tpu.vector_load %arg8[%parallel_loop3A_701, %parallel_loop3A_702] {strides = array<i32>} : memref<80x128xf32, #tpu.memory_space<vmem>>, vector<1x16xf32>,
        %parallel_loop3A_704 = vector.shape_cast %parallel_loop3A_703 : vector<1x16xf32> to vector<16xf32>
        %parallel_loop3A_705 = arith.constant 4 : i32
        %parallel_loop3A_706 = arith.addi %parallel_loop3A_129, %parallel_loop3A_705 : i32
        %parallel_loop3A_707 = arith.index_cast %parallel_loop3A_706 : i32 to index
        %parallel_loop3A_708 = arith.constant 112 : index
        %parallel_loop3A_709 = tpu.vector_load %arg8[%parallel_loop3A_707, %parallel_loop3A_708] {strides = array<i32>} : memref<80x128xf32, #tpu.memory_space<vmem>>, vector<1x16xf32>,
        %parallel_loop3A_710 = vector.shape_cast %parallel_loop3A_709 : vector<1x16xf32> to vector<16xf32>
        %parallel_loop3A_711 = arith.index_cast %parallel_loop3A_129 : i32 to index
        %parallel_loop3A_712 = arith.constant 112 : index
        %parallel_loop3A_713 = tpu.vector_load %arg10[%parallel_loop3A_711, %parallel_loop3A_712] {strides = array<i32>} : memref<80x128xf32, #tpu.memory_space<vmem>>, vector<1x16xf32>,
        %parallel_loop3A_714 = vector.shape_cast %parallel_loop3A_713 : vector<1x16xf32> to vector<16xf32>
        %parallel_loop3A_715 = math.exp %parallel_loop3A_714 : vector<16xf32>
        %parallel_loop3A_716 = arith.constant 1 : i32
        %parallel_loop3A_717 = arith.addi %parallel_loop3A_129, %parallel_loop3A_716 : i32
        %parallel_loop3A_718 = arith.index_cast %parallel_loop3A_717 : i32 to index
        %parallel_loop3A_719 = arith.constant 112 : index
        %parallel_loop3A_720 = tpu.vector_load %arg10[%parallel_loop3A_718, %parallel_loop3A_719] {strides = array<i32>} : memref<80x128xf32, #tpu.memory_space<vmem>>, vector<1x16xf32>,
        %parallel_loop3A_721 = vector.shape_cast %parallel_loop3A_720 : vector<1x16xf32> to vector<16xf32>
        %parallel_loop3A_722 = math.exp %parallel_loop3A_721 : vector<16xf32>
        %parallel_loop3A_723 = arith.constant 2 : i32
        %parallel_loop3A_724 = arith.addi %parallel_loop3A_129, %parallel_loop3A_723 : i32
        %parallel_loop3A_725 = arith.index_cast %parallel_loop3A_724 : i32 to index
        %parallel_loop3A_726 = arith.constant 112 : index
        %parallel_loop3A_727 = tpu.vector_load %arg10[%parallel_loop3A_725, %parallel_loop3A_726] {strides = array<i32>} : memref<80x128xf32, #tpu.memory_space<vmem>>, vector<1x16xf32>,
        %parallel_loop3A_728 = vector.shape_cast %parallel_loop3A_727 : vector<1x16xf32> to vector<16xf32>
        %parallel_loop3A_729 = math.exp %parallel_loop3A_728 : vector<16xf32>
        %parallel_loop3A_730 = arith.constant 3 : i32
        %parallel_loop3A_731 = arith.addi %parallel_loop3A_129, %parallel_loop3A_730 : i32
        %parallel_loop3A_732 = arith.index_cast %parallel_loop3A_731 : i32 to index
        %parallel_loop3A_733 = arith.constant 112 : index
        %parallel_loop3A_734 = tpu.vector_load %arg10[%parallel_loop3A_732, %parallel_loop3A_733] {strides = array<i32>} : memref<80x128xf32, #tpu.memory_space<vmem>>, vector<1x16xf32>,
        %parallel_loop3A_735 = vector.shape_cast %parallel_loop3A_734 : vector<1x16xf32> to vector<16xf32>
        %parallel_loop3A_736 = math.exp %parallel_loop3A_735 : vector<16xf32>
        %parallel_loop3A_737 = arith.constant 4 : i32
        %parallel_loop3A_738 = arith.addi %parallel_loop3A_129, %parallel_loop3A_737 : i32
        %parallel_loop3A_739 = arith.index_cast %parallel_loop3A_738 : i32 to index
        %parallel_loop3A_740 = arith.constant 112 : index
        %parallel_loop3A_741 = tpu.vector_load %arg10[%parallel_loop3A_739, %parallel_loop3A_740] {strides = array<i32>} : memref<80x128xf32, #tpu.memory_space<vmem>>, vector<1x16xf32>,
        %parallel_loop3A_742 = vector.shape_cast %parallel_loop3A_741 : vector<1x16xf32> to vector<16xf32>
        %parallel_loop3A_743 = math.exp %parallel_loop3A_742 : vector<16xf32>
        %parallel_loop3A_744 = arith.addf %parallel_loop3A_686, %parallel_loop3A_692 : vector<16xf32>
        %parallel_loop3A_745 = arith.addf %parallel_loop3A_698, %parallel_loop3A_704 : vector<16xf32>
        %parallel_loop3A_746 = arith.addf %parallel_loop3A_744, %parallel_loop3A_745 : vector<16xf32>
        %parallel_loop3A_747 = arith.addf %parallel_loop3A_746, %parallel_loop3A_710 : vector<16xf32>
        %parallel_loop3A_748 = arith.index_cast %parallel_loop3A_127 : i32 to index
        %parallel_loop3A_749 = arith.constant 112 : index
        %parallel_loop3A_750 = tpu.vector_load %arg12[%parallel_loop3A_748, %parallel_loop3A_749] {strides = array<i32>} : memref<16x128xf32, #tpu.memory_space<vmem>>, vector<1x16xf32>,
        %parallel_loop3A_751 = vector.shape_cast %parallel_loop3A_750 : vector<1x16xf32> to vector<16xf32>
        %parallel_loop3A_752 = vector.shape_cast %parallel_loop3A_747 : vector<16xf32> to vector<1x16xf32>
        tpu.vector_store %arg12[%parallel_loop3A_748, %parallel_loop3A_749], %parallel_loop3A_752 {strides = array<i32>} : memref<16x128xf32, #tpu.memory_space<vmem>>, vector<1x16xf32>,
        %parallel_loop3A_753 = arith.addf %parallel_loop3A_715, %parallel_loop3A_722 : vector<16xf32>
        %parallel_loop3A_754 = arith.addf %parallel_loop3A_729, %parallel_loop3A_736 : vector<16xf32>
        %parallel_loop3A_755 = arith.addf %parallel_loop3A_753, %parallel_loop3A_754 : vector<16xf32>
        %parallel_loop3A_756 = arith.addf %parallel_loop3A_755, %parallel_loop3A_743 : vector<16xf32>
        %parallel_loop3A_757 = arith.index_cast %parallel_loop3A_127 : i32 to index
        %parallel_loop3A_758 = arith.constant 112 : index
        %parallel_loop3A_759 = tpu.vector_load %arg14[%parallel_loop3A_757, %parallel_loop3A_758] {strides = array<i32>} : memref<16x128xf32, #tpu.memory_space<vmem>>, vector<1x16xf32>,
        %parallel_loop3A_760 = vector.shape_cast %parallel_loop3A_759 : vector<1x16xf32> to vector<16xf32>
        %parallel_loop3A_761 = vector.shape_cast %parallel_loop3A_756 : vector<16xf32> to vector<1x16xf32>
        tpu.vector_store %arg14[%parallel_loop3A_757, %parallel_loop3A_758], %parallel_loop3A_761 {strides = array<i32>} : memref<16x128xf32, #tpu.memory_space<vmem>>, vector<1x16xf32>,
      } {sc.loop_unroll_factor = 2 : i64, sc.parallel_access}
      %mul3A_70 = arith.constant 16 : i32
      %mul3A_71 = arith.muli %mul3A_55, %mul3A_70 : i32
      %add3A_72 = arith.addi %mul3A_9, %mul3A_71 : i32
      %dma_start3A_73 = arith.constant 0 : i32
      %dma_start3A_74 = tpu.memref_slice %arg5[%add3A_72, %dma_start3A_73] : memref<20480x128xf32, #tpu.memory_space<hbm>> -> memref<16x128xf32, #tpu.memory_space<hbm>>
      %dma_start3A_75 = arith.constant 0 : i32
      %dma_start3A_76 = tpu.memref_slice %arg5[%add3A_72, %dma_start3A_75] : memref<20480x128xf32, #tpu.memory_space<hbm>> -> memref<16x128xf32, #tpu.memory_space<hbm>>
      tpu.enqueue_dma source(%arg12 : memref<16x128xf32, #tpu.memory_space<vmem>>) target(%dma_start3A_76 : memref<16x128xf32, #tpu.memory_space<hbm>>) target_semaphore(%arg18 : memref<!tpu.dma_semaphore, #tpu.memory_space<semaphore_mem>>)
      %dma_start3A_77 = arith.constant 0 : i32
      %dma_start3A_78 = tpu.memref_slice %arg6[%add3A_72, %dma_start3A_77] : memref<20480x128xf32, #tpu.memory_space<hbm>> -> memref<16x128xf32, #tpu.memory_space<hbm>>
      %dma_start3A_79 = arith.constant 0 : i32
      %dma_start3A_80 = tpu.memref_slice %arg6[%add3A_72, %dma_start3A_79] : memref<20480x128xf32, #tpu.memory_space<hbm>> -> memref<16x128xf32, #tpu.memory_space<hbm>>
      tpu.enqueue_dma source(%arg14 : memref<16x128xf32, #tpu.memory_space<vmem>>) target(%dma_start3A_80 : memref<16x128xf32, #tpu.memory_space<hbm>>) target_semaphore(%arg18 : memref<!tpu.dma_semaphore, #tpu.memory_space<semaphore_mem>>)
      %add3A_81 = arith.constant 2 : i32
      %add3A_82 = arith.addi %mul3A_55, %add3A_81 : i32
      %lt3A = arith.constant 40 : i32
      %lt3A_83 = arith.cmpi slt, %add3A_82, %lt3A : i32
      %convert_element_type3A_84 = arith.extui %lt3A_83 : i1 to i32
      %cond3A_85 = arith.constant 0 : i32
      %cond3A_86 = arith.cmpi ne, %convert_element_type3A_84, %cond3A_85 : i32
      scf.if %cond3A_86 {
        %add3A_127 = arith.constant 2 : i32
        %add3A_128 = arith.addi %mul3A_55, %add3A_127 : i32
        %mul3A_129 = arith.constant 80 : i32
        %mul3A_130 = arith.muli %add3A_128, %mul3A_129 : i32
        %dma_start3A_131 = tpu.memref_slice %arg7[%mul3A_130] : memref<3200xi32, #tpu.memory_space<vmem>> -> memref<80xi32, #tpu.memory_space<vmem>>
        %dma_start3A_132 = arith.constant 0 : i32
        %dma_start3A_133 = arith.constant 0 : i32
        %dma_start3A_134 = tpu.memref_slice %arg2[%dma_start3A_132, %dma_start3A_133] : memref<100000x128xf32, #tpu.memory_space<hbm>> -> memref<100000x128xf32, #tpu.memory_space<hbm>>
        tpu.enqueue_indirect_dma source(%dma_start3A_134 : memref<100000x128xf32, #tpu.memory_space<hbm>>) target(%arg8 : memref<80x128xf32, #tpu.memory_space<vmem>>) offsets(%dma_start3A_131 : memref<80xi32, #tpu.memory_space<vmem>>) semaphore(%arg16 : memref<!tpu.dma_semaphore, #tpu.memory_space<semaphore_mem>>)
        %dma_start3A_135 = tpu.memref_slice %arg7[%mul3A_130] : memref<3200xi32, #tpu.memory_space<vmem>> -> memref<80xi32, #tpu.memory_space<vmem>>
        %dma_start3A_136 = arith.constant 0 : i32
        %dma_start3A_137 = arith.constant 0 : i32
        %dma_start3A_138 = tpu.memref_slice %arg3[%dma_start3A_136, %dma_start3A_137] : memref<100000x128xf32, #tpu.memory_space<hbm>> -> memref<100000x128xf32, #tpu.memory_space<hbm>>
        tpu.enqueue_indirect_dma source(%dma_start3A_138 : memref<100000x128xf32, #tpu.memory_space<hbm>>) target(%arg10 : memref<80x128xf32, #tpu.memory_space<vmem>>) offsets(%dma_start3A_135 : memref<80xi32, #tpu.memory_space<vmem>>) semaphore(%arg16 : memref<!tpu.dma_semaphore, #tpu.memory_space<semaphore_mem>>)
      } else {
      }
      %mul3A_87 = arith.constant 2 : i32
      %mul3A_88 = arith.muli %mul3A_87, %scan3A_53 : i32
      %add3A_89 = arith.constant 1 : i32
      %add3A_90 = arith.addi %mul3A_88, %add3A_89 : i32
      %mul3A_91 = arith.constant 80 : i32
      %mul3A_92 = arith.muli %add3A_90, %mul3A_91 : i32
      %dma_wait3A_93 = tpu.memref_slice %arg7[%mul3A_92] : memref<3200xi32, #tpu.memory_space<vmem>> -> memref<80xi32, #tpu.memory_space<vmem>>
      %dma_wait3A_94 = arith.constant 0 : i32
      %dma_wait3A_95 = arith.constant 0 : i32
      %dma_wait3A_96 = tpu.memref_slice %arg2[%dma_wait3A_94, %dma_wait3A_95] : memref<100000x128xf32, #tpu.memory_space<hbm>> -> memref<100000x128xf32, #tpu.memory_space<hbm>>
      tpu.wait_indirect_dma semaphore(%arg17 : memref<!tpu.dma_semaphore, #tpu.memory_space<semaphore_mem>>) src(%dma_wait3A_96 : memref<100000x128xf32, #tpu.memory_space<hbm>>) dst(%arg9 : memref<80x128xf32, #tpu.memory_space<vmem>>)
      %dma_wait3A_97 = tpu.memref_slice %arg7[%mul3A_92] : memref<3200xi32, #tpu.memory_space<vmem>> -> memref<80xi32, #tpu.memory_space<vmem>>
      %dma_wait3A_98 = arith.constant 0 : i32
      %dma_wait3A_99 = arith.constant 0 : i32
      %dma_wait3A_100 = tpu.memref_slice %arg3[%dma_wait3A_98, %dma_wait3A_99] : memref<100000x128xf32, #tpu.memory_space<hbm>> -> memref<100000x128xf32, #tpu.memory_space<hbm>>
      tpu.wait_indirect_dma semaphore(%arg17 : memref<!tpu.dma_semaphore, #tpu.memory_space<semaphore_mem>>) src(%dma_wait3A_100 : memref<100000x128xf32, #tpu.memory_space<hbm>>) dst(%arg11 : memref<80x128xf32, #tpu.memory_space<vmem>>)
      %ge3A_101 = arith.constant 2 : i32
      %ge3A_102 = arith.cmpi sge, %add3A_90, %ge3A_101 : i32
      %convert_element_type3A_103 = arith.extui %ge3A_102 : i1 to i32
      %cond3A_104 = arith.constant 0 : i32
      %cond3A_105 = arith.cmpi ne, %convert_element_type3A_103, %cond3A_104 : i32
      scf.if %cond3A_105 {
        %sub3A = arith.constant 2 : i32
        %sub3A_127 = arith.subi %add3A_90, %sub3A : i32
        %mul3A_128 = arith.constant 16 : i32
        %mul3A_129 = arith.muli %sub3A_127, %mul3A_128 : i32
        %add3A_130 = arith.addi %mul3A_9, %mul3A_129 : i32
        %dma_wait3A_131 = arith.constant 0 : i32
        %dma_wait3A_132 = tpu.memref_slice %arg5[%add3A_130, %dma_wait3A_131] : memref<20480x128xf32, #tpu.memory_space<hbm>> -> memref<16x128xf32, #tpu.memory_space<hbm>>
        %dma_wait3A_133 = arith.constant 0 : i32
        %dma_wait3A_134 = tpu.memref_slice %arg5[%add3A_130, %dma_wait3A_133] : memref<20480x128xf32, #tpu.memory_space<hbm>> -> memref<16x128xf32, #tpu.memory_space<hbm>>
        tpu.wait_dma2 semaphore(%arg19 : memref<!tpu.dma_semaphore, #tpu.memory_space<semaphore_mem>>) src(%arg13 : memref<16x128xf32, #tpu.memory_space<vmem>>) dst(%dma_wait3A_134 : memref<16x128xf32, #tpu.memory_space<hbm>>)
        %dma_wait3A_135 = arith.constant 0 : i32
        %dma_wait3A_136 = tpu.memref_slice %arg6[%add3A_130, %dma_wait3A_135] : memref<20480x128xf32, #tpu.memory_space<hbm>> -> memref<16x128xf32, #tpu.memory_space<hbm>>
        %dma_wait3A_137 = arith.constant 0 : i32
        %dma_wait3A_138 = tpu.memref_slice %arg6[%add3A_130, %dma_wait3A_137] : memref<20480x128xf32, #tpu.memory_space<hbm>> -> memref<16x128xf32, #tpu.memory_space<hbm>>
        tpu.wait_dma2 semaphore(%arg19 : memref<!tpu.dma_semaphore, #tpu.memory_space<semaphore_mem>>) src(%arg15 : memref<16x128xf32, #tpu.memory_space<vmem>>) dst(%dma_wait3A_138 : memref<16x128xf32, #tpu.memory_space<hbm>>)
      } else {
      }
      %parallel_loop3A_106 = arith.constant 0 : i32
      %parallel_loop3A_107 = arith.constant 16 : i32
      %parallel_loop3A_108 = arith.constant 1 : i32
      scf.for %parallel_loop3A_127 = %parallel_loop3A_106 to %parallel_loop3A_107 step %parallel_loop3A_108  : i32 {
        %parallel_loop3A_128 = arith.constant 5 : i32
        %parallel_loop3A_129 = arith.muli %parallel_loop3A_127, %parallel_loop3A_128 : i32
        %parallel_loop3A_130 = arith.index_cast %parallel_loop3A_129 : i32 to index
        %parallel_loop3A_131 = arith.constant 0 : index
        %parallel_loop3A_132 = tpu.vector_load %arg9[%parallel_loop3A_130, %parallel_loop3A_131] {strides = array<i32>} : memref<80x128xf32, #tpu.memory_space<vmem>>, vector<1x16xf32>,
        %parallel_loop3A_133 = vector.shape_cast %parallel_loop3A_132 : vector<1x16xf32> to vector<16xf32>
        %parallel_loop3A_134 = arith.constant 1 : i32
        %parallel_loop3A_135 = arith.addi %parallel_loop3A_129, %parallel_loop3A_134 : i32
        %parallel_loop3A_136 = arith.index_cast %parallel_loop3A_135 : i32 to index
        %parallel_loop3A_137 = arith.constant 0 : index
        %parallel_loop3A_138 = tpu.vector_load %arg9[%parallel_loop3A_136, %parallel_loop3A_137] {strides = array<i32>} : memref<80x128xf32, #tpu.memory_space<vmem>>, vector<1x16xf32>,
        %parallel_loop3A_139 = vector.shape_cast %parallel_loop3A_138 : vector<1x16xf32> to vector<16xf32>
        %parallel_loop3A_140 = arith.constant 2 : i32
        %parallel_loop3A_141 = arith.addi %parallel_loop3A_129, %parallel_loop3A_140 : i32
        %parallel_loop3A_142 = arith.index_cast %parallel_loop3A_141 : i32 to index
        %parallel_loop3A_143 = arith.constant 0 : index
        %parallel_loop3A_144 = tpu.vector_load %arg9[%parallel_loop3A_142, %parallel_loop3A_143] {strides = array<i32>} : memref<80x128xf32, #tpu.memory_space<vmem>>, vector<1x16xf32>,
        %parallel_loop3A_145 = vector.shape_cast %parallel_loop3A_144 : vector<1x16xf32> to vector<16xf32>
        %parallel_loop3A_146 = arith.constant 3 : i32
        %parallel_loop3A_147 = arith.addi %parallel_loop3A_129, %parallel_loop3A_146 : i32
        %parallel_loop3A_148 = arith.index_cast %parallel_loop3A_147 : i32 to index
        %parallel_loop3A_149 = arith.constant 0 : index
        %parallel_loop3A_150 = tpu.vector_load %arg9[%parallel_loop3A_148, %parallel_loop3A_149] {strides = array<i32>} : memref<80x128xf32, #tpu.memory_space<vmem>>, vector<1x16xf32>,
        %parallel_loop3A_151 = vector.shape_cast %parallel_loop3A_150 : vector<1x16xf32> to vector<16xf32>
        %parallel_loop3A_152 = arith.constant 4 : i32
        %parallel_loop3A_153 = arith.addi %parallel_loop3A_129, %parallel_loop3A_152 : i32
        %parallel_loop3A_154 = arith.index_cast %parallel_loop3A_153 : i32 to index
        %parallel_loop3A_155 = arith.constant 0 : index
        %parallel_loop3A_156 = tpu.vector_load %arg9[%parallel_loop3A_154, %parallel_loop3A_155] {strides = array<i32>} : memref<80x128xf32, #tpu.memory_space<vmem>>, vector<1x16xf32>,
        %parallel_loop3A_157 = vector.shape_cast %parallel_loop3A_156 : vector<1x16xf32> to vector<16xf32>
        %parallel_loop3A_158 = arith.index_cast %parallel_loop3A_129 : i32 to index
        %parallel_loop3A_159 = arith.constant 0 : index
        %parallel_loop3A_160 = tpu.vector_load %arg11[%parallel_loop3A_158, %parallel_loop3A_159] {strides = array<i32>} : memref<80x128xf32, #tpu.memory_space<vmem>>, vector<1x16xf32>,
        %parallel_loop3A_161 = vector.shape_cast %parallel_loop3A_160 : vector<1x16xf32> to vector<16xf32>
        %parallel_loop3A_162 = math.exp %parallel_loop3A_161 : vector<16xf32>
        %parallel_loop3A_163 = arith.constant 1 : i32
        %parallel_loop3A_164 = arith.addi %parallel_loop3A_129, %parallel_loop3A_163 : i32
        %parallel_loop3A_165 = arith.index_cast %parallel_loop3A_164 : i32 to index
        %parallel_loop3A_166 = arith.constant 0 : index
        %parallel_loop3A_167 = tpu.vector_load %arg11[%parallel_loop3A_165, %parallel_loop3A_166] {strides = array<i32>} : memref<80x128xf32, #tpu.memory_space<vmem>>, vector<1x16xf32>,
        %parallel_loop3A_168 = vector.shape_cast %parallel_loop3A_167 : vector<1x16xf32> to vector<16xf32>
        %parallel_loop3A_169 = math.exp %parallel_loop3A_168 : vector<16xf32>
        %parallel_loop3A_170 = arith.constant 2 : i32
        %parallel_loop3A_171 = arith.addi %parallel_loop3A_129, %parallel_loop3A_170 : i32
        %parallel_loop3A_172 = arith.index_cast %parallel_loop3A_171 : i32 to index
        %parallel_loop3A_173 = arith.constant 0 : index
        %parallel_loop3A_174 = tpu.vector_load %arg11[%parallel_loop3A_172, %parallel_loop3A_173] {strides = array<i32>} : memref<80x128xf32, #tpu.memory_space<vmem>>, vector<1x16xf32>,
        %parallel_loop3A_175 = vector.shape_cast %parallel_loop3A_174 : vector<1x16xf32> to vector<16xf32>
        %parallel_loop3A_176 = math.exp %parallel_loop3A_175 : vector<16xf32>
        %parallel_loop3A_177 = arith.constant 3 : i32
        %parallel_loop3A_178 = arith.addi %parallel_loop3A_129, %parallel_loop3A_177 : i32
        %parallel_loop3A_179 = arith.index_cast %parallel_loop3A_178 : i32 to index
        %parallel_loop3A_180 = arith.constant 0 : index
        %parallel_loop3A_181 = tpu.vector_load %arg11[%parallel_loop3A_179, %parallel_loop3A_180] {strides = array<i32>} : memref<80x128xf32, #tpu.memory_space<vmem>>, vector<1x16xf32>,
        %parallel_loop3A_182 = vector.shape_cast %parallel_loop3A_181 : vector<1x16xf32> to vector<16xf32>
        %parallel_loop3A_183 = math.exp %parallel_loop3A_182 : vector<16xf32>
        %parallel_loop3A_184 = arith.constant 4 : i32
        %parallel_loop3A_185 = arith.addi %parallel_loop3A_129, %parallel_loop3A_184 : i32
        %parallel_loop3A_186 = arith.index_cast %parallel_loop3A_185 : i32 to index
        %parallel_loop3A_187 = arith.constant 0 : index
        %parallel_loop3A_188 = tpu.vector_load %arg11[%parallel_loop3A_186, %parallel_loop3A_187] {strides = array<i32>} : memref<80x128xf32, #tpu.memory_space<vmem>>, vector<1x16xf32>,
        %parallel_loop3A_189 = vector.shape_cast %parallel_loop3A_188 : vector<1x16xf32> to vector<16xf32>
        %parallel_loop3A_190 = math.exp %parallel_loop3A_189 : vector<16xf32>
        %parallel_loop3A_191 = arith.addf %parallel_loop3A_133, %parallel_loop3A_139 : vector<16xf32>
        %parallel_loop3A_192 = arith.addf %parallel_loop3A_145, %parallel_loop3A_151 : vector<16xf32>
        %parallel_loop3A_193 = arith.addf %parallel_loop3A_191, %parallel_loop3A_192 : vector<16xf32>
        %parallel_loop3A_194 = arith.addf %parallel_loop3A_193, %parallel_loop3A_157 : vector<16xf32>
        %parallel_loop3A_195 = arith.index_cast %parallel_loop3A_127 : i32 to index
        %parallel_loop3A_196 = arith.constant 0 : index
        %parallel_loop3A_197 = tpu.vector_load %arg13[%parallel_loop3A_195, %parallel_loop3A_196] {strides = array<i32>} : memref<16x128xf32, #tpu.memory_space<vmem>>, vector<1x16xf32>,
        %parallel_loop3A_198 = vector.shape_cast %parallel_loop3A_197 : vector<1x16xf32> to vector<16xf32>
        %parallel_loop3A_199 = vector.shape_cast %parallel_loop3A_194 : vector<16xf32> to vector<1x16xf32>
        tpu.vector_store %arg13[%parallel_loop3A_195, %parallel_loop3A_196], %parallel_loop3A_199 {strides = array<i32>} : memref<16x128xf32, #tpu.memory_space<vmem>>, vector<1x16xf32>,
        %parallel_loop3A_200 = arith.addf %parallel_loop3A_162, %parallel_loop3A_169 : vector<16xf32>
        %parallel_loop3A_201 = arith.addf %parallel_loop3A_176, %parallel_loop3A_183 : vector<16xf32>
        %parallel_loop3A_202 = arith.addf %parallel_loop3A_200, %parallel_loop3A_201 : vector<16xf32>
        %parallel_loop3A_203 = arith.addf %parallel_loop3A_202, %parallel_loop3A_190 : vector<16xf32>
        %parallel_loop3A_204 = arith.index_cast %parallel_loop3A_127 : i32 to index
        %parallel_loop3A_205 = arith.constant 0 : index
        %parallel_loop3A_206 = tpu.vector_load %arg15[%parallel_loop3A_204, %parallel_loop3A_205] {strides = array<i32>} : memref<16x128xf32, #tpu.memory_space<vmem>>, vector<1x16xf32>,
        %parallel_loop3A_207 = vector.shape_cast %parallel_loop3A_206 : vector<1x16xf32> to vector<16xf32>
        %parallel_loop3A_208 = vector.shape_cast %parallel_loop3A_203 : vector<16xf32> to vector<1x16xf32>
        tpu.vector_store %arg15[%parallel_loop3A_204, %parallel_loop3A_205], %parallel_loop3A_208 {strides = array<i32>} : memref<16x128xf32, #tpu.memory_space<vmem>>, vector<1x16xf32>,
        %parallel_loop3A_209 = arith.index_cast %parallel_loop3A_129 : i32 to index
        %parallel_loop3A_210 = arith.constant 16 : index
        %parallel_loop3A_211 = tpu.vector_load %arg9[%parallel_loop3A_209, %parallel_loop3A_210] {strides = array<i32>} : memref<80x128xf32, #tpu.memory_space<vmem>>, vector<1x16xf32>,
        %parallel_loop3A_212 = vector.shape_cast %parallel_loop3A_211 : vector<1x16xf32> to vector<16xf32>
        %parallel_loop3A_213 = arith.constant 1 : i32
        %parallel_loop3A_214 = arith.addi %parallel_loop3A_129, %parallel_loop3A_213 : i32
        %parallel_loop3A_215 = arith.index_cast %parallel_loop3A_214 : i32 to index
        %parallel_loop3A_216 = arith.constant 16 : index
        %parallel_loop3A_217 = tpu.vector_load %arg9[%parallel_loop3A_215, %parallel_loop3A_216] {strides = array<i32>} : memref<80x128xf32, #tpu.memory_space<vmem>>, vector<1x16xf32>,
        %parallel_loop3A_218 = vector.shape_cast %parallel_loop3A_217 : vector<1x16xf32> to vector<16xf32>
        %parallel_loop3A_219 = arith.constant 2 : i32
        %parallel_loop3A_220 = arith.addi %parallel_loop3A_129, %parallel_loop3A_219 : i32
        %parallel_loop3A_221 = arith.index_cast %parallel_loop3A_220 : i32 to index
        %parallel_loop3A_222 = arith.constant 16 : index
        %parallel_loop3A_223 = tpu.vector_load %arg9[%parallel_loop3A_221, %parallel_loop3A_222] {strides = array<i32>} : memref<80x128xf32, #tpu.memory_space<vmem>>, vector<1x16xf32>,
        %parallel_loop3A_224 = vector.shape_cast %parallel_loop3A_223 : vector<1x16xf32> to vector<16xf32>
        %parallel_loop3A_225 = arith.constant 3 : i32
        %parallel_loop3A_226 = arith.addi %parallel_loop3A_129, %parallel_loop3A_225 : i32
        %parallel_loop3A_227 = arith.index_cast %parallel_loop3A_226 : i32 to index
        %parallel_loop3A_228 = arith.constant 16 : index
        %parallel_loop3A_229 = tpu.vector_load %arg9[%parallel_loop3A_227, %parallel_loop3A_228] {strides = array<i32>} : memref<80x128xf32, #tpu.memory_space<vmem>>, vector<1x16xf32>,
        %parallel_loop3A_230 = vector.shape_cast %parallel_loop3A_229 : vector<1x16xf32> to vector<16xf32>
        %parallel_loop3A_231 = arith.constant 4 : i32
        %parallel_loop3A_232 = arith.addi %parallel_loop3A_129, %parallel_loop3A_231 : i32
        %parallel_loop3A_233 = arith.index_cast %parallel_loop3A_232 : i32 to index
        %parallel_loop3A_234 = arith.constant 16 : index
        %parallel_loop3A_235 = tpu.vector_load %arg9[%parallel_loop3A_233, %parallel_loop3A_234] {strides = array<i32>} : memref<80x128xf32, #tpu.memory_space<vmem>>, vector<1x16xf32>,
        %parallel_loop3A_236 = vector.shape_cast %parallel_loop3A_235 : vector<1x16xf32> to vector<16xf32>
        %parallel_loop3A_237 = arith.index_cast %parallel_loop3A_129 : i32 to index
        %parallel_loop3A_238 = arith.constant 16 : index
        %parallel_loop3A_239 = tpu.vector_load %arg11[%parallel_loop3A_237, %parallel_loop3A_238] {strides = array<i32>} : memref<80x128xf32, #tpu.memory_space<vmem>>, vector<1x16xf32>,
        %parallel_loop3A_240 = vector.shape_cast %parallel_loop3A_239 : vector<1x16xf32> to vector<16xf32>
        %parallel_loop3A_241 = math.exp %parallel_loop3A_240 : vector<16xf32>
        %parallel_loop3A_242 = arith.constant 1 : i32
        %parallel_loop3A_243 = arith.addi %parallel_loop3A_129, %parallel_loop3A_242 : i32
        %parallel_loop3A_244 = arith.index_cast %parallel_loop3A_243 : i32 to index
        %parallel_loop3A_245 = arith.constant 16 : index
        %parallel_loop3A_246 = tpu.vector_load %arg11[%parallel_loop3A_244, %parallel_loop3A_245] {strides = array<i32>} : memref<80x128xf32, #tpu.memory_space<vmem>>, vector<1x16xf32>,
        %parallel_loop3A_247 = vector.shape_cast %parallel_loop3A_246 : vector<1x16xf32> to vector<16xf32>
        %parallel_loop3A_248 = math.exp %parallel_loop3A_247 : vector<16xf32>
        %parallel_loop3A_249 = arith.constant 2 : i32
        %parallel_loop3A_250 = arith.addi %parallel_loop3A_129, %parallel_loop3A_249 : i32
        %parallel_loop3A_251 = arith.index_cast %parallel_loop3A_250 : i32 to index
        %parallel_loop3A_252 = arith.constant 16 : index
        %parallel_loop3A_253 = tpu.vector_load %arg11[%parallel_loop3A_251, %parallel_loop3A_252] {strides = array<i32>} : memref<80x128xf32, #tpu.memory_space<vmem>>, vector<1x16xf32>,
        %parallel_loop3A_254 = vector.shape_cast %parallel_loop3A_253 : vector<1x16xf32> to vector<16xf32>
        %parallel_loop3A_255 = math.exp %parallel_loop3A_254 : vector<16xf32>
        %parallel_loop3A_256 = arith.constant 3 : i32
        %parallel_loop3A_257 = arith.addi %parallel_loop3A_129, %parallel_loop3A_256 : i32
        %parallel_loop3A_258 = arith.index_cast %parallel_loop3A_257 : i32 to index
        %parallel_loop3A_259 = arith.constant 16 : index
        %parallel_loop3A_260 = tpu.vector_load %arg11[%parallel_loop3A_258, %parallel_loop3A_259] {strides = array<i32>} : memref<80x128xf32, #tpu.memory_space<vmem>>, vector<1x16xf32>,
        %parallel_loop3A_261 = vector.shape_cast %parallel_loop3A_260 : vector<1x16xf32> to vector<16xf32>
        %parallel_loop3A_262 = math.exp %parallel_loop3A_261 : vector<16xf32>
        %parallel_loop3A_263 = arith.constant 4 : i32
        %parallel_loop3A_264 = arith.addi %parallel_loop3A_129, %parallel_loop3A_263 : i32
        %parallel_loop3A_265 = arith.index_cast %parallel_loop3A_264 : i32 to index
        %parallel_loop3A_266 = arith.constant 16 : index
        %parallel_loop3A_267 = tpu.vector_load %arg11[%parallel_loop3A_265, %parallel_loop3A_266] {strides = array<i32>} : memref<80x128xf32, #tpu.memory_space<vmem>>, vector<1x16xf32>,
        %parallel_loop3A_268 = vector.shape_cast %parallel_loop3A_267 : vector<1x16xf32> to vector<16xf32>
        %parallel_loop3A_269 = math.exp %parallel_loop3A_268 : vector<16xf32>
        %parallel_loop3A_270 = arith.addf %parallel_loop3A_212, %parallel_loop3A_218 : vector<16xf32>
        %parallel_loop3A_271 = arith.addf %parallel_loop3A_224, %parallel_loop3A_230 : vector<16xf32>
        %parallel_loop3A_272 = arith.addf %parallel_loop3A_270, %parallel_loop3A_271 : vector<16xf32>
        %parallel_loop3A_273 = arith.addf %parallel_loop3A_272, %parallel_loop3A_236 : vector<16xf32>
        %parallel_loop3A_274 = arith.index_cast %parallel_loop3A_127 : i32 to index
        %parallel_loop3A_275 = arith.constant 16 : index
        %parallel_loop3A_276 = tpu.vector_load %arg13[%parallel_loop3A_274, %parallel_loop3A_275] {strides = array<i32>} : memref<16x128xf32, #tpu.memory_space<vmem>>, vector<1x16xf32>,
        %parallel_loop3A_277 = vector.shape_cast %parallel_loop3A_276 : vector<1x16xf32> to vector<16xf32>
        %parallel_loop3A_278 = vector.shape_cast %parallel_loop3A_273 : vector<16xf32> to vector<1x16xf32>
        tpu.vector_store %arg13[%parallel_loop3A_274, %parallel_loop3A_275], %parallel_loop3A_278 {strides = array<i32>} : memref<16x128xf32, #tpu.memory_space<vmem>>, vector<1x16xf32>,
        %parallel_loop3A_279 = arith.addf %parallel_loop3A_241, %parallel_loop3A_248 : vector<16xf32>
        %parallel_loop3A_280 = arith.addf %parallel_loop3A_255, %parallel_loop3A_262 : vector<16xf32>
        %parallel_loop3A_281 = arith.addf %parallel_loop3A_279, %parallel_loop3A_280 : vector<16xf32>
        %parallel_loop3A_282 = arith.addf %parallel_loop3A_281, %parallel_loop3A_269 : vector<16xf32>
        %parallel_loop3A_283 = arith.index_cast %parallel_loop3A_127 : i32 to index
        %parallel_loop3A_284 = arith.constant 16 : index
        %parallel_loop3A_285 = tpu.vector_load %arg15[%parallel_loop3A_283, %parallel_loop3A_284] {strides = array<i32>} : memref<16x128xf32, #tpu.memory_space<vmem>>, vector<1x16xf32>,
        %parallel_loop3A_286 = vector.shape_cast %parallel_loop3A_285 : vector<1x16xf32> to vector<16xf32>
        %parallel_loop3A_287 = vector.shape_cast %parallel_loop3A_282 : vector<16xf32> to vector<1x16xf32>
        tpu.vector_store %arg15[%parallel_loop3A_283, %parallel_loop3A_284], %parallel_loop3A_287 {strides = array<i32>} : memref<16x128xf32, #tpu.memory_space<vmem>>, vector<1x16xf32>,
        %parallel_loop3A_288 = arith.index_cast %parallel_loop3A_129 : i32 to index
        %parallel_loop3A_289 = arith.constant 32 : index
        %parallel_loop3A_290 = tpu.vector_load %arg9[%parallel_loop3A_288, %parallel_loop3A_289] {strides = array<i32>} : memref<80x128xf32, #tpu.memory_space<vmem>>, vector<1x16xf32>,
        %parallel_loop3A_291 = vector.shape_cast %parallel_loop3A_290 : vector<1x16xf32> to vector<16xf32>
        %parallel_loop3A_292 = arith.constant 1 : i32
        %parallel_loop3A_293 = arith.addi %parallel_loop3A_129, %parallel_loop3A_292 : i32
        %parallel_loop3A_294 = arith.index_cast %parallel_loop3A_293 : i32 to index
        %parallel_loop3A_295 = arith.constant 32 : index
        %parallel_loop3A_296 = tpu.vector_load %arg9[%parallel_loop3A_294, %parallel_loop3A_295] {strides = array<i32>} : memref<80x128xf32, #tpu.memory_space<vmem>>, vector<1x16xf32>,
        %parallel_loop3A_297 = vector.shape_cast %parallel_loop3A_296 : vector<1x16xf32> to vector<16xf32>
        %parallel_loop3A_298 = arith.constant 2 : i32
        %parallel_loop3A_299 = arith.addi %parallel_loop3A_129, %parallel_loop3A_298 : i32
        %parallel_loop3A_300 = arith.index_cast %parallel_loop3A_299 : i32 to index
        %parallel_loop3A_301 = arith.constant 32 : index
        %parallel_loop3A_302 = tpu.vector_load %arg9[%parallel_loop3A_300, %parallel_loop3A_301] {strides = array<i32>} : memref<80x128xf32, #tpu.memory_space<vmem>>, vector<1x16xf32>,
        %parallel_loop3A_303 = vector.shape_cast %parallel_loop3A_302 : vector<1x16xf32> to vector<16xf32>
        %parallel_loop3A_304 = arith.constant 3 : i32
        %parallel_loop3A_305 = arith.addi %parallel_loop3A_129, %parallel_loop3A_304 : i32
        %parallel_loop3A_306 = arith.index_cast %parallel_loop3A_305 : i32 to index
        %parallel_loop3A_307 = arith.constant 32 : index
        %parallel_loop3A_308 = tpu.vector_load %arg9[%parallel_loop3A_306, %parallel_loop3A_307] {strides = array<i32>} : memref<80x128xf32, #tpu.memory_space<vmem>>, vector<1x16xf32>,
        %parallel_loop3A_309 = vector.shape_cast %parallel_loop3A_308 : vector<1x16xf32> to vector<16xf32>
        %parallel_loop3A_310 = arith.constant 4 : i32
        %parallel_loop3A_311 = arith.addi %parallel_loop3A_129, %parallel_loop3A_310 : i32
        %parallel_loop3A_312 = arith.index_cast %parallel_loop3A_311 : i32 to index
        %parallel_loop3A_313 = arith.constant 32 : index
        %parallel_loop3A_314 = tpu.vector_load %arg9[%parallel_loop3A_312, %parallel_loop3A_313] {strides = array<i32>} : memref<80x128xf32, #tpu.memory_space<vmem>>, vector<1x16xf32>,
        %parallel_loop3A_315 = vector.shape_cast %parallel_loop3A_314 : vector<1x16xf32> to vector<16xf32>
        %parallel_loop3A_316 = arith.index_cast %parallel_loop3A_129 : i32 to index
        %parallel_loop3A_317 = arith.constant 32 : index
        %parallel_loop3A_318 = tpu.vector_load %arg11[%parallel_loop3A_316, %parallel_loop3A_317] {strides = array<i32>} : memref<80x128xf32, #tpu.memory_space<vmem>>, vector<1x16xf32>,
        %parallel_loop3A_319 = vector.shape_cast %parallel_loop3A_318 : vector<1x16xf32> to vector<16xf32>
        %parallel_loop3A_320 = math.exp %parallel_loop3A_319 : vector<16xf32>
        %parallel_loop3A_321 = arith.constant 1 : i32
        %parallel_loop3A_322 = arith.addi %parallel_loop3A_129, %parallel_loop3A_321 : i32
        %parallel_loop3A_323 = arith.index_cast %parallel_loop3A_322 : i32 to index
        %parallel_loop3A_324 = arith.constant 32 : index
        %parallel_loop3A_325 = tpu.vector_load %arg11[%parallel_loop3A_323, %parallel_loop3A_324] {strides = array<i32>} : memref<80x128xf32, #tpu.memory_space<vmem>>, vector<1x16xf32>,
        %parallel_loop3A_326 = vector.shape_cast %parallel_loop3A_325 : vector<1x16xf32> to vector<16xf32>
        %parallel_loop3A_327 = math.exp %parallel_loop3A_326 : vector<16xf32>
        %parallel_loop3A_328 = arith.constant 2 : i32
        %parallel_loop3A_329 = arith.addi %parallel_loop3A_129, %parallel_loop3A_328 : i32
        %parallel_loop3A_330 = arith.index_cast %parallel_loop3A_329 : i32 to index
        %parallel_loop3A_331 = arith.constant 32 : index
        %parallel_loop3A_332 = tpu.vector_load %arg11[%parallel_loop3A_330, %parallel_loop3A_331] {strides = array<i32>} : memref<80x128xf32, #tpu.memory_space<vmem>>, vector<1x16xf32>,
        %parallel_loop3A_333 = vector.shape_cast %parallel_loop3A_332 : vector<1x16xf32> to vector<16xf32>
        %parallel_loop3A_334 = math.exp %parallel_loop3A_333 : vector<16xf32>
        %parallel_loop3A_335 = arith.constant 3 : i32
        %parallel_loop3A_336 = arith.addi %parallel_loop3A_129, %parallel_loop3A_335 : i32
        %parallel_loop3A_337 = arith.index_cast %parallel_loop3A_336 : i32 to index
        %parallel_loop3A_338 = arith.constant 32 : index
        %parallel_loop3A_339 = tpu.vector_load %arg11[%parallel_loop3A_337, %parallel_loop3A_338] {strides = array<i32>} : memref<80x128xf32, #tpu.memory_space<vmem>>, vector<1x16xf32>,
        %parallel_loop3A_340 = vector.shape_cast %parallel_loop3A_339 : vector<1x16xf32> to vector<16xf32>
        %parallel_loop3A_341 = math.exp %parallel_loop3A_340 : vector<16xf32>
        %parallel_loop3A_342 = arith.constant 4 : i32
        %parallel_loop3A_343 = arith.addi %parallel_loop3A_129, %parallel_loop3A_342 : i32
        %parallel_loop3A_344 = arith.index_cast %parallel_loop3A_343 : i32 to index
        %parallel_loop3A_345 = arith.constant 32 : index
        %parallel_loop3A_346 = tpu.vector_load %arg11[%parallel_loop3A_344, %parallel_loop3A_345] {strides = array<i32>} : memref<80x128xf32, #tpu.memory_space<vmem>>, vector<1x16xf32>,
        %parallel_loop3A_347 = vector.shape_cast %parallel_loop3A_346 : vector<1x16xf32> to vector<16xf32>
        %parallel_loop3A_348 = math.exp %parallel_loop3A_347 : vector<16xf32>
        %parallel_loop3A_349 = arith.addf %parallel_loop3A_291, %parallel_loop3A_297 : vector<16xf32>
        %parallel_loop3A_350 = arith.addf %parallel_loop3A_303, %parallel_loop3A_309 : vector<16xf32>
        %parallel_loop3A_351 = arith.addf %parallel_loop3A_349, %parallel_loop3A_350 : vector<16xf32>
        %parallel_loop3A_352 = arith.addf %parallel_loop3A_351, %parallel_loop3A_315 : vector<16xf32>
        %parallel_loop3A_353 = arith.index_cast %parallel_loop3A_127 : i32 to index
        %parallel_loop3A_354 = arith.constant 32 : index
        %parallel_loop3A_355 = tpu.vector_load %arg13[%parallel_loop3A_353, %parallel_loop3A_354] {strides = array<i32>} : memref<16x128xf32, #tpu.memory_space<vmem>>, vector<1x16xf32>,
        %parallel_loop3A_356 = vector.shape_cast %parallel_loop3A_355 : vector<1x16xf32> to vector<16xf32>
        %parallel_loop3A_357 = vector.shape_cast %parallel_loop3A_352 : vector<16xf32> to vector<1x16xf32>
        tpu.vector_store %arg13[%parallel_loop3A_353, %parallel_loop3A_354], %parallel_loop3A_357 {strides = array<i32>} : memref<16x128xf32, #tpu.memory_space<vmem>>, vector<1x16xf32>,
        %parallel_loop3A_358 = arith.addf %parallel_loop3A_320, %parallel_loop3A_327 : vector<16xf32>
        %parallel_loop3A_359 = arith.addf %parallel_loop3A_334, %parallel_loop3A_341 : vector<16xf32>
        %parallel_loop3A_360 = arith.addf %parallel_loop3A_358, %parallel_loop3A_359 : vector<16xf32>
        %parallel_loop3A_361 = arith.addf %parallel_loop3A_360, %parallel_loop3A_348 : vector<16xf32>
        %parallel_loop3A_362 = arith.index_cast %parallel_loop3A_127 : i32 to index
        %parallel_loop3A_363 = arith.constant 32 : index
        %parallel_loop3A_364 = tpu.vector_load %arg15[%parallel_loop3A_362, %parallel_loop3A_363] {strides = array<i32>} : memref<16x128xf32, #tpu.memory_space<vmem>>, vector<1x16xf32>,
        %parallel_loop3A_365 = vector.shape_cast %parallel_loop3A_364 : vector<1x16xf32> to vector<16xf32>
        %parallel_loop3A_366 = vector.shape_cast %parallel_loop3A_361 : vector<16xf32> to vector<1x16xf32>
        tpu.vector_store %arg15[%parallel_loop3A_362, %parallel_loop3A_363], %parallel_loop3A_366 {strides = array<i32>} : memref<16x128xf32, #tpu.memory_space<vmem>>, vector<1x16xf32>,
        %parallel_loop3A_367 = arith.index_cast %parallel_loop3A_129 : i32 to index
        %parallel_loop3A_368 = arith.constant 48 : index
        %parallel_loop3A_369 = tpu.vector_load %arg9[%parallel_loop3A_367, %parallel_loop3A_368] {strides = array<i32>} : memref<80x128xf32, #tpu.memory_space<vmem>>, vector<1x16xf32>,
        %parallel_loop3A_370 = vector.shape_cast %parallel_loop3A_369 : vector<1x16xf32> to vector<16xf32>
        %parallel_loop3A_371 = arith.constant 1 : i32
        %parallel_loop3A_372 = arith.addi %parallel_loop3A_129, %parallel_loop3A_371 : i32
        %parallel_loop3A_373 = arith.index_cast %parallel_loop3A_372 : i32 to index
        %parallel_loop3A_374 = arith.constant 48 : index
        %parallel_loop3A_375 = tpu.vector_load %arg9[%parallel_loop3A_373, %parallel_loop3A_374] {strides = array<i32>} : memref<80x128xf32, #tpu.memory_space<vmem>>, vector<1x16xf32>,
        %parallel_loop3A_376 = vector.shape_cast %parallel_loop3A_375 : vector<1x16xf32> to vector<16xf32>
        %parallel_loop3A_377 = arith.constant 2 : i32
        %parallel_loop3A_378 = arith.addi %parallel_loop3A_129, %parallel_loop3A_377 : i32
        %parallel_loop3A_379 = arith.index_cast %parallel_loop3A_378 : i32 to index
        %parallel_loop3A_380 = arith.constant 48 : index
        %parallel_loop3A_381 = tpu.vector_load %arg9[%parallel_loop3A_379, %parallel_loop3A_380] {strides = array<i32>} : memref<80x128xf32, #tpu.memory_space<vmem>>, vector<1x16xf32>,
        %parallel_loop3A_382 = vector.shape_cast %parallel_loop3A_381 : vector<1x16xf32> to vector<16xf32>
        %parallel_loop3A_383 = arith.constant 3 : i32
        %parallel_loop3A_384 = arith.addi %parallel_loop3A_129, %parallel_loop3A_383 : i32
        %parallel_loop3A_385 = arith.index_cast %parallel_loop3A_384 : i32 to index
        %parallel_loop3A_386 = arith.constant 48 : index
        %parallel_loop3A_387 = tpu.vector_load %arg9[%parallel_loop3A_385, %parallel_loop3A_386] {strides = array<i32>} : memref<80x128xf32, #tpu.memory_space<vmem>>, vector<1x16xf32>,
        %parallel_loop3A_388 = vector.shape_cast %parallel_loop3A_387 : vector<1x16xf32> to vector<16xf32>
        %parallel_loop3A_389 = arith.constant 4 : i32
        %parallel_loop3A_390 = arith.addi %parallel_loop3A_129, %parallel_loop3A_389 : i32
        %parallel_loop3A_391 = arith.index_cast %parallel_loop3A_390 : i32 to index
        %parallel_loop3A_392 = arith.constant 48 : index
        %parallel_loop3A_393 = tpu.vector_load %arg9[%parallel_loop3A_391, %parallel_loop3A_392] {strides = array<i32>} : memref<80x128xf32, #tpu.memory_space<vmem>>, vector<1x16xf32>,
        %parallel_loop3A_394 = vector.shape_cast %parallel_loop3A_393 : vector<1x16xf32> to vector<16xf32>
        %parallel_loop3A_395 = arith.index_cast %parallel_loop3A_129 : i32 to index
        %parallel_loop3A_396 = arith.constant 48 : index
        %parallel_loop3A_397 = tpu.vector_load %arg11[%parallel_loop3A_395, %parallel_loop3A_396] {strides = array<i32>} : memref<80x128xf32, #tpu.memory_space<vmem>>, vector<1x16xf32>,
        %parallel_loop3A_398 = vector.shape_cast %parallel_loop3A_397 : vector<1x16xf32> to vector<16xf32>
        %parallel_loop3A_399 = math.exp %parallel_loop3A_398 : vector<16xf32>
        %parallel_loop3A_400 = arith.constant 1 : i32
        %parallel_loop3A_401 = arith.addi %parallel_loop3A_129, %parallel_loop3A_400 : i32
        %parallel_loop3A_402 = arith.index_cast %parallel_loop3A_401 : i32 to index
        %parallel_loop3A_403 = arith.constant 48 : index
        %parallel_loop3A_404 = tpu.vector_load %arg11[%parallel_loop3A_402, %parallel_loop3A_403] {strides = array<i32>} : memref<80x128xf32, #tpu.memory_space<vmem>>, vector<1x16xf32>,
        %parallel_loop3A_405 = vector.shape_cast %parallel_loop3A_404 : vector<1x16xf32> to vector<16xf32>
        %parallel_loop3A_406 = math.exp %parallel_loop3A_405 : vector<16xf32>
        %parallel_loop3A_407 = arith.constant 2 : i32
        %parallel_loop3A_408 = arith.addi %parallel_loop3A_129, %parallel_loop3A_407 : i32
        %parallel_loop3A_409 = arith.index_cast %parallel_loop3A_408 : i32 to index
        %parallel_loop3A_410 = arith.constant 48 : index
        %parallel_loop3A_411 = tpu.vector_load %arg11[%parallel_loop3A_409, %parallel_loop3A_410] {strides = array<i32>} : memref<80x128xf32, #tpu.memory_space<vmem>>, vector<1x16xf32>,
        %parallel_loop3A_412 = vector.shape_cast %parallel_loop3A_411 : vector<1x16xf32> to vector<16xf32>
        %parallel_loop3A_413 = math.exp %parallel_loop3A_412 : vector<16xf32>
        %parallel_loop3A_414 = arith.constant 3 : i32
        %parallel_loop3A_415 = arith.addi %parallel_loop3A_129, %parallel_loop3A_414 : i32
        %parallel_loop3A_416 = arith.index_cast %parallel_loop3A_415 : i32 to index
        %parallel_loop3A_417 = arith.constant 48 : index
        %parallel_loop3A_418 = tpu.vector_load %arg11[%parallel_loop3A_416, %parallel_loop3A_417] {strides = array<i32>} : memref<80x128xf32, #tpu.memory_space<vmem>>, vector<1x16xf32>,
        %parallel_loop3A_419 = vector.shape_cast %parallel_loop3A_418 : vector<1x16xf32> to vector<16xf32>
        %parallel_loop3A_420 = math.exp %parallel_loop3A_419 : vector<16xf32>
        %parallel_loop3A_421 = arith.constant 4 : i32
        %parallel_loop3A_422 = arith.addi %parallel_loop3A_129, %parallel_loop3A_421 : i32
        %parallel_loop3A_423 = arith.index_cast %parallel_loop3A_422 : i32 to index
        %parallel_loop3A_424 = arith.constant 48 : index
        %parallel_loop3A_425 = tpu.vector_load %arg11[%parallel_loop3A_423, %parallel_loop3A_424] {strides = array<i32>} : memref<80x128xf32, #tpu.memory_space<vmem>>, vector<1x16xf32>,
        %parallel_loop3A_426 = vector.shape_cast %parallel_loop3A_425 : vector<1x16xf32> to vector<16xf32>
        %parallel_loop3A_427 = math.exp %parallel_loop3A_426 : vector<16xf32>
        %parallel_loop3A_428 = arith.addf %parallel_loop3A_370, %parallel_loop3A_376 : vector<16xf32>
        %parallel_loop3A_429 = arith.addf %parallel_loop3A_382, %parallel_loop3A_388 : vector<16xf32>
        %parallel_loop3A_430 = arith.addf %parallel_loop3A_428, %parallel_loop3A_429 : vector<16xf32>
        %parallel_loop3A_431 = arith.addf %parallel_loop3A_430, %parallel_loop3A_394 : vector<16xf32>
        %parallel_loop3A_432 = arith.index_cast %parallel_loop3A_127 : i32 to index
        %parallel_loop3A_433 = arith.constant 48 : index
        %parallel_loop3A_434 = tpu.vector_load %arg13[%parallel_loop3A_432, %parallel_loop3A_433] {strides = array<i32>} : memref<16x128xf32, #tpu.memory_space<vmem>>, vector<1x16xf32>,
        %parallel_loop3A_435 = vector.shape_cast %parallel_loop3A_434 : vector<1x16xf32> to vector<16xf32>
        %parallel_loop3A_436 = vector.shape_cast %parallel_loop3A_431 : vector<16xf32> to vector<1x16xf32>
        tpu.vector_store %arg13[%parallel_loop3A_432, %parallel_loop3A_433], %parallel_loop3A_436 {strides = array<i32>} : memref<16x128xf32, #tpu.memory_space<vmem>>, vector<1x16xf32>,
        %parallel_loop3A_437 = arith.addf %parallel_loop3A_399, %parallel_loop3A_406 : vector<16xf32>
        %parallel_loop3A_438 = arith.addf %parallel_loop3A_413, %parallel_loop3A_420 : vector<16xf32>
        %parallel_loop3A_439 = arith.addf %parallel_loop3A_437, %parallel_loop3A_438 : vector<16xf32>
        %parallel_loop3A_440 = arith.addf %parallel_loop3A_439, %parallel_loop3A_427 : vector<16xf32>
        %parallel_loop3A_441 = arith.index_cast %parallel_loop3A_127 : i32 to index
        %parallel_loop3A_442 = arith.constant 48 : index
        %parallel_loop3A_443 = tpu.vector_load %arg15[%parallel_loop3A_441, %parallel_loop3A_442] {strides = array<i32>} : memref<16x128xf32, #tpu.memory_space<vmem>>, vector<1x16xf32>,
        %parallel_loop3A_444 = vector.shape_cast %parallel_loop3A_443 : vector<1x16xf32> to vector<16xf32>
        %parallel_loop3A_445 = vector.shape_cast %parallel_loop3A_440 : vector<16xf32> to vector<1x16xf32>
        tpu.vector_store %arg15[%parallel_loop3A_441, %parallel_loop3A_442], %parallel_loop3A_445 {strides = array<i32>} : memref<16x128xf32, #tpu.memory_space<vmem>>, vector<1x16xf32>,
        %parallel_loop3A_446 = arith.index_cast %parallel_loop3A_129 : i32 to index
        %parallel_loop3A_447 = arith.constant 64 : index
        %parallel_loop3A_448 = tpu.vector_load %arg9[%parallel_loop3A_446, %parallel_loop3A_447] {strides = array<i32>} : memref<80x128xf32, #tpu.memory_space<vmem>>, vector<1x16xf32>,
        %parallel_loop3A_449 = vector.shape_cast %parallel_loop3A_448 : vector<1x16xf32> to vector<16xf32>
        %parallel_loop3A_450 = arith.constant 1 : i32
        %parallel_loop3A_451 = arith.addi %parallel_loop3A_129, %parallel_loop3A_450 : i32
        %parallel_loop3A_452 = arith.index_cast %parallel_loop3A_451 : i32 to index
        %parallel_loop3A_453 = arith.constant 64 : index
        %parallel_loop3A_454 = tpu.vector_load %arg9[%parallel_loop3A_452, %parallel_loop3A_453] {strides = array<i32>} : memref<80x128xf32, #tpu.memory_space<vmem>>, vector<1x16xf32>,
        %parallel_loop3A_455 = vector.shape_cast %parallel_loop3A_454 : vector<1x16xf32> to vector<16xf32>
        %parallel_loop3A_456 = arith.constant 2 : i32
        %parallel_loop3A_457 = arith.addi %parallel_loop3A_129, %parallel_loop3A_456 : i32
        %parallel_loop3A_458 = arith.index_cast %parallel_loop3A_457 : i32 to index
        %parallel_loop3A_459 = arith.constant 64 : index
        %parallel_loop3A_460 = tpu.vector_load %arg9[%parallel_loop3A_458, %parallel_loop3A_459] {strides = array<i32>} : memref<80x128xf32, #tpu.memory_space<vmem>>, vector<1x16xf32>,
        %parallel_loop3A_461 = vector.shape_cast %parallel_loop3A_460 : vector<1x16xf32> to vector<16xf32>
        %parallel_loop3A_462 = arith.constant 3 : i32
        %parallel_loop3A_463 = arith.addi %parallel_loop3A_129, %parallel_loop3A_462 : i32
        %parallel_loop3A_464 = arith.index_cast %parallel_loop3A_463 : i32 to index
        %parallel_loop3A_465 = arith.constant 64 : index
        %parallel_loop3A_466 = tpu.vector_load %arg9[%parallel_loop3A_464, %parallel_loop3A_465] {strides = array<i32>} : memref<80x128xf32, #tpu.memory_space<vmem>>, vector<1x16xf32>,
        %parallel_loop3A_467 = vector.shape_cast %parallel_loop3A_466 : vector<1x16xf32> to vector<16xf32>
        %parallel_loop3A_468 = arith.constant 4 : i32
        %parallel_loop3A_469 = arith.addi %parallel_loop3A_129, %parallel_loop3A_468 : i32
        %parallel_loop3A_470 = arith.index_cast %parallel_loop3A_469 : i32 to index
        %parallel_loop3A_471 = arith.constant 64 : index
        %parallel_loop3A_472 = tpu.vector_load %arg9[%parallel_loop3A_470, %parallel_loop3A_471] {strides = array<i32>} : memref<80x128xf32, #tpu.memory_space<vmem>>, vector<1x16xf32>,
        %parallel_loop3A_473 = vector.shape_cast %parallel_loop3A_472 : vector<1x16xf32> to vector<16xf32>
        %parallel_loop3A_474 = arith.index_cast %parallel_loop3A_129 : i32 to index
        %parallel_loop3A_475 = arith.constant 64 : index
        %parallel_loop3A_476 = tpu.vector_load %arg11[%parallel_loop3A_474, %parallel_loop3A_475] {strides = array<i32>} : memref<80x128xf32, #tpu.memory_space<vmem>>, vector<1x16xf32>,
        %parallel_loop3A_477 = vector.shape_cast %parallel_loop3A_476 : vector<1x16xf32> to vector<16xf32>
        %parallel_loop3A_478 = math.exp %parallel_loop3A_477 : vector<16xf32>
        %parallel_loop3A_479 = arith.constant 1 : i32
        %parallel_loop3A_480 = arith.addi %parallel_loop3A_129, %parallel_loop3A_479 : i32
        %parallel_loop3A_481 = arith.index_cast %parallel_loop3A_480 : i32 to index
        %parallel_loop3A_482 = arith.constant 64 : index
        %parallel_loop3A_483 = tpu.vector_load %arg11[%parallel_loop3A_481, %parallel_loop3A_482] {strides = array<i32>} : memref<80x128xf32, #tpu.memory_space<vmem>>, vector<1x16xf32>,
        %parallel_loop3A_484 = vector.shape_cast %parallel_loop3A_483 : vector<1x16xf32> to vector<16xf32>
        %parallel_loop3A_485 = math.exp %parallel_loop3A_484 : vector<16xf32>
        %parallel_loop3A_486 = arith.constant 2 : i32
        %parallel_loop3A_487 = arith.addi %parallel_loop3A_129, %parallel_loop3A_486 : i32
        %parallel_loop3A_488 = arith.index_cast %parallel_loop3A_487 : i32 to index
        %parallel_loop3A_489 = arith.constant 64 : index
        %parallel_loop3A_490 = tpu.vector_load %arg11[%parallel_loop3A_488, %parallel_loop3A_489] {strides = array<i32>} : memref<80x128xf32, #tpu.memory_space<vmem>>, vector<1x16xf32>,
        %parallel_loop3A_491 = vector.shape_cast %parallel_loop3A_490 : vector<1x16xf32> to vector<16xf32>
        %parallel_loop3A_492 = math.exp %parallel_loop3A_491 : vector<16xf32>
        %parallel_loop3A_493 = arith.constant 3 : i32
        %parallel_loop3A_494 = arith.addi %parallel_loop3A_129, %parallel_loop3A_493 : i32
        %parallel_loop3A_495 = arith.index_cast %parallel_loop3A_494 : i32 to index
        %parallel_loop3A_496 = arith.constant 64 : index
        %parallel_loop3A_497 = tpu.vector_load %arg11[%parallel_loop3A_495, %parallel_loop3A_496] {strides = array<i32>} : memref<80x128xf32, #tpu.memory_space<vmem>>, vector<1x16xf32>,
        %parallel_loop3A_498 = vector.shape_cast %parallel_loop3A_497 : vector<1x16xf32> to vector<16xf32>
        %parallel_loop3A_499 = math.exp %parallel_loop3A_498 : vector<16xf32>
        %parallel_loop3A_500 = arith.constant 4 : i32
        %parallel_loop3A_501 = arith.addi %parallel_loop3A_129, %parallel_loop3A_500 : i32
        %parallel_loop3A_502 = arith.index_cast %parallel_loop3A_501 : i32 to index
        %parallel_loop3A_503 = arith.constant 64 : index
        %parallel_loop3A_504 = tpu.vector_load %arg11[%parallel_loop3A_502, %parallel_loop3A_503] {strides = array<i32>} : memref<80x128xf32, #tpu.memory_space<vmem>>, vector<1x16xf32>,
        %parallel_loop3A_505 = vector.shape_cast %parallel_loop3A_504 : vector<1x16xf32> to vector<16xf32>
        %parallel_loop3A_506 = math.exp %parallel_loop3A_505 : vector<16xf32>
        %parallel_loop3A_507 = arith.addf %parallel_loop3A_449, %parallel_loop3A_455 : vector<16xf32>
        %parallel_loop3A_508 = arith.addf %parallel_loop3A_461, %parallel_loop3A_467 : vector<16xf32>
        %parallel_loop3A_509 = arith.addf %parallel_loop3A_507, %parallel_loop3A_508 : vector<16xf32>
        %parallel_loop3A_510 = arith.addf %parallel_loop3A_509, %parallel_loop3A_473 : vector<16xf32>
        %parallel_loop3A_511 = arith.index_cast %parallel_loop3A_127 : i32 to index
        %parallel_loop3A_512 = arith.constant 64 : index
        %parallel_loop3A_513 = tpu.vector_load %arg13[%parallel_loop3A_511, %parallel_loop3A_512] {strides = array<i32>} : memref<16x128xf32, #tpu.memory_space<vmem>>, vector<1x16xf32>,
        %parallel_loop3A_514 = vector.shape_cast %parallel_loop3A_513 : vector<1x16xf32> to vector<16xf32>
        %parallel_loop3A_515 = vector.shape_cast %parallel_loop3A_510 : vector<16xf32> to vector<1x16xf32>
        tpu.vector_store %arg13[%parallel_loop3A_511, %parallel_loop3A_512], %parallel_loop3A_515 {strides = array<i32>} : memref<16x128xf32, #tpu.memory_space<vmem>>, vector<1x16xf32>,
        %parallel_loop3A_516 = arith.addf %parallel_loop3A_478, %parallel_loop3A_485 : vector<16xf32>
        %parallel_loop3A_517 = arith.addf %parallel_loop3A_492, %parallel_loop3A_499 : vector<16xf32>
        %parallel_loop3A_518 = arith.addf %parallel_loop3A_516, %parallel_loop3A_517 : vector<16xf32>
        %parallel_loop3A_519 = arith.addf %parallel_loop3A_518, %parallel_loop3A_506 : vector<16xf32>
        %parallel_loop3A_520 = arith.index_cast %parallel_loop3A_127 : i32 to index
        %parallel_loop3A_521 = arith.constant 64 : index
        %parallel_loop3A_522 = tpu.vector_load %arg15[%parallel_loop3A_520, %parallel_loop3A_521] {strides = array<i32>} : memref<16x128xf32, #tpu.memory_space<vmem>>, vector<1x16xf32>,
        %parallel_loop3A_523 = vector.shape_cast %parallel_loop3A_522 : vector<1x16xf32> to vector<16xf32>
        %parallel_loop3A_524 = vector.shape_cast %parallel_loop3A_519 : vector<16xf32> to vector<1x16xf32>
        tpu.vector_store %arg15[%parallel_loop3A_520, %parallel_loop3A_521], %parallel_loop3A_524 {strides = array<i32>} : memref<16x128xf32, #tpu.memory_space<vmem>>, vector<1x16xf32>,
        %parallel_loop3A_525 = arith.index_cast %parallel_loop3A_129 : i32 to index
        %parallel_loop3A_526 = arith.constant 80 : index
        %parallel_loop3A_527 = tpu.vector_load %arg9[%parallel_loop3A_525, %parallel_loop3A_526] {strides = array<i32>} : memref<80x128xf32, #tpu.memory_space<vmem>>, vector<1x16xf32>,
        %parallel_loop3A_528 = vector.shape_cast %parallel_loop3A_527 : vector<1x16xf32> to vector<16xf32>
        %parallel_loop3A_529 = arith.constant 1 : i32
        %parallel_loop3A_530 = arith.addi %parallel_loop3A_129, %parallel_loop3A_529 : i32
        %parallel_loop3A_531 = arith.index_cast %parallel_loop3A_530 : i32 to index
        %parallel_loop3A_532 = arith.constant 80 : index
        %parallel_loop3A_533 = tpu.vector_load %arg9[%parallel_loop3A_531, %parallel_loop3A_532] {strides = array<i32>} : memref<80x128xf32, #tpu.memory_space<vmem>>, vector<1x16xf32>,
        %parallel_loop3A_534 = vector.shape_cast %parallel_loop3A_533 : vector<1x16xf32> to vector<16xf32>
        %parallel_loop3A_535 = arith.constant 2 : i32
        %parallel_loop3A_536 = arith.addi %parallel_loop3A_129, %parallel_loop3A_535 : i32
        %parallel_loop3A_537 = arith.index_cast %parallel_loop3A_536 : i32 to index
        %parallel_loop3A_538 = arith.constant 80 : index
        %parallel_loop3A_539 = tpu.vector_load %arg9[%parallel_loop3A_537, %parallel_loop3A_538] {strides = array<i32>} : memref<80x128xf32, #tpu.memory_space<vmem>>, vector<1x16xf32>,
        %parallel_loop3A_540 = vector.shape_cast %parallel_loop3A_539 : vector<1x16xf32> to vector<16xf32>
        %parallel_loop3A_541 = arith.constant 3 : i32
        %parallel_loop3A_542 = arith.addi %parallel_loop3A_129, %parallel_loop3A_541 : i32
        %parallel_loop3A_543 = arith.index_cast %parallel_loop3A_542 : i32 to index
        %parallel_loop3A_544 = arith.constant 80 : index
        %parallel_loop3A_545 = tpu.vector_load %arg9[%parallel_loop3A_543, %parallel_loop3A_544] {strides = array<i32>} : memref<80x128xf32, #tpu.memory_space<vmem>>, vector<1x16xf32>,
        %parallel_loop3A_546 = vector.shape_cast %parallel_loop3A_545 : vector<1x16xf32> to vector<16xf32>
        %parallel_loop3A_547 = arith.constant 4 : i32
        %parallel_loop3A_548 = arith.addi %parallel_loop3A_129, %parallel_loop3A_547 : i32
        %parallel_loop3A_549 = arith.index_cast %parallel_loop3A_548 : i32 to index
        %parallel_loop3A_550 = arith.constant 80 : index
        %parallel_loop3A_551 = tpu.vector_load %arg9[%parallel_loop3A_549, %parallel_loop3A_550] {strides = array<i32>} : memref<80x128xf32, #tpu.memory_space<vmem>>, vector<1x16xf32>,
        %parallel_loop3A_552 = vector.shape_cast %parallel_loop3A_551 : vector<1x16xf32> to vector<16xf32>
        %parallel_loop3A_553 = arith.index_cast %parallel_loop3A_129 : i32 to index
        %parallel_loop3A_554 = arith.constant 80 : index
        %parallel_loop3A_555 = tpu.vector_load %arg11[%parallel_loop3A_553, %parallel_loop3A_554] {strides = array<i32>} : memref<80x128xf32, #tpu.memory_space<vmem>>, vector<1x16xf32>,
        %parallel_loop3A_556 = vector.shape_cast %parallel_loop3A_555 : vector<1x16xf32> to vector<16xf32>
        %parallel_loop3A_557 = math.exp %parallel_loop3A_556 : vector<16xf32>
        %parallel_loop3A_558 = arith.constant 1 : i32
        %parallel_loop3A_559 = arith.addi %parallel_loop3A_129, %parallel_loop3A_558 : i32
        %parallel_loop3A_560 = arith.index_cast %parallel_loop3A_559 : i32 to index
        %parallel_loop3A_561 = arith.constant 80 : index
        %parallel_loop3A_562 = tpu.vector_load %arg11[%parallel_loop3A_560, %parallel_loop3A_561] {strides = array<i32>} : memref<80x128xf32, #tpu.memory_space<vmem>>, vector<1x16xf32>,
        %parallel_loop3A_563 = vector.shape_cast %parallel_loop3A_562 : vector<1x16xf32> to vector<16xf32>
        %parallel_loop3A_564 = math.exp %parallel_loop3A_563 : vector<16xf32>
        %parallel_loop3A_565 = arith.constant 2 : i32
        %parallel_loop3A_566 = arith.addi %parallel_loop3A_129, %parallel_loop3A_565 : i32
        %parallel_loop3A_567 = arith.index_cast %parallel_loop3A_566 : i32 to index
        %parallel_loop3A_568 = arith.constant 80 : index
        %parallel_loop3A_569 = tpu.vector_load %arg11[%parallel_loop3A_567, %parallel_loop3A_568] {strides = array<i32>} : memref<80x128xf32, #tpu.memory_space<vmem>>, vector<1x16xf32>,
        %parallel_loop3A_570 = vector.shape_cast %parallel_loop3A_569 : vector<1x16xf32> to vector<16xf32>
        %parallel_loop3A_571 = math.exp %parallel_loop3A_570 : vector<16xf32>
        %parallel_loop3A_572 = arith.constant 3 : i32
        %parallel_loop3A_573 = arith.addi %parallel_loop3A_129, %parallel_loop3A_572 : i32
        %parallel_loop3A_574 = arith.index_cast %parallel_loop3A_573 : i32 to index
        %parallel_loop3A_575 = arith.constant 80 : index
        %parallel_loop3A_576 = tpu.vector_load %arg11[%parallel_loop3A_574, %parallel_loop3A_575] {strides = array<i32>} : memref<80x128xf32, #tpu.memory_space<vmem>>, vector<1x16xf32>,
        %parallel_loop3A_577 = vector.shape_cast %parallel_loop3A_576 : vector<1x16xf32> to vector<16xf32>
        %parallel_loop3A_578 = math.exp %parallel_loop3A_577 : vector<16xf32>
        %parallel_loop3A_579 = arith.constant 4 : i32
        %parallel_loop3A_580 = arith.addi %parallel_loop3A_129, %parallel_loop3A_579 : i32
        %parallel_loop3A_581 = arith.index_cast %parallel_loop3A_580 : i32 to index
        %parallel_loop3A_582 = arith.constant 80 : index
        %parallel_loop3A_583 = tpu.vector_load %arg11[%parallel_loop3A_581, %parallel_loop3A_582] {strides = array<i32>} : memref<80x128xf32, #tpu.memory_space<vmem>>, vector<1x16xf32>,
        %parallel_loop3A_584 = vector.shape_cast %parallel_loop3A_583 : vector<1x16xf32> to vector<16xf32>
        %parallel_loop3A_585 = math.exp %parallel_loop3A_584 : vector<16xf32>
        %parallel_loop3A_586 = arith.addf %parallel_loop3A_528, %parallel_loop3A_534 : vector<16xf32>
        %parallel_loop3A_587 = arith.addf %parallel_loop3A_540, %parallel_loop3A_546 : vector<16xf32>
        %parallel_loop3A_588 = arith.addf %parallel_loop3A_586, %parallel_loop3A_587 : vector<16xf32>
        %parallel_loop3A_589 = arith.addf %parallel_loop3A_588, %parallel_loop3A_552 : vector<16xf32>
        %parallel_loop3A_590 = arith.index_cast %parallel_loop3A_127 : i32 to index
        %parallel_loop3A_591 = arith.constant 80 : index
        %parallel_loop3A_592 = tpu.vector_load %arg13[%parallel_loop3A_590, %parallel_loop3A_591] {strides = array<i32>} : memref<16x128xf32, #tpu.memory_space<vmem>>, vector<1x16xf32>,
        %parallel_loop3A_593 = vector.shape_cast %parallel_loop3A_592 : vector<1x16xf32> to vector<16xf32>
        %parallel_loop3A_594 = vector.shape_cast %parallel_loop3A_589 : vector<16xf32> to vector<1x16xf32>
        tpu.vector_store %arg13[%parallel_loop3A_590, %parallel_loop3A_591], %parallel_loop3A_594 {strides = array<i32>} : memref<16x128xf32, #tpu.memory_space<vmem>>, vector<1x16xf32>,
        %parallel_loop3A_595 = arith.addf %parallel_loop3A_557, %parallel_loop3A_564 : vector<16xf32>
        %parallel_loop3A_596 = arith.addf %parallel_loop3A_571, %parallel_loop3A_578 : vector<16xf32>
        %parallel_loop3A_597 = arith.addf %parallel_loop3A_595, %parallel_loop3A_596 : vector<16xf32>
        %parallel_loop3A_598 = arith.addf %parallel_loop3A_597, %parallel_loop3A_585 : vector<16xf32>
        %parallel_loop3A_599 = arith.index_cast %parallel_loop3A_127 : i32 to index
        %parallel_loop3A_600 = arith.constant 80 : index
        %parallel_loop3A_601 = tpu.vector_load %arg15[%parallel_loop3A_599, %parallel_loop3A_600] {strides = array<i32>} : memref<16x128xf32, #tpu.memory_space<vmem>>, vector<1x16xf32>,
        %parallel_loop3A_602 = vector.shape_cast %parallel_loop3A_601 : vector<1x16xf32> to vector<16xf32>
        %parallel_loop3A_603 = vector.shape_cast %parallel_loop3A_598 : vector<16xf32> to vector<1x16xf32>
        tpu.vector_store %arg15[%parallel_loop3A_599, %parallel_loop3A_600], %parallel_loop3A_603 {strides = array<i32>} : memref<16x128xf32, #tpu.memory_space<vmem>>, vector<1x16xf32>,
        %parallel_loop3A_604 = arith.index_cast %parallel_loop3A_129 : i32 to index
        %parallel_loop3A_605 = arith.constant 96 : index
        %parallel_loop3A_606 = tpu.vector_load %arg9[%parallel_loop3A_604, %parallel_loop3A_605] {strides = array<i32>} : memref<80x128xf32, #tpu.memory_space<vmem>>, vector<1x16xf32>,
        %parallel_loop3A_607 = vector.shape_cast %parallel_loop3A_606 : vector<1x16xf32> to vector<16xf32>
        %parallel_loop3A_608 = arith.constant 1 : i32
        %parallel_loop3A_609 = arith.addi %parallel_loop3A_129, %parallel_loop3A_608 : i32
        %parallel_loop3A_610 = arith.index_cast %parallel_loop3A_609 : i32 to index
        %parallel_loop3A_611 = arith.constant 96 : index
        %parallel_loop3A_612 = tpu.vector_load %arg9[%parallel_loop3A_610, %parallel_loop3A_611] {strides = array<i32>} : memref<80x128xf32, #tpu.memory_space<vmem>>, vector<1x16xf32>,
        %parallel_loop3A_613 = vector.shape_cast %parallel_loop3A_612 : vector<1x16xf32> to vector<16xf32>
        %parallel_loop3A_614 = arith.constant 2 : i32
        %parallel_loop3A_615 = arith.addi %parallel_loop3A_129, %parallel_loop3A_614 : i32
        %parallel_loop3A_616 = arith.index_cast %parallel_loop3A_615 : i32 to index
        %parallel_loop3A_617 = arith.constant 96 : index
        %parallel_loop3A_618 = tpu.vector_load %arg9[%parallel_loop3A_616, %parallel_loop3A_617] {strides = array<i32>} : memref<80x128xf32, #tpu.memory_space<vmem>>, vector<1x16xf32>,
        %parallel_loop3A_619 = vector.shape_cast %parallel_loop3A_618 : vector<1x16xf32> to vector<16xf32>
        %parallel_loop3A_620 = arith.constant 3 : i32
        %parallel_loop3A_621 = arith.addi %parallel_loop3A_129, %parallel_loop3A_620 : i32
        %parallel_loop3A_622 = arith.index_cast %parallel_loop3A_621 : i32 to index
        %parallel_loop3A_623 = arith.constant 96 : index
        %parallel_loop3A_624 = tpu.vector_load %arg9[%parallel_loop3A_622, %parallel_loop3A_623] {strides = array<i32>} : memref<80x128xf32, #tpu.memory_space<vmem>>, vector<1x16xf32>,
        %parallel_loop3A_625 = vector.shape_cast %parallel_loop3A_624 : vector<1x16xf32> to vector<16xf32>
        %parallel_loop3A_626 = arith.constant 4 : i32
        %parallel_loop3A_627 = arith.addi %parallel_loop3A_129, %parallel_loop3A_626 : i32
        %parallel_loop3A_628 = arith.index_cast %parallel_loop3A_627 : i32 to index
        %parallel_loop3A_629 = arith.constant 96 : index
        %parallel_loop3A_630 = tpu.vector_load %arg9[%parallel_loop3A_628, %parallel_loop3A_629] {strides = array<i32>} : memref<80x128xf32, #tpu.memory_space<vmem>>, vector<1x16xf32>,
        %parallel_loop3A_631 = vector.shape_cast %parallel_loop3A_630 : vector<1x16xf32> to vector<16xf32>
        %parallel_loop3A_632 = arith.index_cast %parallel_loop3A_129 : i32 to index
        %parallel_loop3A_633 = arith.constant 96 : index
        %parallel_loop3A_634 = tpu.vector_load %arg11[%parallel_loop3A_632, %parallel_loop3A_633] {strides = array<i32>} : memref<80x128xf32, #tpu.memory_space<vmem>>, vector<1x16xf32>,
        %parallel_loop3A_635 = vector.shape_cast %parallel_loop3A_634 : vector<1x16xf32> to vector<16xf32>
        %parallel_loop3A_636 = math.exp %parallel_loop3A_635 : vector<16xf32>
        %parallel_loop3A_637 = arith.constant 1 : i32
        %parallel_loop3A_638 = arith.addi %parallel_loop3A_129, %parallel_loop3A_637 : i32
        %parallel_loop3A_639 = arith.index_cast %parallel_loop3A_638 : i32 to index
        %parallel_loop3A_640 = arith.constant 96 : index
        %parallel_loop3A_641 = tpu.vector_load %arg11[%parallel_loop3A_639, %parallel_loop3A_640] {strides = array<i32>} : memref<80x128xf32, #tpu.memory_space<vmem>>, vector<1x16xf32>,
        %parallel_loop3A_642 = vector.shape_cast %parallel_loop3A_641 : vector<1x16xf32> to vector<16xf32>
        %parallel_loop3A_643 = math.exp %parallel_loop3A_642 : vector<16xf32>
        %parallel_loop3A_644 = arith.constant 2 : i32
        %parallel_loop3A_645 = arith.addi %parallel_loop3A_129, %parallel_loop3A_644 : i32
        %parallel_loop3A_646 = arith.index_cast %parallel_loop3A_645 : i32 to index
        %parallel_loop3A_647 = arith.constant 96 : index
        %parallel_loop3A_648 = tpu.vector_load %arg11[%parallel_loop3A_646, %parallel_loop3A_647] {strides = array<i32>} : memref<80x128xf32, #tpu.memory_space<vmem>>, vector<1x16xf32>,
        %parallel_loop3A_649 = vector.shape_cast %parallel_loop3A_648 : vector<1x16xf32> to vector<16xf32>
        %parallel_loop3A_650 = math.exp %parallel_loop3A_649 : vector<16xf32>
        %parallel_loop3A_651 = arith.constant 3 : i32
        %parallel_loop3A_652 = arith.addi %parallel_loop3A_129, %parallel_loop3A_651 : i32
        %parallel_loop3A_653 = arith.index_cast %parallel_loop3A_652 : i32 to index
        %parallel_loop3A_654 = arith.constant 96 : index
        %parallel_loop3A_655 = tpu.vector_load %arg11[%parallel_loop3A_653, %parallel_loop3A_654] {strides = array<i32>} : memref<80x128xf32, #tpu.memory_space<vmem>>, vector<1x16xf32>,
        %parallel_loop3A_656 = vector.shape_cast %parallel_loop3A_655 : vector<1x16xf32> to vector<16xf32>
        %parallel_loop3A_657 = math.exp %parallel_loop3A_656 : vector<16xf32>
        %parallel_loop3A_658 = arith.constant 4 : i32
        %parallel_loop3A_659 = arith.addi %parallel_loop3A_129, %parallel_loop3A_658 : i32
        %parallel_loop3A_660 = arith.index_cast %parallel_loop3A_659 : i32 to index
        %parallel_loop3A_661 = arith.constant 96 : index
        %parallel_loop3A_662 = tpu.vector_load %arg11[%parallel_loop3A_660, %parallel_loop3A_661] {strides = array<i32>} : memref<80x128xf32, #tpu.memory_space<vmem>>, vector<1x16xf32>,
        %parallel_loop3A_663 = vector.shape_cast %parallel_loop3A_662 : vector<1x16xf32> to vector<16xf32>
        %parallel_loop3A_664 = math.exp %parallel_loop3A_663 : vector<16xf32>
        %parallel_loop3A_665 = arith.addf %parallel_loop3A_607, %parallel_loop3A_613 : vector<16xf32>
        %parallel_loop3A_666 = arith.addf %parallel_loop3A_619, %parallel_loop3A_625 : vector<16xf32>
        %parallel_loop3A_667 = arith.addf %parallel_loop3A_665, %parallel_loop3A_666 : vector<16xf32>
        %parallel_loop3A_668 = arith.addf %parallel_loop3A_667, %parallel_loop3A_631 : vector<16xf32>
        %parallel_loop3A_669 = arith.index_cast %parallel_loop3A_127 : i32 to index
        %parallel_loop3A_670 = arith.constant 96 : index
        %parallel_loop3A_671 = tpu.vector_load %arg13[%parallel_loop3A_669, %parallel_loop3A_670] {strides = array<i32>} : memref<16x128xf32, #tpu.memory_space<vmem>>, vector<1x16xf32>,
        %parallel_loop3A_672 = vector.shape_cast %parallel_loop3A_671 : vector<1x16xf32> to vector<16xf32>
        %parallel_loop3A_673 = vector.shape_cast %parallel_loop3A_668 : vector<16xf32> to vector<1x16xf32>
        tpu.vector_store %arg13[%parallel_loop3A_669, %parallel_loop3A_670], %parallel_loop3A_673 {strides = array<i32>} : memref<16x128xf32, #tpu.memory_space<vmem>>, vector<1x16xf32>,
        %parallel_loop3A_674 = arith.addf %parallel_loop3A_636, %parallel_loop3A_643 : vector<16xf32>
        %parallel_loop3A_675 = arith.addf %parallel_loop3A_650, %parallel_loop3A_657 : vector<16xf32>
        %parallel_loop3A_676 = arith.addf %parallel_loop3A_674, %parallel_loop3A_675 : vector<16xf32>
        %parallel_loop3A_677 = arith.addf %parallel_loop3A_676, %parallel_loop3A_664 : vector<16xf32>
        %parallel_loop3A_678 = arith.index_cast %parallel_loop3A_127 : i32 to index
        %parallel_loop3A_679 = arith.constant 96 : index
        %parallel_loop3A_680 = tpu.vector_load %arg15[%parallel_loop3A_678, %parallel_loop3A_679] {strides = array<i32>} : memref<16x128xf32, #tpu.memory_space<vmem>>, vector<1x16xf32>,
        %parallel_loop3A_681 = vector.shape_cast %parallel_loop3A_680 : vector<1x16xf32> to vector<16xf32>
        %parallel_loop3A_682 = vector.shape_cast %parallel_loop3A_677 : vector<16xf32> to vector<1x16xf32>
        tpu.vector_store %arg15[%parallel_loop3A_678, %parallel_loop3A_679], %parallel_loop3A_682 {strides = array<i32>} : memref<16x128xf32, #tpu.memory_space<vmem>>, vector<1x16xf32>,
        %parallel_loop3A_683 = arith.index_cast %parallel_loop3A_129 : i32 to index
        %parallel_loop3A_684 = arith.constant 112 : index
        %parallel_loop3A_685 = tpu.vector_load %arg9[%parallel_loop3A_683, %parallel_loop3A_684] {strides = array<i32>} : memref<80x128xf32, #tpu.memory_space<vmem>>, vector<1x16xf32>,
        %parallel_loop3A_686 = vector.shape_cast %parallel_loop3A_685 : vector<1x16xf32> to vector<16xf32>
        %parallel_loop3A_687 = arith.constant 1 : i32
        %parallel_loop3A_688 = arith.addi %parallel_loop3A_129, %parallel_loop3A_687 : i32
        %parallel_loop3A_689 = arith.index_cast %parallel_loop3A_688 : i32 to index
        %parallel_loop3A_690 = arith.constant 112 : index
        %parallel_loop3A_691 = tpu.vector_load %arg9[%parallel_loop3A_689, %parallel_loop3A_690] {strides = array<i32>} : memref<80x128xf32, #tpu.memory_space<vmem>>, vector<1x16xf32>,
        %parallel_loop3A_692 = vector.shape_cast %parallel_loop3A_691 : vector<1x16xf32> to vector<16xf32>
        %parallel_loop3A_693 = arith.constant 2 : i32
        %parallel_loop3A_694 = arith.addi %parallel_loop3A_129, %parallel_loop3A_693 : i32
        %parallel_loop3A_695 = arith.index_cast %parallel_loop3A_694 : i32 to index
        %parallel_loop3A_696 = arith.constant 112 : index
        %parallel_loop3A_697 = tpu.vector_load %arg9[%parallel_loop3A_695, %parallel_loop3A_696] {strides = array<i32>} : memref<80x128xf32, #tpu.memory_space<vmem>>, vector<1x16xf32>,
        %parallel_loop3A_698 = vector.shape_cast %parallel_loop3A_697 : vector<1x16xf32> to vector<16xf32>
        %parallel_loop3A_699 = arith.constant 3 : i32
        %parallel_loop3A_700 = arith.addi %parallel_loop3A_129, %parallel_loop3A_699 : i32
        %parallel_loop3A_701 = arith.index_cast %parallel_loop3A_700 : i32 to index
        %parallel_loop3A_702 = arith.constant 112 : index
        %parallel_loop3A_703 = tpu.vector_load %arg9[%parallel_loop3A_701, %parallel_loop3A_702] {strides = array<i32>} : memref<80x128xf32, #tpu.memory_space<vmem>>, vector<1x16xf32>,
        %parallel_loop3A_704 = vector.shape_cast %parallel_loop3A_703 : vector<1x16xf32> to vector<16xf32>
        %parallel_loop3A_705 = arith.constant 4 : i32
        %parallel_loop3A_706 = arith.addi %parallel_loop3A_129, %parallel_loop3A_705 : i32
        %parallel_loop3A_707 = arith.index_cast %parallel_loop3A_706 : i32 to index
        %parallel_loop3A_708 = arith.constant 112 : index
        %parallel_loop3A_709 = tpu.vector_load %arg9[%parallel_loop3A_707, %parallel_loop3A_708] {strides = array<i32>} : memref<80x128xf32, #tpu.memory_space<vmem>>, vector<1x16xf32>,
        %parallel_loop3A_710 = vector.shape_cast %parallel_loop3A_709 : vector<1x16xf32> to vector<16xf32>
        %parallel_loop3A_711 = arith.index_cast %parallel_loop3A_129 : i32 to index
        %parallel_loop3A_712 = arith.constant 112 : index
        %parallel_loop3A_713 = tpu.vector_load %arg11[%parallel_loop3A_711, %parallel_loop3A_712] {strides = array<i32>} : memref<80x128xf32, #tpu.memory_space<vmem>>, vector<1x16xf32>,
        %parallel_loop3A_714 = vector.shape_cast %parallel_loop3A_713 : vector<1x16xf32> to vector<16xf32>
        %parallel_loop3A_715 = math.exp %parallel_loop3A_714 : vector<16xf32>
        %parallel_loop3A_716 = arith.constant 1 : i32
        %parallel_loop3A_717 = arith.addi %parallel_loop3A_129, %parallel_loop3A_716 : i32
        %parallel_loop3A_718 = arith.index_cast %parallel_loop3A_717 : i32 to index
        %parallel_loop3A_719 = arith.constant 112 : index
        %parallel_loop3A_720 = tpu.vector_load %arg11[%parallel_loop3A_718, %parallel_loop3A_719] {strides = array<i32>} : memref<80x128xf32, #tpu.memory_space<vmem>>, vector<1x16xf32>,
        %parallel_loop3A_721 = vector.shape_cast %parallel_loop3A_720 : vector<1x16xf32> to vector<16xf32>
        %parallel_loop3A_722 = math.exp %parallel_loop3A_721 : vector<16xf32>
        %parallel_loop3A_723 = arith.constant 2 : i32
        %parallel_loop3A_724 = arith.addi %parallel_loop3A_129, %parallel_loop3A_723 : i32
        %parallel_loop3A_725 = arith.index_cast %parallel_loop3A_724 : i32 to index
        %parallel_loop3A_726 = arith.constant 112 : index
        %parallel_loop3A_727 = tpu.vector_load %arg11[%parallel_loop3A_725, %parallel_loop3A_726] {strides = array<i32>} : memref<80x128xf32, #tpu.memory_space<vmem>>, vector<1x16xf32>,
        %parallel_loop3A_728 = vector.shape_cast %parallel_loop3A_727 : vector<1x16xf32> to vector<16xf32>
        %parallel_loop3A_729 = math.exp %parallel_loop3A_728 : vector<16xf32>
        %parallel_loop3A_730 = arith.constant 3 : i32
        %parallel_loop3A_731 = arith.addi %parallel_loop3A_129, %parallel_loop3A_730 : i32
        %parallel_loop3A_732 = arith.index_cast %parallel_loop3A_731 : i32 to index
        %parallel_loop3A_733 = arith.constant 112 : index
        %parallel_loop3A_734 = tpu.vector_load %arg11[%parallel_loop3A_732, %parallel_loop3A_733] {strides = array<i32>} : memref<80x128xf32, #tpu.memory_space<vmem>>, vector<1x16xf32>,
        %parallel_loop3A_735 = vector.shape_cast %parallel_loop3A_734 : vector<1x16xf32> to vector<16xf32>
        %parallel_loop3A_736 = math.exp %parallel_loop3A_735 : vector<16xf32>
        %parallel_loop3A_737 = arith.constant 4 : i32
        %parallel_loop3A_738 = arith.addi %parallel_loop3A_129, %parallel_loop3A_737 : i32
        %parallel_loop3A_739 = arith.index_cast %parallel_loop3A_738 : i32 to index
        %parallel_loop3A_740 = arith.constant 112 : index
        %parallel_loop3A_741 = tpu.vector_load %arg11[%parallel_loop3A_739, %parallel_loop3A_740] {strides = array<i32>} : memref<80x128xf32, #tpu.memory_space<vmem>>, vector<1x16xf32>,
        %parallel_loop3A_742 = vector.shape_cast %parallel_loop3A_741 : vector<1x16xf32> to vector<16xf32>
        %parallel_loop3A_743 = math.exp %parallel_loop3A_742 : vector<16xf32>
        %parallel_loop3A_744 = arith.addf %parallel_loop3A_686, %parallel_loop3A_692 : vector<16xf32>
        %parallel_loop3A_745 = arith.addf %parallel_loop3A_698, %parallel_loop3A_704 : vector<16xf32>
        %parallel_loop3A_746 = arith.addf %parallel_loop3A_744, %parallel_loop3A_745 : vector<16xf32>
        %parallel_loop3A_747 = arith.addf %parallel_loop3A_746, %parallel_loop3A_710 : vector<16xf32>
        %parallel_loop3A_748 = arith.index_cast %parallel_loop3A_127 : i32 to index
        %parallel_loop3A_749 = arith.constant 112 : index
        %parallel_loop3A_750 = tpu.vector_load %arg13[%parallel_loop3A_748, %parallel_loop3A_749] {strides = array<i32>} : memref<16x128xf32, #tpu.memory_space<vmem>>, vector<1x16xf32>,
        %parallel_loop3A_751 = vector.shape_cast %parallel_loop3A_750 : vector<1x16xf32> to vector<16xf32>
        %parallel_loop3A_752 = vector.shape_cast %parallel_loop3A_747 : vector<16xf32> to vector<1x16xf32>
        tpu.vector_store %arg13[%parallel_loop3A_748, %parallel_loop3A_749], %parallel_loop3A_752 {strides = array<i32>} : memref<16x128xf32, #tpu.memory_space<vmem>>, vector<1x16xf32>,
        %parallel_loop3A_753 = arith.addf %parallel_loop3A_715, %parallel_loop3A_722 : vector<16xf32>
        %parallel_loop3A_754 = arith.addf %parallel_loop3A_729, %parallel_loop3A_736 : vector<16xf32>
        %parallel_loop3A_755 = arith.addf %parallel_loop3A_753, %parallel_loop3A_754 : vector<16xf32>
        %parallel_loop3A_756 = arith.addf %parallel_loop3A_755, %parallel_loop3A_743 : vector<16xf32>
        %parallel_loop3A_757 = arith.index_cast %parallel_loop3A_127 : i32 to index
        %parallel_loop3A_758 = arith.constant 112 : index
        %parallel_loop3A_759 = tpu.vector_load %arg15[%parallel_loop3A_757, %parallel_loop3A_758] {strides = array<i32>} : memref<16x128xf32, #tpu.memory_space<vmem>>, vector<1x16xf32>,
        %parallel_loop3A_760 = vector.shape_cast %parallel_loop3A_759 : vector<1x16xf32> to vector<16xf32>
        %parallel_loop3A_761 = vector.shape_cast %parallel_loop3A_756 : vector<16xf32> to vector<1x16xf32>
        tpu.vector_store %arg15[%parallel_loop3A_757, %parallel_loop3A_758], %parallel_loop3A_761 {strides = array<i32>} : memref<16x128xf32, #tpu.memory_space<vmem>>, vector<1x16xf32>,
      } {sc.loop_unroll_factor = 2 : i64, sc.parallel_access}
      %mul3A_109 = arith.constant 16 : i32
      %mul3A_110 = arith.muli %add3A_90, %mul3A_109 : i32
      %add3A_111 = arith.addi %mul3A_9, %mul3A_110 : i32
      %dma_start3A_112 = arith.constant 0 : i32
      %dma_start3A_113 = tpu.memref_slice %arg5[%add3A_111, %dma_start3A_112] : memref<20480x128xf32, #tpu.memory_space<hbm>> -> memref<16x128xf32, #tpu.memory_space<hbm>>
      %dma_start3A_114 = arith.constant 0 : i32
      %dma_start3A_115 = tpu.memref_slice %arg5[%add3A_111, %dma_start3A_114] : memref<20480x128xf32, #tpu.memory_space<hbm>> -> memref<16x128xf32, #tpu.memory_space<hbm>>
      tpu.enqueue_dma source(%arg13 : memref<16x128xf32, #tpu.memory_space<vmem>>) target(%dma_start3A_115 : memref<16x128xf32, #tpu.memory_space<hbm>>) target_semaphore(%arg19 : memref<!tpu.dma_semaphore, #tpu.memory_space<semaphore_mem>>)
      %dma_start3A_116 = arith.constant 0 : i32
      %dma_start3A_117 = tpu.memref_slice %arg6[%add3A_111, %dma_start3A_116] : memref<20480x128xf32, #tpu.memory_space<hbm>> -> memref<16x128xf32, #tpu.memory_space<hbm>>
      %dma_start3A_118 = arith.constant 0 : i32
      %dma_start3A_119 = tpu.memref_slice %arg6[%add3A_111, %dma_start3A_118] : memref<20480x128xf32, #tpu.memory_space<hbm>> -> memref<16x128xf32, #tpu.memory_space<hbm>>
      tpu.enqueue_dma source(%arg15 : memref<16x128xf32, #tpu.memory_space<vmem>>) target(%dma_start3A_119 : memref<16x128xf32, #tpu.memory_space<hbm>>) target_semaphore(%arg19 : memref<!tpu.dma_semaphore, #tpu.memory_space<semaphore_mem>>)
      %add3A_120 = arith.constant 2 : i32
      %add3A_121 = arith.addi %add3A_90, %add3A_120 : i32
      %lt3A_122 = arith.constant 40 : i32
      %lt3A_123 = arith.cmpi slt, %add3A_121, %lt3A_122 : i32
      %convert_element_type3A_124 = arith.extui %lt3A_123 : i1 to i32
      %cond3A_125 = arith.constant 0 : i32
      %cond3A_126 = arith.cmpi ne, %convert_element_type3A_124, %cond3A_125 : i32
      scf.if %cond3A_126 {
        %add3A_127 = arith.constant 2 : i32
        %add3A_128 = arith.addi %add3A_90, %add3A_127 : i32
        %mul3A_129 = arith.constant 80 : i32
        %mul3A_130 = arith.muli %add3A_128, %mul3A_129 : i32
        %dma_start3A_131 = tpu.memref_slice %arg7[%mul3A_130] : memref<3200xi32, #tpu.memory_space<vmem>> -> memref<80xi32, #tpu.memory_space<vmem>>
        %dma_start3A_132 = arith.constant 0 : i32
        %dma_start3A_133 = arith.constant 0 : i32
        %dma_start3A_134 = tpu.memref_slice %arg2[%dma_start3A_132, %dma_start3A_133] : memref<100000x128xf32, #tpu.memory_space<hbm>> -> memref<100000x128xf32, #tpu.memory_space<hbm>>
        tpu.enqueue_indirect_dma source(%dma_start3A_134 : memref<100000x128xf32, #tpu.memory_space<hbm>>) target(%arg9 : memref<80x128xf32, #tpu.memory_space<vmem>>) offsets(%dma_start3A_131 : memref<80xi32, #tpu.memory_space<vmem>>) semaphore(%arg17 : memref<!tpu.dma_semaphore, #tpu.memory_space<semaphore_mem>>)
        %dma_start3A_135 = tpu.memref_slice %arg7[%mul3A_130] : memref<3200xi32, #tpu.memory_space<vmem>> -> memref<80xi32, #tpu.memory_space<vmem>>
        %dma_start3A_136 = arith.constant 0 : i32
        %dma_start3A_137 = arith.constant 0 : i32
        %dma_start3A_138 = tpu.memref_slice %arg3[%dma_start3A_136, %dma_start3A_137] : memref<100000x128xf32, #tpu.memory_space<hbm>> -> memref<100000x128xf32, #tpu.memory_space<hbm>>
        tpu.enqueue_indirect_dma source(%dma_start3A_138 : memref<100000x128xf32, #tpu.memory_space<hbm>>) target(%arg11 : memref<80x128xf32, #tpu.memory_space<vmem>>) offsets(%dma_start3A_135 : memref<80xi32, #tpu.memory_space<vmem>>) semaphore(%arg17 : memref<!tpu.dma_semaphore, #tpu.memory_space<semaphore_mem>>)
      } else {
      }
    }
    %scan3A_33 = arith.constant 20 : i32
    %add3A_34 = arith.constant 608 : i32
    %add3A_35 = arith.addi %mul3A_9, %add3A_34 : i32
    %dma_wait3A = arith.constant 0 : i32
    %dma_wait3A_36 = tpu.memref_slice %arg5[%add3A_35, %dma_wait3A] : memref<20480x128xf32, #tpu.memory_space<hbm>> -> memref<16x128xf32, #tpu.memory_space<hbm>>
    %dma_wait3A_37 = arith.constant 0 : i32
    %dma_wait3A_38 = tpu.memref_slice %arg5[%add3A_35, %dma_wait3A_37] : memref<20480x128xf32, #tpu.memory_space<hbm>> -> memref<16x128xf32, #tpu.memory_space<hbm>>
    tpu.wait_dma2 semaphore(%arg18 : memref<!tpu.dma_semaphore, #tpu.memory_space<semaphore_mem>>) src(%arg12 : memref<16x128xf32, #tpu.memory_space<vmem>>) dst(%dma_wait3A_38 : memref<16x128xf32, #tpu.memory_space<hbm>>)
    %dma_wait3A_39 = arith.constant 0 : i32
    %dma_wait3A_40 = tpu.memref_slice %arg6[%add3A_35, %dma_wait3A_39] : memref<20480x128xf32, #tpu.memory_space<hbm>> -> memref<16x128xf32, #tpu.memory_space<hbm>>
    %dma_wait3A_41 = arith.constant 0 : i32
    %dma_wait3A_42 = tpu.memref_slice %arg6[%add3A_35, %dma_wait3A_41] : memref<20480x128xf32, #tpu.memory_space<hbm>> -> memref<16x128xf32, #tpu.memory_space<hbm>>
    tpu.wait_dma2 semaphore(%arg18 : memref<!tpu.dma_semaphore, #tpu.memory_space<semaphore_mem>>) src(%arg14 : memref<16x128xf32, #tpu.memory_space<vmem>>) dst(%dma_wait3A_42 : memref<16x128xf32, #tpu.memory_space<hbm>>)
    %add3A_43 = arith.constant 624 : i32
    %add3A_44 = arith.addi %mul3A_9, %add3A_43 : i32
    %dma_wait3A_45 = arith.constant 0 : i32
    %dma_wait3A_46 = tpu.memref_slice %arg5[%add3A_44, %dma_wait3A_45] : memref<20480x128xf32, #tpu.memory_space<hbm>> -> memref<16x128xf32, #tpu.memory_space<hbm>>
    %dma_wait3A_47 = arith.constant 0 : i32
    %dma_wait3A_48 = tpu.memref_slice %arg5[%add3A_44, %dma_wait3A_47] : memref<20480x128xf32, #tpu.memory_space<hbm>> -> memref<16x128xf32, #tpu.memory_space<hbm>>
    tpu.wait_dma2 semaphore(%arg19 : memref<!tpu.dma_semaphore, #tpu.memory_space<semaphore_mem>>) src(%arg13 : memref<16x128xf32, #tpu.memory_space<vmem>>) dst(%dma_wait3A_48 : memref<16x128xf32, #tpu.memory_space<hbm>>)
    %dma_wait3A_49 = arith.constant 0 : i32
    %dma_wait3A_50 = tpu.memref_slice %arg6[%add3A_44, %dma_wait3A_49] : memref<20480x128xf32, #tpu.memory_space<hbm>> -> memref<16x128xf32, #tpu.memory_space<hbm>>
    %dma_wait3A_51 = arith.constant 0 : i32
    %dma_wait3A_52 = tpu.memref_slice %arg6[%add3A_44, %dma_wait3A_51] : memref<20480x128xf32, #tpu.memory_space<hbm>> -> memref<16x128xf32, #tpu.memory_space<hbm>>
    tpu.wait_dma2 semaphore(%arg19 : memref<!tpu.dma_semaphore, #tpu.memory_space<semaphore_mem>>) src(%arg15 : memref<16x128xf32, #tpu.memory_space<vmem>>) dst(%dma_wait3A_52 : memref<16x128xf32, #tpu.memory_space<hbm>>)
    return
  }
}

#map = affine_map<(d0, d1) -> (0, 0)>
#map1 = affine_map<(d0, d1) -> (0)>
module attributes {stable_mosaic.version = 14 : i64} {
  func.func @_sc_ctx_body(%arg0: i32, %arg1: i32, %arg2: memref<100000x128xf32, #tpu.memory_space<hbm>>, %arg3: memref<52224xi32, #tpu.memory_space<hbm>>, %arg4: memref<52224x128xf32, #tpu.memory_space<hbm>>, %arg5: memref<1632xi32, #tpu.memory_space<vmem>>, %arg6: memref<96x128xf32, #tpu.memory_space<vmem>>, %arg7: memref<96x128xf32, #tpu.memory_space<vmem>>, %arg8: memref<96x128xf32, #tpu.memory_space<vmem>>, %arg9: memref<96x128xf32, #tpu.memory_space<vmem>>, %arg10: memref<!tpu.dma_semaphore, #tpu.memory_space<semaphore_mem>>, %arg11: memref<!tpu.dma_semaphore, #tpu.memory_space<semaphore_mem>>, %arg12: memref<!tpu.dma_semaphore, #tpu.memory_space<semaphore_mem>>, %arg13: memref<!tpu.dma_semaphore, #tpu.memory_space<semaphore_mem>>, %arg14: memref<!tpu.dma_semaphore, #tpu.memory_space<semaphore_mem>>, %arg15: memref<!tpu.dma_semaphore, #tpu.memory_space<semaphore_mem>>, %arg16: memref<!tpu.dma_semaphore, #tpu.memory_space<semaphore_mem>>, %arg17: memref<!tpu.dma_semaphore, #tpu.memory_space<semaphore_mem>>) attributes {dimension_semantics = [#tpu.dimension_semantics<core_parallel>, #tpu.dimension_semantics<subcore_parallel>], iteration_bounds = array<i64: 2, 16>, scalar_prefetch = 0 : i64, scratch_operands = 13 : i64, tpu.core_type = #tpu.core_type<sc_vector_subcore>, window_params = [{transform_indices = #map}, {transform_indices = #map1}, {transform_indices = #map}]} {
    %mul3A = arith.constant 2 : i32
    %mul3A_0 = arith.muli %arg1, %mul3A : i32
    %add3A = arith.addi %mul3A_0, %arg0 : i32
    %mul3A_1 = arith.constant 1632 : i32
    %mul3A_2 = arith.muli %add3A, %mul3A_1 : i32
    "tpu.region"() ({
      %run_scoped3A = tpu.sem_alloc : memref<!tpu.dma_semaphore, #tpu.memory_space<semaphore_mem>>
      %dma_start3A_69 = tpu.memref_slice %arg3[%mul3A_2] : memref<52224xi32, #tpu.memory_space<hbm>> -> memref<1632xi32, #tpu.memory_space<hbm>>
      %dma_start3A_70 = tpu.memref_slice %arg3[%mul3A_2] : memref<52224xi32, #tpu.memory_space<hbm>> -> memref<1632xi32, #tpu.memory_space<hbm>>
      tpu.enqueue_dma source(%dma_start3A_70 : memref<1632xi32, #tpu.memory_space<hbm>>) target(%arg5 : memref<1632xi32, #tpu.memory_space<vmem>>) target_semaphore(%run_scoped3A : memref<!tpu.dma_semaphore, #tpu.memory_space<semaphore_mem>>)
      %dma_wait3A_71 = tpu.memref_slice %arg3[%mul3A_2] : memref<52224xi32, #tpu.memory_space<hbm>> -> memref<1632xi32, #tpu.memory_space<hbm>>
      %dma_wait3A_72 = tpu.memref_slice %arg3[%mul3A_2] : memref<52224xi32, #tpu.memory_space<hbm>> -> memref<1632xi32, #tpu.memory_space<hbm>>
      tpu.wait_dma2 semaphore(%run_scoped3A : memref<!tpu.dma_semaphore, #tpu.memory_space<semaphore_mem>>) src(%dma_wait3A_72 : memref<1632xi32, #tpu.memory_space<hbm>>) dst(%arg5 : memref<1632xi32, #tpu.memory_space<vmem>>)
      tpu.yield
    }) : () -> ()
    %dma_start3A = arith.constant 0 : i32
    %dma_start3A_3 = tpu.memref_slice %arg5[%dma_start3A] : memref<1632xi32, #tpu.memory_space<vmem>> -> memref<96xi32, #tpu.memory_space<vmem>>
    %dma_start3A_4 = arith.constant 0 : i32
    %dma_start3A_5 = arith.constant 0 : i32
    %dma_start3A_6 = tpu.memref_slice %arg2[%dma_start3A_4, %dma_start3A_5] : memref<100000x128xf32, #tpu.memory_space<hbm>> -> memref<100000x128xf32, #tpu.memory_space<hbm>>
    tpu.enqueue_indirect_dma source(%dma_start3A_6 : memref<100000x128xf32, #tpu.memory_space<hbm>>) target(%arg6 : memref<96x128xf32, #tpu.memory_space<vmem>>) offsets(%dma_start3A_3 : memref<96xi32, #tpu.memory_space<vmem>>) semaphore(%arg10 : memref<!tpu.dma_semaphore, #tpu.memory_space<semaphore_mem>>)
    %dma_start3A_7 = arith.constant 96 : i32
    %dma_start3A_8 = tpu.memref_slice %arg5[%dma_start3A_7] : memref<1632xi32, #tpu.memory_space<vmem>> -> memref<96xi32, #tpu.memory_space<vmem>>
    %dma_start3A_9 = arith.constant 0 : i32
    %dma_start3A_10 = arith.constant 0 : i32
    %dma_start3A_11 = tpu.memref_slice %arg2[%dma_start3A_9, %dma_start3A_10] : memref<100000x128xf32, #tpu.memory_space<hbm>> -> memref<100000x128xf32, #tpu.memory_space<hbm>>
    tpu.enqueue_indirect_dma source(%dma_start3A_11 : memref<100000x128xf32, #tpu.memory_space<hbm>>) target(%arg7 : memref<96x128xf32, #tpu.memory_space<vmem>>) offsets(%dma_start3A_8 : memref<96xi32, #tpu.memory_space<vmem>>) semaphore(%arg11 : memref<!tpu.dma_semaphore, #tpu.memory_space<semaphore_mem>>)
    %scan3A = arith.constant 0 : i32
    %scan3A_12 = arith.constant 0 : i32
    %scan3A_13 = arith.constant 4 : i32
    %scan3A_14 = arith.addi %scan3A_12, %scan3A_13 : i32
    %scan3A_15 = arith.constant 1 : i32
    scf.for %scan3A_69 = %scan3A_12 to %scan3A_14 step %scan3A_15  : i32 {
      %mul3A_70 = arith.constant 4 : i32
      %mul3A_71 = arith.muli %mul3A_70, %scan3A_69 : i32
      %mul3A_72 = arith.constant 96 : i32
      %mul3A_73 = arith.muli %mul3A_71, %mul3A_72 : i32
      %dma_wait3A_74 = tpu.memref_slice %arg5[%mul3A_73] : memref<1632xi32, #tpu.memory_space<vmem>> -> memref<96xi32, #tpu.memory_space<vmem>>
      %dma_wait3A_75 = arith.constant 0 : i32
      %dma_wait3A_76 = arith.constant 0 : i32
      %dma_wait3A_77 = tpu.memref_slice %arg2[%dma_wait3A_75, %dma_wait3A_76] : memref<100000x128xf32, #tpu.memory_space<hbm>> -> memref<100000x128xf32, #tpu.memory_space<hbm>>
      tpu.wait_indirect_dma semaphore(%arg10 : memref<!tpu.dma_semaphore, #tpu.memory_space<semaphore_mem>>) src(%dma_wait3A_77 : memref<100000x128xf32, #tpu.memory_space<hbm>>) dst(%arg6 : memref<96x128xf32, #tpu.memory_space<vmem>>)
      %mul3A_78 = arith.constant 96 : i32
      %mul3A_79 = arith.muli %mul3A_71, %mul3A_78 : i32
      %add3A_80 = arith.addi %mul3A_2, %mul3A_79 : i32
      %dma_start3A_81 = arith.constant 0 : i32
      %dma_start3A_82 = tpu.memref_slice %arg4[%add3A_80, %dma_start3A_81] : memref<52224x128xf32, #tpu.memory_space<hbm>> -> memref<96x128xf32, #tpu.memory_space<hbm>>
      %dma_start3A_83 = arith.constant 0 : i32
      %dma_start3A_84 = tpu.memref_slice %arg4[%add3A_80, %dma_start3A_83] : memref<52224x128xf32, #tpu.memory_space<hbm>> -> memref<96x128xf32, #tpu.memory_space<hbm>>
      tpu.enqueue_dma source(%arg6 : memref<96x128xf32, #tpu.memory_space<vmem>>) target(%dma_start3A_84 : memref<96x128xf32, #tpu.memory_space<hbm>>) target_semaphore(%arg14 : memref<!tpu.dma_semaphore, #tpu.memory_space<semaphore_mem>>)
      %add3A_85 = arith.constant 2 : i32
      %add3A_86 = arith.addi %mul3A_71, %add3A_85 : i32
      %lt3A_87 = arith.constant 17 : i32
      %lt3A_88 = arith.cmpi slt, %add3A_86, %lt3A_87 : i32
      %convert_element_type3A_89 = arith.extui %lt3A_88 : i1 to i32
      %cond3A_90 = arith.constant 0 : i32
      %cond3A_91 = arith.cmpi ne, %convert_element_type3A_89, %cond3A_90 : i32
      scf.if %cond3A_91 {
        %ge3A = arith.constant 2 : i32
        %ge3A_164 = arith.cmpi sge, %mul3A_71, %ge3A : i32
        %convert_element_type3A_165 = arith.extui %ge3A_164 : i1 to i32
        %cond3A_166 = arith.constant 0 : i32
        %cond3A_167 = arith.cmpi ne, %convert_element_type3A_165, %cond3A_166 : i32
        scf.if %cond3A_167 {
          %sub3A = arith.constant 2 : i32
          %sub3A_176 = arith.subi %mul3A_71, %sub3A : i32
          %mul3A_177 = arith.constant 96 : i32
          %mul3A_178 = arith.muli %sub3A_176, %mul3A_177 : i32
          %add3A_179 = arith.addi %mul3A_2, %mul3A_178 : i32
          %dma_wait3A_180 = arith.constant 0 : i32
          %dma_wait3A_181 = tpu.memref_slice %arg4[%add3A_179, %dma_wait3A_180] : memref<52224x128xf32, #tpu.memory_space<hbm>> -> memref<96x128xf32, #tpu.memory_space<hbm>>
          %dma_wait3A_182 = arith.constant 0 : i32
          %dma_wait3A_183 = tpu.memref_slice %arg4[%add3A_179, %dma_wait3A_182] : memref<52224x128xf32, #tpu.memory_space<hbm>> -> memref<96x128xf32, #tpu.memory_space<hbm>>
          tpu.wait_dma2 semaphore(%arg16 : memref<!tpu.dma_semaphore, #tpu.memory_space<semaphore_mem>>) src(%arg8 : memref<96x128xf32, #tpu.memory_space<vmem>>) dst(%dma_wait3A_183 : memref<96x128xf32, #tpu.memory_space<hbm>>)
        } else {
        }
        %add3A_168 = arith.constant 2 : i32
        %add3A_169 = arith.addi %mul3A_71, %add3A_168 : i32
        %mul3A_170 = arith.constant 96 : i32
        %mul3A_171 = arith.muli %add3A_169, %mul3A_170 : i32
        %dma_start3A_172 = tpu.memref_slice %arg5[%mul3A_171] : memref<1632xi32, #tpu.memory_space<vmem>> -> memref<96xi32, #tpu.memory_space<vmem>>
        %dma_start3A_173 = arith.constant 0 : i32
        %dma_start3A_174 = arith.constant 0 : i32
        %dma_start3A_175 = tpu.memref_slice %arg2[%dma_start3A_173, %dma_start3A_174] : memref<100000x128xf32, #tpu.memory_space<hbm>> -> memref<100000x128xf32, #tpu.memory_space<hbm>>
        tpu.enqueue_indirect_dma source(%dma_start3A_175 : memref<100000x128xf32, #tpu.memory_space<hbm>>) target(%arg8 : memref<96x128xf32, #tpu.memory_space<vmem>>) offsets(%dma_start3A_172 : memref<96xi32, #tpu.memory_space<vmem>>) semaphore(%arg12 : memref<!tpu.dma_semaphore, #tpu.memory_space<semaphore_mem>>)
      } else {
      }
      %mul3A_92 = arith.constant 4 : i32
      %mul3A_93 = arith.muli %mul3A_92, %scan3A_69 : i32
      %add3A_94 = arith.constant 1 : i32
      %add3A_95 = arith.addi %mul3A_93, %add3A_94 : i32
      %mul3A_96 = arith.constant 96 : i32
      %mul3A_97 = arith.muli %add3A_95, %mul3A_96 : i32
      %dma_wait3A_98 = tpu.memref_slice %arg5[%mul3A_97] : memref<1632xi32, #tpu.memory_space<vmem>> -> memref<96xi32, #tpu.memory_space<vmem>>
      %dma_wait3A_99 = arith.constant 0 : i32
      %dma_wait3A_100 = arith.constant 0 : i32
      %dma_wait3A_101 = tpu.memref_slice %arg2[%dma_wait3A_99, %dma_wait3A_100] : memref<100000x128xf32, #tpu.memory_space<hbm>> -> memref<100000x128xf32, #tpu.memory_space<hbm>>
      tpu.wait_indirect_dma semaphore(%arg11 : memref<!tpu.dma_semaphore, #tpu.memory_space<semaphore_mem>>) src(%dma_wait3A_101 : memref<100000x128xf32, #tpu.memory_space<hbm>>) dst(%arg7 : memref<96x128xf32, #tpu.memory_space<vmem>>)
      %mul3A_102 = arith.constant 96 : i32
      %mul3A_103 = arith.muli %add3A_95, %mul3A_102 : i32
      %add3A_104 = arith.addi %mul3A_2, %mul3A_103 : i32
      %dma_start3A_105 = arith.constant 0 : i32
      %dma_start3A_106 = tpu.memref_slice %arg4[%add3A_104, %dma_start3A_105] : memref<52224x128xf32, #tpu.memory_space<hbm>> -> memref<96x128xf32, #tpu.memory_space<hbm>>
      %dma_start3A_107 = arith.constant 0 : i32
      %dma_start3A_108 = tpu.memref_slice %arg4[%add3A_104, %dma_start3A_107] : memref<52224x128xf32, #tpu.memory_space<hbm>> -> memref<96x128xf32, #tpu.memory_space<hbm>>
      tpu.enqueue_dma source(%arg7 : memref<96x128xf32, #tpu.memory_space<vmem>>) target(%dma_start3A_108 : memref<96x128xf32, #tpu.memory_space<hbm>>) target_semaphore(%arg15 : memref<!tpu.dma_semaphore, #tpu.memory_space<semaphore_mem>>)
      %add3A_109 = arith.constant 2 : i32
      %add3A_110 = arith.addi %add3A_95, %add3A_109 : i32
      %lt3A_111 = arith.constant 17 : i32
      %lt3A_112 = arith.cmpi slt, %add3A_110, %lt3A_111 : i32
      %convert_element_type3A_113 = arith.extui %lt3A_112 : i1 to i32
      %cond3A_114 = arith.constant 0 : i32
      %cond3A_115 = arith.cmpi ne, %convert_element_type3A_113, %cond3A_114 : i32
      scf.if %cond3A_115 {
        %ge3A = arith.constant 2 : i32
        %ge3A_164 = arith.cmpi sge, %add3A_95, %ge3A : i32
        %convert_element_type3A_165 = arith.extui %ge3A_164 : i1 to i32
        %cond3A_166 = arith.constant 0 : i32
        %cond3A_167 = arith.cmpi ne, %convert_element_type3A_165, %cond3A_166 : i32
        scf.if %cond3A_167 {
          %sub3A = arith.constant 2 : i32
          %sub3A_176 = arith.subi %add3A_95, %sub3A : i32
          %mul3A_177 = arith.constant 96 : i32
          %mul3A_178 = arith.muli %sub3A_176, %mul3A_177 : i32
          %add3A_179 = arith.addi %mul3A_2, %mul3A_178 : i32
          %dma_wait3A_180 = arith.constant 0 : i32
          %dma_wait3A_181 = tpu.memref_slice %arg4[%add3A_179, %dma_wait3A_180] : memref<52224x128xf32, #tpu.memory_space<hbm>> -> memref<96x128xf32, #tpu.memory_space<hbm>>
          %dma_wait3A_182 = arith.constant 0 : i32
          %dma_wait3A_183 = tpu.memref_slice %arg4[%add3A_179, %dma_wait3A_182] : memref<52224x128xf32, #tpu.memory_space<hbm>> -> memref<96x128xf32, #tpu.memory_space<hbm>>
          tpu.wait_dma2 semaphore(%arg17 : memref<!tpu.dma_semaphore, #tpu.memory_space<semaphore_mem>>) src(%arg9 : memref<96x128xf32, #tpu.memory_space<vmem>>) dst(%dma_wait3A_183 : memref<96x128xf32, #tpu.memory_space<hbm>>)
        } else {
        }
        %add3A_168 = arith.constant 2 : i32
        %add3A_169 = arith.addi %add3A_95, %add3A_168 : i32
        %mul3A_170 = arith.constant 96 : i32
        %mul3A_171 = arith.muli %add3A_169, %mul3A_170 : i32
        %dma_start3A_172 = tpu.memref_slice %arg5[%mul3A_171] : memref<1632xi32, #tpu.memory_space<vmem>> -> memref<96xi32, #tpu.memory_space<vmem>>
        %dma_start3A_173 = arith.constant 0 : i32
        %dma_start3A_174 = arith.constant 0 : i32
        %dma_start3A_175 = tpu.memref_slice %arg2[%dma_start3A_173, %dma_start3A_174] : memref<100000x128xf32, #tpu.memory_space<hbm>> -> memref<100000x128xf32, #tpu.memory_space<hbm>>
        tpu.enqueue_indirect_dma source(%dma_start3A_175 : memref<100000x128xf32, #tpu.memory_space<hbm>>) target(%arg9 : memref<96x128xf32, #tpu.memory_space<vmem>>) offsets(%dma_start3A_172 : memref<96xi32, #tpu.memory_space<vmem>>) semaphore(%arg13 : memref<!tpu.dma_semaphore, #tpu.memory_space<semaphore_mem>>)
      } else {
      }
      %mul3A_116 = arith.constant 4 : i32
      %mul3A_117 = arith.muli %mul3A_116, %scan3A_69 : i32
      %add3A_118 = arith.constant 2 : i32
      %add3A_119 = arith.addi %mul3A_117, %add3A_118 : i32
      %mul3A_120 = arith.constant 96 : i32
      %mul3A_121 = arith.muli %add3A_119, %mul3A_120 : i32
      %dma_wait3A_122 = tpu.memref_slice %arg5[%mul3A_121] : memref<1632xi32, #tpu.memory_space<vmem>> -> memref<96xi32, #tpu.memory_space<vmem>>
      %dma_wait3A_123 = arith.constant 0 : i32
      %dma_wait3A_124 = arith.constant 0 : i32
      %dma_wait3A_125 = tpu.memref_slice %arg2[%dma_wait3A_123, %dma_wait3A_124] : memref<100000x128xf32, #tpu.memory_space<hbm>> -> memref<100000x128xf32, #tpu.memory_space<hbm>>
      tpu.wait_indirect_dma semaphore(%arg12 : memref<!tpu.dma_semaphore, #tpu.memory_space<semaphore_mem>>) src(%dma_wait3A_125 : memref<100000x128xf32, #tpu.memory_space<hbm>>) dst(%arg8 : memref<96x128xf32, #tpu.memory_space<vmem>>)
      %mul3A_126 = arith.constant 96 : i32
      %mul3A_127 = arith.muli %add3A_119, %mul3A_126 : i32
      %add3A_128 = arith.addi %mul3A_2, %mul3A_127 : i32
      %dma_start3A_129 = arith.constant 0 : i32
      %dma_start3A_130 = tpu.memref_slice %arg4[%add3A_128, %dma_start3A_129] : memref<52224x128xf32, #tpu.memory_space<hbm>> -> memref<96x128xf32, #tpu.memory_space<hbm>>
      %dma_start3A_131 = arith.constant 0 : i32
      %dma_start3A_132 = tpu.memref_slice %arg4[%add3A_128, %dma_start3A_131] : memref<52224x128xf32, #tpu.memory_space<hbm>> -> memref<96x128xf32, #tpu.memory_space<hbm>>
      tpu.enqueue_dma source(%arg8 : memref<96x128xf32, #tpu.memory_space<vmem>>) target(%dma_start3A_132 : memref<96x128xf32, #tpu.memory_space<hbm>>) target_semaphore(%arg16 : memref<!tpu.dma_semaphore, #tpu.memory_space<semaphore_mem>>)
      %add3A_133 = arith.constant 2 : i32
      %add3A_134 = arith.addi %add3A_119, %add3A_133 : i32
      %lt3A_135 = arith.constant 17 : i32
      %lt3A_136 = arith.cmpi slt, %add3A_134, %lt3A_135 : i32
      %convert_element_type3A_137 = arith.extui %lt3A_136 : i1 to i32
      %cond3A_138 = arith.constant 0 : i32
      %cond3A_139 = arith.cmpi ne, %convert_element_type3A_137, %cond3A_138 : i32
      scf.if %cond3A_139 {
        %ge3A = arith.constant 2 : i32
        %ge3A_164 = arith.cmpi sge, %add3A_119, %ge3A : i32
        %convert_element_type3A_165 = arith.extui %ge3A_164 : i1 to i32
        %cond3A_166 = arith.constant 0 : i32
        %cond3A_167 = arith.cmpi ne, %convert_element_type3A_165, %cond3A_166 : i32
        scf.if %cond3A_167 {
          %sub3A = arith.constant 2 : i32
          %sub3A_176 = arith.subi %add3A_119, %sub3A : i32
          %mul3A_177 = arith.constant 96 : i32
          %mul3A_178 = arith.muli %sub3A_176, %mul3A_177 : i32
          %add3A_179 = arith.addi %mul3A_2, %mul3A_178 : i32
          %dma_wait3A_180 = arith.constant 0 : i32
          %dma_wait3A_181 = tpu.memref_slice %arg4[%add3A_179, %dma_wait3A_180] : memref<52224x128xf32, #tpu.memory_space<hbm>> -> memref<96x128xf32, #tpu.memory_space<hbm>>
          %dma_wait3A_182 = arith.constant 0 : i32
          %dma_wait3A_183 = tpu.memref_slice %arg4[%add3A_179, %dma_wait3A_182] : memref<52224x128xf32, #tpu.memory_space<hbm>> -> memref<96x128xf32, #tpu.memory_space<hbm>>
          tpu.wait_dma2 semaphore(%arg14 : memref<!tpu.dma_semaphore, #tpu.memory_space<semaphore_mem>>) src(%arg6 : memref<96x128xf32, #tpu.memory_space<vmem>>) dst(%dma_wait3A_183 : memref<96x128xf32, #tpu.memory_space<hbm>>)
        } else {
        }
        %add3A_168 = arith.constant 2 : i32
        %add3A_169 = arith.addi %add3A_119, %add3A_168 : i32
        %mul3A_170 = arith.constant 96 : i32
        %mul3A_171 = arith.muli %add3A_169, %mul3A_170 : i32
        %dma_start3A_172 = tpu.memref_slice %arg5[%mul3A_171] : memref<1632xi32, #tpu.memory_space<vmem>> -> memref<96xi32, #tpu.memory_space<vmem>>
        %dma_start3A_173 = arith.constant 0 : i32
        %dma_start3A_174 = arith.constant 0 : i32
        %dma_start3A_175 = tpu.memref_slice %arg2[%dma_start3A_173, %dma_start3A_174] : memref<100000x128xf32, #tpu.memory_space<hbm>> -> memref<100000x128xf32, #tpu.memory_space<hbm>>
        tpu.enqueue_indirect_dma source(%dma_start3A_175 : memref<100000x128xf32, #tpu.memory_space<hbm>>) target(%arg6 : memref<96x128xf32, #tpu.memory_space<vmem>>) offsets(%dma_start3A_172 : memref<96xi32, #tpu.memory_space<vmem>>) semaphore(%arg10 : memref<!tpu.dma_semaphore, #tpu.memory_space<semaphore_mem>>)
      } else {
      }
      %mul3A_140 = arith.constant 4 : i32
      %mul3A_141 = arith.muli %mul3A_140, %scan3A_69 : i32
      %add3A_142 = arith.constant 3 : i32
      %add3A_143 = arith.addi %mul3A_141, %add3A_142 : i32
      %mul3A_144 = arith.constant 96 : i32
      %mul3A_145 = arith.muli %add3A_143, %mul3A_144 : i32
      %dma_wait3A_146 = tpu.memref_slice %arg5[%mul3A_145] : memref<1632xi32, #tpu.memory_space<vmem>> -> memref<96xi32, #tpu.memory_space<vmem>>
      %dma_wait3A_147 = arith.constant 0 : i32
      %dma_wait3A_148 = arith.constant 0 : i32
      %dma_wait3A_149 = tpu.memref_slice %arg2[%dma_wait3A_147, %dma_wait3A_148] : memref<100000x128xf32, #tpu.memory_space<hbm>> -> memref<100000x128xf32, #tpu.memory_space<hbm>>
      tpu.wait_indirect_dma semaphore(%arg13 : memref<!tpu.dma_semaphore, #tpu.memory_space<semaphore_mem>>) src(%dma_wait3A_149 : memref<100000x128xf32, #tpu.memory_space<hbm>>) dst(%arg9 : memref<96x128xf32, #tpu.memory_space<vmem>>)
      %mul3A_150 = arith.constant 96 : i32
      %mul3A_151 = arith.muli %add3A_143, %mul3A_150 : i32
      %add3A_152 = arith.addi %mul3A_2, %mul3A_151 : i32
      %dma_start3A_153 = arith.constant 0 : i32
      %dma_start3A_154 = tpu.memref_slice %arg4[%add3A_152, %dma_start3A_153] : memref<52224x128xf32, #tpu.memory_space<hbm>> -> memref<96x128xf32, #tpu.memory_space<hbm>>
      %dma_start3A_155 = arith.constant 0 : i32
      %dma_start3A_156 = tpu.memref_slice %arg4[%add3A_152, %dma_start3A_155] : memref<52224x128xf32, #tpu.memory_space<hbm>> -> memref<96x128xf32, #tpu.memory_space<hbm>>
      tpu.enqueue_dma source(%arg9 : memref<96x128xf32, #tpu.memory_space<vmem>>) target(%dma_start3A_156 : memref<96x128xf32, #tpu.memory_space<hbm>>) target_semaphore(%arg17 : memref<!tpu.dma_semaphore, #tpu.memory_space<semaphore_mem>>)
      %add3A_157 = arith.constant 2 : i32
      %add3A_158 = arith.addi %add3A_143, %add3A_157 : i32
      %lt3A_159 = arith.constant 17 : i32
      %lt3A_160 = arith.cmpi slt, %add3A_158, %lt3A_159 : i32
      %convert_element_type3A_161 = arith.extui %lt3A_160 : i1 to i32
      %cond3A_162 = arith.constant 0 : i32
      %cond3A_163 = arith.cmpi ne, %convert_element_type3A_161, %cond3A_162 : i32
      scf.if %cond3A_163 {
        %ge3A = arith.constant 2 : i32
        %ge3A_164 = arith.cmpi sge, %add3A_143, %ge3A : i32
        %convert_element_type3A_165 = arith.extui %ge3A_164 : i1 to i32
        %cond3A_166 = arith.constant 0 : i32
        %cond3A_167 = arith.cmpi ne, %convert_element_type3A_165, %cond3A_166 : i32
        scf.if %cond3A_167 {
          %sub3A = arith.constant 2 : i32
          %sub3A_176 = arith.subi %add3A_143, %sub3A : i32
          %mul3A_177 = arith.constant 96 : i32
          %mul3A_178 = arith.muli %sub3A_176, %mul3A_177 : i32
          %add3A_179 = arith.addi %mul3A_2, %mul3A_178 : i32
          %dma_wait3A_180 = arith.constant 0 : i32
          %dma_wait3A_181 = tpu.memref_slice %arg4[%add3A_179, %dma_wait3A_180] : memref<52224x128xf32, #tpu.memory_space<hbm>> -> memref<96x128xf32, #tpu.memory_space<hbm>>
          %dma_wait3A_182 = arith.constant 0 : i32
          %dma_wait3A_183 = tpu.memref_slice %arg4[%add3A_179, %dma_wait3A_182] : memref<52224x128xf32, #tpu.memory_space<hbm>> -> memref<96x128xf32, #tpu.memory_space<hbm>>
          tpu.wait_dma2 semaphore(%arg15 : memref<!tpu.dma_semaphore, #tpu.memory_space<semaphore_mem>>) src(%arg7 : memref<96x128xf32, #tpu.memory_space<vmem>>) dst(%dma_wait3A_183 : memref<96x128xf32, #tpu.memory_space<hbm>>)
        } else {
        }
        %add3A_168 = arith.constant 2 : i32
        %add3A_169 = arith.addi %add3A_143, %add3A_168 : i32
        %mul3A_170 = arith.constant 96 : i32
        %mul3A_171 = arith.muli %add3A_169, %mul3A_170 : i32
        %dma_start3A_172 = tpu.memref_slice %arg5[%mul3A_171] : memref<1632xi32, #tpu.memory_space<vmem>> -> memref<96xi32, #tpu.memory_space<vmem>>
        %dma_start3A_173 = arith.constant 0 : i32
        %dma_start3A_174 = arith.constant 0 : i32
        %dma_start3A_175 = tpu.memref_slice %arg2[%dma_start3A_173, %dma_start3A_174] : memref<100000x128xf32, #tpu.memory_space<hbm>> -> memref<100000x128xf32, #tpu.memory_space<hbm>>
        tpu.enqueue_indirect_dma source(%dma_start3A_175 : memref<100000x128xf32, #tpu.memory_space<hbm>>) target(%arg7 : memref<96x128xf32, #tpu.memory_space<vmem>>) offsets(%dma_start3A_172 : memref<96xi32, #tpu.memory_space<vmem>>) semaphore(%arg11 : memref<!tpu.dma_semaphore, #tpu.memory_space<semaphore_mem>>)
      } else {
      }
    }
    %scan3A_16 = arith.constant 4 : i32
    %mul3A_17 = arith.constant 16 : i32
    %mul3A_18 = arith.constant 96 : i32
    %mul3A_19 = arith.muli %mul3A_17, %mul3A_18 : i32
    %dma_wait3A = tpu.memref_slice %arg5[%mul3A_19] : memref<1632xi32, #tpu.memory_space<vmem>> -> memref<96xi32, #tpu.memory_space<vmem>>
    %dma_wait3A_20 = arith.constant 0 : i32
    %dma_wait3A_21 = arith.constant 0 : i32
    %dma_wait3A_22 = tpu.memref_slice %arg2[%dma_wait3A_20, %dma_wait3A_21] : memref<100000x128xf32, #tpu.memory_space<hbm>> -> memref<100000x128xf32, #tpu.memory_space<hbm>>
    tpu.wait_indirect_dma semaphore(%arg10 : memref<!tpu.dma_semaphore, #tpu.memory_space<semaphore_mem>>) src(%dma_wait3A_22 : memref<100000x128xf32, #tpu.memory_space<hbm>>) dst(%arg6 : memref<96x128xf32, #tpu.memory_space<vmem>>)
    %mul3A_23 = arith.constant 16 : i32
    %mul3A_24 = arith.constant 96 : i32
    %mul3A_25 = arith.muli %mul3A_23, %mul3A_24 : i32
    %add3A_26 = arith.addi %mul3A_2, %mul3A_25 : i32
    %dma_start3A_27 = arith.constant 0 : i32
    %dma_start3A_28 = tpu.memref_slice %arg4[%add3A_26, %dma_start3A_27] : memref<52224x128xf32, #tpu.memory_space<hbm>> -> memref<96x128xf32, #tpu.memory_space<hbm>>
    %dma_start3A_29 = arith.constant 0 : i32
    %dma_start3A_30 = tpu.memref_slice %arg4[%add3A_26, %dma_start3A_29] : memref<52224x128xf32, #tpu.memory_space<hbm>> -> memref<96x128xf32, #tpu.memory_space<hbm>>
    tpu.enqueue_dma source(%arg6 : memref<96x128xf32, #tpu.memory_space<vmem>>) target(%dma_start3A_30 : memref<96x128xf32, #tpu.memory_space<hbm>>) target_semaphore(%arg14 : memref<!tpu.dma_semaphore, #tpu.memory_space<semaphore_mem>>)
    %add3A_31 = arith.constant 16 : i32
    %add3A_32 = arith.constant 2 : i32
    %add3A_33 = arith.addi %add3A_31, %add3A_32 : i32
    %lt3A = arith.constant 17 : i32
    %lt3A_34 = arith.cmpi slt, %add3A_33, %lt3A : i32
    %convert_element_type3A = arith.extui %lt3A_34 : i1 to i32
    %cond3A = arith.constant 16 : i32
    %cond3A_35 = arith.constant 0 : i32
    %cond3A_36 = arith.cmpi ne, %convert_element_type3A, %cond3A_35 : i32
    scf.if %cond3A_36 {
      %ge3A = arith.constant 2 : i32
      %ge3A_69 = arith.cmpi sge, %cond3A, %ge3A : i32
      %convert_element_type3A_70 = arith.extui %ge3A_69 : i1 to i32
      %cond3A_71 = arith.constant 0 : i32
      %cond3A_72 = arith.cmpi ne, %convert_element_type3A_70, %cond3A_71 : i32
      scf.if %cond3A_72 {
        %sub3A = arith.constant 2 : i32
        %sub3A_81 = arith.subi %cond3A, %sub3A : i32
        %mul3A_82 = arith.constant 96 : i32
        %mul3A_83 = arith.muli %sub3A_81, %mul3A_82 : i32
        %add3A_84 = arith.addi %mul3A_2, %mul3A_83 : i32
        %dma_wait3A_85 = arith.constant 0 : i32
        %dma_wait3A_86 = tpu.memref_slice %arg4[%add3A_84, %dma_wait3A_85] : memref<52224x128xf32, #tpu.memory_space<hbm>> -> memref<96x128xf32, #tpu.memory_space<hbm>>
        %dma_wait3A_87 = arith.constant 0 : i32
        %dma_wait3A_88 = tpu.memref_slice %arg4[%add3A_84, %dma_wait3A_87] : memref<52224x128xf32, #tpu.memory_space<hbm>> -> memref<96x128xf32, #tpu.memory_space<hbm>>
        tpu.wait_dma2 semaphore(%arg16 : memref<!tpu.dma_semaphore, #tpu.memory_space<semaphore_mem>>) src(%arg8 : memref<96x128xf32, #tpu.memory_space<vmem>>) dst(%dma_wait3A_88 : memref<96x128xf32, #tpu.memory_space<hbm>>)
      } else {
      }
      %add3A_73 = arith.constant 2 : i32
      %add3A_74 = arith.addi %cond3A, %add3A_73 : i32
      %mul3A_75 = arith.constant 96 : i32
      %mul3A_76 = arith.muli %add3A_74, %mul3A_75 : i32
      %dma_start3A_77 = tpu.memref_slice %arg5[%mul3A_76] : memref<1632xi32, #tpu.memory_space<vmem>> -> memref<96xi32, #tpu.memory_space<vmem>>
      %dma_start3A_78 = arith.constant 0 : i32
      %dma_start3A_79 = arith.constant 0 : i32
      %dma_start3A_80 = tpu.memref_slice %arg2[%dma_start3A_78, %dma_start3A_79] : memref<100000x128xf32, #tpu.memory_space<hbm>> -> memref<100000x128xf32, #tpu.memory_space<hbm>>
      tpu.enqueue_indirect_dma source(%dma_start3A_80 : memref<100000x128xf32, #tpu.memory_space<hbm>>) target(%arg8 : memref<96x128xf32, #tpu.memory_space<vmem>>) offsets(%dma_start3A_77 : memref<96xi32, #tpu.memory_space<vmem>>) semaphore(%arg12 : memref<!tpu.dma_semaphore, #tpu.memory_space<semaphore_mem>>)
    } else {
    }
    %mul3A_37 = arith.constant 13 : i32
    %mul3A_38 = arith.constant 96 : i32
    %mul3A_39 = arith.muli %mul3A_37, %mul3A_38 : i32
    %add3A_40 = arith.addi %mul3A_2, %mul3A_39 : i32
    %dma_wait3A_41 = arith.constant 0 : i32
    %dma_wait3A_42 = tpu.memref_slice %arg4[%add3A_40, %dma_wait3A_41] : memref<52224x128xf32, #tpu.memory_space<hbm>> -> memref<96x128xf32, #tpu.memory_space<hbm>>
    %dma_wait3A_43 = arith.constant 0 : i32
    %dma_wait3A_44 = tpu.memref_slice %arg4[%add3A_40, %dma_wait3A_43] : memref<52224x128xf32, #tpu.memory_space<hbm>> -> memref<96x128xf32, #tpu.memory_space<hbm>>
    tpu.wait_dma2 semaphore(%arg15 : memref<!tpu.dma_semaphore, #tpu.memory_space<semaphore_mem>>) src(%arg7 : memref<96x128xf32, #tpu.memory_space<vmem>>) dst(%dma_wait3A_44 : memref<96x128xf32, #tpu.memory_space<hbm>>)
    %mul3A_45 = arith.constant 14 : i32
    %mul3A_46 = arith.constant 96 : i32
    %mul3A_47 = arith.muli %mul3A_45, %mul3A_46 : i32
    %add3A_48 = arith.addi %mul3A_2, %mul3A_47 : i32
    %dma_wait3A_49 = arith.constant 0 : i32
    %dma_wait3A_50 = tpu.memref_slice %arg4[%add3A_48, %dma_wait3A_49] : memref<52224x128xf32, #tpu.memory_space<hbm>> -> memref<96x128xf32, #tpu.memory_space<hbm>>
    %dma_wait3A_51 = arith.constant 0 : i32
    %dma_wait3A_52 = tpu.memref_slice %arg4[%add3A_48, %dma_wait3A_51] : memref<52224x128xf32, #tpu.memory_space<hbm>> -> memref<96x128xf32, #tpu.memory_space<hbm>>
    tpu.wait_dma2 semaphore(%arg16 : memref<!tpu.dma_semaphore, #tpu.memory_space<semaphore_mem>>) src(%arg8 : memref<96x128xf32, #tpu.memory_space<vmem>>) dst(%dma_wait3A_52 : memref<96x128xf32, #tpu.memory_space<hbm>>)
    %mul3A_53 = arith.constant 15 : i32
    %mul3A_54 = arith.constant 96 : i32
    %mul3A_55 = arith.muli %mul3A_53, %mul3A_54 : i32
    %add3A_56 = arith.addi %mul3A_2, %mul3A_55 : i32
    %dma_wait3A_57 = arith.constant 0 : i32
    %dma_wait3A_58 = tpu.memref_slice %arg4[%add3A_56, %dma_wait3A_57] : memref<52224x128xf32, #tpu.memory_space<hbm>> -> memref<96x128xf32, #tpu.memory_space<hbm>>
    %dma_wait3A_59 = arith.constant 0 : i32
    %dma_wait3A_60 = tpu.memref_slice %arg4[%add3A_56, %dma_wait3A_59] : memref<52224x128xf32, #tpu.memory_space<hbm>> -> memref<96x128xf32, #tpu.memory_space<hbm>>
    tpu.wait_dma2 semaphore(%arg17 : memref<!tpu.dma_semaphore, #tpu.memory_space<semaphore_mem>>) src(%arg9 : memref<96x128xf32, #tpu.memory_space<vmem>>) dst(%dma_wait3A_60 : memref<96x128xf32, #tpu.memory_space<hbm>>)
    %mul3A_61 = arith.constant 16 : i32
    %mul3A_62 = arith.constant 96 : i32
    %mul3A_63 = arith.muli %mul3A_61, %mul3A_62 : i32
    %add3A_64 = arith.addi %mul3A_2, %mul3A_63 : i32
    %dma_wait3A_65 = arith.constant 0 : i32
    %dma_wait3A_66 = tpu.memref_slice %arg4[%add3A_64, %dma_wait3A_65] : memref<52224x128xf32, #tpu.memory_space<hbm>> -> memref<96x128xf32, #tpu.memory_space<hbm>>
    %dma_wait3A_67 = arith.constant 0 : i32
    %dma_wait3A_68 = tpu.memref_slice %arg4[%add3A_64, %dma_wait3A_67] : memref<52224x128xf32, #tpu.memory_space<hbm>> -> memref<96x128xf32, #tpu.memory_space<hbm>>
    tpu.wait_dma2 semaphore(%arg14 : memref<!tpu.dma_semaphore, #tpu.memory_space<semaphore_mem>>) src(%arg6 : memref<96x128xf32, #tpu.memory_space<vmem>>) dst(%dma_wait3A_68 : memref<96x128xf32, #tpu.memory_space<hbm>>)
    return
  }
}

module attributes {stable_mosaic.version = 14 : i64} {
  func.func @_tc_enc_body(%arg0: i32, %arg1: memref<6400x128xf32, #tpu.memory_space<vmem>>, %arg2: memref<128x128xf32, #tpu.memory_space<vmem>>, %arg3: memref<128x256xf32, #tpu.memory_space<vmem>>, %arg4: memref<128x256xf32, #tpu.memory_space<vmem>>, %arg5: memref<1x256xf32, #tpu.memory_space<vmem>>, %arg6: memref<256x128xf32, #tpu.memory_space<vmem>>, %arg7: memref<1x128xf32, #tpu.memory_space<vmem>>, %arg8: memref<1x256xf32, #tpu.memory_space<vmem>>, %arg9: memref<1x1xf32, #tpu.memory_space<vmem>>, %arg10: memref<128x128xf32, #tpu.memory_space<vmem>>, %arg11: memref<128x1xf32, #tpu.memory_space<vmem>>) attributes {dimension_semantics = [#tpu.dimension_semantics<arbitrary>], iteration_bounds = array<i64: 8>, scalar_prefetch = 0 : i64, scratch_operands = 0 : i64, tpu.core_type = #tpu.core_type<tc>, window_params = [{transform_indices = @transform_0, window_bounds = array<i64: 6400, 128>}, {transform_indices = @transform_1, window_bounds = array<i64: 128, 128>}, {pipeline_mode = #tpu.pipeline_mode<synchronous>, transform_indices = @transform_2, window_bounds = array<i64: 128, 256>}, {pipeline_mode = #tpu.pipeline_mode<synchronous>, transform_indices = @transform_3, window_bounds = array<i64: 128, 256>}, {pipeline_mode = #tpu.pipeline_mode<synchronous>, transform_indices = @transform_4, window_bounds = array<i64: 1, 256>}, {pipeline_mode = #tpu.pipeline_mode<synchronous>, transform_indices = @transform_5, window_bounds = array<i64: 256, 128>}, {pipeline_mode = #tpu.pipeline_mode<synchronous>, transform_indices = @transform_6, window_bounds = array<i64: 1, 128>}, {pipeline_mode = #tpu.pipeline_mode<synchronous>, transform_indices = @transform_7, window_bounds = array<i64: 1, 256>}, {pipeline_mode = #tpu.pipeline_mode<synchronous>, transform_indices = @transform_8, window_bounds = array<i64: 1, 1>}, {transform_indices = @transform_9, window_bounds = array<i64: 128, 128>}, {transform_indices = @transform_10, window_bounds = array<i64: 128, 1>}]} {
    %get3A = arith.constant 0 : index
    %get3A_0 = arith.constant 0 : index
    %get3A_1 = vector.load %arg1[%get3A, %get3A_0] : memref<6400x128xf32, #tpu.memory_space<vmem>>, vector<6400x128xf32>
    %get3A_2 = arith.constant 0 : index
    %get3A_3 = arith.constant 0 : index
    %get3A_4 = vector.load %arg2[%get3A_2, %get3A_3] : memref<128x128xf32, #tpu.memory_space<vmem>>, vector<128x128xf32>
    %get3A_5 = arith.constant 0 : index
    %get3A_6 = arith.constant 0 : index
    %get3A_7 = vector.load %arg4[%get3A_5, %get3A_6] : memref<128x256xf32, #tpu.memory_space<vmem>>, vector<128x256xf32>
    %dot_general3A = arith.constant dense<0.000000e+00> : vector<6400x256xf32>
    %dot_general3A_8 = tpu.matmul %get3A_1, %get3A_7, %dot_general3A {dimension_numbers = #tpu.dot_dimension_numbers<[1], [0], [0], [1], [0, 0, 1, 1], [], []>, transpose_lhs_hint = false} : vector<6400x128xf32>, vector<128x256xf32>, vector<6400x256xf32> -> vector<6400x256xf32>
    %get3A_9 = arith.constant 0 : index
    %get3A_10 = arith.constant 0 : index
    %get3A_11 = vector.load %arg3[%get3A_9, %get3A_10] : memref<128x256xf32, #tpu.memory_space<vmem>>, vector<128x256xf32>
    %dot_general3A_12 = arith.constant dense<0.000000e+00> : vector<128x256xf32>
    %dot_general3A_13 = tpu.matmul %get3A_4, %get3A_11, %dot_general3A_12 {dimension_numbers = #tpu.dot_dimension_numbers<[1], [0], [0], [1], [0, 0, 1, 1], [], []>, transpose_lhs_hint = false} : vector<128x128xf32>, vector<128x256xf32>, vector<128x256xf32> -> vector<128x256xf32>
    %get3A_14 = arith.constant 0 : index
    %get3A_15 = arith.constant 0 : index
    %get3A_16 = vector.load %arg5[%get3A_14, %get3A_15] : memref<1x256xf32, #tpu.memory_space<vmem>>, vector<1x256xf32>
    %add3A = vector.broadcast %get3A_16 : vector<1x256xf32> to vector<128x256xf32>
    %add3A_17 = arith.addf %dot_general3A_13, %add3A : vector<128x256xf32>
    %reshape3A = vector.shape_cast %dot_general3A_8 : vector<6400x256xf32> to vector<128x50x256xf32>
    %broadcast_in_dim3A = vector.shape_cast %add3A_17 : vector<128x256xf32> to vector<128x1x256xf32>
    %add3A_18 = vector.broadcast %broadcast_in_dim3A : vector<128x1x256xf32> to vector<128x50x256xf32>
    %add3A_19 = arith.addf %reshape3A, %add3A_18 : vector<128x50x256xf32>
    %max3A = arith.constant 0.000000e+00 : f32
    %max3A_20 = vector.broadcast %max3A : f32 to vector<128x50x256xf32>
    %max3A_21 = arith.maximumf %add3A_19, %max3A_20 : vector<128x50x256xf32>
    %reduce_sum3A = arith.constant dense<0.000000e+00> : vector<128x256xf32>
    %reduce_sum3A_22 = vector.multi_reduction <add>, %max3A_21, %reduce_sum3A [1] : vector<128x50x256xf32> to vector<128x256xf32>
    %mul3A = arith.constant 2.000000e-02 : f32
    %mul3A_23 = vector.broadcast %mul3A : f32 to vector<128x256xf32>
    %mul3A_24 = arith.mulf %reduce_sum3A_22, %mul3A_23 : vector<128x256xf32>
    %get3A_25 = arith.constant 0 : index
    %get3A_26 = arith.constant 0 : index
    %get3A_27 = vector.load %arg6[%get3A_25, %get3A_26] : memref<256x128xf32, #tpu.memory_space<vmem>>, vector<256x128xf32>
    %dot_general3A_28 = arith.constant dense<0.000000e+00> : vector<128x128xf32>
    %dot_general3A_29 = tpu.matmul %mul3A_24, %get3A_27, %dot_general3A_28 {dimension_numbers = #tpu.dot_dimension_numbers<[1], [0], [0], [1], [0, 0, 1, 1], [], []>, transpose_lhs_hint = false} : vector<128x256xf32>, vector<256x128xf32>, vector<128x128xf32> -> vector<128x128xf32>
    %get3A_30 = arith.constant 0 : index
    %get3A_31 = arith.constant 0 : index
    %get3A_32 = vector.load %arg7[%get3A_30, %get3A_31] : memref<1x128xf32, #tpu.memory_space<vmem>>, vector<1x128xf32>
    %add3A_33 = vector.broadcast %get3A_32 : vector<1x128xf32> to vector<128x128xf32>
    %add3A_34 = arith.addf %dot_general3A_29, %add3A_33 : vector<128x128xf32>
    %swap3A = arith.constant 0 : index
    %swap3A_35 = arith.constant 0 : index
    %swap3A_36 = vector.load %arg10[%swap3A, %swap3A_35] : memref<128x128xf32, #tpu.memory_space<vmem>>, vector<128x128xf32>
    tpu.vector_store %arg10[%swap3A, %swap3A_35], %add3A_34 {strides = array<i32>} : memref<128x128xf32, #tpu.memory_space<vmem>>, vector<128x128xf32>,
    %get3A_37 = arith.constant 0 : index
    %get3A_38 = arith.constant 0 : index
    %get3A_39 = vector.load %arg8[%get3A_37, %get3A_38] : memref<1x256xf32, #tpu.memory_space<vmem>>, vector<1x256xf32>
    %mul3A_40 = vector.broadcast %get3A_39 : vector<1x256xf32> to vector<128x256xf32>
    %mul3A_41 = arith.mulf %mul3A_24, %mul3A_40 : vector<128x256xf32>
    %reduce_sum3A_42 = arith.constant dense<0.000000e+00> : vector<128xf32>
    %reduce_sum3A_43 = vector.multi_reduction <add>, %mul3A_41, %reduce_sum3A_42 [1] : vector<128x256xf32> to vector<128xf32>
    %broadcast_in_dim3A_44 = vector.shape_cast %reduce_sum3A_43 : vector<128xf32> to vector<128x1xf32>
    %get3A_45 = arith.constant 0 : index
    %get3A_46 = arith.constant 0 : index
    %get3A_47 = vector.load %arg9[%get3A_45, %get3A_46] : memref<1x1xf32, #tpu.memory_space<vmem>>, vector<1x1xf32>
    %get3A_48 = vector.extract %get3A_47[0, 0] : f32 from vector<1x1xf32>
    %add3A_49 = vector.broadcast %get3A_48 : f32 to vector<128x1xf32>
    %add3A_50 = arith.addf %broadcast_in_dim3A_44, %add3A_49 : vector<128x1xf32>
    %swap3A_51 = arith.constant 0 : index
    %swap3A_52 = arith.constant 0 : index
    %swap3A_53 = vector.load %arg11[%swap3A_51, %swap3A_52] : memref<128x1xf32, #tpu.memory_space<vmem>>, vector<128x1xf32>
    tpu.vector_store %arg11[%swap3A_51, %swap3A_52], %add3A_50 {strides = array<i32>} : memref<128x1xf32, #tpu.memory_space<vmem>>, vector<128x1xf32>,
    return
  }
  func.func @transform_0(%arg0: i32) -> (i32, i32) {
    %c0_i32 = arith.constant 0 : i32
    %c0_i32_0 = arith.constant 0 : i32
    return %arg0, %c0_i32 : i32, i32
  }
  func.func @transform_1(%arg0: i32) -> (i32, i32) {
    %add3A = arith.constant 400 : i32
    %add3A_0 = arith.addi %add3A, %arg0 : i32
    %c0_i32 = arith.constant 0 : i32
    %c0_i32_1 = arith.constant 0 : i32
    return %add3A_0, %c0_i32 : i32, i32
  }
  func.func @transform_2(%arg0: i32) -> (i32, i32) {
    %c0_i32 = arith.constant 0 : i32
    %c0_i32_0 = arith.constant 0 : i32
    %c0_i32_1 = arith.constant 0 : i32
    return %c0_i32, %c0_i32_0 : i32, i32
  }
  func.func @transform_3(%arg0: i32) -> (i32, i32) {
    %c0_i32 = arith.constant 0 : i32
    %c0_i32_0 = arith.constant 0 : i32
    %c0_i32_1 = arith.constant 0 : i32
    return %c0_i32, %c0_i32_0 : i32, i32
  }
  func.func @transform_4(%arg0: i32) -> (i32, i32) {
    %c0_i32 = arith.constant 0 : i32
    %c0_i32_0 = arith.constant 0 : i32
    %c0_i32_1 = arith.constant 0 : i32
    return %c0_i32, %c0_i32_0 : i32, i32
  }
  func.func @transform_5(%arg0: i32) -> (i32, i32) {
    %c0_i32 = arith.constant 0 : i32
    %c0_i32_0 = arith.constant 0 : i32
    %c0_i32_1 = arith.constant 0 : i32
    return %c0_i32, %c0_i32_0 : i32, i32
  }
  func.func @transform_6(%arg0: i32) -> (i32, i32) {
    %c0_i32 = arith.constant 0 : i32
    %c0_i32_0 = arith.constant 0 : i32
    %c0_i32_1 = arith.constant 0 : i32
    return %c0_i32, %c0_i32_0 : i32, i32
  }
  func.func @transform_7(%arg0: i32) -> (i32, i32) {
    %c0_i32 = arith.constant 0 : i32
    %c0_i32_0 = arith.constant 0 : i32
    %c0_i32_1 = arith.constant 0 : i32
    return %c0_i32, %c0_i32_0 : i32, i32
  }
  func.func @transform_8(%arg0: i32) -> (i32, i32) {
    %c0_i32 = arith.constant 0 : i32
    %c0_i32_0 = arith.constant 0 : i32
    %c0_i32_1 = arith.constant 0 : i32
    return %c0_i32, %c0_i32_0 : i32, i32
  }
  func.func @transform_9(%arg0: i32) -> (i32, i32) {
    %c0_i32 = arith.constant 0 : i32
    %c0_i32_0 = arith.constant 0 : i32
    return %arg0, %c0_i32 : i32, i32
  }
  func.func @transform_10(%arg0: i32) -> (i32, i32) {
    %c0_i32 = arith.constant 0 : i32
    %c0_i32_0 = arith.constant 0 : i32
    return %arg0, %c0_i32 : i32, i32
  }
}

module attributes {stable_mosaic.version = 14 : i64} {
  func.func @_tc_kl_body(%arg0: i32, %arg1: memref<1x1x128xi32, #tpu.memory_space<vmem>>, %arg2: memref<2560x128xf32, #tpu.memory_space<vmem>>, %arg3: memref<2560x128xf32, #tpu.memory_space<vmem>>, %arg4: memref<128x128xf32, #tpu.memory_space<vmem>>, %arg5: memref<128x1xf32, #tpu.memory_space<vmem>>, %arg6: memref<128x20xf32, #tpu.memory_space<vmem>>) attributes {dimension_semantics = [#tpu.dimension_semantics<arbitrary>], iteration_bounds = array<i64: 8>, scalar_prefetch = 0 : i64, scratch_operands = 0 : i64, tpu.core_type = #tpu.core_type<tc>, window_params = [{transform_indices = @transform_0, window_bounds = array<i64: 1, 1, 128>}, {transform_indices = @transform_1, window_bounds = array<i64: 2560, 128>}, {transform_indices = @transform_2, window_bounds = array<i64: 2560, 128>}, {transform_indices = @transform_3, window_bounds = array<i64: 128, 128>}, {transform_indices = @transform_4, window_bounds = array<i64: 128, 1>}, {transform_indices = @transform_5, window_bounds = array<i64: 128, 20>}]} {
    %get3A = arith.constant 0 : index
    %get3A_0 = arith.constant 0 : index
    %get3A_1 = vector.load %arg2[%get3A, %get3A_0] : memref<2560x128xf32, #tpu.memory_space<vmem>>, vector<2560x128xf32>
    %reshape3A = vector.shape_cast %get3A_1 : vector<2560x128xf32> to vector<128x20x128xf32>
    %get3A_2 = arith.constant 0 : index
    %get3A_3 = arith.constant 0 : index
    %get3A_4 = vector.load %arg3[%get3A_2, %get3A_3] : memref<2560x128xf32, #tpu.memory_space<vmem>>, vector<2560x128xf32>
    %reshape3A_5 = vector.shape_cast %get3A_4 : vector<2560x128xf32> to vector<128x20x128xf32>
    %get3A_6 = arith.constant 0 : index
    %get3A_7 = arith.constant 0 : index
    %get3A_8 = vector.load %arg5[%get3A_6, %get3A_7] : memref<128x1xf32, #tpu.memory_space<vmem>>, vector<128x1xf32>
    %squeeze3A = vector.shape_cast %get3A_8 : vector<128x1xf32> to vector<128xf32>
    %get3A_9 = arith.constant 0 : index
    %get3A_10 = arith.constant 0 : index
    %get3A_11 = vector.load %arg4[%get3A_9, %get3A_10] : memref<128x128xf32, #tpu.memory_space<vmem>>, vector<128x128xf32>
    %mul3A = arith.constant 5.000000e+00 : f32
    %mul3A_12 = vector.broadcast %mul3A : f32 to vector<128x128xf32>
    %mul3A_13 = arith.mulf %get3A_11, %mul3A_12 : vector<128x128xf32>
    %mul3A_14 = arith.constant 2.000000e+00 : f32
    %mul3A_15 = vector.broadcast %mul3A_14 : f32 to vector<128xf32>
    %mul3A_16 = arith.mulf %mul3A_15, %squeeze3A : vector<128xf32>
    %exp3A = math.exp %mul3A_16 : vector<128xf32>
    %mul3A_17 = arith.constant 2.500000e+01 : f32
    %mul3A_18 = vector.broadcast %mul3A_17 : f32 to vector<128xf32>
    %mul3A_19 = arith.mulf %exp3A, %mul3A_18 : vector<128xf32>
    %broadcast_in_dim3A = vector.shape_cast %mul3A_19 : vector<128xf32> to vector<128x1x1xf32>
    %broadcast_in_dim3A_20 = vector.shape_cast %mul3A_13 : vector<128x128xf32> to vector<128x1x128xf32>
    %sub3A = vector.broadcast %broadcast_in_dim3A_20 : vector<128x1x128xf32> to vector<128x20x128xf32>
    %sub3A_21 = arith.subf %sub3A, %reshape3A : vector<128x20x128xf32>
    %log3A = math.log %reshape3A_5 : vector<128x20x128xf32>
    %mul3A_22 = arith.mulf %sub3A_21, %sub3A_21 : vector<128x20x128xf32>
    %add3A = vector.broadcast %broadcast_in_dim3A : vector<128x1x1xf32> to vector<128x20x128xf32>
    %add3A_23 = arith.addf %add3A, %mul3A_22 : vector<128x20x128xf32>
    %mul3A_24 = arith.constant 5.000000e-01 : f32
    %mul3A_25 = vector.broadcast %mul3A_24 : f32 to vector<128x20x128xf32>
    %mul3A_26 = arith.mulf %add3A_23, %mul3A_25 : vector<128x20x128xf32>
    %mul3A_27 = arith.mulf %reshape3A_5, %reshape3A_5 : vector<128x20x128xf32>
    %div3A = arith.divf %mul3A_26, %mul3A_27 : vector<128x20x128xf32>
    %add3A_28 = arith.addf %log3A, %div3A : vector<128x20x128xf32>
    %reduce_sum3A = arith.constant dense<0.000000e+00> : vector<128x20xf32>
    %reduce_sum3A_29 = vector.multi_reduction <add>, %add3A_28, %reduce_sum3A [2] : vector<128x20x128xf32> to vector<128x20xf32>
    %log3A_30 = arith.constant 5.000000e+00 : f32
    %log3A_31 = math.log %log3A_30 : f32
    %add3A_32 = arith.constant 5.000000e-01 : f32
    %add3A_33 = arith.addf %log3A_31, %add3A_32 : f32
    %mul3A_34 = arith.constant 1.280000e+02 : f32
    %mul3A_35 = arith.mulf %mul3A_34, %add3A_33 : f32
    %mul3A_36 = arith.constant 1.280000e+02 : f32
    %mul3A_37 = vector.broadcast %mul3A_36 : f32 to vector<128xf32>
    %mul3A_38 = arith.mulf %mul3A_37, %squeeze3A : vector<128xf32>
    %add3A_39 = vector.broadcast %mul3A_35 : f32 to vector<128xf32>
    %add3A_40 = arith.addf %add3A_39, %mul3A_38 : vector<128xf32>
    %broadcast_in_dim3A_41 = vector.shape_cast %add3A_40 : vector<128xf32> to vector<128x1xf32>
    %sub3A_42 = vector.broadcast %broadcast_in_dim3A_41 : vector<128x1xf32> to vector<128x20xf32>
    %sub3A_43 = arith.subf %reduce_sum3A_29, %sub3A_42 : vector<128x20xf32>
    %get3A_44 = arith.constant 0 : index
    %get3A_45 = arith.constant 0 : index
    %get3A_46 = arith.constant 0 : index
    %get3A_47 = vector.load %arg1[%get3A_44, %get3A_45, %get3A_46] : memref<1x1x128xi32, #tpu.memory_space<vmem>>, vector<1x1x128xi32>
    %get3A_48 = vector.shape_cast %get3A_47 : vector<1x1x128xi32> to vector<128xi32>
    %iota3A = tpu.iota {dimensions = array<i32: 1>} : vector<128x20xi32>
    %broadcast_in_dim3A_49 = vector.shape_cast %get3A_48 : vector<128xi32> to vector<128x1xi32>
    %ge3A = vector.broadcast %broadcast_in_dim3A_49 : vector<128x1xi32> to vector<128x20xi32>
    %ge3A_50 = arith.cmpi sge, %iota3A, %ge3A : vector<128x20xi32>
    %jit3A = arith.constant 0xFF800000 : f32
    %broadcast_in_dim3A_51 = vector.broadcast %jit3A : f32 to vector<128x20xf32>
    %select_n3A = arith.select %ge3A_50, %broadcast_in_dim3A_51, %sub3A_43 : vector<128x20xi1>, vector<128x20xf32>
    %swap3A = arith.constant 0 : index
    %swap3A_52 = arith.constant 0 : index
    %swap3A_53 = vector.load %arg6[%swap3A, %swap3A_52] : memref<128x20xf32, #tpu.memory_space<vmem>>, vector<128x20xf32>
    tpu.vector_store %arg6[%swap3A, %swap3A_52], %select_n3A {strides = array<i32>} : memref<128x20xf32, #tpu.memory_space<vmem>>, vector<128x20xf32>,
    return
  }
  func.func @transform_0(%arg0: i32) -> (i32, i32, i32) {
    %c0_i32 = arith.constant 0 : i32
    %c0_i32_0 = arith.constant 0 : i32
    %c0_i32_1 = arith.constant 0 : i32
    return %arg0, %c0_i32, %c0_i32_0 : i32, i32, i32
  }
  func.func @transform_1(%arg0: i32) -> (i32, i32) {
    %c0_i32 = arith.constant 0 : i32
    %c0_i32_0 = arith.constant 0 : i32
    return %arg0, %c0_i32 : i32, i32
  }
  func.func @transform_2(%arg0: i32) -> (i32, i32) {
    %c0_i32 = arith.constant 0 : i32
    %c0_i32_0 = arith.constant 0 : i32
    return %arg0, %c0_i32 : i32, i32
  }
  func.func @transform_3(%arg0: i32) -> (i32, i32) {
    %c0_i32 = arith.constant 0 : i32
    %c0_i32_0 = arith.constant 0 : i32
    return %arg0, %c0_i32 : i32, i32
  }
  func.func @transform_4(%arg0: i32) -> (i32, i32) {
    %c0_i32 = arith.constant 0 : i32
    %c0_i32_0 = arith.constant 0 : i32
    return %arg0, %c0_i32 : i32, i32
  }
  func.func @transform_5(%arg0: i32) -> (i32, i32) {
    %c0_i32 = arith.constant 0 : i32
    %c0_i32_0 = arith.constant 0 : i32
    return %arg0, %c0_i32 : i32, i32
  }
}

</mosaic_0001>

<sc_bundles>
// kernel: kernel.6.cloned.1.call-start
scs
__scs_entry_jumppad:
0x0: {  	(pc) =	sbr.rel $0x88, $3  }
0x1: {  	(tag) =	ssettag $0x0;
	lr =	simm.s32 $0x1  }
0x2: {  	[smem:$0x3F93] =	sst lr;
	_ =	strace $0xD0000000  }
0x3: {  	_ = 	snop  }
0x4: {  	_ = 	snop  }
0x5: {  	_ = 	snop  }
0x6: {  	_ = 	snop  }
0x7: {  	_ = 	snop  }
__scs_overlays_trampoline_lowered:
0x8: {  	[smem:$0x3FA2] =	sst s0  }
0x9: {  	[smem:$0x3FA3] =	sst s1  }
0xa: {  	[smem:$0x3FA4] =	sst s2  }
0xb: {  	[smem:$0x3FA5] =	sst s3  }
0xc: {  	[smem:$0x3FA6] =	sst s4  }
0xd: {  	[smem:$0x3FA7] =	sst s5  }
0xe: {  	[smem:$0x3FA8] =	sst s6  }
0xf: {  	[smem:$0x3FA9] =	sst s7  }
0x10: {  	[smem:$0x3FAA] =	sst s8  }
0x11: {  	[smem:$0x3FAB] =	sst s9;
	s0 =	simm.s32 @!p0 $0x0  }
0x12: {  	s1 =	sld [smem:$0x3F91];
	s0 =	simm.s32 @p0 $0x1  }
0x13: {  	[smem:$0x3FAC] =	sst s0;
	s0 =	simm.s32 @!p1 $0x0  }
0x14: {  	s2 =	sld [smem:$0x3F90];
	s0 =	simm.s32 @p1 $0x1  }
0x15: {  	[smem:$0x3FAD] =	sst s0;
	s0 =	simm.s32 @!p2 $0x0  }
0x16: {  	s3 =	sld [smem:$0x3FDB];
	s0 =	simm.s32 @p2 $0x1  }
0x17: {  	s4 =	simm.s32 $0x1BF5;
	[smem:$0x3FAF] =	sst s0  }
0x18: {  	s0 =	sld [smem:$0x3F92];
	_ =	swait.ge [sflag:s4], $0x0  }
0x19: {  	s7 =	sld [smem:$0x3F93]  }
0x1a: {  	s8 =	sadd.s32 $0xFFFFE003, lr  }
0x1b: {  	s9 =	sadd.s32 $0xFFFFFEF7, lr;
	s5 =	simm.s32 $0xFFFFFFFF;
	p2 =	slt.u32 s8, $0xFFFFF086  }
0x1c: {  	p1 =	slt.u32 s9, $0xF7A;
	s5 =	simm.s32 @!p2 $0x0  }
0x1d: {  	s5 =	simm.s32 @p1 $0x1;
	p0 =	seq.s32 s7, s2  }
0x1e: {  	s7 =	smul.u32 @!p0 $0xF7A, s2;
	p2 =	seq.s32 @!p0 s5, $0x0  }
0x1f: {  	s9 =	smul.u32 $0xF7A, s1;
	s8 =	simm.s32 @!p0 $0x1BF5;
	p2 =	por !p2, p0  }
0x20: {  	[sflag:s8] =	ssyncset.s32 @!p0 $0xFFFFF086;
	s6 =	sadd.s32 @!p0 s3, s7;
	s7 =	simm.s32 @!p0 $0x108  }
0x21: {  	s3 =	sadd.s32 s3, s9;
	s6 =	sadd.s32 @!p0 $0x88, s6;
	s7 =	simm.s32 @p2 $0x1082  }
0x22: {  	[simem:s7], [sflag:s8] =	dma.local @!p0 [hbm:s6], $0xF7A  }
0x23: {  	s9 =	sor.u32 $0xD0000000, s2;
	s6 =	simm.s32 $0x108;
	_ =	swait.ge @!p0 [sflag:s8], $0x0  }
0x24: {  	s3 =	sadd.s32 $0x88, s3;
	s6 =	simm.s32 @!p1 $0x1082;
	[sflag:s4] =	ssyncset.s32 $0xFFFFF086  }
0x25: {  	[simem:s6], [sflag:s4] =	dma.local [hbm:s3], $0xF7A  }
0x26: {  	[smem:$0x3F93] =	sst s1;
	(tag) =	ssettag s2;
	_ =	strace s9  }
0x27: {  	s1 =	sld [smem:$0x3FA3]  }
0x28: {  	s2 =	sld [smem:$0x3FA4]  }
0x29: {  	s4 =	sld [smem:$0x3FA6]  }
0x2a: {  	p0 =	seq.s32 s5, $0x0;
	s5 =	sld [smem:$0x3FA7]  }
0x2b: {  	s6 =	sld [smem:$0x3FA8]  }
0x2c: {  	s7 =	sld [smem:$0x3FA9]  }
0x2d: {  	s3 =	simm.s32 $0x108;
	s8 =	sld [smem:$0x3FAA]  }
0x2e: {  	s3 =	simm.s32 @!p0 $0x1082;
	s9 =	sld [smem:$0x3FAB]  }
0x2f: {  	lr =	sadd.s32 s0, s3;
	s0 =	sld [smem:$0x3FA2]  }
0x30: {  	s3 =	sld [smem:$0x3FA5]  }
0x31: {  	[smem:$0x3FAE] =	sst s10  }
0x32: {  	s10 =	sld [smem:$0x3FAC];
	_ =	sdelay $0x3  }
0x33: {  	p0 =	seq.s32 s10, $0x1;
	s10 =	sld [smem:$0x3FAE];
	_ =	sdelay $0x3  }
0x34: {  	[smem:$0x3FAE] =	sst s10  }
0x35: {  	s10 =	sld [smem:$0x3FAD];
	_ =	sdelay $0x3  }
0x36: {  	p1 =	seq.s32 s10, $0x1;
	s10 =	sld [smem:$0x3FAE];
	_ =	sdelay $0x3  }
0x37: {  	[smem:$0x3FAE] =	sst s10  }
0x38: {  	s10 =	sld [smem:$0x3FAF]  }
0x39: {  	_ = 	snop;
	(pc) =	sbr.ind lr, $3  }
0x3a: {  	_ = 	snop  }
0x3b: {  	_ = 	snop  }
0x3c: {  	p2 =	seq.s32 s10, $0x1;
	s10 =	sld [smem:$0x3FAE]  }
0x3d: {  	_ =	shalt  }
0x3e: {  	_ =	shalt  }
0x3f: {  	_ =	shalt  }
0x40: {  	_ =	shalt  }
0x41: {  	_ =	shalt  }
0x42: {  	_ =	shalt  }
0x43: {  	_ =	shalt  }
0x44: {  	_ =	shalt  }
0x45: {  	_ =	shalt  }
0x46: {  	_ =	shalt  }
0x47: {  	_ =	shalt  }
0x48: {  	_ =	shalt  }
0x49: {  	_ =	shalt  }
0x4a: {  	_ =	shalt  }
0x4b: {  	_ =	shalt  }
0x4c: {  	_ =	shalt  }
0x4d: {  	_ =	shalt  }
0x4e: {  	_ =	shalt  }
0x4f: {  	_ =	shalt  }
0x50: {  	_ =	shalt  }
0x51: {  	_ =	shalt  }
0x52: {  	_ =	shalt  }
0x53: {  	_ =	shalt  }
0x54: {  	_ =	shalt  }
0x55: {  	_ =	shalt  }
0x56: {  	_ =	shalt  }
0x57: {  	_ =	shalt  }
0x58: {  	_ =	shalt  }
0x59: {  	_ =	shalt  }
0x5a: {  	_ =	shalt  }
0x5b: {  	_ =	shalt  }
0x5c: {  	_ =	shalt  }
0x5d: {  	_ =	shalt  }
0x5e: {  	_ =	shalt  }
0x5f: {  	_ =	shalt  }
0x60: {  	_ =	shalt  }
0x61: {  	_ =	shalt  }
0x62: {  	_ =	shalt  }
0x63: {  	_ =	shalt  }
0x64: {  	_ =	shalt  }
0x65: {  	_ =	shalt  }
0x66: {  	_ =	shalt  }
0x67: {  	_ =	shalt  }
0x68: {  	_ =	shalt  }
0x69: {  	_ =	shalt  }
0x6a: {  	_ =	shalt  }
0x6b: {  	_ =	shalt  }
0x6c: {  	_ =	shalt  }
0x6d: {  	_ =	shalt  }
0x6e: {  	_ =	shalt  }
0x6f: {  	_ =	shalt  }
0x70: {  	_ =	shalt  }
0x71: {  	_ =	shalt  }
0x72: {  	_ =	shalt  }
0x73: {  	_ =	shalt  }
0x74: {  	_ =	shalt  }
0x75: {  	_ =	shalt  }
0x76: {  	_ =	shalt  }
0x77: {  	_ =	shalt  }
0x78: {  	_ =	shalt  }
0x79: {  	_ =	shalt  }
0x7a: {  	_ =	shalt  }
0x7b: {  	_ =	shalt  }
0x7c: {  	_ =	shalt  }
0x7d: {  	_ =	shalt  }
0x7e: {  	_ =	shalt  }
0x7f: {  	_ =	shalt  }
0x80: {  	_ =	shalt  }
0x81: {  	_ =	shalt  }
0x82: {  	_ =	shalt  }
0x83: {  	_ =	shalt  }
0x84: {  	_ =	shalt  }
0x85: {  	_ =	shalt  }
0x86: {  	_ =	shalt  }
0x87: {  	_ =	shalt  }
.Lfunc_end0:
.L_simem_size_0:
called_computation_lowered:
.L_overlay_start_0:
0x88: {  	s2 =	sld [smem:$0x3FD9]  }
0x89: {  	s3 =	sld [smem:$0x3FFE];
	_ =	sdelay $0x1  }
0x8a: {  	s1 =	srdreg.scid  }
0x8b: {  	s0 =	sand.u32 $0x1, s1  }
0x8c: {  	s17 =	sshll.u32 s0, $0xA;
	s2 =	sadd.s32 s3, s2  }
0x8d: {  	s2 =	sadd.s32 s2, s17  }
0x8e: {  	[smem:$0x3FBA] =	sst s2  }
0x8f: {  	_ = 	snop  }
0x90: {  	s2 =	sld [smem:$0x3FC2];
	(tm) =	ssettm $0x1  }
0x91: {  	s18 =	sld [smem:$0x3FFB];
	_ =	sdelay $0x3  }
0x92: {  	_ =	strace s18  }
0x93: {  	s3 =	sld [smem:$0x3FFC];
	_ =	sdelay $0x3  }
0x94: {  	_ =	strace s3  }
0x95: {  	s3 =	sld [smem:$0x3FFD];
	_ =	sdelay $0x3  }
0x96: {  	_ =	strace s3  }
0x97: {  	_ =	strace $0x8FFFFFFF  }
0x98: {  	s19 =	sld [smem:$0x3FDB];
	_ =	sdelay $0x1  }
0x99: {  	s4 =	simm.s32 $_scs_section_size  }
0x9a: {  	s5 =	simm.s32 $_size__tile_overlayer_lowered;
	s6 =	simm.s32 $_tile_overlayer_lowered  }
0x9b: {  	s22 =	simm.s32 $0x1BFF;
	s21 =	sshll.u32 s6, $0x1;
	s3 =	sadd.s32 s4, s19  }
0x9c: {  	s7 =	simm.s32 $0x0;
	s20 =	sshll.u32 s5, $0x1;
	s5 =	sadd.s32 s21, s3  }
0x9d: {  	[timem:s7], [sflag:s22] =	dma.local [hbm:s5], s20  }
0x9e: {  	_ =	swait.ge [sflag:s22], s20  }
0x9f: {  	s4 =	ssub.s32 $0x0, s20;
	[sflag:s22] =	ssyncset.done $0x0  }
0xa0: {  	[sflag:s22] =	ssyncadd.s32 s4;
	_ =	sdelay $0x1  }
0xa1: {  	s23 =	simm.s32 $0x1B8B  }
0xa2: {  	_ =	swait.ge [sflag:s23], $0x1  }
0xa3: {  	[sflag:s23] =	ssyncset.done $0x0  }
0xa4: {  	s25 =	simm.s32 $0x1B8E;
	s24 =	sld [smem:$0x3FFE];
	[sflag:s23] =	ssyncadd.s32 $0xFFFFFFFF  }
0xa5: {  	s26 =	simm.s32 $execute0_lowered;
	[smem:$0x3FD2] =	sst s25  }
0xa6: {  	s5 =	sshll.u32 s26, $0x1;
	_ =	strace $0x80000046;
	[dreg:$0x1] =	wrdreg $0xFFFFFFFF  }
0xa7: {  	s28 =	simm.s32 $_size_execute0_lowered;
	s3 =	sadd.s32 s3, s5;
	[dreg:$0x0] =	wrdreg $0x0  }
0xa8: {  	s5 =	sshll.u32 s28, $0x1;
	[dreg:$0x2] =	wrdreg s3  }
0xa9: {  	[dreg:$0x3] =	wrdreg s5  }
0xaa: {  	[dreg:$0x4] =	wrdreg $0xC0  }
0xab: {  	_ =	task [dreg:s7], $0x5FFFF  }
0xac: {  	[dreg:$0x1] =	wrdreg $0xFFFFFFFF  }
0xad: {  	[dreg:$0x0] =	wrdreg $0x60  }
0xae: {  	[dreg:$0x2] =	wrdreg s2  }
0xaf: {  	[dreg:$0x3] =	wrdreg s24  }
0xb0: {  	[dreg:$0x4] =	wrdreg $0x9  }
0xb1: {  	_ =	task.clear_ibuf [dreg:s7], $0x5FFFF;
	_ =	strace $0x90000046  }
0xb2: {  	s29 =	simm.s32 $0x9;
	_ =	strace $0x80000048  }
0xb3: {  	_ =	swait.ge [sflag:s29], $0x1  }
0xb4: {  	[sflag:s29] =	ssyncadd.s32 $0xFFFFFFFF  }
0xb5: {  	_ =	strace $0x90000048  }
0xb6: {  	_ =	sfence  }
0xb7: {  	s30 =	sld [smem:$0x0];
	_ =	sdelay $0x2  }
0xb8: {  	s31 =	sshll.u32 s1, $0xD;
	s1 =	sshrl.u32 s1, $0x2  }
0xb9: {  	s3 =	sand.u32 $0x4000, s31;
	s1 =	sadd.s32 s1, s30  }
0xba: {  	s0 =	sor.u32 s3, s0;
	s1 =	sshll.u32 s1, $0x11  }
0xbb: {  	s0 =	sor.u32 s1, s0  }
0xbc: {  	s0 =	sadd.s32 $0x8F2B, s0  }
0xbd: {  	[sflag:s0] =	ssyncadd.remote.s32 $0x1  }
0xbe: {  	_ =	sfence.sel $0xFFFF  }
0xbf: {  	[dreg:$0x0] =	wrdreg $0xFFFFFFFF;
	(pc) =	sbr.abs _section_cstart, $3  }
0xc0: {  	[dreg:$0x1] =	wrdreg $0xFFFFFFFF  }
0xc1: {  	_ =	task.clear_ibuf [dreg:s7], $0x2FFFF;
	_ =	strace $0x9FFFFFFF  }
0xc2: {  	(tm) =	ssettm $0x7FFFFFFF  }
0xc3: {  	_ =	shalt  }
tec
execute0_lowered:
.L_overlay_start_1:
0x0: {  	(tag) =	ssettag $0x1  }
0x1: {  	s2 =	rddreg [dreg:$0x0];
	s0 =	srdreg.scid  }
0x2: {  	s10 =	stileid.u32;
	s1 =	rddreg [dreg:$0x1]  }
0x3: {  	s3 =	simm.s32 $0x0;
	s12 =	simm.s32 $0x9;
	s13 =	simm.s32 $0x60  }
0x4: {  	s14 =	simm.s32 $0x680;
	s15 =	simm.s32 $0x3680;
	s16 =	simm.s32 $0x1  }
0x5: {  	s18 =	simm.s32 $0x6680;
	s19 =	simm.s32 $0x2;
	s21 =	simm.s32 $0x9680  }
0x6: {  	s28 =	simm.s32 $0x1E0;
	s29 =	simm.s32 $0x7;
	s30 =	simm.s32 $0x8  }
0x7: {  	s0 =	sand.u32 $0x1, s0;
	s4 =	sshll.u32 s10, $0x1;
	s10 =	smul.u32 $0xCC00, s10  }
0x8: {  	s5 =	sor.u32 s0, s4;
	s7 =	ssub.s32 $0x2, s0;
	s0 =	smul.u32 $0x6600, s0  }
0x9: {  	s31 =	simm.s32 $0x0;
	[smem:$0x7FF] =	sst s3;
	s6 =	smul.u32 $0x660, s5  }
0xa: {  	_ =	strace $0x80000047;
	s8 =	smul.u32 $0x33000, s5;
	s9 =	sshrl.u32 s7, $0x1  }
0xb: {  	s25 =	smul.u32 $0x6600, s5;
	s7 =	ssub.s32 s7, s9;
	s22 =	sshrl.u32 s6, $0x3  }
0xc: {  	s8 =	sshrl.u32 s8, $0x3;
	s23 =	sshll.u32 s6, $0x4;
	s6 =	smax.u32 s7, $0x1  }
0xd: {  	s4 =	sadd.s32 s22, s1;
	s1 =	sadd.s32 $0x3E00, s1;
	s22 =	simm.s32 $0x3  }
.Ltmp0:
0xe: {  	s4 =	sadd.s32 $0x2400, s4;
	s24 =	sadd.s32 s1, s8;
	(pc) =	sbr.rel .LBB2_1-.Ltmp0, $4  }
0xf: {  	s7 =	sadd.s32 s1, s25;
	s26 =	sadd.s32 s1, s23;
	s1 =	sadd.s32 s10, s1  }
0x10: {  	s23 =	simm.s32 $0x5;
	s25 =	simm.s32 $0x4;
	s5 =	sadd.s32 $0x6000, s24  }
0x11: {  	s8 =	sadd.s32 $0x600, s26;
	s9 =	sadd.s32 $0xC00, s7;
	s10 =	sadd.s32 $0x1200, s7  }
0x12: {  	s11 =	sadd.s32 s0, s1;
	s24 =	simm.s32 $0x180;
	s26 =	simm.s32 $0x6  }
.LBB2_4:
0x13: {  	_ =	swait.ge [sflag:s16], $0x3000  }
0x14: {  	[sflag:s16] =	ssyncset.done $0x0  }
0x15: {  	[sflag:s16] =	ssyncadd.s32 $0xFFFFD000  }
0x16: {  	[hbm4b:s5+s3] =	stream.linear.scatter [tilespmem:s14], [sflag:$0x5], $0x3000, $0x38;
	[tilespmem:$0xC680] =	vst v63  }
0x17: {  	_ =	swait.ge [sflag:s26], $0x3000  }
0x18: {  	[sflag:s26] =	ssyncset.done $0x0  }
0x19: {  	[sflag:s26] =	ssyncadd.s32 $0xFFFFD000  }
0x1a: {  	_ =	swait.ge [sflag:s29], $0x3000  }
0x1b: {  	[sflag:s29] =	ssyncset.done $0x0  }
0x1c: {  	s31 =	sadd.s32 $0x1, s31;
	[sflag:s29] =	ssyncadd.s32 $0xFFFFD000  }
0x1d: {  	p0 =	sne.s32 s31, s6;
	_ =	swait.ge [sflag:s30], $0x3000  }
.Ltmp1:
0x1e: {  	[sflag:s30] =	ssyncset.done $0x0;
	(pc) =	sbr.rel @!p0 .LBB2_5-.Ltmp1, $4  }
0x1f: {  	[sflag:s30] =	ssyncadd.s32 $0xFFFFD000  }
0x20: {  	_ =	swait.ge [sflag:s23], $0x3000  }
0x21: {  	[sflag:s23] =	ssyncset.done $0x0  }
0x22: {  	[sflag:s23] =	ssyncadd.s32 $0xFFFFD000  }
.LBB2_1:
0x23: {  	[tilespmem:s3], [sflag:$0x9] =	stream.linear.gather [hbm4b:s4+s3], $0x660, $0x38;
	[tilespmem:$0xC680] =	vst v63  }
0x24: {  	_ =	swait.ge [sflag:s12], $0x660  }
0x25: {  	[sflag:s12] =	ssyncset.done $0x0  }
0x26: {  	[sflag:s12] =	ssyncadd.s32 $0xFFFFF9A0  }
0x27: {  	[tilespmem:s14], [sflag:$0x1] =	stream.indirect.gather [hbm4b:s2+s13], $0x80, s3, s13, $0xb8;
	[tilespmem:$0xC680] =	vst v63  }
0x28: {  	_ = 	snop  }
0x29: {  	[tilespmem:s15], [sflag:$0x2] =	stream.indirect.gather [hbm4b:s2+s13], $0x80, s13, s13, $0xb8;
	[tilespmem:$0xC680] =	vst v63  }
0x2a: {  	_ =	swait.ge [sflag:s16], $0x3000  }
0x2b: {  	[sflag:s16] =	ssyncset.done $0x0  }
0x2c: {  	[sflag:s16] =	ssyncadd.s32 $0xFFFFD000  }
0x2d: {  	[hbm4b:s7+s3] =	stream.linear.scatter [tilespmem:s14], [sflag:$0x5], $0x3000, $0x38;
	[tilespmem:$0xC680] =	vst v63  }
0x2e: {  	s0 =	simm.s32 $0xC0  }
0x2f: {  	[tilespmem:s18], [sflag:$0x3] =	stream.indirect.gather [hbm4b:s2+s13], $0x80, s0, s13, $0xb8;
	[tilespmem:$0xC680] =	vst v63  }
0x30: {  	_ =	swait.ge [sflag:s19], $0x3000  }
0x31: {  	[sflag:s19] =	ssyncset.done $0x0  }
0x32: {  	[sflag:s19] =	ssyncadd.s32 $0xFFFFD000  }
0x33: {  	[hbm4b:s8+s3] =	stream.linear.scatter [tilespmem:s15], [sflag:$0x6], $0x3000, $0x38;
	[tilespmem:$0xC680] =	vst v63  }
0x34: {  	s20 =	simm.s32 $0x120  }
0x35: {  	[tilespmem:s21], [sflag:$0x4] =	stream.indirect.gather [hbm4b:s2+s13], $0x80, s20, s13, $0xb8;
	[tilespmem:$0xC680] =	vst v63  }
0x36: {  	_ =	swait.ge [sflag:s22], $0x3000  }
0x37: {  	[sflag:s22] =	ssyncset.done $0x0  }
0x38: {  	[sflag:s22] =	ssyncadd.s32 $0xFFFFD000  }
0x39: {  	[hbm4b:s9+s3] =	stream.linear.scatter [tilespmem:s18], [sflag:$0x7], $0x3000, $0x38;
	[tilespmem:$0xC680] =	vst v63  }
0x3a: {  	_ =	swait.ge [sflag:s23], $0x3000  }
0x3b: {  	[sflag:s23] =	ssyncset.done $0x0  }
0x3c: {  	[sflag:s23] =	ssyncadd.s32 $0xFFFFD000  }
0x3d: {  	[tilespmem:s14], [sflag:$0x1] =	stream.indirect.gather [hbm4b:s2+s13], $0x80, s24, s13, $0xb8;
	[tilespmem:$0xC680] =	vst v63  }
0x3e: {  	_ =	swait.ge [sflag:s25], $0x3000  }
0x3f: {  	[sflag:s25] =	ssyncset.done $0x0  }
0x40: {  	[sflag:s25] =	ssyncadd.s32 $0xFFFFD000  }
0x41: {  	[hbm4b:s10+s3] =	stream.linear.scatter [tilespmem:s21], [sflag:$0x8], $0x3000, $0x38;
	[tilespmem:$0xC680] =	vst v63  }
0x42: {  	_ =	swait.ge [sflag:s26], $0x3000  }
0x43: {  	[sflag:s26] =	ssyncset.done $0x0  }
0x44: {  	s1 =	simm.s32 $0x360;
	s0 =	simm.s32 $0x0;
	[sflag:s26] =	ssyncadd.s32 $0xFFFFD000  }
0x45: {  	[tilespmem:s15], [sflag:$0x2] =	stream.indirect.gather [hbm4b:s2+s13], $0x80, s28, s13, $0xb8;
	[tilespmem:$0xC680] =	vst v63  }
.LBB2_2:
0x46: {  	_ =	swait.ge [sflag:s16], $0x3000  }
0x47: {  	s17 =	sadd.s32 s0, s11;
	[sflag:s16] =	ssyncset.done $0x0  }
0x48: {  	s20 =	sadd.s32 $0x1800, s17;
	[sflag:s16] =	ssyncadd.s32 $0xFFFFD000  }
0x49: {  	[hbm4b:s20+s3] =	stream.linear.scatter [tilespmem:s14], [sflag:$0x5], $0x3000, $0x38;
	[tilespmem:$0xC680] =	vst v63  }
0x4a: {  	_ =	swait.ge [sflag:s29], $0x3000  }
0x4b: {  	[sflag:s29] =	ssyncset.done $0x0  }
0x4c: {  	s20 =	sadd.s32 $0xFFFFFEE0, s1;
	[sflag:s29] =	ssyncadd.s32 $0xFFFFD000  }
0x4d: {  	[tilespmem:s18], [sflag:$0x3] =	stream.indirect.gather [hbm4b:s2+s13], $0x80, s20, s13, $0xb8;
	[tilespmem:$0xC680] =	vst v63  }
0x4e: {  	_ =	swait.ge [sflag:s19], $0x3000  }
0x4f: {  	[sflag:s19] =	ssyncset.done $0x0  }
0x50: {  	s20 =	sadd.s32 $0x1E00, s17;
	[sflag:s19] =	ssyncadd.s32 $0xFFFFD000  }
0x51: {  	[hbm4b:s20+s3] =	stream.linear.scatter [tilespmem:s15], [sflag:$0x6], $0x3000, $0x38;
	[tilespmem:$0xC680] =	vst v63  }
0x52: {  	_ =	swait.ge [sflag:s30], $0x3000  }
0x53: {  	[sflag:s30] =	ssyncset.done $0x0  }
0x54: {  	s20 =	sadd.s32 $0xFFFFFF40, s1;
	[sflag:s30] =	ssyncadd.s32 $0xFFFFD000  }
0x55: {  	[tilespmem:s21], [sflag:$0x4] =	stream.indirect.gather [hbm4b:s2+s13], $0x80, s20, s13, $0xb8;
	[tilespmem:$0xC680] =	vst v63  }
0x56: {  	_ =	swait.ge [sflag:s22], $0x3000  }
0x57: {  	[sflag:s22] =	ssyncset.done $0x0  }
0x58: {  	s20 =	sadd.s32 $0x2400, s17;
	[sflag:s22] =	ssyncadd.s32 $0xFFFFD000  }
0x59: {  	[hbm4b:s20+s3] =	stream.linear.scatter [tilespmem:s18], [sflag:$0x7], $0x3000, $0x38;
	[tilespmem:$0xC680] =	vst v63  }
0x5a: {  	_ =	swait.ge [sflag:s23], $0x3000  }
0x5b: {  	[sflag:s23] =	ssyncset.done $0x0  }
0x5c: {  	p0 =	seq.s32 s0, $0x3000;
	s20 =	sadd.s32 $0xFFFFFFA0, s1;
	[sflag:s23] =	ssyncadd.s32 $0xFFFFD000  }
0x5d: {  	[tilespmem:s14], [sflag:$0x1] =	stream.indirect.gather [hbm4b:s2+s13], $0x80, s20, s13, $0xb8;
	[tilespmem:$0xC680] =	vst v63  }
.Ltmp2:
0x5e: {  	_ = 	snop;
	(pc) =	sbr.rel @p0 .LBB2_4-.Ltmp2, $4  }
0x5f: {  	_ =	swait.ge [sflag:s25], $0x3000  }
0x60: {  	[sflag:s25] =	ssyncset.done $0x0  }
0x61: {  	s17 =	sadd.s32 $0x2A00, s17;
	[sflag:s25] =	ssyncadd.s32 $0xFFFFD000  }
0x62: {  	[hbm4b:s17+s3] =	stream.linear.scatter [tilespmem:s21], [sflag:$0x8], $0x3000, $0x38;
	[tilespmem:$0xC680] =	vst v63  }
.Ltmp3:
0x63: {  	_ =	swait.ge [sflag:s26], $0x3000;
	(pc) =	sbr.rel .LBB2_2-.Ltmp3, $4  }
0x64: {  	[sflag:s26] =	ssyncset.done $0x0  }
0x65: {  	[sflag:s26] =	ssyncadd.s32 $0xFFFFD000  }
0x66: {  	[tilespmem:s15], [sflag:$0x2] =	stream.indirect.gather [hbm4b:s2+s13], $0x80, s1, s13, $0xb8;
	[tilespmem:$0xC680] =	vst v63  }
0x67: {  	s0 =	sadd.s32 $0x1800, s0;
	s1 =	sadd.s32 $0x180, s1  }
.LBB2_5:
0x68: {  	_ =	sfence.sel $0x180000  }
0x69: {  	[bflag:$0x0] =	sbarrier.arrive $0xFFFF  }
0x6a: {  	_ =	strace $0x90000047  }
0x6b: {  	s0 =	stileid.u32;
	[bflag:$0x2] =	sbarrier.arrive $0xFFFF  }
0x6c: {  	p0 =	sne.s32 s0, $0x0;
	s0 =	rddreg [dreg:$0x2]  }
0x6d: {  	s0 =	sadd.s32 @!p0 $0x100000, s0  }
0x6e: {  	[sflag:s0] =	ssyncadd.tile.s32 @!p0 $0x1;
	_ =	shalt  }
.Lfunc_end2:
_tile_overlayer_lowered:
.L_overlay_start_2:
0x6f: {  	(tag) =	ssettag $0x2  }
0x70: {  	s0 =	rddreg [dreg:$0x0];
	s2 =	stileid.u32  }
0x71: {  	s1 =	rddreg [dreg:$0x1];
	p0 =	sne.s32 s2, $0x0  }
0x72: {  	s3 =	rddreg [dreg:$0x2];
	[bflag:$0x3] =	sbarrier.arrive $0xFFFF;
	s2 =	simm.s32 @!p0 $0x1C09  }
0x73: {  	[timem:s3], [sflag:s2] =	dma.local @!p0 [hbm:s0], s1  }
0x74: {  	s0 =	simm.s32 @!p0 $0x9  }
0x75: {  	_ =	swait.ge @!p0 [sflag:s0], s1  }
0x76: {  	s1 =	ssub.s32 @!p0 $0x0, s1;
	[sflag:s0] =	ssyncset.done @!p0 $0x0  }
0x77: {  	[sflag:s0] =	ssyncadd.s32 @!p0 s1  }
0x78: {  	[bflag:$0x3] =	sbarrier.arrive $0xFFFF  }
0x79: {  	_ =	shalt  }

// kernel: kernel.9.cloned.1.call-start
scs
__scs_entry_jumppad:
0x0: {  	(pc) =	sbr.rel $0x88, $3  }
0x1: {  	(tag) =	ssettag $0x0;
	lr =	simm.s32 $0x1  }
0x2: {  	[smem:$0x3F93] =	sst lr;
	_ =	strace $0xD0000000  }
0x3: {  	_ = 	snop  }
0x4: {  	_ = 	snop  }
0x5: {  	_ = 	snop  }
0x6: {  	_ = 	snop  }
0x7: {  	_ = 	snop  }
__scs_overlays_trampoline_lowered:
0x8: {  	[smem:$0x3FA2] =	sst s0  }
0x9: {  	[smem:$0x3FA3] =	sst s1  }
0xa: {  	[smem:$0x3FA4] =	sst s2  }
0xb: {  	[smem:$0x3FA5] =	sst s3  }
0xc: {  	[smem:$0x3FA6] =	sst s4  }
0xd: {  	[smem:$0x3FA7] =	sst s5  }
0xe: {  	[smem:$0x3FA8] =	sst s6  }
0xf: {  	[smem:$0x3FA9] =	sst s7  }
0x10: {  	[smem:$0x3FAA] =	sst s8  }
0x11: {  	[smem:$0x3FAB] =	sst s9;
	s0 =	simm.s32 @!p0 $0x0  }
0x12: {  	s1 =	sld [smem:$0x3F91];
	s0 =	simm.s32 @p0 $0x1  }
0x13: {  	[smem:$0x3FAC] =	sst s0;
	s0 =	simm.s32 @!p1 $0x0  }
0x14: {  	s2 =	sld [smem:$0x3F90];
	s0 =	simm.s32 @p1 $0x1  }
0x15: {  	[smem:$0x3FAD] =	sst s0;
	s0 =	simm.s32 @!p2 $0x0  }
0x16: {  	s3 =	sld [smem:$0x3FDB];
	s0 =	simm.s32 @p2 $0x1  }
0x17: {  	s4 =	simm.s32 $0x1BF5;
	[smem:$0x3FAF] =	sst s0  }
0x18: {  	s0 =	sld [smem:$0x3F92];
	_ =	swait.ge [sflag:s4], $0x0  }
0x19: {  	s7 =	sld [smem:$0x3F93]  }
0x1a: {  	s8 =	sadd.s32 $0xFFFFE003, lr  }
0x1b: {  	s9 =	sadd.s32 $0xFFFFFEF7, lr;
	s5 =	simm.s32 $0xFFFFFFFF;
	p2 =	slt.u32 s8, $0xFFFFF086  }
0x1c: {  	p1 =	slt.u32 s9, $0xF7A;
	s5 =	simm.s32 @!p2 $0x0  }
0x1d: {  	s5 =	simm.s32 @p1 $0x1;
	p0 =	seq.s32 s7, s2  }
0x1e: {  	s7 =	smul.u32 @!p0 $0xF7A, s2;
	p2 =	seq.s32 @!p0 s5, $0x0  }
0x1f: {  	s9 =	smul.u32 $0xF7A, s1;
	s8 =	simm.s32 @!p0 $0x1BF5;
	p2 =	por !p2, p0  }
0x20: {  	[sflag:s8] =	ssyncset.s32 @!p0 $0xFFFFF086;
	s6 =	sadd.s32 @!p0 s3, s7;
	s7 =	simm.s32 @!p0 $0x108  }
0x21: {  	s3 =	sadd.s32 s3, s9;
	s6 =	sadd.s32 @!p0 $0x88, s6;
	s7 =	simm.s32 @p2 $0x1082  }
0x22: {  	[simem:s7], [sflag:s8] =	dma.local @!p0 [hbm:s6], $0xF7A  }
0x23: {  	s9 =	sor.u32 $0xD0000000, s2;
	s6 =	simm.s32 $0x108;
	_ =	swait.ge @!p0 [sflag:s8], $0x0  }
0x24: {  	s3 =	sadd.s32 $0x88, s3;
	s6 =	simm.s32 @!p1 $0x1082;
	[sflag:s4] =	ssyncset.s32 $0xFFFFF086  }
0x25: {  	[simem:s6], [sflag:s4] =	dma.local [hbm:s3], $0xF7A  }
0x26: {  	[smem:$0x3F93] =	sst s1;
	(tag) =	ssettag s2;
	_ =	strace s9  }
0x27: {  	s1 =	sld [smem:$0x3FA3]  }
0x28: {  	s2 =	sld [smem:$0x3FA4]  }
0x29: {  	s4 =	sld [smem:$0x3FA6]  }
0x2a: {  	p0 =	seq.s32 s5, $0x0;
	s5 =	sld [smem:$0x3FA7]  }
0x2b: {  	s6 =	sld [smem:$0x3FA8]  }
0x2c: {  	s7 =	sld [smem:$0x3FA9]  }
0x2d: {  	s3 =	simm.s32 $0x108;
	s8 =	sld [smem:$0x3FAA]  }
0x2e: {  	s3 =	simm.s32 @!p0 $0x1082;
	s9 =	sld [smem:$0x3FAB]  }
0x2f: {  	lr =	sadd.s32 s0, s3;
	s0 =	sld [smem:$0x3FA2]  }
0x30: {  	s3 =	sld [smem:$0x3FA5]  }
0x31: {  	[smem:$0x3FAE] =	sst s10  }
0x32: {  	s10 =	sld [smem:$0x3FAC];
	_ =	sdelay $0x3  }
0x33: {  	p0 =	seq.s32 s10, $0x1;
	s10 =	sld [smem:$0x3FAE];
	_ =	sdelay $0x3  }
0x34: {  	[smem:$0x3FAE] =	sst s10  }
0x35: {  	s10 =	sld [smem:$0x3FAD];
	_ =	sdelay $0x3  }
0x36: {  	p1 =	seq.s32 s10, $0x1;
	s10 =	sld [smem:$0x3FAE];
	_ =	sdelay $0x3  }
0x37: {  	[smem:$0x3FAE] =	sst s10  }
0x38: {  	s10 =	sld [smem:$0x3FAF]  }
0x39: {  	_ = 	snop;
	(pc) =	sbr.ind lr, $3  }
0x3a: {  	_ = 	snop  }
0x3b: {  	_ = 	snop  }
0x3c: {  	p2 =	seq.s32 s10, $0x1;
	s10 =	sld [smem:$0x3FAE]  }
0x3d: {  	_ =	shalt  }
0x3e: {  	_ =	shalt  }
0x3f: {  	_ =	shalt  }
0x40: {  	_ =	shalt  }
0x41: {  	_ =	shalt  }
0x42: {  	_ =	shalt  }
0x43: {  	_ =	shalt  }
0x44: {  	_ =	shalt  }
0x45: {  	_ =	shalt  }
0x46: {  	_ =	shalt  }
0x47: {  	_ =	shalt  }
0x48: {  	_ =	shalt  }
0x49: {  	_ =	shalt  }
0x4a: {  	_ =	shalt  }
0x4b: {  	_ =	shalt  }
0x4c: {  	_ =	shalt  }
0x4d: {  	_ =	shalt  }
0x4e: {  	_ =	shalt  }
0x4f: {  	_ =	shalt  }
0x50: {  	_ =	shalt  }
0x51: {  	_ =	shalt  }
0x52: {  	_ =	shalt  }
0x53: {  	_ =	shalt  }
0x54: {  	_ =	shalt  }
0x55: {  	_ =	shalt  }
0x56: {  	_ =	shalt  }
0x57: {  	_ =	shalt  }
0x58: {  	_ =	shalt  }
0x59: {  	_ =	shalt  }
0x5a: {  	_ =	shalt  }
0x5b: {  	_ =	shalt  }
0x5c: {  	_ =	shalt  }
0x5d: {  	_ =	shalt  }
0x5e: {  	_ =	shalt  }
0x5f: {  	_ =	shalt  }
0x60: {  	_ =	shalt  }
0x61: {  	_ =	shalt  }
0x62: {  	_ =	shalt  }
0x63: {  	_ =	shalt  }
0x64: {  	_ =	shalt  }
0x65: {  	_ =	shalt  }
0x66: {  	_ =	shalt  }
0x67: {  	_ =	shalt  }
0x68: {  	_ =	shalt  }
0x69: {  	_ =	shalt  }
0x6a: {  	_ =	shalt  }
0x6b: {  	_ =	shalt  }
0x6c: {  	_ =	shalt  }
0x6d: {  	_ =	shalt  }
0x6e: {  	_ =	shalt  }
0x6f: {  	_ =	shalt  }
0x70: {  	_ =	shalt  }
0x71: {  	_ =	shalt  }
0x72: {  	_ =	shalt  }
0x73: {  	_ =	shalt  }
0x74: {  	_ =	shalt  }
0x75: {  	_ =	shalt  }
0x76: {  	_ =	shalt  }
0x77: {  	_ =	shalt  }
0x78: {  	_ =	shalt  }
0x79: {  	_ =	shalt  }
0x7a: {  	_ =	shalt  }
0x7b: {  	_ =	shalt  }
0x7c: {  	_ =	shalt  }
0x7d: {  	_ =	shalt  }
0x7e: {  	_ =	shalt  }
0x7f: {  	_ =	shalt  }
0x80: {  	_ =	shalt  }
0x81: {  	_ =	shalt  }
0x82: {  	_ =	shalt  }
0x83: {  	_ =	shalt  }
0x84: {  	_ =	shalt  }
0x85: {  	_ =	shalt  }
0x86: {  	_ =	shalt  }
0x87: {  	_ =	shalt  }
.Lfunc_end0:
.L_simem_size_0:
called_computation.1_lowered:
.L_overlay_start_0:
0x88: {  	s2 =	sld [smem:$0x3FD9]  }
0x89: {  	s3 =	sld [smem:$0x3FFE];
	_ =	sdelay $0x1  }
0x8a: {  	s1 =	srdreg.scid  }
0x8b: {  	s0 =	sand.u32 $0x1, s1  }
0x8c: {  	s17 =	sshll.u32 s0, $0xA;
	s2 =	sadd.s32 s3, s2  }
0x8d: {  	s2 =	sadd.s32 s2, s17  }
0x8e: {  	[smem:$0x3FBA] =	sst s2  }
0x8f: {  	_ = 	snop  }
0x90: {  	s18 =	sld [smem:$0x3FC4]  }
0x91: {  	s4 =	sld [smem:$0x3FC3];
	(tm) =	ssettm $0x1  }
0x92: {  	s19 =	sld [smem:$0x3FFB];
	_ =	sdelay $0x3  }
0x93: {  	_ =	strace s19  }
0x94: {  	s2 =	sld [smem:$0x3FFC];
	_ =	sdelay $0x3  }
0x95: {  	_ =	strace s2  }
0x96: {  	s2 =	sld [smem:$0x3FFD];
	_ =	sdelay $0x3  }
0x97: {  	_ =	strace s2  }
0x98: {  	_ =	strace $0x8FFFFFFF  }
0x99: {  	s20 =	sld [smem:$0x3FDB];
	_ =	sdelay $0x1  }
0x9a: {  	s5 =	simm.s32 $_scs_section_size  }
0x9b: {  	s6 =	simm.s32 $_size__tile_overlayer_lowered;
	s7 =	simm.s32 $_tile_overlayer_lowered  }
0x9c: {  	s8 =	simm.s32 $0x1BFF;
	s21 =	sshll.u32 s7, $0x1;
	s5 =	sadd.s32 s5, s20  }
0x9d: {  	s22 =	simm.s32 $0x0;
	s6 =	sshll.u32 s6, $0x1;
	s7 =	sadd.s32 s21, s5  }
0x9e: {  	[timem:s22], [sflag:s8] =	dma.local [hbm:s7], s6  }
0x9f: {  	_ =	swait.ge [sflag:s8], s6  }
0xa0: {  	s6 =	ssub.s32 $0x0, s6;
	[sflag:s8] =	ssyncset.done $0x0  }
0xa1: {  	[sflag:s8] =	ssyncadd.s32 s6;
	_ =	sdelay $0x1  }
0xa2: {  	s23 =	simm.s32 $0x1B8B  }
0xa3: {  	_ =	swait.ge [sflag:s23], $0x1  }
0xa4: {  	[sflag:s23] =	ssyncset.done $0x0  }
0xa5: {  	[sflag:s23] =	ssyncadd.s32 $0xFFFFFFFF  }
0xa6: {  	s6 =	sld [smem:$0x0]  }
0xa7: {  	s7 =	sand.u32 $0xFFFFFFFE, s1  }
0xa8: {  	p0 =	sne.s32 s1, s7  }
0xa9: {  	s7 =	sshll.u32 @p0 s7, $0xE  }
0xaa: {  	s7 =	sadd.s32 @p0 $0x11B8D, s7;
	s8 =	sshll.u32 @p0 s6, $0x11  }
0xab: {  	s7 =	sor.u32 @p0 s8, s7  }
0xac: {  	[sflag:s7] =	ssyncadd.remote.s32 @p0 $0x1;
	_ =	sdelay $0x1  }
0xad: {  	s7 =	simm.s32 @p0 $0x1B8D  }
0xae: {  	_ =	swait.eq @p0 [sflag:s7], $0x1  }
0xaf: {  	[sflag:s7] =	ssyncadd.s32 @p0 $0xFFFFFFFF  }
0xb0: {  	s8 =	sshll.u32 @!p0 s1, $0xE  }
0xb1: {  	s8 =	sor.u32 @!p0 $0x4000, s8;
	s7 =	simm.s32 @!p0 $0x1B8D  }
0xb2: {  	s6 =	sshll.u32 @!p0 s6, $0x11;
	s8 =	sadd.s32 @!p0 $0x11B8D, s8;
	_ =	swait.eq @!p0 [sflag:s7], $0x1  }
0xb3: {  	s6 =	sor.u32 @!p0 s6, s8;
	[sflag:s7] =	ssyncadd.s32 @!p0 $0xFFFFFFFF  }
0xb4: {  	s25 =	simm.s32 $0x1B8E;
	s24 =	sld [smem:$0x3FFE];
	[sflag:s6] =	ssyncadd.remote.s32 @!p0 $0x1  }
0xb5: {  	s26 =	simm.s32 $execute0_lowered;
	[smem:$0x3FD2] =	sst s25  }
0xb6: {  	s7 =	sshll.u32 s26, $0x1;
	_ =	strace $0x80000049;
	[dreg:$0x1] =	wrdreg $0xFFFFFFFF  }
0xb7: {  	s28 =	simm.s32 $_size_execute0_lowered;
	s5 =	sadd.s32 s5, s7;
	[dreg:$0x0] =	wrdreg $0x0  }
0xb8: {  	s7 =	sshll.u32 s28, $0x1;
	[dreg:$0x2] =	wrdreg s5  }
0xb9: {  	[dreg:$0x3] =	wrdreg s7  }
0xba: {  	[dreg:$0x4] =	wrdreg $0xC0  }
0xbb: {  	_ =	task [dreg:s22], $0x5FFFF  }
0xbc: {  	[dreg:$0x1] =	wrdreg $0xFFFFFFFF  }
0xbd: {  	[dreg:$0x0] =	wrdreg $0x60  }
0xbe: {  	[dreg:$0x2] =	wrdreg s18  }
0xbf: {  	[dreg:$0x3] =	wrdreg s4  }
0xc0: {  	[dreg:$0x4] =	wrdreg s24  }
0xc1: {  	[dreg:$0x5] =	wrdreg $0xA  }
0xc2: {  	_ =	task.clear_ibuf [dreg:s22], $0x6FFFF;
	_ =	strace $0x90000049  }
0xc3: {  	s29 =	simm.s32 $0xA;
	_ =	strace $0x8000004B  }
0xc4: {  	_ =	swait.ge [sflag:s29], $0x1  }
0xc5: {  	[sflag:s29] =	ssyncadd.s32 $0xFFFFFFFF  }
0xc6: {  	_ =	strace $0x9000004B  }
0xc7: {  	_ =	sfence  }
0xc8: {  	s30 =	sld [smem:$0x0];
	_ =	sdelay $0x2  }
0xc9: {  	s31 =	sshll.u32 s1, $0xD;
	s1 =	sshrl.u32 s1, $0x2  }
0xca: {  	s4 =	sand.u32 $0x4000, s31;
	s1 =	sadd.s32 s1, s30  }
0xcb: {  	s0 =	sor.u32 s4, s0;
	s1 =	sshll.u32 s1, $0x11  }
0xcc: {  	s0 =	sor.u32 s1, s0  }
0xcd: {  	s0 =	sadd.s32 $0x8F2B, s0  }
0xce: {  	[sflag:s0] =	ssyncadd.remote.s32 $0x1  }
0xcf: {  	_ =	sfence.sel $0xFFFF  }
0xd0: {  	[dreg:$0x0] =	wrdreg $0xFFFFFFFF;
	(pc) =	sbr.abs _section_cstart, $3  }
0xd1: {  	[dreg:$0x1] =	wrdreg $0xFFFFFFFF  }
0xd2: {  	_ =	task.clear_ibuf [dreg:s22], $0x2FFFF;
	_ =	strace $0x9FFFFFFF  }
0xd3: {  	(tm) =	ssettm $0x7FFFFFFF  }
tec
execute0_lowered:
.L_overlay_start_1:
0x0: {  	(tag) =	ssettag $0x1  }
0x1: {  	s1 =	rddreg [dreg:$0x0];
	s0 =	srdreg.scid  }
0x2: {  	s2 =	stileid.u32;
	s3 =	rddreg [dreg:$0x1]  }
0x3: {  	s6 =	rddreg [dreg:$0x2];
	s4 =	simm.s32 $0x0;
	s12 =	simm.s32 $0x50  }
0x4: {  	s15 =	simm.s32 $0x3480;
	s16 =	simm.s32 $0x8480;
	s17 =	simm.s32 $0x1  }
0x5: {  	s18 =	simm.s32 $0xAC80;
	s19 =	simm.s32 $0xBC80;
	s20 =	simm.s32 $0x2  }
0x6: {  	s21 =	simm.s32 $0xB480;
	s0 =	sand.u32 $0x1, s0;
	s2 =	sshll.u32 s2, $0x1  }
0x7: {  	s22 =	simm.s32 $0xC480;
	s24 =	simm.s32 $0x4;
	s2 =	sor.u32 s0, s2  }
0x8: {  	s25 =	simm.s32 $0x0;
	s0 =	ssub.s32 $0x2, s0;
	s5 =	smul.u32 $0x190, s2  }
.Ltmp0:
0x9: {  	[smem:$0x7FF] =	sst s4;
	s8 =	sshrl.u32 s0, $0x1;
	(pc) =	sbr.rel .LBB2_1-.Ltmp0, $4  }
0xa: {  	_ =	strace $0x8000004A;
	s9 =	smul.u32 $0x2800, s2;
	s0 =	ssub.s32 s0, s8  }
0xb: {  	s8 =	smul.u32 $0x14000, s2;
	s7 =	sadd.s32 s5, s6;
	s0 =	smax.u32 s0, $0x1  }
0xc: {  	s5 =	sadd.s32 $0xD3000, s6;
	s7 =	sadd.s32 $0xCFE00, s7;
	[dreg:$0x5] =	wrdreg s0  }
0xd: {  	s6 =	sadd.s32 $0x123000, s6;
	s10 =	sor.u32 $0x100, s9;
	[dreg:$0x4] =	wrdreg s7  }
.LBB2_8:
0xe: {  	s0 =	simm.s32 $0x3  }
0xf: {  	_ =	swait.ge [sflag:s0], $0x800  }
0x10: {  	[sflag:s0] =	ssyncset.done $0x0  }
0x11: {  	[sflag:s0] =	ssyncadd.s32 $0xFFFFF800  }
0x12: {  	_ =	swait.ge [sflag:s0], $0x800  }
0x13: {  	[sflag:s0] =	ssyncset.done $0x0  }
0x14: {  	[sflag:s0] =	ssyncadd.s32 $0xFFFFF800  }
0x15: {  	_ =	swait.ge [sflag:s24], $0x800  }
0x16: {  	[sflag:s24] =	ssyncset.done $0x0  }
0x17: {  	[sflag:s24] =	ssyncadd.s32 $0xFFFFF800  }
0x18: {  	_ =	swait.ge [sflag:s24], $0x800  }
0x19: {  	s25 =	sadd.s32 $0x1, s25;
	s31 =	rddreg [dreg:$0x5]  }
0x1a: {  	p0 =	sne.s32 s25, s31  }
.Ltmp1:
0x1b: {  	_ = 	snop;
	(pc) =	sbr.rel @!p0 .LBB2_9-.Ltmp1, $3  }
0x1c: {  	_ =	sdelay $0x1  }
0x1d: {  	[sflag:s24] =	ssyncset.done $0x0  }
0x1e: {  	[sflag:s24] =	ssyncadd.s32 $0xFFFFF800  }
.LBB2_1:
0x1f: {  	s0 =	rddreg [dreg:$0x4];
	s29 =	simm.s32 $0x5  }
0x20: {  	[tilespmem:s4], [sflag:$0x5] =	stream.linear.gather [hbm4b:s0+s4], $0xC80, $0x38;
	[tilespmem:$0xCC80] =	vst v63  }
0x21: {  	_ =	swait.ge [sflag:s29], $0xC80  }
0x22: {  	[sflag:s29] =	ssyncset.done $0x0  }
0x23: {  	s30 =	simm.s32 $0xC80;
	[sflag:s29] =	ssyncadd.s32 $0xFFFFF380  }
0x24: {  	[tilespmem:s30], [sflag:$0x1] =	stream.indirect.gather [hbm4b:s1+s12], $0x80, s4, s12, $0xb8;
	[tilespmem:$0xCC80] =	vst v63  }
0x25: {  	s31 =	simm.s32 $0x5C80  }
0x26: {  	[tilespmem:s31], [sflag:$0x1] =	stream.indirect.gather [hbm4b:s3+s12], $0x80, s4, s12, $0xb8;
	[tilespmem:$0xCC80] =	vst v63  }
0x27: {  	_ = 	snop  }
0x28: {  	[tilespmem:s15], [sflag:$0x2] =	stream.indirect.gather [hbm4b:s1+s12], $0x80, s12, s12, $0xb8;
	[tilespmem:$0xCC80] =	vst v63  }
0x29: {  	s26 =	simm.s32 $0x0  }
0x2a: {  	[tilespmem:s16], [sflag:$0x2] =	stream.indirect.gather [hbm4b:s3+s12], $0x80, s12, s12, $0xb8;
	[tilespmem:$0xCC80] =	vst v63  }
.LBB2_2:
0x2b: {  	_ =	swait.ge [sflag:s17], $0x2800  }
0x2c: {  	[sflag:s17] =	ssyncset.done $0x0  }
0x2d: {  	[sflag:s17] =	ssyncadd.s32 $0xFFFFD800  }
0x2e: {  	_ =	swait.ge [sflag:s17], $0x2800  }
0x2f: {  	p0 =	seq.s32 s26, $0x0;
	[sflag:s17] =	ssyncset.done $0x0  }
0x30: {  	s0 =	simm.s32 @!p0 $0x3;
	[sflag:s17] =	ssyncadd.s32 $0xFFFFD800  }
0x31: {  	_ =	swait.ge @!p0 [sflag:s0], $0x800  }
0x32: {  	[sflag:s0] =	ssyncset.done @!p0 $0x0  }
0x33: {  	[sflag:s0] =	ssyncadd.s32 @!p0 $0xFFFFF800  }
0x34: {  	_ =	swait.ge @!p0 [sflag:s0], $0x800  }
0x35: {  	[sflag:s0] =	ssyncset.done @!p0 $0x0  }
0x36: {  	s7 =	simm.s32 $0x5F00;
	[sflag:s0] =	ssyncadd.s32 @!p0 $0xFFFFF800  }
0x37: {  	v0 =	vld [tilespmem:s7+$0x0]  }
0x38: {  	v1 =	vld [tilespmem:s7+$0x80]  }
0x39: {  	v2 =	vld [tilespmem:s7+$0x100]  }
0x3a: {  	v3 =	vld [tilespmem:s7+$0x180];
	_ =	sdelay $0x1  }
0x3b: {  	v0 =	vmul.f32 $1.442695020e+00, v0  }
0x3c: {  	v4 =	vld [tilespmem:s7+$0xFFFFFD80];
	v1 =	vmul.f32 $1.442695020e+00, v1  }
0x3d: {  	v5 =	vld [tilespmem:s7+$0x200];
	v2 =	vmul.f32 $1.442695020e+00, v2;
	(erf) = vpow2.f32 v0  }
0x3e: {  	v0 =	vmul.f32 $1.442695020e+00, v3;
	(erf) = vpow2.f32 v1  }
0x3f: {  	(erf) = vpow2.f32 v2  }
0x40: {  	s28 =	simm.s32 $0xF00;
	(erf) = vpow2.f32 v0  }
0x41: {  	v3 =	vld [tilespmem:s28+$0x80];
	v0 =	vmul.f32 $1.442695020e+00, v4  }
0x42: {  	v1 =	vld [tilespmem:s28+$0x0];
	v2 =	vmul.f32 $1.442695020e+00, v5  }
0x43: {  	(erf) = vpow2.f32 v0;
	v0 =	vld [tilespmem:s28+$0x100]  }
0x44: {  	(erf) = vpow2.f32 v2;
	v2 =	vld [tilespmem:s28+$0x180];
	_ =	sdelay $0x1  }
0x45: {  	v4 =	vpop (erf)  }
0x46: {  	v5 =	vpop (erf)  }
0x47: {  	v6 =	vld [tilespmem:s28+$0x200];
	v1 =	vadd.f32 v3, v1;
	v7 =	vpop (erf)  }
0x48: {  	v0 =	vadd.f32 v2, v0;
	v4 =	vadd.f32 v5, v4;
	v2 =	vpop (erf)  }
0x49: {  	v3 =	vld [tilespmem:s7+$0xFFFFFE00];
	v2 =	vadd.f32 v2, v7  }
0x4a: {  	v5 =	vld [tilespmem:s7+$0xFFFFFE80];
	v0 =	vadd.f32 v0, v1  }
0x4b: {  	v1 =	vpop (erf);
	v2 =	vadd.f32 v2, v4  }
0x4c: {  	v7 =	vld [tilespmem:s7+$0xFFFFFF00];
	v4 =	vpop (erf);
	v0 =	vadd.f32 v0, v6  }
0x4d: {  	s30 =	simm.s32 $0xAD00;
	v2 =	vadd.f32 v2, v4  }
0x4e: {  	s29 =	simm.s32 $0xBD00;
	v8 =	vld [tilespmem:s28+$0xFFFFFF00];
	v3 =	vmul.f32 $1.442695020e+00, v3;
	[tilespmem:s30+$0x0] =	vst v0  }
0x4f: {  	v5 =	vmul.f32 $1.442695020e+00, v5;
	v4 =	vld [tilespmem:s7+$0xFFFFFF80];
	[tilespmem:s29+$0x0] =	vst v2  }
0x50: {  	(erf) = vpow2.f32 v3;
	v3 =	vld [tilespmem:s7+$0x10]  }
0x51: {  	(erf) = vpow2.f32 v5;
	v2 =	vmul.f32 $1.442695020e+00, v7;
	v5 =	vld [tilespmem:s7+$0x90]  }
0x52: {  	v9 =	vld [tilespmem:s28+$0xFFFFFD80]  }
0x53: {  	v0 =	vld [tilespmem:s28+$0xFFFFFE00];
	(erf) = vpow2.f32 v2  }
0x54: {  	v2 =	vld [tilespmem:s7+$0x110];
	v4 =	vmul.f32 $1.442695020e+00, v4  }
0x55: {  	v6 =	vld [tilespmem:s7+$0x190];
	v3 =	vmul.f32 $1.442695020e+00, v3  }
0x56: {  	v7 =	vld [tilespmem:s28+$0xFFFFFE80];
	(erf) = vpow2.f32 v4;
	v4 =	vmul.f32 $1.442695020e+00, v5  }
0x57: {  	(erf) = vpow2.f32 v3;
	v3 =	vld [tilespmem:s7+$0x210];
	_ =	sdelay $0x1  }
0x58: {  	v2 =	vmul.f32 $1.442695020e+00, v2  }
0x59: {  	v5 =	vmul.f32 $1.442695020e+00, v6;
	(erf) = vpow2.f32 v4;
	v4 =	vpop (erf)  }
0x5a: {  	v0 =	vadd.f32 v0, v9;
	(erf) = vpow2.f32 v2;
	v2 =	vld [tilespmem:s28+$0xFFFFFF80];
	v6 =	vpop (erf)  }
0x5b: {  	(erf) = vpow2.f32 v5;
	v5 =	vadd.f32 v8, v7;
	v8 =	vld [tilespmem:s28+$0x10];
	v7 =	vpop (erf);
	v3 =	vmul.f32 $1.442695020e+00, v3  }
0x5c: {  	v1 =	vadd.f32 v4, v1;
	v4 =	vadd.f32 v7, v6;
	v6 =	vld [tilespmem:s28+$0x90]  }
0x5d: {  	v0 =	vadd.f32 v5, v0;
	v5 =	vld [tilespmem:s28+$0x110]  }
0x5e: {  	v1 =	vadd.f32 v4, v1;
	v4 =	vld [tilespmem:s28+$0x190]  }
0x5f: {  	(erf) = vpow2.f32 v3;
	v0 =	vadd.f32 v0, v2;
	v3 =	vpop (erf)  }
0x60: {  	v1 =	vadd.f32 v1, v3;
	_ =	sdelay $0x1  }
0x61: {  	v2 =	vpop (erf)  }
0x62: {  	[tilespmem:s30+$0xFFFFFF80] =	vst v0;
	v6 =	vadd.f32 v6, v8;
	v0 =	vpop (erf);
	v4 =	vadd.f32 v4, v5  }
0x63: {  	v3 =	vld [tilespmem:s28+$0x210];
	[tilespmem:s29+$0xFFFFFF80] =	vst v1;
	v1 =	vpop (erf)  }
0x64: {  	v7 =	vld [tilespmem:s7+$0xFFFFFD90];
	v4 =	vadd.f32 v4, v6;
	v5 =	vpop (erf)  }
0x65: {  	v0 =	vadd.f32 v0, v2;
	v2 =	vld [tilespmem:s7+$0xFFFFFE10];
	v1 =	vadd.f32 v5, v1  }
0x66: {  	v5 =	vld [tilespmem:s7+$0xFFFFFE90]  }
0x67: {  	v0 =	vadd.f32 v1, v0;
	v1 =	vld [tilespmem:s7+$0xFFFFFF10]  }
0x68: {  	v3 =	vadd.f32 v4, v3;
	v4 =	vpop (erf)  }
0x69: {  	v6 =	vmul.f32 $1.442695020e+00, v7;
	v0 =	vadd.f32 v0, v4  }
0x6a: {  	v7 =	vld [tilespmem:s7+$0xFFFFFF90];
	[tilespmem:s30+$0x10] =	vst v3  }
0x6b: {  	v2 =	vmul.f32 $1.442695020e+00, v2;
	v3 =	vld [tilespmem:s28+$0xFFFFFE10];
	(erf) = vpow2.f32 v6;
	[tilespmem:s29+$0x10] =	vst v0  }
0x6c: {  	v5 =	vmul.f32 $1.442695020e+00, v5;
	v0 =	vmul.f32 $1.442695020e+00, v1;
	v1 =	vld [tilespmem:s7+$0x20]  }
0x6d: {  	(erf) = vpow2.f32 v2;
	v2 =	vld [tilespmem:s7+$0xA0]  }
0x6e: {  	v4 =	vld [tilespmem:s28+$0xFFFFFD90];
	(erf) = vpow2.f32 v5  }
0x6f: {  	v6 =	vld [tilespmem:s7+$0x1A0];
	(erf) = vpow2.f32 v0;
	v0 =	vmul.f32 $1.442695020e+00, v7  }
0x70: {  	v5 =	vld [tilespmem:s7+$0x120]  }
0x71: {  	v7 =	vld [tilespmem:s28+$0xFFFFFE90];
	(erf) = vpow2.f32 v0;
	v0 =	vmul.f32 $1.442695020e+00, v1  }
0x72: {  	v1 =	vld [tilespmem:s28+$0xFFFFFF10];
	v2 =	vmul.f32 $1.442695020e+00, v2;
	_ =	sdelay $0x1  }
0x73: {  	v6 =	vmul.f32 $1.442695020e+00, v6  }
0x74: {  	v5 =	vmul.f32 $1.442695020e+00, v5;
	v8 =	vld [tilespmem:s7+$0x220];
	(erf) = vpow2.f32 v0;
	v0 =	vpop (erf)  }
0x75: {  	(erf) = vpow2.f32 v2;
	v2 =	vpop (erf)  }
0x76: {  	v3 =	vadd.f32 v3, v4;
	(erf) = vpow2.f32 v5;
	v5 =	vld [tilespmem:s28+$0xFFFFFF90];
	v1 =	vadd.f32 v1, v7;
	v9 =	vpop (erf)  }
0x77: {  	v4 =	vld [tilespmem:s28+$0x20];
	(erf) = vpow2.f32 v6;
	v0 =	vadd.f32 v2, v0;
	v6 =	vpop (erf)  }
0x78: {  	v1 =	vadd.f32 v1, v3;
	v3 =	vld [tilespmem:s28+$0x120];
	v2 =	vadd.f32 v6, v9  }
0x79: {  	v7 =	vmul.f32 $1.442695020e+00, v8;
	v6 =	vld [tilespmem:s28+$0xA0]  }
0x7a: {  	v0 =	vadd.f32 v2, v0;
	v2 =	vld [tilespmem:s28+$0x1A0]  }
0x7b: {  	v1 =	vadd.f32 v1, v5  }
0x7c: {  	(erf) = vpow2.f32 v7  }
0x7d: {  	v7 =	vpop (erf)  }
0x7e: {  	v5 =	vpop (erf);
	v0 =	vadd.f32 v0, v7  }
0x7f: {  	[tilespmem:s30+$0xFFFFFF90] =	vst v1;
	v4 =	vadd.f32 v6, v4;
	v1 =	vpop (erf);
	v2 =	vadd.f32 v2, v3  }
0x80: {  	[tilespmem:s29+$0xFFFFFF90] =	vst v0;
	v0 =	vld [tilespmem:s28+$0x220];
	v7 =	vpop (erf)  }
0x81: {  	v3 =	vpop (erf);
	v2 =	vadd.f32 v2, v4  }
0x82: {  	v8 =	vld [tilespmem:s7+$0xFFFFFDA0];
	v1 =	vadd.f32 v1, v5;
	v3 =	vadd.f32 v3, v7  }
0x83: {  	v6 =	vld [tilespmem:s7+$0xFFFFFE20]  }
0x84: {  	v5 =	vld [tilespmem:s7+$0xFFFFFEA0];
	v1 =	vadd.f32 v3, v1  }
0x85: {  	v4 =	vld [tilespmem:s7+$0xFFFFFF20];
	v0 =	vadd.f32 v2, v0;
	v2 =	vpop (erf)  }
0x86: {  	v1 =	vadd.f32 v1, v2  }
0x87: {  	v7 =	vld [tilespmem:s28+$0xFFFFFEA0];
	v3 =	vmul.f32 $1.442695020e+00, v8;
	[tilespmem:s30+$0x20] =	vst v0  }
0x88: {  	v6 =	vmul.f32 $1.442695020e+00, v6;
	v2 =	vld [tilespmem:s7+$0xFFFFFFA0];
	[tilespmem:s29+$0x20] =	vst v1  }
0x89: {  	v5 =	vmul.f32 $1.442695020e+00, v5;
	(erf) = vpow2.f32 v3;
	v3 =	vld [tilespmem:s7+$0x30]  }
0x8a: {  	(erf) = vpow2.f32 v6;
	v1 =	vmul.f32 $1.442695020e+00, v4;
	v4 =	vld [tilespmem:s7+$0xB0]  }
0x8b: {  	v0 =	vld [tilespmem:s28+$0xFFFFFDA0];
	(erf) = vpow2.f32 v5  }
0x8c: {  	v5 =	vld [tilespmem:s7+$0x130]  }
0x8d: {  	(erf) = vpow2.f32 v1;
	v1 =	vld [tilespmem:s7+$0x1B0];
	v2 =	vmul.f32 $1.442695020e+00, v2  }
0x8e: {  	v6 =	vld [tilespmem:s28+$0xFFFFFE20];
	v3 =	vmul.f32 $1.442695020e+00, v3  }
0x8f: {  	(erf) = vpow2.f32 v2;
	v2 =	vld [tilespmem:s28+$0xFFFFFF20];
	v4 =	vmul.f32 $1.442695020e+00, v4;
	_ =	sdelay $0x1  }
0x90: {  	v8 =	vld [tilespmem:s7+$0x230];
	v5 =	vmul.f32 $1.442695020e+00, v5;
	(erf) = vpow2.f32 v3  }
0x91: {  	v1 =	vmul.f32 $1.442695020e+00, v1;
	(erf) = vpow2.f32 v4;
	v3 =	vpop (erf)  }
0x92: {  	v4 =	vpop (erf);
	(erf) = vpow2.f32 v5;
	v5 =	vld [tilespmem:s28+$0xFFFFFFA0]  }
0x93: {  	v0 =	vadd.f32 v6, v0;
	v9 =	vpop (erf);
	(erf) = vpow2.f32 v1;
	v1 =	vadd.f32 v2, v7;
	_ =	sdelay $0x1  }
0x94: {  	v2 =	vld [tilespmem:s28+$0x30];
	v7 =	vmul.f32 $1.442695020e+00, v8;
	v6 =	vpop (erf);
	v0 =	vadd.f32 v1, v0  }
0x95: {  	v3 =	vadd.f32 v4, v3;
	v4 =	vadd.f32 v6, v9;
	v6 =	vld [tilespmem:s28+$0xB0]  }
0x96: {  	v1 =	vld [tilespmem:s28+$0x130];
	v0 =	vadd.f32 v0, v5  }
0x97: {  	(erf) = vpow2.f32 v7;
	v3 =	vadd.f32 v4, v3;
	v4 =	vld [tilespmem:s28+$0x1B0]  }
0x98: {  	v7 =	vpop (erf)  }
0x99: {  	v5 =	vpop (erf);
	v3 =	vadd.f32 v3, v7  }
0x9a: {  	[tilespmem:s30+$0xFFFFFFA0] =	vst v0;
	v0 =	vpop (erf)  }
0x9b: {  	[tilespmem:s29+$0xFFFFFFA0] =	vst v3;
	v3 =	vld [tilespmem:s28+$0x230];
	v7 =	vpop (erf)  }
0x9c: {  	v2 =	vadd.f32 v6, v2;
	v8 =	vld [tilespmem:s7+$0xFFFFFDB0];
	v1 =	vadd.f32 v4, v1;
	v4 =	vpop (erf)  }
0x9d: {  	v6 =	vld [tilespmem:s7+$0xFFFFFE30];
	v0 =	vadd.f32 v0, v5;
	v4 =	vadd.f32 v4, v7  }
0x9e: {  	v5 =	vld [tilespmem:s7+$0xFFFFFEB0];
	v1 =	vadd.f32 v1, v2  }
0x9f: {  	v2 =	vld [tilespmem:s7+$0xFFFFFF30];
	v0 =	vadd.f32 v4, v0  }
0xa0: {  	v1 =	vadd.f32 v1, v3;
	v3 =	vpop (erf)  }
0xa1: {  	v0 =	vadd.f32 v0, v3  }
0xa2: {  	v7 =	vld [tilespmem:s28+$0xFFFFFEB0];
	v4 =	vmul.f32 $1.442695020e+00, v8;
	[tilespmem:s30+$0x30] =	vst v1  }
0xa3: {  	v6 =	vmul.f32 $1.442695020e+00, v6;
	v5 =	vmul.f32 $1.442695020e+00, v5;
	v3 =	vld [tilespmem:s7+$0xFFFFFFB0];
	[tilespmem:s29+$0x30] =	vst v0  }
0xa4: {  	(erf) = vpow2.f32 v4;
	v0 =	vmul.f32 $1.442695020e+00, v2;
	v2 =	vld [tilespmem:s7+$0x40]  }
0xa5: {  	(erf) = vpow2.f32 v6;
	v4 =	vld [tilespmem:s7+$0xC0]  }
0xa6: {  	v1 =	vld [tilespmem:s28+$0xFFFFFDB0];
	(erf) = vpow2.f32 v5  }
0xa7: {  	v5 =	vld [tilespmem:s7+$0x140]  }
0xa8: {  	(erf) = vpow2.f32 v0;
	v0 =	vld [tilespmem:s7+$0x1C0];
	v3 =	vmul.f32 $1.442695020e+00, v3  }
0xa9: {  	v6 =	vld [tilespmem:s28+$0xFFFFFE30];
	v2 =	vmul.f32 $1.442695020e+00, v2  }
0xaa: {  	(erf) = vpow2.f32 v3;
	v3 =	vld [tilespmem:s28+$0xFFFFFF30];
	v4 =	vmul.f32 $1.442695020e+00, v4;
	_ =	sdelay $0x1  }
0xab: {  	v8 =	vld [tilespmem:s7+$0x240];
	v5 =	vmul.f32 $1.442695020e+00, v5;
	(erf) = vpow2.f32 v2  }
0xac: {  	v0 =	vmul.f32 $1.442695020e+00, v0;
	(erf) = vpow2.f32 v4;
	v2 =	vpop (erf)  }
0xad: {  	v4 =	vpop (erf);
	(erf) = vpow2.f32 v5;
	v5 =	vld [tilespmem:s28+$0xFFFFFFB0]  }
0xae: {  	v9 =	vpop (erf);
	(erf) = vpow2.f32 v0;
	v0 =	vadd.f32 v6, v1;
	v1 =	vadd.f32 v3, v7;
	_ =	sdelay $0x1  }
0xaf: {  	v3 =	vld [tilespmem:s28+$0x40];
	v7 =	vmul.f32 $1.442695020e+00, v8;
	v6 =	vpop (erf);
	v0 =	vadd.f32 v1, v0  }
0xb0: {  	v2 =	vadd.f32 v4, v2;
	v4 =	vadd.f32 v6, v9;
	v6 =	vld [tilespmem:s28+$0xC0]  }
0xb1: {  	v1 =	vld [tilespmem:s28+$0x140];
	v0 =	vadd.f32 v0, v5  }
0xb2: {  	(erf) = vpow2.f32 v7;
	v2 =	vadd.f32 v4, v2;
	v4 =	vld [tilespmem:s28+$0x1C0]  }
0xb3: {  	v7 =	vpop (erf)  }
0xb4: {  	v5 =	vpop (erf);
	v2 =	vadd.f32 v2, v7  }
0xb5: {  	[tilespmem:s30+$0xFFFFFFB0] =	vst v0;
	v0 =	vpop (erf)  }
0xb6: {  	[tilespmem:s29+$0xFFFFFFB0] =	vst v2;
	v2 =	vld [tilespmem:s28+$0x240];
	v7 =	vpop (erf)  }
0xb7: {  	v3 =	vadd.f32 v6, v3;
	v8 =	vld [tilespmem:s7+$0xFFFFFDC0];
	v1 =	vadd.f32 v4, v1;
	v4 =	vpop (erf)  }
0xb8: {  	v6 =	vld [tilespmem:s7+$0xFFFFFE40];
	v0 =	vadd.f32 v0, v5;
	v4 =	vadd.f32 v4, v7  }
0xb9: {  	v5 =	vld [tilespmem:s7+$0xFFFFFEC0];
	v1 =	vadd.f32 v1, v3  }
0xba: {  	v3 =	vld [tilespmem:s7+$0xFFFFFF40];
	v0 =	vadd.f32 v4, v0  }
0xbb: {  	v1 =	vadd.f32 v1, v2;
	v2 =	vpop (erf)  }
0xbc: {  	v0 =	vadd.f32 v0, v2  }
0xbd: {  	v7 =	vld [tilespmem:s28+$0xFFFFFEC0];
	v4 =	vmul.f32 $1.442695020e+00, v8;
	[tilespmem:s30+$0x40] =	vst v1  }
0xbe: {  	v6 =	vmul.f32 $1.442695020e+00, v6;
	v5 =	vmul.f32 $1.442695020e+00, v5;
	v2 =	vld [tilespmem:s7+$0xFFFFFFC0];
	[tilespmem:s29+$0x40] =	vst v0  }
0xbf: {  	(erf) = vpow2.f32 v4;
	v0 =	vmul.f32 $1.442695020e+00, v3;
	v3 =	vld [tilespmem:s7+$0x50]  }
0xc0: {  	(erf) = vpow2.f32 v6;
	v4 =	vld [tilespmem:s7+$0xD0]  }
0xc1: {  	v1 =	vld [tilespmem:s28+$0xFFFFFDC0];
	(erf) = vpow2.f32 v5  }
0xc2: {  	v5 =	vld [tilespmem:s7+$0x150]  }
0xc3: {  	(erf) = vpow2.f32 v0;
	v0 =	vld [tilespmem:s7+$0x1D0];
	v2 =	vmul.f32 $1.442695020e+00, v2  }
0xc4: {  	v6 =	vld [tilespmem:s28+$0xFFFFFE40];
	v3 =	vmul.f32 $1.442695020e+00, v3  }
0xc5: {  	(erf) = vpow2.f32 v2;
	v2 =	vld [tilespmem:s28+$0xFFFFFF40];
	v4 =	vmul.f32 $1.442695020e+00, v4;
	_ =	sdelay $0x1  }
0xc6: {  	v8 =	vld [tilespmem:s7+$0x250];
	v5 =	vmul.f32 $1.442695020e+00, v5;
	(erf) = vpow2.f32 v3  }
0xc7: {  	v0 =	vmul.f32 $1.442695020e+00, v0;
	(erf) = vpow2.f32 v4;
	v3 =	vpop (erf)  }
0xc8: {  	v4 =	vpop (erf);
	(erf) = vpow2.f32 v5;
	v5 =	vld [tilespmem:s28+$0xFFFFFFC0]  }
0xc9: {  	v9 =	vpop (erf);
	(erf) = vpow2.f32 v0;
	v0 =	vadd.f32 v6, v1;
	v1 =	vadd.f32 v2, v7;
	_ =	sdelay $0x1  }
0xca: {  	v2 =	vld [tilespmem:s28+$0x50];
	v7 =	vmul.f32 $1.442695020e+00, v8;
	v6 =	vpop (erf);
	v0 =	vadd.f32 v1, v0  }
0xcb: {  	v3 =	vadd.f32 v4, v3;
	v4 =	vadd.f32 v6, v9;
	v6 =	vld [tilespmem:s28+$0xD0]  }
0xcc: {  	v1 =	vld [tilespmem:s28+$0x150];
	v0 =	vadd.f32 v0, v5  }
0xcd: {  	(erf) = vpow2.f32 v7;
	v3 =	vadd.f32 v4, v3;
	v4 =	vld [tilespmem:s28+$0x1D0]  }
0xce: {  	v7 =	vpop (erf)  }
0xcf: {  	v5 =	vpop (erf);
	v3 =	vadd.f32 v3, v7  }
0xd0: {  	[tilespmem:s30+$0xFFFFFFC0] =	vst v0;
	v0 =	vpop (erf)  }
0xd1: {  	[tilespmem:s29+$0xFFFFFFC0] =	vst v3;
	v3 =	vld [tilespmem:s28+$0x250];
	v7 =	vpop (erf)  }
0xd2: {  	v2 =	vadd.f32 v6, v2;
	v8 =	vld [tilespmem:s7+$0xFFFFFDD0];
	v1 =	vadd.f32 v4, v1;
	v4 =	vpop (erf)  }
0xd3: {  	s31 =	simm.s32 $0x6400;
	v6 =	vld [tilespmem:s7+$0xFFFFFE50];
	v0 =	vadd.f32 v0, v5;
	v4 =	vadd.f32 v4, v7  }
0xd4: {  	v5 =	vld [tilespmem:s31+$0x0];
	v1 =	vadd.f32 v1, v2  }
0xd5: {  	v2 =	vld [tilespmem:s31+$0x80];
	v0 =	vadd.f32 v4, v0  }
0xd6: {  	v4 =	vld [tilespmem:s31+$0x100];
	v1 =	vadd.f32 v1, v3;
	v3 =	vpop (erf)  }
0xd7: {  	v7 =	vld [tilespmem:s31+$0x180];
	v8 =	vmul.f32 $1.442695020e+00, v8;
	v0 =	vadd.f32 v0, v3  }
0xd8: {  	v6 =	vmul.f32 $1.442695020e+00, v6;
	v3 =	vld [tilespmem:s31+$0xFFFFFD80];
	[tilespmem:s30+$0x50] =	vst v1  }
0xd9: {  	v1 =	vmul.f32 $1.442695020e+00, v5;
	v5 =	vld [tilespmem:s31+$0x200];
	(erf) = vpow2.f32 v8;
	[tilespmem:s29+$0x50] =	vst v0  }
0xda: {  	v0 =	vmul.f32 $1.442695020e+00, v2;
	(erf) = vpow2.f32 v6;
	v2 =	vld [tilespmem:s7+$0x60]  }
0xdb: {  	v4 =	vmul.f32 $1.442695020e+00, v4;
	(erf) = vpow2.f32 v1;
	v1 =	vld [tilespmem:s7+$0xE0]  }
0xdc: {  	v6 =	vmul.f32 $1.442695020e+00, v7;
	(erf) = vpow2.f32 v0;
	v0 =	vld [tilespmem:s7+$0x160]  }
0xdd: {  	v3 =	vmul.f32 $1.442695020e+00, v3;
	(erf) = vpow2.f32 v4;
	v4 =	vld [tilespmem:s7+$0x1E0]  }
0xde: {  	v5 =	vmul.f32 $1.442695020e+00, v5;
	(erf) = vpow2.f32 v6  }
0xdf: {  	s2 =	simm.s32 $0x1400;
	v15 =	vld [tilespmem:s31+$0xFFFFFF00];
	(erf) = vpow2.f32 v3  }
0xe0: {  	v7 =	vld [tilespmem:s2+$0x0];
	v2 =	vmul.f32 $1.442695020e+00, v2;
	(erf) = vpow2.f32 v5  }
0xe1: {  	v3 =	vld [tilespmem:s2+$0x100];
	v1 =	vmul.f32 $1.442695020e+00, v1;
	v0 =	vmul.f32 $1.442695020e+00, v0  }
0xe2: {  	v5 =	vld [tilespmem:s7+$0x260];
	(erf) = vpow2.f32 v2;
	v4 =	vmul.f32 $1.442695020e+00, v4  }
0xe3: {  	v2 =	vld [tilespmem:s2+$0x180];
	v8 =	vpop (erf);
	(erf) = vpow2.f32 v1  }
0xe4: {  	v6 =	vld [tilespmem:s2+$0x80];
	v9 =	vpop (erf);
	(erf) = vpow2.f32 v0  }
0xe5: {  	v11 =	vld [tilespmem:s28+$0x60];
	v10 =	vpop (erf);
	(erf) = vpow2.f32 v4  }
0xe6: {  	v13 =	vld [tilespmem:s28+$0xE0];
	v4 =	vpop (erf)  }
0xe7: {  	v40 =	vld [tilespmem:s28+$0x1E0];
	v5 =	vmul.f32 $1.442695020e+00, v5;
	v12 =	vpop (erf);
	v4 =	vadd.f32 v4, v10  }
0xe8: {  	v0 =	vld [tilespmem:s2+$0x200];
	v2 =	vadd.f32 v2, v3;
	v3 =	vpop (erf)  }
0xe9: {  	v6 =	vadd.f32 v6, v7;
	v7 =	vld [tilespmem:s28+$0x160];
	v3 =	vadd.f32 v3, v12;
	v10 =	vpop (erf);
	(erf) = vpow2.f32 v5  }
0xea: {  	v17 =	vld [tilespmem:s2+$0xFFFFFE00];
	v14 =	vpop (erf)  }
0xeb: {  	v1 =	vld [tilespmem:s31+$0xFFFFFE00];
	v2 =	vadd.f32 v2, v6;
	v3 =	vadd.f32 v3, v4;
	v4 =	vpop (erf)  }
0xec: {  	v5 =	vld [tilespmem:s31+$0xFFFFFE80];
	v16 =	vpop (erf)  }
0xed: {  	v0 =	vadd.f32 v2, v0;
	v2 =	vadd.f32 v3, v14;
	v3 =	vld [tilespmem:s28+$0x260];
	v41 =	vpop (erf)  }
0xee: {  	s0 =	simm.s32 $0xAE00;
	v43 =	vld [tilespmem:s2+$0xFFFFFE80];
	v11 =	vadd.f32 v13, v11;
	v7 =	vadd.f32 v40, v7;
	v42 =	vpop (erf)  }
0xef: {  	s13 =	simm.s32 $0xBE00;
	v44 =	vld [tilespmem:s2+$0xFFFFFF00];
	v4 =	vadd.f32 v16, v4;
	[tilespmem:s0+$0x0] =	vst v0;
	v12 =	vadd.f32 v42, v41  }
0xf0: {  	v1 =	vmul.f32 $1.442695020e+00, v1;
	v6 =	vld [tilespmem:s31+$0xFFFFFF80];
	v0 =	vadd.f32 v7, v11;
	[tilespmem:s13+$0x0] =	vst v2  }
0xf1: {  	v2 =	vadd.f32 v12, v4;
	v4 =	vmul.f32 $1.442695020e+00, v5;
	v5 =	vld [tilespmem:s31+$0x10]  }
0xf2: {  	v7 =	vld [tilespmem:s2+$0xFFFFFD80];
	(erf) = vpow2.f32 v1;
	v1 =	vmul.f32 $1.442695020e+00, v15;
	v0 =	vadd.f32 v0, v3;
	v3 =	vpop (erf)  }
0xf3: {  	v11 =	vld [tilespmem:s31+$0x90];
	v2 =	vadd.f32 v2, v3;
	(erf) = vpow2.f32 v4  }
0xf4: {  	v3 =	vld [tilespmem:s31+$0x110];
	[tilespmem:s30+$0x60] =	vst v0;
	(erf) = vpow2.f32 v1  }
0xf5: {  	v0 =	vld [tilespmem:s31+$0x190];
	v1 =	vmul.f32 $1.442695020e+00, v6;
	[tilespmem:s29+$0x60] =	vst v2  }
0xf6: {  	v2 =	vld [tilespmem:s7+$0x70];
	v4 =	vmul.f32 $1.442695020e+00, v5  }
0xf7: {  	v5 =	vld [tilespmem:s7+$0xF0];
	(erf) = vpow2.f32 v1  }
0xf8: {  	v1 =	vmul.f32 $1.442695020e+00, v11;
	(erf) = vpow2.f32 v4;
	v4 =	vld [tilespmem:s7+$0x1F0]  }
0xf9: {  	v6 =	vld [tilespmem:s7+$0x170];
	v3 =	vmul.f32 $1.442695020e+00, v3  }
0xfa: {  	v0 =	vmul.f32 $1.442695020e+00, v0;
	(erf) = vpow2.f32 v1  }
0xfb: {  	v11 =	vpop (erf);
	v1 =	vld [tilespmem:s31+$0x210];
	(erf) = vpow2.f32 v3;
	v3 =	vadd.f32 v44, v43;
	v2 =	vmul.f32 $1.442695020e+00, v2  }
0xfc: {  	(erf) = vpow2.f32 v0;
	v0 =	vmul.f32 $1.442695020e+00, v5;
	v5 =	vadd.f32 v17, v7;
	v45 =	vpop (erf)  }
0xfd: {  	v7 =	vld [tilespmem:s2+$0xFFFFFF80];
	(erf) = vpow2.f32 v2;
	v2 =	vadd.f32 v11, v10;
	v10 =	vpop (erf);
	v4 =	vmul.f32 $1.442695020e+00, v4  }
0xfe: {  	v6 =	vmul.f32 $1.442695020e+00, v6;
	(erf) = vpow2.f32 v0;
	v0 =	vadd.f32 v10, v45  }
0xff: {  	v11 =	vld [tilespmem:s2+$0x10];
	v3 =	vadd.f32 v3, v5  }
0x100: {  	v5 =	vld [tilespmem:s2+$0x110];
	v1 =	vmul.f32 $1.442695020e+00, v1;
	(erf) = vpow2.f32 v6;
	v0 =	vadd.f32 v0, v2  }
0x101: {  	v6 =	vld [tilespmem:s2+$0x190];
	(erf) = vpow2.f32 v4;
	v4 =	vpop (erf)  }
0x102: {  	v10 =	vld [tilespmem:s2+$0x90];
	(erf) = vpow2.f32 v1;
	v1 =	vadd.f32 v3, v7;
	v4 =	vadd.f32 v0, v4  }
0x103: {  	v3 =	vpop (erf)  }
0x104: {  	v48 =	vld [tilespmem:s2+$0x210];
	v7 =	vpop (erf);
	[tilespmem:s0+$0xFFFFFF80] =	vst v1  }
0x105: {  	v46 =	vld [tilespmem:s7+$0x270];
	v47 =	vpop (erf);
	[tilespmem:s13+$0xFFFFFF80] =	vst v4  }
0x106: {  	v5 =	vadd.f32 v6, v5;
	v49 =	vld [tilespmem:s31+$0xFFFFFD90];
	v4 =	vpop (erf)  }
0x107: {  	v10 =	vadd.f32 v10, v11;
	v11 =	vld [tilespmem:s31+$0xFFFFFE10];
	v1 =	vpop (erf)  }
0x108: {  	v6 =	vadd.f32 v7, v3;
	v50 =	vld [tilespmem:s31+$0xFFFFFE90];
	v7 =	vadd.f32 v4, v47;
	v4 =	vpop (erf)  }
0x109: {  	v51 =	vld [tilespmem:s31+$0xFFFFFF10];
	v10 =	vadd.f32 v5, v10;
	v3 =	vpop (erf)  }
0x10a: {  	v12 =	vmul.f32 $1.442695020e+00, v46;
	v6 =	vadd.f32 v7, v6;
	v5 =	vpop (erf)  }
0x10b: {  	v18 =	vld [tilespmem:s7+$0xFFFFFED0];
	v10 =	vadd.f32 v10, v48;
	v15 =	vmul.f32 $1.442695020e+00, v49;
	v52 =	vpop (erf)  }
0x10c: {  	v53 =	vld [tilespmem:s31+$0xFFFFFF90];
	(erf) = vpow2.f32 v12;
	v11 =	vmul.f32 $1.442695020e+00, v11;
	v6 =	vadd.f32 v6, v52  }
0x10d: {  	v54 =	vld [tilespmem:s2+$0xFFFFFD90];
	[tilespmem:s0+$0x10] =	vst v10;
	v13 =	vmul.f32 $1.442695020e+00, v50;
	(erf) = vpow2.f32 v15  }
0x10e: {  	v58 =	vld [tilespmem:s2+$0xFFFFFE90];
	(erf) = vpow2.f32 v11;
	[tilespmem:s13+$0x10] =	vst v6;
	v6 =	vmul.f32 $1.442695020e+00, v51  }
0x10f: {  	v59 =	vld [tilespmem:s2+$0xFFFFFF10];
	(erf) = vpow2.f32 v13  }
0x110: {  	v11 =	vld [tilespmem:s31+$0x20];
	(erf) = vpow2.f32 v6  }
0x111: {  	v55 =	vld [tilespmem:s31+$0xA0];
	v6 =	vmul.f32 $1.442695020e+00, v53  }
0x112: {  	v56 =	vld [tilespmem:s31+$0x120]  }
0x113: {  	v57 =	vld [tilespmem:s31+$0x1A0]  }
0x114: {  	v10 =	vld [tilespmem:s2+$0xFFFFFE10];
	(erf) = vpow2.f32 v6  }
0x115: {  	v21 =	vld [tilespmem:s7+$0xFFFFFF50];
	v11 =	vmul.f32 $1.442695020e+00, v11;
	v6 =	vpop (erf)  }
0x116: {  	v61 =	vld [tilespmem:s7+$0xFFFFFFD0];
	v14 =	vmul.f32 $1.442695020e+00, v55;
	v20 =	vpop (erf)  }
0x117: {  	v19 =	vld [tilespmem:s31+$0x220];
	v13 =	vmul.f32 $1.442695020e+00, v56;
	(erf) = vpow2.f32 v11;
	v60 =	vpop (erf)  }
0x118: {  	v15 =	vmul.f32 $1.442695020e+00, v57;
	v11 =	vld [tilespmem:s2+$0xFFFFFF90];
	(erf) = vpow2.f32 v14;
	v22 =	vpop (erf)  }
0x119: {  	v29 =	vld [tilespmem:s28+$0xFFFFFDD0];
	v62 =	vadd.f32 v59, v58;
	v10 =	vadd.f32 v10, v54;
	(erf) = vpow2.f32 v13;
	v24 =	vpop (erf)  }
0x11a: {  	v41 =	vld [tilespmem:s28+$0xFFFFFF50];
	v14 =	vadd.f32 v60, v20;
	(erf) = vpow2.f32 v15;
	v16 =	vadd.f32 v24, v22  }
0x11b: {  	v25 =	vmul.f32 $1.442695020e+00, v18;
	v63 =	vld [tilespmem:s2+$0x20];
	v10 =	vadd.f32 v62, v10  }
0x11c: {  	v26 =	vld [tilespmem:s2+$0xA0];
	v19 =	vmul.f32 $1.442695020e+00, v19;
	v14 =	vadd.f32 v16, v14  }
0x11d: {  	v27 =	vld [tilespmem:s2+$0x120];
	(erf) = vpow2.f32 v25;
	v30 =	vpop (erf);
	v10 =	vadd.f32 v10, v11  }
0x11e: {  	v28 =	vld [tilespmem:s2+$0x1A0];
	(erf) = vpow2.f32 v19;
	v14 =	vadd.f32 v14, v30  }
0x11f: {  	v33 =	vld [tilespmem:s2+$0x220];
	[tilespmem:s0+$0xFFFFFF90] =	vst v10  }
0x120: {  	v11 =	vld [tilespmem:s28+$0xFFFFFE50];
	v31 =	vpop (erf);
	[tilespmem:s13+$0xFFFFFF90] =	vst v14  }
0x121: {  	v32 =	vpop (erf);
	v23 =	vld [tilespmem:s31+$0xFFFFFDA0]  }
0x122: {  	v34 =	vpop (erf);
	v36 =	vld [tilespmem:s31+$0xFFFFFE20]  }
0x123: {  	v12 =	vadd.f32 v28, v27;
	v15 =	vadd.f32 v26, v63;
	v38 =	vld [tilespmem:s31+$0xFFFFFEA0];
	v35 =	vpop (erf)  }
0x124: {  	v37 =	vmul.f32 $1.442695020e+00, v21;
	v19 =	vadd.f32 v32, v31;
	v39 =	vld [tilespmem:s31+$0xFFFFFF20];
	v16 =	vadd.f32 v35, v34  }
0x125: {  	v13 =	vmul.f32 $1.442695020e+00, v61;
	v12 =	vadd.f32 v12, v15;
	v10 =	vld [tilespmem:s28+$0xFFFFFED0]  }
0x126: {  	(erf) = vpow2.f32 v37;
	v43 =	vld [tilespmem:s31+$0xFFFFFFA0];
	v40 =	vpop (erf);
	v16 =	vadd.f32 v16, v19;
	v23 =	vmul.f32 $1.442695020e+00, v23  }
0x127: {  	v12 =	vadd.f32 v12, v33;
	(erf) = vpow2.f32 v13;
	v44 =	vld [tilespmem:s2+$0xFFFFFDA0];
	v42 =	vpop (erf);
	v45 =	vmul.f32 $1.442695020e+00, v36  }
0x128: {  	v46 =	vld [tilespmem:s2+$0xFFFFFE20];
	v47 =	vmul.f32 $1.442695020e+00, v38;
	v14 =	vadd.f32 v16, v42;
	(erf) = vpow2.f32 v23  }
0x129: {  	[tilespmem:s0+$0x20] =	vst v12;
	v53 =	vld [tilespmem:s2+$0xFFFFFEA0];
	v48 =	vmul.f32 $1.442695020e+00, v39;
	(erf) = vpow2.f32 v45  }
0x12a: {  	v54 =	vld [tilespmem:s2+$0xFFFFFF20];
	[tilespmem:s13+$0x20] =	vst v14;
	(erf) = vpow2.f32 v47  }
0x12b: {  	v49 =	vld [tilespmem:s31+$0x30];
	(erf) = vpow2.f32 v48  }
0x12c: {  	v50 =	vld [tilespmem:s31+$0xB0]  }
0x12d: {  	v51 =	vld [tilespmem:s31+$0x130]  }
0x12e: {  	v11 =	vadd.f32 v11, v29;
	v22 =	vmul.f32 $1.442695020e+00, v43;
	v52 =	vld [tilespmem:s31+$0x1B0]  }
0x12f: {  	v8 =	vadd.f32 v9, v8;
	v55 =	vld [tilespmem:s28+$0xFFFFFFD0];
	v10 =	vadd.f32 v41, v10;
	v9 =	vpop (erf)  }
0x130: {  	v2 =	vld [tilespmem:s28+$0xF0];
	v56 =	vpop (erf);
	(erf) = vpow2.f32 v22;
	v15 =	vmul.f32 $1.442695020e+00, v49  }
0x131: {  	v0 =	vld [tilespmem:s28+$0x70];
	v10 =	vadd.f32 v10, v11;
	v12 =	vadd.f32 v46, v44;
	v16 =	vmul.f32 $1.442695020e+00, v50;
	v59 =	vpop (erf)  }
0x132: {  	v19 =	vadd.f32 v9, v40;
	v57 =	vld [tilespmem:s31+$0x230];
	v18 =	vmul.f32 $1.442695020e+00, v51;
	(erf) = vpow2.f32 v15;
	v11 =	vpop (erf)  }
0x133: {  	v60 =	vld [tilespmem:s2+$0xFFFFFFA0];
	v62 =	vadd.f32 v54, v53;
	v14 =	vmul.f32 $1.442695020e+00, v52;
	(erf) = vpow2.f32 v16;
	v61 =	vpop (erf)  }
0x134: {  	v10 =	vadd.f32 v10, v55;
	v63 =	vld [tilespmem:s2+$0x30];
	v58 =	vadd.f32 v19, v8;
	(erf) = vpow2.f32 v18;
	v24 =	vpop (erf)  }
0x135: {  	v25 =	vld [tilespmem:s2+$0xB0];
	v11 =	vadd.f32 v11, v59;
	(erf) = vpow2.f32 v14;
	v16 =	vadd.f32 v24, v61  }
0x136: {  	v27 =	vld [tilespmem:s2+$0x130];
	v15 =	vadd.f32 v58, v56  }
0x137: {  	v12 =	vadd.f32 v62, v12;
	[tilespmem:s30+$0xFFFFFFD0] =	vst v10;
	v26 =	vmul.f32 $1.442695020e+00, v57;
	v10 =	vadd.f32 v16, v11;
	v11 =	vld [tilespmem:s2+$0x1B0]  }
0x138: {  	v7 =	vld [tilespmem:s28+$0x170];
	[tilespmem:s29+$0xFFFFFFD0] =	vst v15  }
0x139: {  	v12 =	vadd.f32 v12, v60;
	v29 =	vld [tilespmem:s7+$0xFFFFFDE0];
	(erf) = vpow2.f32 v26;
	v28 =	vpop (erf)  }
0x13a: {  	v31 =	vld [tilespmem:s7+$0xFFFFFE60];
	v10 =	vadd.f32 v10, v28  }
0x13b: {  	[tilespmem:s0+$0xFFFFFFA0] =	vst v12;
	v33 =	vld [tilespmem:s7+$0xFFFFFEE0];
	v30 =	vpop (erf)  }
0x13c: {  	v17 =	vadd.f32 v25, v63;
	v32 =	vpop (erf);
	[tilespmem:s13+$0xFFFFFFA0] =	vst v10;
	v10 =	vld [tilespmem:s2+$0x230];
	v11 =	vadd.f32 v11, v27  }
0x13d: {  	v34 =	vpop (erf);
	v35 =	vld [tilespmem:s31+$0xFFFFFDB0]  }
0x13e: {  	v37 =	vld [tilespmem:s31+$0xFFFFFE30];
	v36 =	vpop (erf);
	v11 =	vadd.f32 v11, v17  }
0x13f: {  	v13 =	vmul.f32 $1.442695020e+00, v29;
	v12 =	vadd.f32 v32, v30;
	v38 =	vld [tilespmem:s31+$0xFFFFFEB0];
	v14 =	vadd.f32 v36, v34  }
0x140: {  	v16 =	vmul.f32 $1.442695020e+00, v31;
	v39 =	vld [tilespmem:s31+$0xFFFFFF30]  }
0x141: {  	v40 =	vmul.f32 $1.442695020e+00, v33;
	(erf) = vpow2.f32 v13;
	v41 =	vld [tilespmem:s31+$0xFFFFFFB0];
	v12 =	vadd.f32 v14, v12  }
0x142: {  	(erf) = vpow2.f32 v16;
	v42 =	vld [tilespmem:s2+$0xFFFFFDB0];
	v10 =	vadd.f32 v11, v10;
	v43 =	vmul.f32 $1.442695020e+00, v35;
	v11 =	vpop (erf)  }
0x143: {  	v44 =	vld [tilespmem:s2+$0xFFFFFE30];
	(erf) = vpow2.f32 v40;
	v45 =	vmul.f32 $1.442695020e+00, v37;
	v11 =	vadd.f32 v12, v11  }
0x144: {  	v49 =	vld [tilespmem:s2+$0xFFFFFF30];
	v15 =	vmul.f32 $1.442695020e+00, v38;
	[tilespmem:s0+$0x30] =	vst v10;
	(erf) = vpow2.f32 v43  }
0x145: {  	v10 =	vld [tilespmem:s2+$0xFFFFFEB0];
	(erf) = vpow2.f32 v45;
	[tilespmem:s13+$0x30] =	vst v11;
	v11 =	vmul.f32 $1.442695020e+00, v39  }
0x146: {  	(erf) = vpow2.f32 v15;
	v46 =	vld [tilespmem:s31+$0x40]  }
0x147: {  	v47 =	vld [tilespmem:s31+$0xC0];
	(erf) = vpow2.f32 v11  }
0x148: {  	v48 =	vld [tilespmem:s31+$0x140]  }
0x149: {  	v13 =	vmul.f32 $1.442695020e+00, v41;
	v11 =	vld [tilespmem:s31+$0x1C0]  }
0x14a: {  	v9 =	vld [tilespmem:s28+$0x1F0];
	v50 =	vpop (erf)  }
0x14b: {  	v53 =	vld [tilespmem:s7+$0xFFFFFF60];
	v52 =	vpop (erf);
	(erf) = vpow2.f32 v13;
	v17 =	vmul.f32 $1.442695020e+00, v46  }
0x14c: {  	v57 =	vld [tilespmem:s7+$0xFFFFFFE0];
	v54 =	vpop (erf);
	v14 =	vmul.f32 $1.442695020e+00, v47  }
0x14d: {  	v12 =	vadd.f32 v44, v42;
	v55 =	vld [tilespmem:s31+$0x240];
	v15 =	vmul.f32 $1.442695020e+00, v48;
	v56 =	vpop (erf);
	(erf) = vpow2.f32 v17  }
0x14e: {  	v51 =	vld [tilespmem:s2+$0xFFFFFFB0];
	v10 =	vadd.f32 v49, v10;
	v11 =	vmul.f32 $1.442695020e+00, v11;
	v24 =	vpop (erf);
	(erf) = vpow2.f32 v14  }
0x14f: {  	v58 =	vld [tilespmem:s28+$0xFFFFFDE0];
	v25 =	vpop (erf);
	(erf) = vpow2.f32 v15  }
0x150: {  	v28 =	vld [tilespmem:s28+$0xFFFFFEE0];
	v10 =	vadd.f32 v10, v12;
	(erf) = vpow2.f32 v11;
	v60 =	vpop (erf)  }
0x151: {  	v21 =	vmul.f32 $1.442695020e+00, v53;
	v59 =	vld [tilespmem:s2+$0x40];
	v17 =	vadd.f32 v24, v56;
	v18 =	vadd.f32 v60, v25  }
0x152: {  	v61 =	vld [tilespmem:s2+$0xC0];
	v23 =	vmul.f32 $1.442695020e+00, v55  }
0x153: {  	v62 =	vld [tilespmem:s2+$0x140];
	v10 =	vadd.f32 v10, v51;
	(erf) = vpow2.f32 v21;
	v17 =	vadd.f32 v18, v17  }
0x154: {  	v63 =	vld [tilespmem:s2+$0x1C0];
	v27 =	vpop (erf);
	(erf) = vpow2.f32 v23  }
0x155: {  	v30 =	vld [tilespmem:s28+$0xFFFFFF60];
	v17 =	vadd.f32 v17, v27  }
0x156: {  	v32 =	vld [tilespmem:s2+$0x240];
	[tilespmem:s0+$0xFFFFFFB0] =	vst v10;
	v29 =	vpop (erf)  }
0x157: {  	v11 =	vld [tilespmem:s28+$0xFFFFFE60];
	v10 =	vpop (erf);
	[tilespmem:s13+$0xFFFFFFB0] =	vst v17  }
0x158: {  	v26 =	vpop (erf);
	v33 =	vld [tilespmem:s31+$0xFFFFFDC0]  }
0x159: {  	v16 =	vadd.f32 v61, v59;
	v12 =	vadd.f32 v63, v62;
	v14 =	vmul.f32 $1.442695020e+00, v57;
	v35 =	vld [tilespmem:s31+$0xFFFFFE40];
	v34 =	vpop (erf)  }
0x15a: {  	v10 =	vadd.f32 v10, v29;
	v36 =	vld [tilespmem:s31+$0xFFFFFEC0];
	v18 =	vadd.f32 v34, v26  }
0x15b: {  	v12 =	vadd.f32 v12, v16;
	(erf) = vpow2.f32 v14;
	v37 =	vld [tilespmem:s31+$0xFFFFFF40]  }
0x15c: {  	v8 =	vld [tilespmem:s28+$0x270];
	v38 =	vpop (erf);
	v10 =	vadd.f32 v18, v10  }
0x15d: {  	v31 =	vld [tilespmem:s28+$0xFFFFFFE0];
	v12 =	vadd.f32 v12, v32;
	v40 =	vpop (erf);
	v42 =	vmul.f32 $1.442695020e+00, v33  }
0x15e: {  	v43 =	vadd.f32 v30, v28;
	v39 =	vld [tilespmem:s31+$0xFFFFFFC0];
	v14 =	vmul.f32 $1.442695020e+00, v35;
	v10 =	vadd.f32 v10, v40  }
0x15f: {  	[tilespmem:s0+$0x40] =	vst v12;
	v11 =	vadd.f32 v11, v58;
	v41 =	vld [tilespmem:s2+$0xFFFFFDC0];
	v45 =	vmul.f32 $1.442695020e+00, v36;
	(erf) = vpow2.f32 v42  }
0x160: {  	v13 =	vadd.f32 v52, v50;
	v44 =	vld [tilespmem:s2+$0xFFFFFE40];
	v46 =	vmul.f32 $1.442695020e+00, v37;
	[tilespmem:s13+$0x40] =	vst v10;
	(erf) = vpow2.f32 v14  }
0x161: {  	v11 =	vadd.f32 v43, v11;
	v18 =	vadd.f32 v38, v54;
	v47 =	vld [tilespmem:s31+$0x50];
	(erf) = vpow2.f32 v45  }
0x162: {  	v48 =	vld [tilespmem:s31+$0xD0];
	(erf) = vpow2.f32 v46  }
0x163: {  	v11 =	vadd.f32 v11, v31;
	v13 =	vadd.f32 v18, v13;
	v50 =	vld [tilespmem:s31+$0x150]  }
0x164: {  	v49 =	vpop (erf);
	v51 =	vld [tilespmem:s31+$0x1D0]  }
0x165: {  	[tilespmem:s30+$0xFFFFFFE0] =	vst v11;
	v11 =	vld [tilespmem:s2+$0xFFFFFF40];
	v52 =	vmul.f32 $1.442695020e+00, v39;
	v13 =	vadd.f32 v13, v49  }
0x166: {  	v0 =	vadd.f32 v2, v0;
	v1 =	vadd.f32 v4, v1;
	v10 =	vld [tilespmem:s2+$0xFFFFFEC0];
	v14 =	vmul.f32 $1.442695020e+00, v47  }
0x167: {  	v3 =	vadd.f32 v5, v3;
	v55 =	vld [tilespmem:s31+$0x250];
	[tilespmem:s29+$0xFFFFFFE0] =	vst v13;
	(erf) = vpow2.f32 v52;
	v16 =	vmul.f32 $1.442695020e+00, v48  }
0x168: {  	v7 =	vadd.f32 v9, v7;
	v54 =	vld [tilespmem:s7+$0xFFFFFDF0];
	v2 =	vmul.f32 $1.442695020e+00, v50;
	(erf) = vpow2.f32 v14;
	v56 =	vpop (erf)  }
0x169: {  	v53 =	vld [tilespmem:s2+$0xFFFFFFC0];
	v9 =	vmul.f32 $1.442695020e+00, v51;
	(erf) = vpow2.f32 v16;
	v4 =	vpop (erf)  }
0x16a: {  	v1 =	vadd.f32 v3, v1;
	v0 =	vadd.f32 v7, v0;
	v57 =	vld [tilespmem:s7+$0xFFFFFE70];
	(erf) = vpow2.f32 v2;
	v5 =	vpop (erf)  }
0x16b: {  	v10 =	vadd.f32 v11, v10;
	v2 =	vld [tilespmem:s7+$0xFFFFFEF0];
	(erf) = vpow2.f32 v9;
	v9 =	vadd.f32 v44, v41;
	v58 =	vpop (erf)  }
0x16c: {  	v0 =	vadd.f32 v0, v8;
	v7 =	vld [tilespmem:s7+$0xFFFFFF70];
	v5 =	vadd.f32 v58, v5  }
0x16d: {  	v59 =	vld [tilespmem:s2+$0xD0];
	v8 =	vmul.f32 $1.442695020e+00, v55;
	v3 =	vadd.f32 v10, v9;
	v9 =	vmul.f32 $1.442695020e+00, v54  }
0x16e: {  	v60 =	vld [tilespmem:s2+$0x1D0];
	v4 =	vadd.f32 v4, v56  }
0x16f: {  	v11 =	vld [tilespmem:s2+$0x50];
	v61 =	vmul.f32 $1.442695020e+00, v57;
	v3 =	vadd.f32 v3, v53;
	(erf) = vpow2.f32 v9  }
0x170: {  	v10 =	vld [tilespmem:s2+$0x150];
	v4 =	vadd.f32 v5, v4;
	v2 =	vmul.f32 $1.442695020e+00, v2;
	v5 =	vpop (erf);
	(erf) = vpow2.f32 v8  }
0x171: {  	v6 =	vadd.f32 v1, v6;
	v62 =	vld [tilespmem:s7+$0xFFFFFFF0];
	v8 =	vpop (erf);
	[tilespmem:s0+$0xFFFFFFC0] =	vst v3;
	v3 =	vmul.f32 $1.442695020e+00, v7;
	(erf) = vpow2.f32 v61  }
0x172: {  	[tilespmem:s30+$0x70] =	vst v0;
	v0 =	vld [tilespmem:s28+$0xFFFFFDF0];
	v4 =	vadd.f32 v4, v5;
	v9 =	vpop (erf);
	(erf) = vpow2.f32 v2  }
0x173: {  	v1 =	vld [tilespmem:s28+$0xFFFFFE70];
	v63 =	vpop (erf);
	(erf) = vpow2.f32 v3  }
0x174: {  	v5 =	vld [tilespmem:s2+$0x250];
	[tilespmem:s13+$0xFFFFFFC0] =	vst v4  }
0x175: {  	s11 =	simm.s32 $0x2;
	s23 =	simm.s32 $0x6900;
	[tilespmem:s29+$0x70] =	vst v6;
	v7 =	vadd.f32 v60, v10;
	v3 =	vadd.f32 v59, v11;
	v2 =	vld [tilespmem:s31+$0xFFFFFDD0];
	v6 =	vpop (erf)  }
0x176: {  	s9 =	simm.s32 $0x1400;
	s14 =	simm.s32 $0xBE00;
	s7 =	simm.s32 $0xAE00;
	v8 =	vadd.f32 v9, v8;
	v4 =	vld [tilespmem:s31+$0xFFFFFE50];
	v9 =	vadd.f32 v6, v63;
	v6 =	vmul.f32 $1.442695020e+00, v62  }
.LBB2_3:
0x177: {  	v10 =	vld [tilespmem:s23+$0x0];
	v3 =	vadd.f32 v7, v3  }
0x178: {  	v7 =	vld [tilespmem:s23+$0x80];
	v11 =	vadd.f32 v9, v8;
	v0 =	vadd.f32 v1, v0;
	v1 =	vpop (erf);
	(erf) = vpow2.f32 v6  }
0x179: {  	v6 =	vld [tilespmem:s23+$0x100];
	v12 =	vadd.f32 v3, v5;
	v5 =	vpop (erf)  }
0x17a: {  	v9 =	vld [tilespmem:s23+$0x180];
	v13 =	vmul.f32 $1.442695020e+00, v2;
	v5 =	vadd.f32 v11, v5;
	v8 =	vpop (erf)  }
0x17b: {  	v11 =	vld [tilespmem:s23+$0xFFFFFD80];
	v4 =	vmul.f32 $1.442695020e+00, v4;
	[tilespmem:s0+$0x50] =	vst v12;
	v1 =	vadd.f32 v8, v1;
	v3 =	vpop (erf)  }
0x17c: {  	v8 =	vmul.f32 $1.442695020e+00, v10;
	v10 =	vld [tilespmem:s23+$0x200];
	[tilespmem:s13+$0x50] =	vst v5;
	(erf) = vpow2.f32 v13;
	v2 =	vpop (erf)  }
0x17d: {  	v5 =	vmul.f32 $1.442695020e+00, v7;
	v7 =	vld [tilespmem:s31+$0x60];
	(erf) = vpow2.f32 v4;
	v2 =	vadd.f32 v2, v3  }
0x17e: {  	v3 =	vmul.f32 $1.442695020e+00, v6;
	(erf) = vpow2.f32 v8;
	v4 =	vld [tilespmem:s31+$0xE0]  }
0x17f: {  	v12 =	vmul.f32 $1.442695020e+00, v9;
	(erf) = vpow2.f32 v5;
	v5 =	vld [tilespmem:s31+$0x160];
	v1 =	vadd.f32 v2, v1  }
0x180: {  	s2 =	sadd.s32 $0x500, s2;
	v2 =	vmul.f32 $1.442695020e+00, v11;
	(erf) = vpow2.f32 v3;
	v3 =	vld [tilespmem:s31+$0x1E0]  }
0x181: {  	v8 =	vld [tilespmem:s2+$0x0];
	v9 =	vmul.f32 $1.442695020e+00, v10;
	(erf) = vpow2.f32 v12;
	v6 =	vpop (erf)  }
0x182: {  	v10 =	vld [tilespmem:s2+$0x80];
	(erf) = vpow2.f32 v2;
	v11 =	vmul.f32 $1.442695020e+00, v7;
	v1 =	vadd.f32 v1, v6  }
0x183: {  	v6 =	vld [tilespmem:s2+$0x100];
	(erf) = vpow2.f32 v9;
	v4 =	vmul.f32 $1.442695020e+00, v4  }
0x184: {  	v5 =	vmul.f32 $1.442695020e+00, v5;
	v7 =	vld [tilespmem:s31+$0x260];
	(erf) = vpow2.f32 v11  }
0x185: {  	v9 =	vld [tilespmem:s2+$0x180];
	v13 =	vmul.f32 $1.442695020e+00, v3;
	v2 =	vpop (erf);
	(erf) = vpow2.f32 v4  }
0x186: {  	v4 =	vld [tilespmem:s23+$0xFFFFFE00];
	v11 =	vpop (erf);
	(erf) = vpow2.f32 v5  }
0x187: {  	v5 =	vld [tilespmem:s2+$0x200];
	v12 =	vpop (erf);
	v2 =	vadd.f32 v11, v2;
	(erf) = vpow2.f32 v13  }
0x188: {  	v3 =	vpop (erf);
	v11 =	vld [tilespmem:s9+$0x60]  }
0x189: {  	v13 =	vpop (erf);
	v14 =	vld [tilespmem:s9+$0xE0];
	v7 =	vmul.f32 $1.442695020e+00, v7  }
0x18a: {  	v17 =	vadd.f32 v10, v8;
	v6 =	vadd.f32 v9, v6;
	v9 =	vpop (erf);
	v10 =	vld [tilespmem:s9+$0x160]  }
0x18b: {  	v3 =	vadd.f32 v3, v12;
	v9 =	vadd.f32 v9, v13;
	v12 =	vpop (erf);
	v13 =	vld [tilespmem:s9+$0x1E0];
	(erf) = vpow2.f32 v7  }
0x18c: {  	v18 =	vmul.f32 $1.442695020e+00, v4;
	v7 =	vld [tilespmem:s23+$0xFFFFFE80];
	v15 =	vpop (erf)  }
0x18d: {  	v6 =	vadd.f32 v6, v17;
	v16 =	vld [tilespmem:s23+$0xFFFFFF00];
	v3 =	vadd.f32 v9, v3;
	v8 =	vpop (erf)  }
0x18e: {  	v9 =	vld [tilespmem:s23+$0xFFFFFF80];
	(erf) = vpow2.f32 v18;
	v4 =	vpop (erf)  }
0x18f: {  	v5 =	vadd.f32 v6, v5;
	v3 =	vadd.f32 v3, v15;
	v6 =	vld [tilespmem:s9+$0x260];
	v15 =	vpop (erf)  }
0x190: {  	v11 =	vadd.f32 v14, v11;
	v17 =	vld [tilespmem:s2+$0xFFFFFE00];
	v10 =	vadd.f32 v13, v10;
	v13 =	vpop (erf)  }
0x191: {  	s0 =	sadd.s32 $0x100, s0;
	v4 =	vadd.f32 v4, v8;
	v14 =	vld [tilespmem:s2+$0xFFFFFE80];
	v7 =	vmul.f32 $1.442695020e+00, v7;
	v8 =	vadd.f32 v13, v15  }
0x192: {  	s13 =	sadd.s32 $0x100, s13;
	v13 =	vld [tilespmem:s2+$0xFFFFFF00];
	v15 =	vmul.f32 $1.442695020e+00, v16;
	[tilespmem:s0+$0x0] =	vst v5;
	v5 =	vadd.f32 v10, v11  }
0x193: {  	s11 =	sadd.s32 $0x2, s11;
	v10 =	vld [tilespmem:s2+$0xFFFFFD80];
	v9 =	vmul.f32 $1.442695020e+00, v9;
	[tilespmem:s13+$0x0] =	vst v3;
	(erf) = vpow2.f32 v7;
	v3 =	vadd.f32 v8, v4  }
0x194: {  	p1 =	slt.u32 s11, $0xE;
	v4 =	vld [tilespmem:s23+$0x10];
	(erf) = vpow2.f32 v15;
	v5 =	vadd.f32 v5, v6;
	v6 =	vpop (erf)  }
0x195: {  	v7 =	vld [tilespmem:s23+$0x90];
	(erf) = vpow2.f32 v9;
	v3 =	vadd.f32 v3, v6  }
0x196: {  	v6 =	vld [tilespmem:s23+$0x110];
	[tilespmem:s7+$0x60] =	vst v5  }
0x197: {  	v5 =	vadd.f32 v13, v14;
	v8 =	vld [tilespmem:s23+$0x190];
	v9 =	vpop (erf);
	[tilespmem:s14+$0x60] =	vst v3  }
0x198: {  	v3 =	vadd.f32 v17, v10;
	v9 =	vadd.f32 v9, v12;
	v10 =	vld [tilespmem:s31+$0x70]  }
0x199: {  	v4 =	vmul.f32 $1.442695020e+00, v4;
	v11 =	vld [tilespmem:s31+$0xF0]  }
0x19a: {  	v3 =	vadd.f32 v5, v3;
	v5 =	vmul.f32 $1.442695020e+00, v7;
	v7 =	vld [tilespmem:s31+$0x170]  }
0x19b: {  	v6 =	vmul.f32 $1.442695020e+00, v6;
	(erf) = vpow2.f32 v4;
	v4 =	vld [tilespmem:s31+$0x1F0]  }
0x19c: {  	v12 =	vld [tilespmem:s2+$0xFFFFFF80];
	v8 =	vmul.f32 $1.442695020e+00, v8;
	v13 =	vpop (erf);
	(erf) = vpow2.f32 v5  }
0x19d: {  	v5 =	vld [tilespmem:s23+$0x210];
	v14 =	vpop (erf);
	(erf) = vpow2.f32 v6;
	v6 =	vmul.f32 $1.442695020e+00, v10  }
0x19e: {  	v10 =	vadd.f32 v14, v13;
	v13 =	vld [tilespmem:s2+$0x10];
	v14 =	vpop (erf);
	(erf) = vpow2.f32 v8;
	v8 =	vmul.f32 $1.442695020e+00, v11  }
0x19f: {  	v7 =	vmul.f32 $1.442695020e+00, v7;
	v11 =	vld [tilespmem:s31+$0x270];
	(erf) = vpow2.f32 v6  }
0x1a0: {  	v6 =	vadd.f32 v10, v9;
	v9 =	vld [tilespmem:s2+$0x90];
	v4 =	vmul.f32 $1.442695020e+00, v4;
	(erf) = vpow2.f32 v8  }
0x1a1: {  	v3 =	vadd.f32 v3, v12;
	v8 =	vld [tilespmem:s2+$0x110];
	(erf) = vpow2.f32 v7  }
0x1a2: {  	v6 =	vadd.f32 v6, v14;
	v7 =	vld [tilespmem:s2+$0x190];
	v5 =	vmul.f32 $1.442695020e+00, v5;
	(erf) = vpow2.f32 v4  }
0x1a3: {  	[tilespmem:s0+$0xFFFFFF80] =	vst v3;
	v3 =	vld [tilespmem:s9+$0x70]  }
0x1a4: {  	[tilespmem:s13+$0xFFFFFF80] =	vst v6;
	v4 =	vpop (erf);
	(erf) = vpow2.f32 v5;
	v5 =	vld [tilespmem:s9+$0xF0];
	v6 =	vmul.f32 $1.442695020e+00, v11  }
0x1a5: {  	v10 =	vpop (erf);
	v11 =	vld [tilespmem:s9+$0x170]  }
0x1a6: {  	v12 =	vpop (erf);
	v14 =	vld [tilespmem:s9+$0x1F0];
	(erf) = vpow2.f32 v6  }
0x1a7: {  	v16 =	vadd.f32 v9, v13;
	v6 =	vld [tilespmem:s23+$0xFFFFFD90];
	v7 =	vadd.f32 v7, v8;
	v8 =	vpop (erf)  }
0x1a8: {  	v4 =	vadd.f32 v10, v4;
	v13 =	vld [tilespmem:s2+$0x210];
	v8 =	vadd.f32 v8, v12;
	v10 =	vpop (erf)  }
0x1a9: {  	v12 =	vld [tilespmem:s23+$0xFFFFFE10];
	v15 =	vpop (erf)  }
0x1aa: {  	v7 =	vadd.f32 v7, v16;
	v4 =	vadd.f32 v8, v4;
	v8 =	vld [tilespmem:s9+$0x270];
	v9 =	vpop (erf)  }
0x1ab: {  	v3 =	vadd.f32 v5, v3;
	v16 =	vld [tilespmem:s23+$0xFFFFFE90];
	v5 =	vadd.f32 v14, v11;
	v11 =	vpop (erf)  }
0x1ac: {  	v10 =	vadd.f32 v15, v10;
	v17 =	vmul.f32 $1.442695020e+00, v6;
	v14 =	vld [tilespmem:s23+$0xFFFFFF10];
	v9 =	vadd.f32 v11, v9  }
0x1ad: {  	v11 =	vld [tilespmem:s23+$0xFFFFFF90];
	v7 =	vadd.f32 v7, v13;
	v13 =	vpop (erf);
	v3 =	vadd.f32 v5, v3  }
0x1ae: {  	v5 =	vld [tilespmem:s2+$0xFFFFFD90];
	v12 =	vmul.f32 $1.442695020e+00, v12;
	v4 =	vadd.f32 v4, v13;
	v9 =	vadd.f32 v9, v10  }
0x1af: {  	v10 =	vld [tilespmem:s2+$0xFFFFFE10];
	[tilespmem:s0+$0x10] =	vst v7;
	(erf) = vpow2.f32 v17;
	v3 =	vadd.f32 v3, v8;
	v6 =	vpop (erf)  }
0x1b0: {  	v7 =	vld [tilespmem:s2+$0xFFFFFE90];
	v8 =	vmul.f32 $1.442695020e+00, v16;
	[tilespmem:s13+$0x10] =	vst v4;
	(erf) = vpow2.f32 v12;
	v4 =	vadd.f32 v9, v6  }
0x1b1: {  	v6 =	vmul.f32 $1.442695020e+00, v14;
	v9 =	vld [tilespmem:s23+$0x20];
	[tilespmem:s7+$0x70] =	vst v3  }
0x1b2: {  	v3 =	vmul.f32 $1.442695020e+00, v11;
	v11 =	vld [tilespmem:s23+$0xA0];
	(erf) = vpow2.f32 v8;
	[tilespmem:s14+$0x70] =	vst v4  }
0x1b3: {  	v4 =	vld [tilespmem:s23+$0x120];
	(erf) = vpow2.f32 v6  }
0x1b4: {  	v5 =	vadd.f32 v10, v5;
	v6 =	vld [tilespmem:s23+$0x1A0];
	(erf) = vpow2.f32 v3  }
0x1b5: {  	v3 =	vld [tilespmem:s2+$0xFFFFFF10]  }
0x1b6: {  	v8 =	vld [tilespmem:s2+$0xFFFFFF90];
	v14 =	vmul.f32 $1.442695020e+00, v9  }
0x1b7: {  	v10 =	vmul.f32 $1.442695020e+00, v11;
	v11 =	vld [tilespmem:s31+$0xFFFFFED0]  }
0x1b8: {  	v4 =	vmul.f32 $1.442695020e+00, v4;
	v12 =	vld [tilespmem:s23+$0x220];
	v13 =	vpop (erf);
	(erf) = vpow2.f32 v14  }
0x1b9: {  	v6 =	vmul.f32 $1.442695020e+00, v6;
	v9 =	vpop (erf);
	(erf) = vpow2.f32 v10;
	v10 =	vld [tilespmem:s31+$0xFFFFFF50]  }
0x1ba: {  	v3 =	vadd.f32 v3, v7;
	v7 =	vadd.f32 v9, v13;
	(erf) = vpow2.f32 v4;
	v4 =	vld [tilespmem:s31+$0xFFFFFFD0]  }
0x1bb: {  	v9 =	vpop (erf);
	(erf) = vpow2.f32 v6;
	v6 =	vld [tilespmem:s9+$0xFFFFFDD0]  }
0x1bc: {  	v3 =	vadd.f32 v3, v5;
	v5 =	vld [tilespmem:s2+$0x20];
	v13 =	vpop (erf);
	v11 =	vmul.f32 $1.442695020e+00, v11  }
0x1bd: {  	v9 =	vadd.f32 v13, v9;
	v13 =	vld [tilespmem:s2+$0xA0];
	v12 =	vmul.f32 $1.442695020e+00, v12;
	v14 =	vpop (erf)  }
0x1be: {  	v3 =	vadd.f32 v3, v8;
	v8 =	vld [tilespmem:s2+$0x120];
	v15 =	vmul.f32 $1.442695020e+00, v10;
	(erf) = vpow2.f32 v11  }
0x1bf: {  	v7 =	vadd.f32 v9, v7;
	v9 =	vld [tilespmem:s2+$0x1A0];
	(erf) = vpow2.f32 v12;
	v12 =	vmul.f32 $1.442695020e+00, v4  }
0x1c0: {  	[tilespmem:s0+$0xFFFFFF90] =	vst v3;
	v3 =	vld [tilespmem:s9+$0xFFFFFE50];
	(erf) = vpow2.f32 v15  }
0x1c1: {  	v7 =	vadd.f32 v7, v14;
	v10 =	vpop (erf);
	v11 =	vld [tilespmem:s9+$0xFFFFFED0];
	(erf) = vpow2.f32 v12  }
0x1c2: {  	v4 =	vpop (erf);
	v12 =	vld [tilespmem:s9+$0xFFFFFF50]  }
0x1c3: {  	[tilespmem:s13+$0xFFFFFF90] =	vst v7;
	v7 =	vld [tilespmem:s2+$0x220];
	v14 =	vpop (erf)  }
0x1c4: {  	v5 =	vadd.f32 v13, v5;
	v15 =	vld [tilespmem:s23+$0xFFFFFDA0];
	v8 =	vadd.f32 v9, v8;
	v9 =	vpop (erf)  }
0x1c5: {  	v4 =	vadd.f32 v4, v10;
	v13 =	vld [tilespmem:s23+$0xFFFFFE20];
	v14 =	vadd.f32 v9, v14  }
0x1c6: {  	v3 =	vadd.f32 v3, v6;
	v10 =	vld [tilespmem:s23+$0xFFFFFEA0];
	v5 =	vadd.f32 v8, v5  }
0x1c7: {  	v6 =	vld [tilespmem:s23+$0xFFFFFF20];
	v4 =	vadd.f32 v14, v4;
	v8 =	vadd.f32 v12, v11;
	v9 =	vpop (erf)  }
0x1c8: {  	v11 =	vld [tilespmem:s23+$0xFFFFFFA0];
	v5 =	vadd.f32 v5, v7;
	v7 =	vpop (erf)  }
0x1c9: {  	v12 =	vld [tilespmem:s2+$0xFFFFFDA0];
	v14 =	vmul.f32 $1.442695020e+00, v15;
	v4 =	vadd.f32 v4, v7;
	v3 =	vadd.f32 v8, v3;
	v7 =	vpop (erf)  }
0x1ca: {  	v8 =	vld [tilespmem:s2+$0xFFFFFE20];
	v13 =	vmul.f32 $1.442695020e+00, v13;
	[tilespmem:s0+$0x20] =	vst v5;
	v5 =	vadd.f32 v7, v9;
	v7 =	vpop (erf)  }
0x1cb: {  	v9 =	vld [tilespmem:s2+$0xFFFFFEA0];
	v10 =	vmul.f32 $1.442695020e+00, v10;
	[tilespmem:s13+$0x20] =	vst v4;
	(erf) = vpow2.f32 v14  }
0x1cc: {  	v4 =	vmul.f32 $1.442695020e+00, v6;
	v6 =	vld [tilespmem:s23+$0x30];
	(erf) = vpow2.f32 v13;
	v2 =	vadd.f32 v5, v2  }
0x1cd: {  	v5 =	vmul.f32 $1.442695020e+00, v11;
	v11 =	vld [tilespmem:s23+$0xB0];
	(erf) = vpow2.f32 v10  }
0x1ce: {  	v10 =	vld [tilespmem:s23+$0x130];
	(erf) = vpow2.f32 v4;
	v2 =	vadd.f32 v2, v7  }
0x1cf: {  	v4 =	vadd.f32 v8, v12;
	v7 =	vld [tilespmem:s23+$0x1B0];
	(erf) = vpow2.f32 v5  }
0x1d0: {  	v5 =	vld [tilespmem:s2+$0xFFFFFF20]  }
0x1d1: {  	v8 =	vld [tilespmem:s2+$0xFFFFFFA0];
	v6 =	vmul.f32 $1.442695020e+00, v6  }
0x1d2: {  	v11 =	vmul.f32 $1.442695020e+00, v11;
	v12 =	vld [tilespmem:s9+$0xFFFFFFD0]  }
0x1d3: {  	v10 =	vmul.f32 $1.442695020e+00, v10;
	v13 =	vld [tilespmem:s23+$0x230];
	(erf) = vpow2.f32 v6  }
0x1d4: {  	v6 =	vmul.f32 $1.442695020e+00, v7;
	v7 =	vpop (erf);
	(erf) = vpow2.f32 v11;
	v11 =	vld [tilespmem:s28+$0xFFFFFEF0]  }
0x1d5: {  	v5 =	vadd.f32 v5, v9;
	v9 =	vpop (erf);
	(erf) = vpow2.f32 v10;
	v10 =	vld [tilespmem:s28+$0xFFFFFF70]  }
0x1d6: {  	v7 =	vadd.f32 v9, v7;
	v9 =	vpop (erf);
	(erf) = vpow2.f32 v6;
	v6 =	vld [tilespmem:s28+$0xFFFFFFF0];
	s28 =	smov.u32 s9;
	s9 =	smov.u32 s2  }
0x1d7: {  	v4 =	vadd.f32 v5, v4;
	v5 =	vld [tilespmem:s2+$0x30];
	v14 =	vpop (erf);
	v3 =	vadd.f32 v3, v12  }
0x1d8: {  	v9 =	vadd.f32 v14, v9;
	v12 =	vld [tilespmem:s2+$0xB0];
	v13 =	vmul.f32 $1.442695020e+00, v13;
	v14 =	vpop (erf)  }
0x1d9: {  	v4 =	vadd.f32 v4, v8;
	v8 =	vld [tilespmem:s2+$0x130];
	[tilespmem:s7+$0xFFFFFFD0] =	vst v3  }
0x1da: {  	v3 =	vadd.f32 v9, v7;
	v7 =	vld [tilespmem:s2+$0x1B0];
	(erf) = vpow2.f32 v13;
	[tilespmem:s14+$0xFFFFFFD0] =	vst v2;
	v11 =	vadd.f32 v10, v11  }
0x1db: {  	[tilespmem:s0+$0xFFFFFFA0] =	vst v4;
	v4 =	vld [tilespmem:s31+$0xFFFFFDE0]  }
0x1dc: {  	v3 =	vadd.f32 v3, v14;
	v9 =	vpop (erf);
	v10 =	vld [tilespmem:s31+$0xFFFFFE60];
	v0 =	vadd.f32 v11, v0  }
0x1dd: {  	v2 =	vpop (erf);
	v11 =	vld [tilespmem:s31+$0xFFFFFEE0]  }
0x1de: {  	[tilespmem:s13+$0xFFFFFFA0] =	vst v3;
	v3 =	vld [tilespmem:s2+$0x230];
	v13 =	vpop (erf);
	v0 =	vadd.f32 v0, v6  }
0x1df: {  	v5 =	vadd.f32 v12, v5;
	v6 =	vld [tilespmem:s23+$0xFFFFFDB0];
	v7 =	vadd.f32 v7, v8;
	v8 =	vpop (erf)  }
0x1e0: {  	v2 =	vadd.f32 v2, v9;
	v12 =	vld [tilespmem:s23+$0xFFFFFE30];
	v8 =	vadd.f32 v8, v13;
	v4 =	vmul.f32 $1.442695020e+00, v4;
	[tilespmem:s30+$0xFFFFFFF0] =	vst v0;
	s30 =	smov.u32 s7;
	s7 =	smov.u32 s0  }
0x1e1: {  	v0 =	vld [tilespmem:s23+$0xFFFFFEB0];
	v9 =	vadd.f32 v7, v5;
	v7 =	vmul.f32 $1.442695020e+00, v10;
	[tilespmem:s29+$0xFFFFFFF0] =	vst v1;
	s29 =	smov.u32 s14;
	s14 =	smov.u32 s13  }
0x1e2: {  	v1 =	vld [tilespmem:s23+$0xFFFFFF30];
	v2 =	vadd.f32 v8, v2;
	v8 =	vmul.f32 $1.442695020e+00, v11;
	(erf) = vpow2.f32 v4  }
0x1e3: {  	v4 =	vld [tilespmem:s23+$0xFFFFFFB0];
	v3 =	vadd.f32 v9, v3;
	v5 =	vpop (erf);
	(erf) = vpow2.f32 v7  }
0x1e4: {  	v7 =	vld [tilespmem:s2+$0xFFFFFDB0];
	v6 =	vmul.f32 $1.442695020e+00, v6;
	v2 =	vadd.f32 v2, v5;
	(erf) = vpow2.f32 v8  }
0x1e5: {  	v5 =	vld [tilespmem:s2+$0xFFFFFE30];
	v8 =	vmul.f32 $1.442695020e+00, v12;
	[tilespmem:s0+$0x30] =	vst v3  }
0x1e6: {  	v3 =	vld [tilespmem:s2+$0xFFFFFEB0];
	v0 =	vmul.f32 $1.442695020e+00, v0;
	[tilespmem:s13+$0x30] =	vst v2;
	(erf) = vpow2.f32 v6  }
0x1e7: {  	v1 =	vmul.f32 $1.442695020e+00, v1;
	v2 =	vld [tilespmem:s23+$0x40];
	(erf) = vpow2.f32 v8  }
0x1e8: {  	v4 =	vmul.f32 $1.442695020e+00, v4;
	v6 =	vld [tilespmem:s23+$0xC0];
	(erf) = vpow2.f32 v0  }
0x1e9: {  	v0 =	vld [tilespmem:s23+$0x140];
	(erf) = vpow2.f32 v1  }
0x1ea: {  	v1 =	vadd.f32 v5, v7;
	v5 =	vld [tilespmem:s23+$0x1C0];
	(erf) = vpow2.f32 v4  }
0x1eb: {  	v4 =	vld [tilespmem:s2+$0xFFFFFF30];
	v7 =	vpop (erf)  }
0x1ec: {  	v8 =	vld [tilespmem:s2+$0xFFFFFFB0];
	v2 =	vmul.f32 $1.442695020e+00, v2;
	v9 =	vpop (erf)  }
0x1ed: {  	v6 =	vmul.f32 $1.442695020e+00, v6;
	v10 =	vld [tilespmem:s31+$0xFFFFFF60];
	v7 =	vadd.f32 v9, v7;
	v9 =	vpop (erf)  }
0x1ee: {  	v0 =	vmul.f32 $1.442695020e+00, v0;
	v11 =	vld [tilespmem:s23+$0x240];
	(erf) = vpow2.f32 v2  }
0x1ef: {  	v2 =	vmul.f32 $1.442695020e+00, v5;
	v5 =	vpop (erf);
	(erf) = vpow2.f32 v6;
	v6 =	vld [tilespmem:s31+$0xFFFFFFE0]  }
0x1f0: {  	v3 =	vadd.f32 v4, v3;
	v4 =	vpop (erf);
	(erf) = vpow2.f32 v0;
	v0 =	vld [tilespmem:s28+$0xFFFFFDE0]  }
0x1f1: {  	v4 =	vadd.f32 v4, v5;
	v5 =	vpop (erf);
	(erf) = vpow2.f32 v2;
	v2 =	vld [tilespmem:s28+$0xFFFFFE60]  }
0x1f2: {  	v1 =	vadd.f32 v3, v1;
	v3 =	vld [tilespmem:s2+$0x40];
	v12 =	vpop (erf);
	v10 =	vmul.f32 $1.442695020e+00, v10  }
0x1f3: {  	v5 =	vadd.f32 v12, v5;
	v12 =	vld [tilespmem:s2+$0xC0];
	v11 =	vmul.f32 $1.442695020e+00, v11;
	v13 =	vpop (erf)  }
0x1f4: {  	v1 =	vadd.f32 v1, v8;
	v8 =	vld [tilespmem:s2+$0x140];
	v6 =	vmul.f32 $1.442695020e+00, v6;
	(erf) = vpow2.f32 v10  }
0x1f5: {  	v14 =	vadd.f32 v5, v4;
	v5 =	vld [tilespmem:s2+$0x1C0];
	(erf) = vpow2.f32 v11  }
0x1f6: {  	[tilespmem:s0+$0xFFFFFFB0] =	vst v1;
	v1 =	vld [tilespmem:s28+$0xFFFFFEE0];
	v0 =	vadd.f32 v2, v0;
	(erf) = vpow2.f32 v6  }
0x1f7: {  	v2 =	vadd.f32 v14, v13;
	v4 =	vpop (erf);
	v6 =	vld [tilespmem:s28+$0xFFFFFF60]  }
0x1f8: {  	v10 =	vpop (erf);
	v11 =	vld [tilespmem:s28+$0xFFFFFFE0]  }
0x1f9: {  	[tilespmem:s13+$0xFFFFFFB0] =	vst v2;
	v2 =	vld [tilespmem:s2+$0x240];
	v13 =	vpop (erf)  }
0x1fa: {  	v3 =	vadd.f32 v12, v3;
	v14 =	vld [tilespmem:s23+$0xFFFFFDC0];
	v5 =	vadd.f32 v5, v8;
	v8 =	vpop (erf)  }
0x1fb: {  	v4 =	vadd.f32 v10, v4;
	v12 =	vld [tilespmem:s23+$0xFFFFFE40];
	v8 =	vadd.f32 v8, v13  }
0x1fc: {  	v10 =	vld [tilespmem:s23+$0xFFFFFEC0];
	v13 =	vadd.f32 v5, v3;
	v15 =	vadd.f32 v6, v1  }
0x1fd: {  	v5 =	vld [tilespmem:s23+$0xFFFFFF40];
	v4 =	vadd.f32 v8, v4;
	v6 =	vpop (erf)  }
0x1fe: {  	v8 =	vld [tilespmem:s23+$0xFFFFFFC0];
	v2 =	vadd.f32 v13, v2;
	v3 =	vpop (erf);
	v6 =	vadd.f32 v6, v9  }
0x1ff: {  	v0 =	vadd.f32 v15, v0;
	v9 =	vld [tilespmem:s2+$0xFFFFFDC0];
	v13 =	vmul.f32 $1.442695020e+00, v14;
	v3 =	vadd.f32 v4, v3;
	v1 =	vpop (erf)  }
0x200: {  	v4 =	vld [tilespmem:s2+$0xFFFFFE40];
	v12 =	vmul.f32 $1.442695020e+00, v12;
	[tilespmem:s0+$0x40] =	vst v2;
	v2 =	vadd.f32 v6, v7  }
0x201: {  	v0 =	vadd.f32 v0, v11;
	v6 =	vld [tilespmem:s2+$0xFFFFFEC0];
	v7 =	vmul.f32 $1.442695020e+00, v10;
	[tilespmem:s13+$0x40] =	vst v3;
	(erf) = vpow2.f32 v13  }
0x202: {  	v3 =	vmul.f32 $1.442695020e+00, v5;
	v5 =	vld [tilespmem:s23+$0x50];
	(erf) = vpow2.f32 v12;
	v1 =	vadd.f32 v2, v1  }
0x203: {  	v2 =	vmul.f32 $1.442695020e+00, v8;
	v8 =	vld [tilespmem:s23+$0xD0];
	(erf) = vpow2.f32 v7;
	[tilespmem:s30+$0xFFFFFFE0] =	vst v0  }
0x204: {  	v0 =	vld [tilespmem:s23+$0x150];
	(erf) = vpow2.f32 v3;
	[tilespmem:s29+$0xFFFFFFE0] =	vst v1  }
0x205: {  	v1 =	vadd.f32 v4, v9;
	v3 =	vld [tilespmem:s23+$0x1D0];
	(erf) = vpow2.f32 v2  }
0x206: {  	v2 =	vld [tilespmem:s2+$0xFFFFFF40]  }
0x207: {  	v4 =	vld [tilespmem:s2+$0xFFFFFFC0];
	v10 =	vmul.f32 $1.442695020e+00, v5  }
0x208: {  	v7 =	vmul.f32 $1.442695020e+00, v8;
	v8 =	vld [tilespmem:s31+$0xFFFFFDF0]  }
0x209: {  	v0 =	vmul.f32 $1.442695020e+00, v0;
	v9 =	vld [tilespmem:s23+$0x250];
	(erf) = vpow2.f32 v10  }
0x20a: {  	v3 =	vmul.f32 $1.442695020e+00, v3;
	v5 =	vpop (erf);
	(erf) = vpow2.f32 v7;
	v7 =	vld [tilespmem:s31+$0xFFFFFE70]  }
0x20b: {  	v12 =	vadd.f32 v2, v6;
	v6 =	vpop (erf);
	(erf) = vpow2.f32 v0;
	v0 =	vld [tilespmem:s31+$0xFFFFFEF0]  }
0x20c: {  	v5 =	vadd.f32 v6, v5;
	v6 =	vpop (erf);
	(erf) = vpow2.f32 v3;
	v3 =	vld [tilespmem:s31+$0xFFFFFF70]  }
0x20d: {  	v1 =	vadd.f32 v12, v1;
	v10 =	vld [tilespmem:s2+$0x50];
	v2 =	vpop (erf);
	v8 =	vmul.f32 $1.442695020e+00, v8  }
0x20e: {  	v2 =	vadd.f32 v2, v6;
	v6 =	vld [tilespmem:s2+$0xD0];
	v9 =	vmul.f32 $1.442695020e+00, v9;
	v11 =	vpop (erf)  }
0x20f: {  	v1 =	vadd.f32 v1, v4;
	v4 =	vld [tilespmem:s2+$0x150];
	v7 =	vmul.f32 $1.442695020e+00, v7;
	(erf) = vpow2.f32 v8  }
0x210: {  	v2 =	vadd.f32 v2, v5;
	v8 =	vld [tilespmem:s2+$0x1D0];
	(erf) = vpow2.f32 v9;
	v5 =	vmul.f32 $1.442695020e+00, v0  }
0x211: {  	[tilespmem:s0+$0xFFFFFFC0] =	vst v1;
	v3 =	vmul.f32 $1.442695020e+00, v3;
	v12 =	vld [tilespmem:s31+$0xFFFFFFF0];
	(erf) = vpow2.f32 v7;
	s31 =	smov.u32 s23  }
.Ltmp2:
0x212: {  	v2 =	vadd.f32 v2, v11;
	v9 =	vpop (erf);
	v0 =	vld [tilespmem:s28+$0xFFFFFDF0];
	(erf) = vpow2.f32 v5;
	(pc) =	sbr.rel @p1 .LBB2_3-.Ltmp2, $4  }
0x213: {  	v11 =	vpop (erf);
	v1 =	vld [tilespmem:s28+$0xFFFFFE70];
	(erf) = vpow2.f32 v3  }
0x214: {  	[tilespmem:s13+$0xFFFFFFC0] =	vst v2;
	v5 =	vld [tilespmem:s2+$0x250];
	v13 =	vpop (erf)  }
0x215: {  	v3 =	vadd.f32 v6, v10;
	v2 =	vld [tilespmem:s23+$0xFFFFFDD0];
	v7 =	vadd.f32 v8, v4;
	v6 =	vpop (erf)  }
0x216: {  	v8 =	vadd.f32 v11, v9;
	s23 =	sadd.s32 $0x500, s23;
	v4 =	vld [tilespmem:s31+$0xFFFFFE50];
	v9 =	vadd.f32 v6, v13;
	v6 =	vmul.f32 $1.442695020e+00, v12  }
0x217: {  	v7 =	vadd.f32 v7, v3;
	_ =	sdelay $0x2  }
0x218: {  	v8 =	vadd.f32 v9, v8;
	v3 =	vpop (erf)  }
0x219: {  	v5 =	vadd.f32 v7, v5;
	v7 =	vpop (erf)  }
0x21a: {  	v7 =	vadd.f32 v8, v7  }
0x21b: {  	[tilespmem:s0+$0x50] =	vst v5  }
0x21c: {  	[tilespmem:s13+$0x50] =	vst v7  }
0x21d: {  	v5 =	vld [tilespmem:s31+$0x60]  }
0x21e: {  	v7 =	vld [tilespmem:s31+$0xE0]  }
0x21f: {  	v8 =	vld [tilespmem:s31+$0x160]  }
0x220: {  	v2 =	vmul.f32 $1.442695020e+00, v2;
	v9 =	vld [tilespmem:s31+$0x1E0]  }
0x221: {  	(erf) = vpow2.f32 v6;
	v4 =	vmul.f32 $1.442695020e+00, v4  }
0x222: {  	(erf) = vpow2.f32 v2;
	v2 =	vmul.f32 $1.442695020e+00, v5  }
0x223: {  	(erf) = vpow2.f32 v4;
	v4 =	vmul.f32 $1.442695020e+00, v7;
	v7 =	vld [tilespmem:s31+$0x260]  }
0x224: {  	v5 =	vmul.f32 $1.442695020e+00, v8;
	(erf) = vpow2.f32 v2  }
0x225: {  	v2 =	vmul.f32 $1.442695020e+00, v9;
	(erf) = vpow2.f32 v4  }
0x226: {  	(erf) = vpow2.f32 v5  }
0x227: {  	v6 =	vpop (erf);
	(erf) = vpow2.f32 v2  }
0x228: {  	v10 =	vld [tilespmem:s9+$0x160];
	v4 =	vpop (erf);
	v7 =	vmul.f32 $1.442695020e+00, v7  }
0x229: {  	v12 =	vld [tilespmem:s9+$0x1E0];
	v5 =	vpop (erf)  }
0x22a: {  	v8 =	vld [tilespmem:s9+$0x60];
	v2 =	vpop (erf)  }
0x22b: {  	v9 =	vld [tilespmem:s9+$0xE0];
	v11 =	vpop (erf)  }
0x22c: {  	(erf) = vpow2.f32 v7;
	v7 =	vpop (erf)  }
0x22d: {  	v13 =	vpop (erf)  }
0x22e: {  	v14 =	vpop (erf)  }
0x22f: {  	v16 =	vpop (erf)  }
0x230: {  	v15 =	vld [tilespmem:s9+$0x260];
	v8 =	vadd.f32 v9, v8;
	v9 =	vadd.f32 v12, v10;
	v10 =	vpop (erf)  }
0x231: {  	v10 =	vadd.f32 v10, v16  }
0x232: {  	v54 =	vadd.f32 v14, v13  }
0x233: {  	v8 =	vadd.f32 v9, v8  }
0x234: {  	v9 =	vadd.f32 v10, v54  }
0x235: {  	v8 =	vadd.f32 v8, v15;
	v10 =	vpop (erf)  }
0x236: {  	v9 =	vadd.f32 v9, v10  }
0x237: {  	[tilespmem:s7+$0x60] =	vst v8  }
0x238: {  	[tilespmem:s14+$0x60] =	vst v9  }
0x239: {  	v8 =	vld [tilespmem:s31+$0x70]  }
0x23a: {  	v9 =	vld [tilespmem:s31+$0xF0]  }
0x23b: {  	v10 =	vld [tilespmem:s31+$0x170]  }
0x23c: {  	v55 =	vld [tilespmem:s31+$0x1F0]  }
0x23d: {  	v56 =	vld [tilespmem:s31+$0x270]  }
0x23e: {  	v57 =	vld [tilespmem:s31+$0xFFFFFED0];
	v8 =	vmul.f32 $1.442695020e+00, v8  }
0x23f: {  	v58 =	vld [tilespmem:s31+$0xFFFFFF50];
	v9 =	vmul.f32 $1.442695020e+00, v9  }
0x240: {  	v10 =	vmul.f32 $1.442695020e+00, v10;
	(erf) = vpow2.f32 v8  }
0x241: {  	v8 =	vmul.f32 $1.442695020e+00, v55;
	(erf) = vpow2.f32 v9  }
0x242: {  	v9 =	vmul.f32 $1.442695020e+00, v56;
	(erf) = vpow2.f32 v10  }
0x243: {  	v10 =	vmul.f32 $1.442695020e+00, v57;
	(erf) = vpow2.f32 v8;
	v8 =	vld [tilespmem:s31+$0xFFFFFFD0]  }
0x244: {  	(erf) = vpow2.f32 v9;
	v9 =	vmul.f32 $1.442695020e+00, v58  }
0x245: {  	(erf) = vpow2.f32 v10  }
0x246: {  	(erf) = vpow2.f32 v9  }
0x247: {  	v60 =	vld [tilespmem:s9+$0xFFFFFED0]  }
0x248: {  	v10 =	vld [tilespmem:s9+$0xFFFFFE50];
	v8 =	vmul.f32 $1.442695020e+00, v8  }
0x249: {  	v9 =	vld [tilespmem:s9+$0xFFFFFDD0];
	v59 =	vpop (erf)  }
0x24a: {  	v61 =	vpop (erf);
	(erf) = vpow2.f32 v8;
	v8 =	vld [tilespmem:s9+$0xFFFFFF50]  }
0x24b: {  	v62 =	vpop (erf)  }
0x24c: {  	v63 =	vpop (erf)  }
0x24d: {  	v17 =	vpop (erf)  }
0x24e: {  	v19 =	vld [tilespmem:s9+$0xFFFFFFD0];
	v18 =	vpop (erf)  }
0x24f: {  	v9 =	vadd.f32 v10, v9;
	v8 =	vadd.f32 v8, v60;
	v10 =	vpop (erf)  }
0x250: {  	v7 =	vadd.f32 v7, v11;
	v10 =	vadd.f32 v10, v18  }
0x251: {  	v8 =	vadd.f32 v8, v9  }
0x252: {  	v7 =	vadd.f32 v10, v7  }
0x253: {  	v9 =	vpop (erf);
	v8 =	vadd.f32 v8, v19  }
0x254: {  	v7 =	vadd.f32 v7, v9  }
0x255: {  	[tilespmem:s7+$0xFFFFFFD0] =	vst v8  }
0x256: {  	[tilespmem:s14+$0xFFFFFFD0] =	vst v7  }
0x257: {  	v7 =	vld [tilespmem:s31+$0xFFFFFDE0]  }
0x258: {  	v8 =	vld [tilespmem:s31+$0xFFFFFE60]  }
0x259: {  	v9 =	vld [tilespmem:s31+$0xFFFFFEE0]  }
0x25a: {  	v10 =	vld [tilespmem:s31+$0xFFFFFF60];
	_ =	sdelay $0x1  }
0x25b: {  	v7 =	vmul.f32 $1.442695020e+00, v7  }
0x25c: {  	v8 =	vmul.f32 $1.442695020e+00, v8  }
0x25d: {  	v9 =	vmul.f32 $1.442695020e+00, v9;
	(erf) = vpow2.f32 v7  }
0x25e: {  	v7 =	vld [tilespmem:s31+$0xFFFFFFE0];
	(erf) = vpow2.f32 v8;
	v8 =	vmul.f32 $1.442695020e+00, v10  }
0x25f: {  	(erf) = vpow2.f32 v9  }
0x260: {  	(erf) = vpow2.f32 v8;
	_ =	sdelay $0x1  }
0x261: {  	v10 =	vld [tilespmem:s9+$0xFFFFFEE0]  }
0x262: {  	v9 =	vld [tilespmem:s9+$0xFFFFFE60];
	v7 =	vmul.f32 $1.442695020e+00, v7  }
0x263: {  	v8 =	vld [tilespmem:s9+$0xFFFFFDE0]  }
0x264: {  	(erf) = vpow2.f32 v7;
	v7 =	vld [tilespmem:s9+$0xFFFFFF60]  }
0x265: {  	v11 =	vpop (erf)  }
0x266: {  	v22 =	vpop (erf)  }
0x267: {  	v23 =	vpop (erf)  }
0x268: {  	v24 =	vld [tilespmem:s9+$0xFFFFFFE0];
	v8 =	vadd.f32 v9, v8;
	v9 =	vpop (erf)  }
0x269: {  	v7 =	vadd.f32 v7, v10;
	v9 =	vadd.f32 v9, v23  }
0x26a: {  	v10 =	vadd.f32 v22, v11  }
0x26b: {  	v7 =	vadd.f32 v7, v8  }
0x26c: {  	v8 =	vadd.f32 v9, v10  }
0x26d: {  	v7 =	vadd.f32 v7, v24;
	v9 =	vpop (erf)  }
0x26e: {  	v8 =	vadd.f32 v8, v9  }
0x26f: {  	[tilespmem:s7+$0xFFFFFFE0] =	vst v7  }
0x270: {  	v25 =	vld [tilespmem:s9+$0xF0];
	[tilespmem:s14+$0xFFFFFFE0] =	vst v8  }
0x271: {  	v8 =	vld [tilespmem:s31+$0xFFFFFDF0]  }
0x272: {  	v9 =	vld [tilespmem:s31+$0xFFFFFE70]  }
0x273: {  	v10 =	vld [tilespmem:s31+$0xFFFFFEF0]  }
0x274: {  	v26 =	vld [tilespmem:s9+$0x170]  }
0x275: {  	v11 =	vld [tilespmem:s31+$0xFFFFFF70]  }
0x276: {  	v27 =	vld [tilespmem:s9+$0x1F0];
	v8 =	vmul.f32 $1.442695020e+00, v8  }
0x277: {  	v7 =	vld [tilespmem:s9+$0x70];
	v9 =	vmul.f32 $1.442695020e+00, v9  }
0x278: {  	(erf) = vpow2.f32 v8;
	v8 =	vmul.f32 $1.442695020e+00, v10;
	v10 =	vld [tilespmem:s31+$0xFFFFFFF0]  }
0x279: {  	v20 =	vld [tilespmem:s9+$0x270]  }
0x27a: {  	v11 =	vmul.f32 $1.442695020e+00, v11;
	(erf) = vpow2.f32 v9;
	v9 =	vld [tilespmem:s28+$0xFFFFFEF0]  }
0x27b: {  	(erf) = vpow2.f32 v8;
	v8 =	vld [tilespmem:s28+$0xFFFFFF70]  }
0x27c: {  	v0 =	vadd.f32 v1, v0;
	v1 =	vadd.f32 v6, v3;
	v3 =	vld [tilespmem:s9+$0xFFFFFE70];
	(erf) = vpow2.f32 v11  }
0x27d: {  	v28 =	vld [tilespmem:s9+$0xFFFFFEF0];
	v7 =	vadd.f32 v25, v7;
	v6 =	vmul.f32 $1.442695020e+00, v10;
	v10 =	vadd.f32 v27, v26  }
0x27e: {  	v4 =	vadd.f32 v5, v4;
	v11 =	vld [tilespmem:s9+$0xFFFFFDF0]  }
0x27f: {  	v12 =	vadd.f32 v61, v59;
	(erf) = vpow2.f32 v6;
	v6 =	vld [tilespmem:s9+$0xFFFFFF70];
	v5 =	vadd.f32 v10, v7  }
0x280: {  	v29 =	vadd.f32 v63, v62;
	v10 =	vld [tilespmem:s28+$0xFFFFFFF0];
	v8 =	vadd.f32 v8, v9;
	_ =	sdelay $0x1  }
0x281: {  	v1 =	vadd.f32 v4, v1;
	v7 =	vadd.f32 v29, v12;
	v9 =	vpop (erf)  }
0x282: {  	v4 =	vadd.f32 v5, v20;
	v0 =	vadd.f32 v8, v0;
	v5 =	vpop (erf)  }
0x283: {  	v30 =	vld [tilespmem:s9+$0xFFFFFFF0];
	v3 =	vadd.f32 v3, v11;
	v7 =	vadd.f32 v7, v17;
	v8 =	vpop (erf)  }
0x284: {  	v6 =	vadd.f32 v6, v28;
	v0 =	vadd.f32 v0, v10;
	v11 =	vpop (erf)  }
0x285: {  	v5 =	vadd.f32 v5, v9;
	v8 =	vadd.f32 v11, v8  }
0x286: {  	[tilespmem:s7+$0x70] =	vst v4;
	v3 =	vadd.f32 v6, v3  }
0x287: {  	v1 =	vadd.f32 v1, v2;
	[tilespmem:s14+$0x70] =	vst v7;
	v2 =	vadd.f32 v8, v5  }
0x288: {  	s13 =	sshll.u32 s26, $0xC;
	[tilespmem:s30+$0xFFFFFFF0] =	vst v0;
	v0 =	vpop (erf);
	v3 =	vadd.f32 v3, v30  }
0x289: {  	s0 =	sadd.s32 s8, s13;
	[tilespmem:s29+$0xFFFFFFF0] =	vst v1;
	v0 =	vadd.f32 v2, v0  }
0x28a: {  	s0 =	sshrl.u32 s0, $0x3;
	[tilespmem:s7+$0xFFFFFFF0] =	vst v3  }
0x28b: {  	p1 =	seq.s32 s26, $0x13;
	s2 =	sadd.s32 s5, s0;
	[tilespmem:s14+$0xFFFFFFF0] =	vst v0  }
0x28c: {  	[hbm4b:s2+s4] =	stream.linear.scatter [tilespmem:s18], [sflag:$0x3], $0x800, $0x38;
	[tilespmem:$0xCC80] =	vst v63  }
0x28d: {  	s0 =	sadd.s32 s6, s0;
	s2 =	smul.u32 @!p1 $0x280, s26  }
0x28e: {  	[hbm4b:s0+s4] =	stream.linear.scatter [tilespmem:s19], [sflag:$0x3], $0x800, $0x38;
	[tilespmem:$0xCC80] =	vst v63  }
0x28f: {  	s0 =	sshra.s32 @!p1 s2, $0x2  }
0x290: {  	s7 =	simm.s32 @!p1 $0xC80;
	s2 =	simm.s32 @!p1 $0x50;
	s0 =	sadd.s32 @!p1 $0xA0, s0  }
0x291: {  	[tilespmem:s7], [sflag:$0x1] =	stream.indirect.gather @!p1 [hbm4b:s1+s2], $0x80, s0, s2, $0xb8;
	[tilespmem:$0xCC80] =	vst v63  }
0x292: {  	s7 =	simm.s32 @!p1 $0x5C80  }
0x293: {  	[tilespmem:s7], [sflag:$0x1] =	stream.indirect.gather @!p1 [hbm4b:s3+s2], $0x80, s0, s2, $0xb8;
	[tilespmem:$0xCC80] =	vst v63  }
0x294: {  	_ =	swait.ge [sflag:s20], $0x2800  }
0x295: {  	[sflag:s20] =	ssyncset.done $0x0  }
0x296: {  	[sflag:s20] =	ssyncadd.s32 $0xFFFFD800  }
0x297: {  	_ =	swait.ge [sflag:s20], $0x2800  }
0x298: {  	[sflag:s20] =	ssyncset.done $0x0  }
0x299: {  	s0 =	simm.s32 @!p0 $0x4;
	[sflag:s20] =	ssyncadd.s32 $0xFFFFD800  }
0x29a: {  	_ =	swait.ge @!p0 [sflag:s0], $0x800  }
0x29b: {  	[sflag:s0] =	ssyncset.done @!p0 $0x0  }
0x29c: {  	[sflag:s0] =	ssyncadd.s32 @!p0 $0xFFFFF800  }
0x29d: {  	_ =	swait.ge @!p0 [sflag:s0], $0x800  }
0x29e: {  	[sflag:s0] =	ssyncset.done @!p0 $0x0  }
0x29f: {  	s23 =	simm.s32 $0x8700;
	[sflag:s0] =	ssyncadd.s32 @!p0 $0xFFFFF800  }
0x2a0: {  	v0 =	vld [tilespmem:s23+$0x0]  }
0x2a1: {  	v1 =	vld [tilespmem:s23+$0x80]  }
0x2a2: {  	v2 =	vld [tilespmem:s23+$0x100]  }
0x2a3: {  	v3 =	vld [tilespmem:s23+$0x180];
	_ =	sdelay $0x1  }
0x2a4: {  	v0 =	vmul.f32 $1.442695020e+00, v0  }
0x2a5: {  	v4 =	vld [tilespmem:s23+$0xFFFFFD80];
	v1 =	vmul.f32 $1.442695020e+00, v1  }
0x2a6: {  	v5 =	vld [tilespmem:s23+$0x200];
	v2 =	vmul.f32 $1.442695020e+00, v2;
	(erf) = vpow2.f32 v0  }
0x2a7: {  	v0 =	vmul.f32 $1.442695020e+00, v3;
	(erf) = vpow2.f32 v1  }
0x2a8: {  	(erf) = vpow2.f32 v2  }
0x2a9: {  	s28 =	simm.s32 $0x3700;
	(erf) = vpow2.f32 v0  }
0x2aa: {  	v3 =	vld [tilespmem:s28+$0x80];
	v0 =	vmul.f32 $1.442695020e+00, v4  }
0x2ab: {  	v1 =	vld [tilespmem:s28+$0x0];
	v2 =	vmul.f32 $1.442695020e+00, v5  }
0x2ac: {  	(erf) = vpow2.f32 v0;
	v0 =	vld [tilespmem:s28+$0x100]  }
0x2ad: {  	(erf) = vpow2.f32 v2;
	v2 =	vld [tilespmem:s28+$0x180];
	_ =	sdelay $0x1  }
0x2ae: {  	v4 =	vpop (erf)  }
0x2af: {  	v5 =	vpop (erf)  }
0x2b0: {  	v6 =	vld [tilespmem:s28+$0x200];
	v1 =	vadd.f32 v3, v1;
	v7 =	vpop (erf)  }
0x2b1: {  	v0 =	vadd.f32 v2, v0;
	v4 =	vadd.f32 v5, v4;
	v2 =	vpop (erf)  }
0x2b2: {  	v3 =	vld [tilespmem:s23+$0xFFFFFE00];
	v2 =	vadd.f32 v2, v7  }
0x2b3: {  	v5 =	vld [tilespmem:s23+$0xFFFFFE80];
	v0 =	vadd.f32 v0, v1  }
0x2b4: {  	v1 =	vpop (erf);
	v2 =	vadd.f32 v2, v4  }
0x2b5: {  	v7 =	vld [tilespmem:s23+$0xFFFFFF00];
	v4 =	vpop (erf);
	v0 =	vadd.f32 v0, v6  }
0x2b6: {  	s30 =	simm.s32 $0xB500;
	v2 =	vadd.f32 v2, v4  }
0x2b7: {  	s29 =	simm.s32 $0xC500;
	v8 =	vld [tilespmem:s28+$0xFFFFFF00];
	v3 =	vmul.f32 $1.442695020e+00, v3;
	[tilespmem:s30+$0x0] =	vst v0  }
0x2b8: {  	v5 =	vmul.f32 $1.442695020e+00, v5;
	v4 =	vld [tilespmem:s23+$0xFFFFFF80];
	[tilespmem:s29+$0x0] =	vst v2  }
0x2b9: {  	(erf) = vpow2.f32 v3;
	v3 =	vld [tilespmem:s23+$0x10]  }
0x2ba: {  	(erf) = vpow2.f32 v5;
	v2 =	vmul.f32 $1.442695020e+00, v7;
	v5 =	vld [tilespmem:s23+$0x90]  }
0x2bb: {  	v9 =	vld [tilespmem:s28+$0xFFFFFD80]  }
0x2bc: {  	v0 =	vld [tilespmem:s28+$0xFFFFFE00];
	(erf) = vpow2.f32 v2  }
0x2bd: {  	v2 =	vld [tilespmem:s23+$0x110];
	v4 =	vmul.f32 $1.442695020e+00, v4  }
0x2be: {  	v6 =	vld [tilespmem:s23+$0x190];
	v3 =	vmul.f32 $1.442695020e+00, v3  }
0x2bf: {  	v7 =	vld [tilespmem:s28+$0xFFFFFE80];
	(erf) = vpow2.f32 v4;
	v4 =	vmul.f32 $1.442695020e+00, v5  }
0x2c0: {  	(erf) = vpow2.f32 v3;
	v3 =	vld [tilespmem:s23+$0x210];
	_ =	sdelay $0x1  }
0x2c1: {  	v2 =	vmul.f32 $1.442695020e+00, v2  }
0x2c2: {  	v5 =	vmul.f32 $1.442695020e+00, v6;
	(erf) = vpow2.f32 v4;
	v4 =	vpop (erf)  }
0x2c3: {  	v0 =	vadd.f32 v0, v9;
	(erf) = vpow2.f32 v2;
	v2 =	vld [tilespmem:s28+$0xFFFFFF80];
	v6 =	vpop (erf)  }
0x2c4: {  	(erf) = vpow2.f32 v5;
	v5 =	vadd.f32 v8, v7;
	v8 =	vld [tilespmem:s28+$0x10];
	v7 =	vpop (erf);
	v3 =	vmul.f32 $1.442695020e+00, v3  }
0x2c5: {  	v1 =	vadd.f32 v4, v1;
	v4 =	vadd.f32 v7, v6;
	v6 =	vld [tilespmem:s28+$0x90]  }
0x2c6: {  	v0 =	vadd.f32 v5, v0;
	v5 =	vld [tilespmem:s28+$0x110]  }
0x2c7: {  	v1 =	vadd.f32 v4, v1;
	v4 =	vld [tilespmem:s28+$0x190]  }
0x2c8: {  	(erf) = vpow2.f32 v3;
	v0 =	vadd.f32 v0, v2;
	v3 =	vpop (erf)  }
0x2c9: {  	v1 =	vadd.f32 v1, v3;
	_ =	sdelay $0x1  }
0x2ca: {  	v2 =	vpop (erf)  }
0x2cb: {  	[tilespmem:s30+$0xFFFFFF80] =	vst v0;
	v6 =	vadd.f32 v6, v8;
	v0 =	vpop (erf);
	v4 =	vadd.f32 v4, v5  }
0x2cc: {  	v3 =	vld [tilespmem:s28+$0x210];
	[tilespmem:s29+$0xFFFFFF80] =	vst v1;
	v1 =	vpop (erf)  }
0x2cd: {  	v7 =	vld [tilespmem:s23+$0xFFFFFD90];
	v4 =	vadd.f32 v4, v6;
	v5 =	vpop (erf)  }
0x2ce: {  	v0 =	vadd.f32 v0, v2;
	v2 =	vld [tilespmem:s23+$0xFFFFFE10];
	v1 =	vadd.f32 v5, v1  }
0x2cf: {  	v5 =	vld [tilespmem:s23+$0xFFFFFE90]  }
0x2d0: {  	v0 =	vadd.f32 v1, v0;
	v1 =	vld [tilespmem:s23+$0xFFFFFF10]  }
0x2d1: {  	v3 =	vadd.f32 v4, v3;
	v4 =	vpop (erf)  }
0x2d2: {  	v6 =	vmul.f32 $1.442695020e+00, v7;
	v0 =	vadd.f32 v0, v4  }
0x2d3: {  	v7 =	vld [tilespmem:s23+$0xFFFFFF90];
	[tilespmem:s30+$0x10] =	vst v3  }
0x2d4: {  	v2 =	vmul.f32 $1.442695020e+00, v2;
	v3 =	vld [tilespmem:s28+$0xFFFFFE10];
	(erf) = vpow2.f32 v6;
	[tilespmem:s29+$0x10] =	vst v0  }
0x2d5: {  	v5 =	vmul.f32 $1.442695020e+00, v5;
	v0 =	vmul.f32 $1.442695020e+00, v1;
	v1 =	vld [tilespmem:s23+$0x20]  }
0x2d6: {  	(erf) = vpow2.f32 v2;
	v2 =	vld [tilespmem:s23+$0xA0]  }
0x2d7: {  	v4 =	vld [tilespmem:s28+$0xFFFFFD90];
	(erf) = vpow2.f32 v5  }
0x2d8: {  	v6 =	vld [tilespmem:s23+$0x1A0];
	(erf) = vpow2.f32 v0;
	v0 =	vmul.f32 $1.442695020e+00, v7  }
0x2d9: {  	v5 =	vld [tilespmem:s23+$0x120]  }
0x2da: {  	v7 =	vld [tilespmem:s28+$0xFFFFFE90];
	(erf) = vpow2.f32 v0;
	v0 =	vmul.f32 $1.442695020e+00, v1  }
0x2db: {  	v1 =	vld [tilespmem:s28+$0xFFFFFF10];
	v2 =	vmul.f32 $1.442695020e+00, v2;
	_ =	sdelay $0x1  }
0x2dc: {  	v6 =	vmul.f32 $1.442695020e+00, v6  }
0x2dd: {  	v5 =	vmul.f32 $1.442695020e+00, v5;
	v8 =	vld [tilespmem:s23+$0x220];
	(erf) = vpow2.f32 v0;
	v0 =	vpop (erf)  }
0x2de: {  	(erf) = vpow2.f32 v2;
	v2 =	vpop (erf)  }
0x2df: {  	v3 =	vadd.f32 v3, v4;
	(erf) = vpow2.f32 v5;
	v5 =	vld [tilespmem:s28+$0xFFFFFF90];
	v1 =	vadd.f32 v1, v7;
	v9 =	vpop (erf)  }
0x2e0: {  	v4 =	vld [tilespmem:s28+$0x20];
	(erf) = vpow2.f32 v6;
	v0 =	vadd.f32 v2, v0;
	v6 =	vpop (erf)  }
0x2e1: {  	v1 =	vadd.f32 v1, v3;
	v3 =	vld [tilespmem:s28+$0x120];
	v2 =	vadd.f32 v6, v9  }
0x2e2: {  	v7 =	vmul.f32 $1.442695020e+00, v8;
	v6 =	vld [tilespmem:s28+$0xA0]  }
0x2e3: {  	v0 =	vadd.f32 v2, v0;
	v2 =	vld [tilespmem:s28+$0x1A0]  }
0x2e4: {  	v1 =	vadd.f32 v1, v5  }
0x2e5: {  	(erf) = vpow2.f32 v7  }
0x2e6: {  	v7 =	vpop (erf)  }
0x2e7: {  	v5 =	vpop (erf);
	v0 =	vadd.f32 v0, v7  }
0x2e8: {  	[tilespmem:s30+$0xFFFFFF90] =	vst v1;
	v4 =	vadd.f32 v6, v4;
	v1 =	vpop (erf);
	v2 =	vadd.f32 v2, v3  }
0x2e9: {  	[tilespmem:s29+$0xFFFFFF90] =	vst v0;
	v0 =	vld [tilespmem:s28+$0x220];
	v7 =	vpop (erf)  }
0x2ea: {  	v3 =	vpop (erf);
	v2 =	vadd.f32 v2, v4  }
0x2eb: {  	v8 =	vld [tilespmem:s23+$0xFFFFFDA0];
	v1 =	vadd.f32 v1, v5;
	v3 =	vadd.f32 v3, v7  }
0x2ec: {  	v6 =	vld [tilespmem:s23+$0xFFFFFE20]  }
0x2ed: {  	v5 =	vld [tilespmem:s23+$0xFFFFFEA0];
	v1 =	vadd.f32 v3, v1  }
0x2ee: {  	v4 =	vld [tilespmem:s23+$0xFFFFFF20];
	v0 =	vadd.f32 v2, v0;
	v2 =	vpop (erf)  }
0x2ef: {  	v1 =	vadd.f32 v1, v2  }
0x2f0: {  	v7 =	vld [tilespmem:s28+$0xFFFFFEA0];
	v3 =	vmul.f32 $1.442695020e+00, v8;
	[tilespmem:s30+$0x20] =	vst v0  }
0x2f1: {  	v6 =	vmul.f32 $1.442695020e+00, v6;
	v2 =	vld [tilespmem:s23+$0xFFFFFFA0];
	[tilespmem:s29+$0x20] =	vst v1  }
0x2f2: {  	v5 =	vmul.f32 $1.442695020e+00, v5;
	(erf) = vpow2.f32 v3;
	v3 =	vld [tilespmem:s23+$0x30]  }
0x2f3: {  	(erf) = vpow2.f32 v6;
	v1 =	vmul.f32 $1.442695020e+00, v4;
	v4 =	vld [tilespmem:s23+$0xB0]  }
0x2f4: {  	v0 =	vld [tilespmem:s28+$0xFFFFFDA0];
	(erf) = vpow2.f32 v5  }
0x2f5: {  	v5 =	vld [tilespmem:s23+$0x130]  }
0x2f6: {  	(erf) = vpow2.f32 v1;
	v1 =	vld [tilespmem:s23+$0x1B0];
	v2 =	vmul.f32 $1.442695020e+00, v2  }
0x2f7: {  	v6 =	vld [tilespmem:s28+$0xFFFFFE20];
	v3 =	vmul.f32 $1.442695020e+00, v3  }
0x2f8: {  	(erf) = vpow2.f32 v2;
	v2 =	vld [tilespmem:s28+$0xFFFFFF20];
	v4 =	vmul.f32 $1.442695020e+00, v4;
	_ =	sdelay $0x1  }
0x2f9: {  	v8 =	vld [tilespmem:s23+$0x230];
	v5 =	vmul.f32 $1.442695020e+00, v5;
	(erf) = vpow2.f32 v3  }
0x2fa: {  	v1 =	vmul.f32 $1.442695020e+00, v1;
	(erf) = vpow2.f32 v4;
	v3 =	vpop (erf)  }
0x2fb: {  	v4 =	vpop (erf);
	(erf) = vpow2.f32 v5;
	v5 =	vld [tilespmem:s28+$0xFFFFFFA0]  }
0x2fc: {  	v0 =	vadd.f32 v6, v0;
	v9 =	vpop (erf);
	(erf) = vpow2.f32 v1;
	v1 =	vadd.f32 v2, v7;
	_ =	sdelay $0x1  }
0x2fd: {  	v2 =	vld [tilespmem:s28+$0x30];
	v7 =	vmul.f32 $1.442695020e+00, v8;
	v6 =	vpop (erf);
	v0 =	vadd.f32 v1, v0  }
0x2fe: {  	v3 =	vadd.f32 v4, v3;
	v4 =	vadd.f32 v6, v9;
	v6 =	vld [tilespmem:s28+$0xB0]  }
0x2ff: {  	v1 =	vld [tilespmem:s28+$0x130];
	v0 =	vadd.f32 v0, v5  }
0x300: {  	(erf) = vpow2.f32 v7;
	v3 =	vadd.f32 v4, v3;
	v4 =	vld [tilespmem:s28+$0x1B0]  }
0x301: {  	v7 =	vpop (erf)  }
0x302: {  	v5 =	vpop (erf);
	v3 =	vadd.f32 v3, v7  }
0x303: {  	[tilespmem:s30+$0xFFFFFFA0] =	vst v0;
	v0 =	vpop (erf)  }
0x304: {  	[tilespmem:s29+$0xFFFFFFA0] =	vst v3;
	v3 =	vld [tilespmem:s28+$0x230];
	v7 =	vpop (erf)  }
0x305: {  	v2 =	vadd.f32 v6, v2;
	v8 =	vld [tilespmem:s23+$0xFFFFFDB0];
	v1 =	vadd.f32 v4, v1;
	v4 =	vpop (erf)  }
0x306: {  	v6 =	vld [tilespmem:s23+$0xFFFFFE30];
	v0 =	vadd.f32 v0, v5;
	v4 =	vadd.f32 v4, v7  }
0x307: {  	v5 =	vld [tilespmem:s23+$0xFFFFFEB0];
	v1 =	vadd.f32 v1, v2  }
0x308: {  	v2 =	vld [tilespmem:s23+$0xFFFFFF30];
	v0 =	vadd.f32 v4, v0  }
0x309: {  	v1 =	vadd.f32 v1, v3;
	v3 =	vpop (erf)  }
0x30a: {  	v0 =	vadd.f32 v0, v3  }
0x30b: {  	v7 =	vld [tilespmem:s28+$0xFFFFFEB0];
	v4 =	vmul.f32 $1.442695020e+00, v8;
	[tilespmem:s30+$0x30] =	vst v1  }
0x30c: {  	v6 =	vmul.f32 $1.442695020e+00, v6;
	v5 =	vmul.f32 $1.442695020e+00, v5;
	v3 =	vld [tilespmem:s23+$0xFFFFFFB0];
	[tilespmem:s29+$0x30] =	vst v0  }
0x30d: {  	(erf) = vpow2.f32 v4;
	v0 =	vmul.f32 $1.442695020e+00, v2;
	v2 =	vld [tilespmem:s23+$0x40]  }
0x30e: {  	(erf) = vpow2.f32 v6;
	v4 =	vld [tilespmem:s23+$0xC0]  }
0x30f: {  	v1 =	vld [tilespmem:s28+$0xFFFFFDB0];
	(erf) = vpow2.f32 v5  }
0x310: {  	v5 =	vld [tilespmem:s23+$0x140]  }
0x311: {  	(erf) = vpow2.f32 v0;
	v0 =	vld [tilespmem:s23+$0x1C0];
	v3 =	vmul.f32 $1.442695020e+00, v3  }
0x312: {  	v6 =	vld [tilespmem:s28+$0xFFFFFE30];
	v2 =	vmul.f32 $1.442695020e+00, v2  }
0x313: {  	(erf) = vpow2.f32 v3;
	v3 =	vld [tilespmem:s28+$0xFFFFFF30];
	v4 =	vmul.f32 $1.442695020e+00, v4;
	_ =	sdelay $0x1  }
0x314: {  	v8 =	vld [tilespmem:s23+$0x240];
	v5 =	vmul.f32 $1.442695020e+00, v5;
	(erf) = vpow2.f32 v2  }
0x315: {  	v0 =	vmul.f32 $1.442695020e+00, v0;
	(erf) = vpow2.f32 v4;
	v2 =	vpop (erf)  }
0x316: {  	v4 =	vpop (erf);
	(erf) = vpow2.f32 v5;
	v5 =	vld [tilespmem:s28+$0xFFFFFFB0]  }
0x317: {  	v9 =	vpop (erf);
	(erf) = vpow2.f32 v0;
	v0 =	vadd.f32 v6, v1;
	v1 =	vadd.f32 v3, v7;
	_ =	sdelay $0x1  }
0x318: {  	v3 =	vld [tilespmem:s28+$0x40];
	v7 =	vmul.f32 $1.442695020e+00, v8;
	v6 =	vpop (erf);
	v0 =	vadd.f32 v1, v0  }
0x319: {  	v2 =	vadd.f32 v4, v2;
	v4 =	vadd.f32 v6, v9;
	v6 =	vld [tilespmem:s28+$0xC0]  }
0x31a: {  	v1 =	vld [tilespmem:s28+$0x140];
	v0 =	vadd.f32 v0, v5  }
0x31b: {  	(erf) = vpow2.f32 v7;
	v2 =	vadd.f32 v4, v2;
	v4 =	vld [tilespmem:s28+$0x1C0]  }
0x31c: {  	v7 =	vpop (erf)  }
0x31d: {  	v5 =	vpop (erf);
	v2 =	vadd.f32 v2, v7  }
0x31e: {  	[tilespmem:s30+$0xFFFFFFB0] =	vst v0;
	v0 =	vpop (erf)  }
0x31f: {  	[tilespmem:s29+$0xFFFFFFB0] =	vst v2;
	v2 =	vld [tilespmem:s28+$0x240];
	v7 =	vpop (erf)  }
0x320: {  	v3 =	vadd.f32 v6, v3;
	v8 =	vld [tilespmem:s23+$0xFFFFFDC0];
	v1 =	vadd.f32 v4, v1;
	v4 =	vpop (erf)  }
0x321: {  	v6 =	vld [tilespmem:s23+$0xFFFFFE40];
	v0 =	vadd.f32 v0, v5;
	v4 =	vadd.f32 v4, v7  }
0x322: {  	v5 =	vld [tilespmem:s23+$0xFFFFFEC0];
	v1 =	vadd.f32 v1, v3  }
0x323: {  	v3 =	vld [tilespmem:s23+$0xFFFFFF40];
	v0 =	vadd.f32 v4, v0  }
0x324: {  	v1 =	vadd.f32 v1, v2;
	v2 =	vpop (erf)  }
0x325: {  	v0 =	vadd.f32 v0, v2  }
0x326: {  	v7 =	vld [tilespmem:s28+$0xFFFFFEC0];
	v4 =	vmul.f32 $1.442695020e+00, v8;
	[tilespmem:s30+$0x40] =	vst v1  }
0x327: {  	v6 =	vmul.f32 $1.442695020e+00, v6;
	v5 =	vmul.f32 $1.442695020e+00, v5;
	v2 =	vld [tilespmem:s23+$0xFFFFFFC0];
	[tilespmem:s29+$0x40] =	vst v0  }
0x328: {  	(erf) = vpow2.f32 v4;
	v0 =	vmul.f32 $1.442695020e+00, v3;
	v3 =	vld [tilespmem:s23+$0x50]  }
0x329: {  	(erf) = vpow2.f32 v6;
	v4 =	vld [tilespmem:s23+$0xD0]  }
0x32a: {  	v1 =	vld [tilespmem:s28+$0xFFFFFDC0];
	(erf) = vpow2.f32 v5  }
0x32b: {  	v5 =	vld [tilespmem:s23+$0x150]  }
0x32c: {  	(erf) = vpow2.f32 v0;
	v0 =	vld [tilespmem:s23+$0x1D0];
	v2 =	vmul.f32 $1.442695020e+00, v2  }
0x32d: {  	v6 =	vld [tilespmem:s28+$0xFFFFFE40];
	v3 =	vmul.f32 $1.442695020e+00, v3  }
0x32e: {  	(erf) = vpow2.f32 v2;
	v2 =	vld [tilespmem:s28+$0xFFFFFF40];
	v4 =	vmul.f32 $1.442695020e+00, v4;
	_ =	sdelay $0x1  }
0x32f: {  	v8 =	vld [tilespmem:s23+$0x250];
	v5 =	vmul.f32 $1.442695020e+00, v5;
	(erf) = vpow2.f32 v3  }
0x330: {  	v0 =	vmul.f32 $1.442695020e+00, v0;
	(erf) = vpow2.f32 v4;
	v3 =	vpop (erf)  }
0x331: {  	v4 =	vpop (erf);
	(erf) = vpow2.f32 v5;
	v5 =	vld [tilespmem:s28+$0xFFFFFFC0]  }
0x332: {  	v9 =	vpop (erf);
	(erf) = vpow2.f32 v0;
	v0 =	vadd.f32 v6, v1;
	v1 =	vadd.f32 v2, v7;
	_ =	sdelay $0x1  }
0x333: {  	v2 =	vld [tilespmem:s28+$0x50];
	v7 =	vmul.f32 $1.442695020e+00, v8;
	v6 =	vpop (erf);
	v0 =	vadd.f32 v1, v0  }
0x334: {  	v3 =	vadd.f32 v4, v3;
	v4 =	vadd.f32 v6, v9;
	v6 =	vld [tilespmem:s28+$0xD0]  }
0x335: {  	v1 =	vld [tilespmem:s28+$0x150];
	v0 =	vadd.f32 v0, v5  }
0x336: {  	(erf) = vpow2.f32 v7;
	v3 =	vadd.f32 v4, v3;
	v4 =	vld [tilespmem:s28+$0x1D0]  }
0x337: {  	v7 =	vpop (erf)  }
0x338: {  	v5 =	vpop (erf);
	v3 =	vadd.f32 v3, v7  }
0x339: {  	[tilespmem:s30+$0xFFFFFFC0] =	vst v0;
	v0 =	vpop (erf)  }
0x33a: {  	[tilespmem:s29+$0xFFFFFFC0] =	vst v3;
	v3 =	vld [tilespmem:s28+$0x250];
	v7 =	vpop (erf)  }
0x33b: {  	v2 =	vadd.f32 v6, v2;
	v8 =	vld [tilespmem:s23+$0xFFFFFDD0];
	v1 =	vadd.f32 v4, v1;
	v4 =	vpop (erf)  }
0x33c: {  	s31 =	simm.s32 $0x8C00;
	v6 =	vld [tilespmem:s23+$0xFFFFFE50];
	v0 =	vadd.f32 v0, v5;
	v4 =	vadd.f32 v4, v7  }
0x33d: {  	v5 =	vld [tilespmem:s31+$0x0];
	v1 =	vadd.f32 v1, v2  }
0x33e: {  	v2 =	vld [tilespmem:s31+$0x80];
	v0 =	vadd.f32 v4, v0  }
0x33f: {  	v4 =	vld [tilespmem:s31+$0x100];
	v1 =	vadd.f32 v1, v3;
	v3 =	vpop (erf)  }
0x340: {  	v7 =	vld [tilespmem:s31+$0x180];
	v8 =	vmul.f32 $1.442695020e+00, v8;
	v0 =	vadd.f32 v0, v3  }
0x341: {  	v6 =	vmul.f32 $1.442695020e+00, v6;
	v3 =	vld [tilespmem:s31+$0xFFFFFD80];
	[tilespmem:s30+$0x50] =	vst v1  }
0x342: {  	v1 =	vmul.f32 $1.442695020e+00, v5;
	v5 =	vld [tilespmem:s31+$0x200];
	(erf) = vpow2.f32 v8;
	[tilespmem:s29+$0x50] =	vst v0  }
0x343: {  	v0 =	vmul.f32 $1.442695020e+00, v2;
	(erf) = vpow2.f32 v6;
	v2 =	vld [tilespmem:s23+$0x60]  }
0x344: {  	v4 =	vmul.f32 $1.442695020e+00, v4;
	(erf) = vpow2.f32 v1;
	v1 =	vld [tilespmem:s23+$0xE0]  }
0x345: {  	v6 =	vmul.f32 $1.442695020e+00, v7;
	(erf) = vpow2.f32 v0;
	v0 =	vld [tilespmem:s23+$0x160]  }
0x346: {  	v3 =	vmul.f32 $1.442695020e+00, v3;
	(erf) = vpow2.f32 v4;
	v4 =	vld [tilespmem:s23+$0x1E0]  }
0x347: {  	v5 =	vmul.f32 $1.442695020e+00, v5;
	(erf) = vpow2.f32 v6  }
0x348: {  	s2 =	simm.s32 $0x3C00;
	v35 =	vld [tilespmem:s31+$0xFFFFFF00];
	(erf) = vpow2.f32 v3  }
0x349: {  	v7 =	vld [tilespmem:s2+$0x0];
	v2 =	vmul.f32 $1.442695020e+00, v2;
	(erf) = vpow2.f32 v5  }
0x34a: {  	v3 =	vld [tilespmem:s2+$0x100];
	v1 =	vmul.f32 $1.442695020e+00, v1;
	v0 =	vmul.f32 $1.442695020e+00, v0  }
0x34b: {  	v5 =	vld [tilespmem:s23+$0x260];
	(erf) = vpow2.f32 v2;
	v4 =	vmul.f32 $1.442695020e+00, v4  }
0x34c: {  	v2 =	vld [tilespmem:s2+$0x180];
	v8 =	vpop (erf);
	(erf) = vpow2.f32 v1  }
0x34d: {  	v6 =	vld [tilespmem:s2+$0x80];
	v9 =	vpop (erf);
	(erf) = vpow2.f32 v0  }
0x34e: {  	v11 =	vld [tilespmem:s28+$0x60];
	v10 =	vpop (erf);
	(erf) = vpow2.f32 v4  }
0x34f: {  	v32 =	vld [tilespmem:s28+$0xE0];
	v4 =	vpop (erf)  }
0x350: {  	v33 =	vld [tilespmem:s28+$0x1E0];
	v5 =	vmul.f32 $1.442695020e+00, v5;
	v31 =	vpop (erf);
	v4 =	vadd.f32 v4, v10  }
0x351: {  	v0 =	vld [tilespmem:s2+$0x200];
	v2 =	vadd.f32 v2, v3;
	v3 =	vpop (erf)  }
0x352: {  	v6 =	vadd.f32 v6, v7;
	v7 =	vld [tilespmem:s28+$0x160];
	v3 =	vadd.f32 v3, v31;
	v10 =	vpop (erf);
	(erf) = vpow2.f32 v5  }
0x353: {  	v38 =	vld [tilespmem:s2+$0xFFFFFE00];
	v34 =	vpop (erf)  }
0x354: {  	v1 =	vld [tilespmem:s31+$0xFFFFFE00];
	v2 =	vadd.f32 v2, v6;
	v3 =	vadd.f32 v3, v4;
	v4 =	vpop (erf)  }
0x355: {  	v5 =	vld [tilespmem:s31+$0xFFFFFE80];
	v36 =	vpop (erf)  }
0x356: {  	v0 =	vadd.f32 v2, v0;
	v2 =	vadd.f32 v3, v34;
	v3 =	vld [tilespmem:s28+$0x260];
	v37 =	vpop (erf)  }
0x357: {  	s0 =	simm.s32 $0xB600;
	v40 =	vld [tilespmem:s2+$0xFFFFFE80];
	v11 =	vadd.f32 v32, v11;
	v7 =	vadd.f32 v33, v7;
	v39 =	vpop (erf)  }
0x358: {  	s13 =	simm.s32 $0xC600;
	v41 =	vld [tilespmem:s2+$0xFFFFFF00];
	v4 =	vadd.f32 v36, v4;
	[tilespmem:s0+$0x0] =	vst v0;
	v12 =	vadd.f32 v39, v37  }
0x359: {  	v1 =	vmul.f32 $1.442695020e+00, v1;
	v6 =	vld [tilespmem:s31+$0xFFFFFF80];
	v0 =	vadd.f32 v7, v11;
	[tilespmem:s13+$0x0] =	vst v2  }
0x35a: {  	v2 =	vadd.f32 v12, v4;
	v4 =	vmul.f32 $1.442695020e+00, v5;
	v5 =	vld [tilespmem:s31+$0x10]  }
0x35b: {  	v7 =	vld [tilespmem:s2+$0xFFFFFD80];
	(erf) = vpow2.f32 v1;
	v1 =	vmul.f32 $1.442695020e+00, v35;
	v0 =	vadd.f32 v0, v3;
	v3 =	vpop (erf)  }
0x35c: {  	v11 =	vld [tilespmem:s31+$0x90];
	v2 =	vadd.f32 v2, v3;
	(erf) = vpow2.f32 v4  }
0x35d: {  	v3 =	vld [tilespmem:s31+$0x110];
	[tilespmem:s30+$0x60] =	vst v0;
	(erf) = vpow2.f32 v1  }
0x35e: {  	v0 =	vld [tilespmem:s31+$0x190];
	v1 =	vmul.f32 $1.442695020e+00, v6;
	[tilespmem:s29+$0x60] =	vst v2  }
0x35f: {  	v2 =	vld [tilespmem:s23+$0x70];
	v4 =	vmul.f32 $1.442695020e+00, v5  }
0x360: {  	v5 =	vld [tilespmem:s23+$0xF0];
	(erf) = vpow2.f32 v1  }
0x361: {  	v1 =	vmul.f32 $1.442695020e+00, v11;
	(erf) = vpow2.f32 v4;
	v4 =	vld [tilespmem:s23+$0x1F0]  }
0x362: {  	v6 =	vld [tilespmem:s23+$0x170];
	v3 =	vmul.f32 $1.442695020e+00, v3  }
0x363: {  	v0 =	vmul.f32 $1.442695020e+00, v0;
	(erf) = vpow2.f32 v1  }
0x364: {  	v11 =	vpop (erf);
	v1 =	vld [tilespmem:s31+$0x210];
	(erf) = vpow2.f32 v3;
	v3 =	vadd.f32 v41, v40;
	v2 =	vmul.f32 $1.442695020e+00, v2  }
0x365: {  	(erf) = vpow2.f32 v0;
	v0 =	vmul.f32 $1.442695020e+00, v5;
	v5 =	vadd.f32 v38, v7;
	v42 =	vpop (erf)  }
0x366: {  	v7 =	vld [tilespmem:s2+$0xFFFFFF80];
	(erf) = vpow2.f32 v2;
	v2 =	vadd.f32 v11, v10;
	v10 =	vpop (erf);
	v4 =	vmul.f32 $1.442695020e+00, v4  }
0x367: {  	v6 =	vmul.f32 $1.442695020e+00, v6;
	(erf) = vpow2.f32 v0;
	v0 =	vadd.f32 v10, v42  }
0x368: {  	v11 =	vld [tilespmem:s2+$0x10];
	v3 =	vadd.f32 v3, v5  }
0x369: {  	v5 =	vld [tilespmem:s2+$0x110];
	v1 =	vmul.f32 $1.442695020e+00, v1;
	(erf) = vpow2.f32 v6;
	v0 =	vadd.f32 v0, v2  }
0x36a: {  	v6 =	vld [tilespmem:s2+$0x190];
	(erf) = vpow2.f32 v4;
	v4 =	vpop (erf)  }
0x36b: {  	v10 =	vld [tilespmem:s2+$0x90];
	(erf) = vpow2.f32 v1;
	v1 =	vadd.f32 v3, v7;
	v4 =	vadd.f32 v0, v4  }
0x36c: {  	v3 =	vpop (erf)  }
0x36d: {  	v45 =	vld [tilespmem:s2+$0x210];
	v7 =	vpop (erf);
	[tilespmem:s0+$0xFFFFFF80] =	vst v1  }
0x36e: {  	v43 =	vld [tilespmem:s23+$0x270];
	v44 =	vpop (erf);
	[tilespmem:s13+$0xFFFFFF80] =	vst v4  }
0x36f: {  	v5 =	vadd.f32 v6, v5;
	v46 =	vld [tilespmem:s31+$0xFFFFFD90];
	v4 =	vpop (erf)  }
0x370: {  	v10 =	vadd.f32 v10, v11;
	v11 =	vld [tilespmem:s31+$0xFFFFFE10];
	v1 =	vpop (erf)  }
0x371: {  	v6 =	vadd.f32 v7, v3;
	v47 =	vld [tilespmem:s31+$0xFFFFFE90];
	v7 =	vadd.f32 v4, v44;
	v4 =	vpop (erf)  }
0x372: {  	v48 =	vld [tilespmem:s31+$0xFFFFFF10];
	v10 =	vadd.f32 v5, v10;
	v3 =	vpop (erf)  }
0x373: {  	v12 =	vmul.f32 $1.442695020e+00, v43;
	v6 =	vadd.f32 v7, v6;
	v5 =	vpop (erf)  }
0x374: {  	v57 =	vld [tilespmem:s23+$0xFFFFFED0];
	v10 =	vadd.f32 v10, v45;
	v15 =	vmul.f32 $1.442695020e+00, v46;
	v49 =	vpop (erf)  }
0x375: {  	v50 =	vld [tilespmem:s31+$0xFFFFFF90];
	(erf) = vpow2.f32 v12;
	v11 =	vmul.f32 $1.442695020e+00, v11;
	v6 =	vadd.f32 v6, v49  }
0x376: {  	v51 =	vld [tilespmem:s2+$0xFFFFFD90];
	[tilespmem:s0+$0x10] =	vst v10;
	v13 =	vmul.f32 $1.442695020e+00, v47;
	(erf) = vpow2.f32 v15  }
0x377: {  	v55 =	vld [tilespmem:s2+$0xFFFFFE90];
	(erf) = vpow2.f32 v11;
	[tilespmem:s13+$0x10] =	vst v6;
	v6 =	vmul.f32 $1.442695020e+00, v48  }
0x378: {  	v56 =	vld [tilespmem:s2+$0xFFFFFF10];
	(erf) = vpow2.f32 v13  }
0x379: {  	v11 =	vld [tilespmem:s31+$0x20];
	(erf) = vpow2.f32 v6  }
0x37a: {  	v52 =	vld [tilespmem:s31+$0xA0];
	v6 =	vmul.f32 $1.442695020e+00, v50  }
0x37b: {  	v53 =	vld [tilespmem:s31+$0x120]  }
0x37c: {  	v54 =	vld [tilespmem:s31+$0x1A0]  }
0x37d: {  	v10 =	vld [tilespmem:s2+$0xFFFFFE10];
	(erf) = vpow2.f32 v6  }
0x37e: {  	v21 =	vld [tilespmem:s23+$0xFFFFFF50];
	v11 =	vmul.f32 $1.442695020e+00, v11;
	v6 =	vpop (erf)  }
0x37f: {  	v61 =	vld [tilespmem:s23+$0xFFFFFFD0];
	v14 =	vmul.f32 $1.442695020e+00, v52;
	v59 =	vpop (erf)  }
0x380: {  	v58 =	vld [tilespmem:s31+$0x220];
	v13 =	vmul.f32 $1.442695020e+00, v53;
	(erf) = vpow2.f32 v11;
	v60 =	vpop (erf)  }
0x381: {  	v15 =	vmul.f32 $1.442695020e+00, v54;
	v11 =	vld [tilespmem:s2+$0xFFFFFF90];
	(erf) = vpow2.f32 v14;
	v22 =	vpop (erf)  }
0x382: {  	v29 =	vld [tilespmem:s28+$0xFFFFFDD0];
	v62 =	vadd.f32 v56, v55;
	v10 =	vadd.f32 v10, v51;
	(erf) = vpow2.f32 v13;
	v24 =	vpop (erf)  }
0x383: {  	v41 =	vld [tilespmem:s28+$0xFFFFFF50];
	v14 =	vadd.f32 v60, v59;
	(erf) = vpow2.f32 v15;
	v16 =	vadd.f32 v24, v22  }
0x384: {  	v25 =	vmul.f32 $1.442695020e+00, v57;
	v63 =	vld [tilespmem:s2+$0x20];
	v10 =	vadd.f32 v62, v10  }
0x385: {  	v26 =	vld [tilespmem:s2+$0xA0];
	v19 =	vmul.f32 $1.442695020e+00, v58;
	v14 =	vadd.f32 v16, v14  }
0x386: {  	v27 =	vld [tilespmem:s2+$0x120];
	(erf) = vpow2.f32 v25;
	v30 =	vpop (erf);
	v10 =	vadd.f32 v10, v11  }
0x387: {  	v28 =	vld [tilespmem:s2+$0x1A0];
	(erf) = vpow2.f32 v19;
	v14 =	vadd.f32 v14, v30  }
0x388: {  	v33 =	vld [tilespmem:s2+$0x220];
	[tilespmem:s0+$0xFFFFFF90] =	vst v10  }
0x389: {  	v11 =	vld [tilespmem:s28+$0xFFFFFE50];
	v31 =	vpop (erf);
	[tilespmem:s13+$0xFFFFFF90] =	vst v14  }
0x38a: {  	v32 =	vpop (erf);
	v23 =	vld [tilespmem:s31+$0xFFFFFDA0]  }
0x38b: {  	v34 =	vpop (erf);
	v36 =	vld [tilespmem:s31+$0xFFFFFE20]  }
0x38c: {  	v12 =	vadd.f32 v28, v27;
	v15 =	vadd.f32 v26, v63;
	v38 =	vld [tilespmem:s31+$0xFFFFFEA0];
	v35 =	vpop (erf)  }
0x38d: {  	v37 =	vmul.f32 $1.442695020e+00, v21;
	v19 =	vadd.f32 v32, v31;
	v39 =	vld [tilespmem:s31+$0xFFFFFF20];
	v16 =	vadd.f32 v35, v34  }
0x38e: {  	v13 =	vmul.f32 $1.442695020e+00, v61;
	v12 =	vadd.f32 v12, v15;
	v10 =	vld [tilespmem:s28+$0xFFFFFED0]  }
0x38f: {  	(erf) = vpow2.f32 v37;
	v43 =	vld [tilespmem:s31+$0xFFFFFFA0];
	v40 =	vpop (erf);
	v16 =	vadd.f32 v16, v19;
	v23 =	vmul.f32 $1.442695020e+00, v23  }
0x390: {  	v12 =	vadd.f32 v12, v33;
	(erf) = vpow2.f32 v13;
	v44 =	vld [tilespmem:s2+$0xFFFFFDA0];
	v42 =	vpop (erf);
	v45 =	vmul.f32 $1.442695020e+00, v36  }
0x391: {  	v46 =	vld [tilespmem:s2+$0xFFFFFE20];
	v47 =	vmul.f32 $1.442695020e+00, v38;
	v14 =	vadd.f32 v16, v42;
	(erf) = vpow2.f32 v23  }
0x392: {  	[tilespmem:s0+$0x20] =	vst v12;
	v53 =	vld [tilespmem:s2+$0xFFFFFEA0];
	v48 =	vmul.f32 $1.442695020e+00, v39;
	(erf) = vpow2.f32 v45  }
0x393: {  	v54 =	vld [tilespmem:s2+$0xFFFFFF20];
	[tilespmem:s13+$0x20] =	vst v14;
	(erf) = vpow2.f32 v47  }
0x394: {  	v49 =	vld [tilespmem:s31+$0x30];
	(erf) = vpow2.f32 v48  }
0x395: {  	v50 =	vld [tilespmem:s31+$0xB0]  }
0x396: {  	v51 =	vld [tilespmem:s31+$0x130]  }
0x397: {  	v11 =	vadd.f32 v11, v29;
	v22 =	vmul.f32 $1.442695020e+00, v43;
	v52 =	vld [tilespmem:s31+$0x1B0]  }
0x398: {  	v8 =	vadd.f32 v9, v8;
	v55 =	vld [tilespmem:s28+$0xFFFFFFD0];
	v10 =	vadd.f32 v41, v10;
	v9 =	vpop (erf)  }
0x399: {  	v2 =	vld [tilespmem:s28+$0xF0];
	v56 =	vpop (erf);
	(erf) = vpow2.f32 v22;
	v15 =	vmul.f32 $1.442695020e+00, v49  }
0x39a: {  	v0 =	vld [tilespmem:s28+$0x70];
	v10 =	vadd.f32 v10, v11;
	v12 =	vadd.f32 v46, v44;
	v16 =	vmul.f32 $1.442695020e+00, v50;
	v59 =	vpop (erf)  }
0x39b: {  	v19 =	vadd.f32 v9, v40;
	v57 =	vld [tilespmem:s31+$0x230];
	v18 =	vmul.f32 $1.442695020e+00, v51;
	(erf) = vpow2.f32 v15;
	v11 =	vpop (erf)  }
0x39c: {  	v60 =	vld [tilespmem:s2+$0xFFFFFFA0];
	v62 =	vadd.f32 v54, v53;
	v14 =	vmul.f32 $1.442695020e+00, v52;
	(erf) = vpow2.f32 v16;
	v61 =	vpop (erf)  }
0x39d: {  	v10 =	vadd.f32 v10, v55;
	v63 =	vld [tilespmem:s2+$0x30];
	v58 =	vadd.f32 v19, v8;
	(erf) = vpow2.f32 v18;
	v24 =	vpop (erf)  }
0x39e: {  	v25 =	vld [tilespmem:s2+$0xB0];
	v11 =	vadd.f32 v11, v59;
	(erf) = vpow2.f32 v14;
	v16 =	vadd.f32 v24, v61  }
0x39f: {  	v27 =	vld [tilespmem:s2+$0x130];
	v15 =	vadd.f32 v58, v56  }
0x3a0: {  	v12 =	vadd.f32 v62, v12;
	[tilespmem:s30+$0xFFFFFFD0] =	vst v10;
	v26 =	vmul.f32 $1.442695020e+00, v57;
	v10 =	vadd.f32 v16, v11;
	v11 =	vld [tilespmem:s2+$0x1B0]  }
0x3a1: {  	v7 =	vld [tilespmem:s28+$0x170];
	[tilespmem:s29+$0xFFFFFFD0] =	vst v15  }
0x3a2: {  	v12 =	vadd.f32 v12, v60;
	v29 =	vld [tilespmem:s23+$0xFFFFFDE0];
	(erf) = vpow2.f32 v26;
	v28 =	vpop (erf)  }
0x3a3: {  	v31 =	vld [tilespmem:s23+$0xFFFFFE60];
	v10 =	vadd.f32 v10, v28  }
0x3a4: {  	[tilespmem:s0+$0xFFFFFFA0] =	vst v12;
	v33 =	vld [tilespmem:s23+$0xFFFFFEE0];
	v30 =	vpop (erf)  }
0x3a5: {  	v17 =	vadd.f32 v25, v63;
	v32 =	vpop (erf);
	[tilespmem:s13+$0xFFFFFFA0] =	vst v10;
	v10 =	vld [tilespmem:s2+$0x230];
	v11 =	vadd.f32 v11, v27  }
0x3a6: {  	v34 =	vpop (erf);
	v35 =	vld [tilespmem:s31+$0xFFFFFDB0]  }
0x3a7: {  	v37 =	vld [tilespmem:s31+$0xFFFFFE30];
	v36 =	vpop (erf);
	v11 =	vadd.f32 v11, v17  }
0x3a8: {  	v13 =	vmul.f32 $1.442695020e+00, v29;
	v12 =	vadd.f32 v32, v30;
	v38 =	vld [tilespmem:s31+$0xFFFFFEB0];
	v14 =	vadd.f32 v36, v34  }
0x3a9: {  	v16 =	vmul.f32 $1.442695020e+00, v31;
	v39 =	vld [tilespmem:s31+$0xFFFFFF30]  }
0x3aa: {  	v40 =	vmul.f32 $1.442695020e+00, v33;
	(erf) = vpow2.f32 v13;
	v41 =	vld [tilespmem:s31+$0xFFFFFFB0];
	v12 =	vadd.f32 v14, v12  }
0x3ab: {  	(erf) = vpow2.f32 v16;
	v42 =	vld [tilespmem:s2+$0xFFFFFDB0];
	v10 =	vadd.f32 v11, v10;
	v43 =	vmul.f32 $1.442695020e+00, v35;
	v11 =	vpop (erf)  }
0x3ac: {  	v44 =	vld [tilespmem:s2+$0xFFFFFE30];
	(erf) = vpow2.f32 v40;
	v45 =	vmul.f32 $1.442695020e+00, v37;
	v11 =	vadd.f32 v12, v11  }
0x3ad: {  	v49 =	vld [tilespmem:s2+$0xFFFFFF30];
	v15 =	vmul.f32 $1.442695020e+00, v38;
	[tilespmem:s0+$0x30] =	vst v10;
	(erf) = vpow2.f32 v43  }
0x3ae: {  	v10 =	vld [tilespmem:s2+$0xFFFFFEB0];
	(erf) = vpow2.f32 v45;
	[tilespmem:s13+$0x30] =	vst v11;
	v11 =	vmul.f32 $1.442695020e+00, v39  }
0x3af: {  	(erf) = vpow2.f32 v15;
	v46 =	vld [tilespmem:s31+$0x40]  }
0x3b0: {  	v47 =	vld [tilespmem:s31+$0xC0];
	(erf) = vpow2.f32 v11  }
0x3b1: {  	v48 =	vld [tilespmem:s31+$0x140]  }
0x3b2: {  	v13 =	vmul.f32 $1.442695020e+00, v41;
	v11 =	vld [tilespmem:s31+$0x1C0]  }
0x3b3: {  	v9 =	vld [tilespmem:s28+$0x1F0];
	v50 =	vpop (erf)  }
0x3b4: {  	v53 =	vld [tilespmem:s23+$0xFFFFFF60];
	v52 =	vpop (erf);
	(erf) = vpow2.f32 v13;
	v17 =	vmul.f32 $1.442695020e+00, v46  }
0x3b5: {  	v57 =	vld [tilespmem:s23+$0xFFFFFFE0];
	v54 =	vpop (erf);
	v14 =	vmul.f32 $1.442695020e+00, v47  }
0x3b6: {  	v12 =	vadd.f32 v44, v42;
	v55 =	vld [tilespmem:s31+$0x240];
	v15 =	vmul.f32 $1.442695020e+00, v48;
	v56 =	vpop (erf);
	(erf) = vpow2.f32 v17  }
0x3b7: {  	v51 =	vld [tilespmem:s2+$0xFFFFFFB0];
	v10 =	vadd.f32 v49, v10;
	v11 =	vmul.f32 $1.442695020e+00, v11;
	v24 =	vpop (erf);
	(erf) = vpow2.f32 v14  }
0x3b8: {  	v58 =	vld [tilespmem:s28+$0xFFFFFDE0];
	v25 =	vpop (erf);
	(erf) = vpow2.f32 v15  }
0x3b9: {  	v28 =	vld [tilespmem:s28+$0xFFFFFEE0];
	v10 =	vadd.f32 v10, v12;
	(erf) = vpow2.f32 v11;
	v60 =	vpop (erf)  }
0x3ba: {  	v21 =	vmul.f32 $1.442695020e+00, v53;
	v59 =	vld [tilespmem:s2+$0x40];
	v17 =	vadd.f32 v24, v56;
	v18 =	vadd.f32 v60, v25  }
0x3bb: {  	v61 =	vld [tilespmem:s2+$0xC0];
	v23 =	vmul.f32 $1.442695020e+00, v55  }
0x3bc: {  	v62 =	vld [tilespmem:s2+$0x140];
	v10 =	vadd.f32 v10, v51;
	(erf) = vpow2.f32 v21;
	v17 =	vadd.f32 v18, v17  }
0x3bd: {  	v63 =	vld [tilespmem:s2+$0x1C0];
	v27 =	vpop (erf);
	(erf) = vpow2.f32 v23  }
0x3be: {  	v30 =	vld [tilespmem:s28+$0xFFFFFF60];
	v17 =	vadd.f32 v17, v27  }
0x3bf: {  	v32 =	vld [tilespmem:s2+$0x240];
	[tilespmem:s0+$0xFFFFFFB0] =	vst v10;
	v29 =	vpop (erf)  }
0x3c0: {  	v11 =	vld [tilespmem:s28+$0xFFFFFE60];
	v10 =	vpop (erf);
	[tilespmem:s13+$0xFFFFFFB0] =	vst v17  }
0x3c1: {  	v26 =	vpop (erf);
	v33 =	vld [tilespmem:s31+$0xFFFFFDC0]  }
0x3c2: {  	v16 =	vadd.f32 v61, v59;
	v12 =	vadd.f32 v63, v62;
	v14 =	vmul.f32 $1.442695020e+00, v57;
	v35 =	vld [tilespmem:s31+$0xFFFFFE40];
	v34 =	vpop (erf)  }
0x3c3: {  	v10 =	vadd.f32 v10, v29;
	v36 =	vld [tilespmem:s31+$0xFFFFFEC0];
	v18 =	vadd.f32 v34, v26  }
0x3c4: {  	v12 =	vadd.f32 v12, v16;
	(erf) = vpow2.f32 v14;
	v37 =	vld [tilespmem:s31+$0xFFFFFF40]  }
0x3c5: {  	v8 =	vld [tilespmem:s28+$0x270];
	v38 =	vpop (erf);
	v10 =	vadd.f32 v18, v10  }
0x3c6: {  	v31 =	vld [tilespmem:s28+$0xFFFFFFE0];
	v12 =	vadd.f32 v12, v32;
	v40 =	vpop (erf);
	v42 =	vmul.f32 $1.442695020e+00, v33  }
0x3c7: {  	v43 =	vadd.f32 v30, v28;
	v39 =	vld [tilespmem:s31+$0xFFFFFFC0];
	v14 =	vmul.f32 $1.442695020e+00, v35;
	v10 =	vadd.f32 v10, v40  }
0x3c8: {  	[tilespmem:s0+$0x40] =	vst v12;
	v11 =	vadd.f32 v11, v58;
	v41 =	vld [tilespmem:s2+$0xFFFFFDC0];
	v45 =	vmul.f32 $1.442695020e+00, v36;
	(erf) = vpow2.f32 v42  }
0x3c9: {  	v13 =	vadd.f32 v52, v50;
	v44 =	vld [tilespmem:s2+$0xFFFFFE40];
	v46 =	vmul.f32 $1.442695020e+00, v37;
	[tilespmem:s13+$0x40] =	vst v10;
	(erf) = vpow2.f32 v14  }
0x3ca: {  	v11 =	vadd.f32 v43, v11;
	v18 =	vadd.f32 v38, v54;
	v47 =	vld [tilespmem:s31+$0x50];
	(erf) = vpow2.f32 v45  }
0x3cb: {  	v48 =	vld [tilespmem:s31+$0xD0];
	(erf) = vpow2.f32 v46  }
0x3cc: {  	v11 =	vadd.f32 v11, v31;
	v13 =	vadd.f32 v18, v13;
	v50 =	vld [tilespmem:s31+$0x150]  }
0x3cd: {  	v49 =	vpop (erf);
	v51 =	vld [tilespmem:s31+$0x1D0]  }
0x3ce: {  	[tilespmem:s30+$0xFFFFFFE0] =	vst v11;
	v11 =	vld [tilespmem:s2+$0xFFFFFF40];
	v52 =	vmul.f32 $1.442695020e+00, v39;
	v13 =	vadd.f32 v13, v49  }
0x3cf: {  	v0 =	vadd.f32 v2, v0;
	v1 =	vadd.f32 v4, v1;
	v10 =	vld [tilespmem:s2+$0xFFFFFEC0];
	v14 =	vmul.f32 $1.442695020e+00, v47  }
0x3d0: {  	v3 =	vadd.f32 v5, v3;
	v55 =	vld [tilespmem:s31+$0x250];
	[tilespmem:s29+$0xFFFFFFE0] =	vst v13;
	(erf) = vpow2.f32 v52;
	v16 =	vmul.f32 $1.442695020e+00, v48  }
0x3d1: {  	v7 =	vadd.f32 v9, v7;
	v54 =	vld [tilespmem:s23+$0xFFFFFDF0];
	v2 =	vmul.f32 $1.442695020e+00, v50;
	(erf) = vpow2.f32 v14;
	v56 =	vpop (erf)  }
0x3d2: {  	v53 =	vld [tilespmem:s2+$0xFFFFFFC0];
	v9 =	vmul.f32 $1.442695020e+00, v51;
	(erf) = vpow2.f32 v16;
	v4 =	vpop (erf)  }
0x3d3: {  	v1 =	vadd.f32 v3, v1;
	v0 =	vadd.f32 v7, v0;
	v57 =	vld [tilespmem:s23+$0xFFFFFE70];
	(erf) = vpow2.f32 v2;
	v5 =	vpop (erf)  }
0x3d4: {  	v10 =	vadd.f32 v11, v10;
	v2 =	vld [tilespmem:s23+$0xFFFFFEF0];
	(erf) = vpow2.f32 v9;
	v9 =	vadd.f32 v44, v41;
	v58 =	vpop (erf)  }
0x3d5: {  	v0 =	vadd.f32 v0, v8;
	v7 =	vld [tilespmem:s23+$0xFFFFFF70];
	v5 =	vadd.f32 v58, v5  }
0x3d6: {  	v59 =	vld [tilespmem:s2+$0xD0];
	v8 =	vmul.f32 $1.442695020e+00, v55;
	v3 =	vadd.f32 v10, v9;
	v9 =	vmul.f32 $1.442695020e+00, v54  }
0x3d7: {  	v60 =	vld [tilespmem:s2+$0x1D0];
	v4 =	vadd.f32 v4, v56  }
0x3d8: {  	v11 =	vld [tilespmem:s2+$0x50];
	v61 =	vmul.f32 $1.442695020e+00, v57;
	v3 =	vadd.f32 v3, v53;
	(erf) = vpow2.f32 v9  }
0x3d9: {  	v10 =	vld [tilespmem:s2+$0x150];
	v4 =	vadd.f32 v5, v4;
	v2 =	vmul.f32 $1.442695020e+00, v2;
	v5 =	vpop (erf);
	(erf) = vpow2.f32 v8  }
0x3da: {  	v6 =	vadd.f32 v1, v6;
	v62 =	vld [tilespmem:s23+$0xFFFFFFF0];
	v8 =	vpop (erf);
	[tilespmem:s0+$0xFFFFFFC0] =	vst v3;
	v3 =	vmul.f32 $1.442695020e+00, v7;
	(erf) = vpow2.f32 v61  }
0x3db: {  	[tilespmem:s30+$0x70] =	vst v0;
	v0 =	vld [tilespmem:s28+$0xFFFFFDF0];
	v4 =	vadd.f32 v4, v5;
	v9 =	vpop (erf);
	(erf) = vpow2.f32 v2  }
0x3dc: {  	v1 =	vld [tilespmem:s28+$0xFFFFFE70];
	v63 =	vpop (erf);
	(erf) = vpow2.f32 v3  }
0x3dd: {  	v5 =	vld [tilespmem:s2+$0x250];
	[tilespmem:s13+$0xFFFFFFC0] =	vst v4  }
0x3de: {  	s11 =	simm.s32 $0x2;
	s9 =	simm.s32 $0x3C00;
	[tilespmem:s29+$0x70] =	vst v6;
	v7 =	vadd.f32 v60, v10;
	v3 =	vadd.f32 v59, v11;
	v2 =	vld [tilespmem:s31+$0xFFFFFDD0];
	v6 =	vpop (erf)  }
0x3df: {  	s14 =	simm.s32 $0xB600;
	s7 =	simm.s32 $0xC600;
	s23 =	simm.s32 $0x9100;
	v8 =	vadd.f32 v9, v8;
	v4 =	vld [tilespmem:s31+$0xFFFFFE50];
	v9 =	vadd.f32 v6, v63;
	v6 =	vmul.f32 $1.442695020e+00, v62  }
.LBB2_5:
0x3e0: {  	v10 =	vld [tilespmem:s23+$0x0];
	v3 =	vadd.f32 v7, v3  }
0x3e1: {  	v7 =	vld [tilespmem:s23+$0x80];
	v11 =	vadd.f32 v9, v8;
	v0 =	vadd.f32 v1, v0;
	v1 =	vpop (erf);
	(erf) = vpow2.f32 v6  }
0x3e2: {  	v6 =	vld [tilespmem:s23+$0x100];
	v12 =	vadd.f32 v3, v5;
	v5 =	vpop (erf)  }
0x3e3: {  	v9 =	vld [tilespmem:s23+$0x180];
	v13 =	vmul.f32 $1.442695020e+00, v2;
	v5 =	vadd.f32 v11, v5;
	v8 =	vpop (erf)  }
0x3e4: {  	v11 =	vld [tilespmem:s23+$0xFFFFFD80];
	v4 =	vmul.f32 $1.442695020e+00, v4;
	[tilespmem:s0+$0x50] =	vst v12;
	v1 =	vadd.f32 v8, v1;
	v3 =	vpop (erf)  }
0x3e5: {  	v8 =	vmul.f32 $1.442695020e+00, v10;
	v10 =	vld [tilespmem:s23+$0x200];
	[tilespmem:s13+$0x50] =	vst v5;
	(erf) = vpow2.f32 v13;
	v2 =	vpop (erf)  }
0x3e6: {  	v5 =	vmul.f32 $1.442695020e+00, v7;
	v7 =	vld [tilespmem:s31+$0x60];
	(erf) = vpow2.f32 v4;
	v2 =	vadd.f32 v2, v3  }
0x3e7: {  	v3 =	vmul.f32 $1.442695020e+00, v6;
	(erf) = vpow2.f32 v8;
	v4 =	vld [tilespmem:s31+$0xE0]  }
0x3e8: {  	v12 =	vmul.f32 $1.442695020e+00, v9;
	(erf) = vpow2.f32 v5;
	v5 =	vld [tilespmem:s31+$0x160];
	v1 =	vadd.f32 v2, v1  }
0x3e9: {  	s2 =	sadd.s32 $0x500, s2;
	v2 =	vmul.f32 $1.442695020e+00, v11;
	(erf) = vpow2.f32 v3;
	v3 =	vld [tilespmem:s31+$0x1E0]  }
0x3ea: {  	v8 =	vld [tilespmem:s2+$0x0];
	v9 =	vmul.f32 $1.442695020e+00, v10;
	(erf) = vpow2.f32 v12;
	v6 =	vpop (erf)  }
0x3eb: {  	v10 =	vld [tilespmem:s2+$0x80];
	(erf) = vpow2.f32 v2;
	v11 =	vmul.f32 $1.442695020e+00, v7;
	v1 =	vadd.f32 v1, v6  }
0x3ec: {  	v6 =	vld [tilespmem:s2+$0x100];
	(erf) = vpow2.f32 v9;
	v4 =	vmul.f32 $1.442695020e+00, v4  }
0x3ed: {  	v5 =	vmul.f32 $1.442695020e+00, v5;
	v7 =	vld [tilespmem:s31+$0x260];
	(erf) = vpow2.f32 v11  }
0x3ee: {  	v9 =	vld [tilespmem:s2+$0x180];
	v13 =	vmul.f32 $1.442695020e+00, v3;
	v2 =	vpop (erf);
	(erf) = vpow2.f32 v4  }
0x3ef: {  	v4 =	vld [tilespmem:s23+$0xFFFFFE00];
	v11 =	vpop (erf);
	(erf) = vpow2.f32 v5  }
0x3f0: {  	v5 =	vld [tilespmem:s2+$0x200];
	v12 =	vpop (erf);
	v2 =	vadd.f32 v11, v2;
	(erf) = vpow2.f32 v13  }
0x3f1: {  	v3 =	vpop (erf);
	v11 =	vld [tilespmem:s9+$0x60]  }
0x3f2: {  	v13 =	vpop (erf);
	v14 =	vld [tilespmem:s9+$0xE0];
	v7 =	vmul.f32 $1.442695020e+00, v7  }
0x3f3: {  	v17 =	vadd.f32 v10, v8;
	v6 =	vadd.f32 v9, v6;
	v9 =	vpop (erf);
	v10 =	vld [tilespmem:s9+$0x160]  }
0x3f4: {  	v3 =	vadd.f32 v3, v12;
	v9 =	vadd.f32 v9, v13;
	v12 =	vpop (erf);
	v13 =	vld [tilespmem:s9+$0x1E0];
	(erf) = vpow2.f32 v7  }
0x3f5: {  	v18 =	vmul.f32 $1.442695020e+00, v4;
	v7 =	vld [tilespmem:s23+$0xFFFFFE80];
	v15 =	vpop (erf)  }
0x3f6: {  	v6 =	vadd.f32 v6, v17;
	v16 =	vld [tilespmem:s23+$0xFFFFFF00];
	v3 =	vadd.f32 v9, v3;
	v8 =	vpop (erf)  }
0x3f7: {  	v9 =	vld [tilespmem:s23+$0xFFFFFF80];
	(erf) = vpow2.f32 v18;
	v4 =	vpop (erf)  }
0x3f8: {  	v5 =	vadd.f32 v6, v5;
	v3 =	vadd.f32 v3, v15;
	v6 =	vld [tilespmem:s9+$0x260];
	v15 =	vpop (erf)  }
0x3f9: {  	v11 =	vadd.f32 v14, v11;
	v17 =	vld [tilespmem:s2+$0xFFFFFE00];
	v10 =	vadd.f32 v13, v10;
	v13 =	vpop (erf)  }
0x3fa: {  	s0 =	sadd.s32 $0x100, s0;
	v4 =	vadd.f32 v4, v8;
	v14 =	vld [tilespmem:s2+$0xFFFFFE80];
	v7 =	vmul.f32 $1.442695020e+00, v7;
	v8 =	vadd.f32 v13, v15  }
0x3fb: {  	s13 =	sadd.s32 $0x100, s13;
	v13 =	vld [tilespmem:s2+$0xFFFFFF00];
	v15 =	vmul.f32 $1.442695020e+00, v16;
	[tilespmem:s0+$0x0] =	vst v5;
	v5 =	vadd.f32 v10, v11  }
0x3fc: {  	s11 =	sadd.s32 $0x2, s11;
	v10 =	vld [tilespmem:s2+$0xFFFFFD80];
	v9 =	vmul.f32 $1.442695020e+00, v9;
	[tilespmem:s13+$0x0] =	vst v3;
	(erf) = vpow2.f32 v7;
	v3 =	vadd.f32 v8, v4  }
0x3fd: {  	p0 =	slt.u32 s11, $0xE;
	v4 =	vld [tilespmem:s23+$0x10];
	(erf) = vpow2.f32 v15;
	v5 =	vadd.f32 v5, v6;
	v6 =	vpop (erf)  }
0x3fe: {  	v7 =	vld [tilespmem:s23+$0x90];
	(erf) = vpow2.f32 v9;
	v3 =	vadd.f32 v3, v6  }
0x3ff: {  	v6 =	vld [tilespmem:s23+$0x110];
	[tilespmem:s14+$0x60] =	vst v5  }
0x400: {  	v5 =	vadd.f32 v13, v14;
	v8 =	vld [tilespmem:s23+$0x190];
	v9 =	vpop (erf);
	[tilespmem:s7+$0x60] =	vst v3  }
0x401: {  	v3 =	vadd.f32 v17, v10;
	v9 =	vadd.f32 v9, v12;
	v10 =	vld [tilespmem:s31+$0x70]  }
0x402: {  	v4 =	vmul.f32 $1.442695020e+00, v4;
	v11 =	vld [tilespmem:s31+$0xF0]  }
0x403: {  	v3 =	vadd.f32 v5, v3;
	v5 =	vmul.f32 $1.442695020e+00, v7;
	v7 =	vld [tilespmem:s31+$0x170]  }
0x404: {  	v6 =	vmul.f32 $1.442695020e+00, v6;
	(erf) = vpow2.f32 v4;
	v4 =	vld [tilespmem:s31+$0x1F0]  }
0x405: {  	v12 =	vld [tilespmem:s2+$0xFFFFFF80];
	v8 =	vmul.f32 $1.442695020e+00, v8;
	v13 =	vpop (erf);
	(erf) = vpow2.f32 v5  }
0x406: {  	v5 =	vld [tilespmem:s23+$0x210];
	v14 =	vpop (erf);
	(erf) = vpow2.f32 v6;
	v6 =	vmul.f32 $1.442695020e+00, v10  }
0x407: {  	v10 =	vadd.f32 v14, v13;
	v13 =	vld [tilespmem:s2+$0x10];
	v14 =	vpop (erf);
	(erf) = vpow2.f32 v8;
	v8 =	vmul.f32 $1.442695020e+00, v11  }
0x408: {  	v7 =	vmul.f32 $1.442695020e+00, v7;
	v11 =	vld [tilespmem:s31+$0x270];
	(erf) = vpow2.f32 v6  }
0x409: {  	v6 =	vadd.f32 v10, v9;
	v9 =	vld [tilespmem:s2+$0x90];
	v4 =	vmul.f32 $1.442695020e+00, v4;
	(erf) = vpow2.f32 v8  }
0x40a: {  	v3 =	vadd.f32 v3, v12;
	v8 =	vld [tilespmem:s2+$0x110];
	(erf) = vpow2.f32 v7  }
0x40b: {  	v6 =	vadd.f32 v6, v14;
	v7 =	vld [tilespmem:s2+$0x190];
	v5 =	vmul.f32 $1.442695020e+00, v5;
	(erf) = vpow2.f32 v4  }
0x40c: {  	[tilespmem:s0+$0xFFFFFF80] =	vst v3;
	v3 =	vld [tilespmem:s9+$0x70]  }
0x40d: {  	[tilespmem:s13+$0xFFFFFF80] =	vst v6;
	v4 =	vpop (erf);
	(erf) = vpow2.f32 v5;
	v5 =	vld [tilespmem:s9+$0xF0];
	v6 =	vmul.f32 $1.442695020e+00, v11  }
0x40e: {  	v10 =	vpop (erf);
	v11 =	vld [tilespmem:s9+$0x170]  }
0x40f: {  	v12 =	vpop (erf);
	v14 =	vld [tilespmem:s9+$0x1F0];
	(erf) = vpow2.f32 v6  }
0x410: {  	v16 =	vadd.f32 v9, v13;
	v6 =	vld [tilespmem:s23+$0xFFFFFD90];
	v7 =	vadd.f32 v7, v8;
	v8 =	vpop (erf)  }
0x411: {  	v4 =	vadd.f32 v10, v4;
	v13 =	vld [tilespmem:s2+$0x210];
	v8 =	vadd.f32 v8, v12;
	v10 =	vpop (erf)  }
0x412: {  	v12 =	vld [tilespmem:s23+$0xFFFFFE10];
	v15 =	vpop (erf)  }
0x413: {  	v7 =	vadd.f32 v7, v16;
	v4 =	vadd.f32 v8, v4;
	v8 =	vld [tilespmem:s9+$0x270];
	v9 =	vpop (erf)  }
0x414: {  	v3 =	vadd.f32 v5, v3;
	v16 =	vld [tilespmem:s23+$0xFFFFFE90];
	v5 =	vadd.f32 v14, v11;
	v11 =	vpop (erf)  }
0x415: {  	v10 =	vadd.f32 v15, v10;
	v17 =	vmul.f32 $1.442695020e+00, v6;
	v14 =	vld [tilespmem:s23+$0xFFFFFF10];
	v9 =	vadd.f32 v11, v9  }
0x416: {  	v11 =	vld [tilespmem:s23+$0xFFFFFF90];
	v7 =	vadd.f32 v7, v13;
	v13 =	vpop (erf);
	v3 =	vadd.f32 v5, v3  }
0x417: {  	v5 =	vld [tilespmem:s2+$0xFFFFFD90];
	v12 =	vmul.f32 $1.442695020e+00, v12;
	v4 =	vadd.f32 v4, v13;
	v9 =	vadd.f32 v9, v10  }
0x418: {  	v10 =	vld [tilespmem:s2+$0xFFFFFE10];
	[tilespmem:s0+$0x10] =	vst v7;
	(erf) = vpow2.f32 v17;
	v3 =	vadd.f32 v3, v8;
	v6 =	vpop (erf)  }
0x419: {  	v7 =	vld [tilespmem:s2+$0xFFFFFE90];
	v8 =	vmul.f32 $1.442695020e+00, v16;
	[tilespmem:s13+$0x10] =	vst v4;
	(erf) = vpow2.f32 v12;
	v4 =	vadd.f32 v9, v6  }
0x41a: {  	v6 =	vmul.f32 $1.442695020e+00, v14;
	v9 =	vld [tilespmem:s23+$0x20];
	[tilespmem:s14+$0x70] =	vst v3  }
0x41b: {  	v3 =	vmul.f32 $1.442695020e+00, v11;
	v11 =	vld [tilespmem:s23+$0xA0];
	(erf) = vpow2.f32 v8;
	[tilespmem:s7+$0x70] =	vst v4  }
0x41c: {  	v4 =	vld [tilespmem:s23+$0x120];
	(erf) = vpow2.f32 v6  }
0x41d: {  	v5 =	vadd.f32 v10, v5;
	v6 =	vld [tilespmem:s23+$0x1A0];
	(erf) = vpow2.f32 v3  }
0x41e: {  	v3 =	vld [tilespmem:s2+$0xFFFFFF10]  }
0x41f: {  	v8 =	vld [tilespmem:s2+$0xFFFFFF90];
	v14 =	vmul.f32 $1.442695020e+00, v9  }
0x420: {  	v10 =	vmul.f32 $1.442695020e+00, v11;
	v11 =	vld [tilespmem:s31+$0xFFFFFED0]  }
0x421: {  	v4 =	vmul.f32 $1.442695020e+00, v4;
	v12 =	vld [tilespmem:s23+$0x220];
	v13 =	vpop (erf);
	(erf) = vpow2.f32 v14  }
0x422: {  	v6 =	vmul.f32 $1.442695020e+00, v6;
	v9 =	vpop (erf);
	(erf) = vpow2.f32 v10;
	v10 =	vld [tilespmem:s31+$0xFFFFFF50]  }
0x423: {  	v3 =	vadd.f32 v3, v7;
	v7 =	vadd.f32 v9, v13;
	(erf) = vpow2.f32 v4;
	v4 =	vld [tilespmem:s31+$0xFFFFFFD0]  }
0x424: {  	v9 =	vpop (erf);
	(erf) = vpow2.f32 v6;
	v6 =	vld [tilespmem:s9+$0xFFFFFDD0]  }
0x425: {  	v3 =	vadd.f32 v3, v5;
	v5 =	vld [tilespmem:s2+$0x20];
	v13 =	vpop (erf);
	v11 =	vmul.f32 $1.442695020e+00, v11  }
0x426: {  	v9 =	vadd.f32 v13, v9;
	v13 =	vld [tilespmem:s2+$0xA0];
	v12 =	vmul.f32 $1.442695020e+00, v12;
	v14 =	vpop (erf)  }
0x427: {  	v3 =	vadd.f32 v3, v8;
	v8 =	vld [tilespmem:s2+$0x120];
	v15 =	vmul.f32 $1.442695020e+00, v10;
	(erf) = vpow2.f32 v11  }
0x428: {  	v7 =	vadd.f32 v9, v7;
	v9 =	vld [tilespmem:s2+$0x1A0];
	(erf) = vpow2.f32 v12;
	v12 =	vmul.f32 $1.442695020e+00, v4  }
0x429: {  	[tilespmem:s0+$0xFFFFFF90] =	vst v3;
	v3 =	vld [tilespmem:s9+$0xFFFFFE50];
	(erf) = vpow2.f32 v15  }
0x42a: {  	v7 =	vadd.f32 v7, v14;
	v10 =	vpop (erf);
	v11 =	vld [tilespmem:s9+$0xFFFFFED0];
	(erf) = vpow2.f32 v12  }
0x42b: {  	v4 =	vpop (erf);
	v12 =	vld [tilespmem:s9+$0xFFFFFF50]  }
0x42c: {  	[tilespmem:s13+$0xFFFFFF90] =	vst v7;
	v7 =	vld [tilespmem:s2+$0x220];
	v14 =	vpop (erf)  }
0x42d: {  	v5 =	vadd.f32 v13, v5;
	v15 =	vld [tilespmem:s23+$0xFFFFFDA0];
	v8 =	vadd.f32 v9, v8;
	v9 =	vpop (erf)  }
0x42e: {  	v4 =	vadd.f32 v4, v10;
	v13 =	vld [tilespmem:s23+$0xFFFFFE20];
	v14 =	vadd.f32 v9, v14  }
0x42f: {  	v3 =	vadd.f32 v3, v6;
	v10 =	vld [tilespmem:s23+$0xFFFFFEA0];
	v5 =	vadd.f32 v8, v5  }
0x430: {  	v6 =	vld [tilespmem:s23+$0xFFFFFF20];
	v4 =	vadd.f32 v14, v4;
	v8 =	vadd.f32 v12, v11;
	v9 =	vpop (erf)  }
0x431: {  	v11 =	vld [tilespmem:s23+$0xFFFFFFA0];
	v5 =	vadd.f32 v5, v7;
	v7 =	vpop (erf)  }
0x432: {  	v12 =	vld [tilespmem:s2+$0xFFFFFDA0];
	v14 =	vmul.f32 $1.442695020e+00, v15;
	v4 =	vadd.f32 v4, v7;
	v3 =	vadd.f32 v8, v3;
	v7 =	vpop (erf)  }
0x433: {  	v8 =	vld [tilespmem:s2+$0xFFFFFE20];
	v13 =	vmul.f32 $1.442695020e+00, v13;
	[tilespmem:s0+$0x20] =	vst v5;
	v5 =	vadd.f32 v7, v9;
	v7 =	vpop (erf)  }
0x434: {  	v9 =	vld [tilespmem:s2+$0xFFFFFEA0];
	v10 =	vmul.f32 $1.442695020e+00, v10;
	[tilespmem:s13+$0x20] =	vst v4;
	(erf) = vpow2.f32 v14  }
0x435: {  	v4 =	vmul.f32 $1.442695020e+00, v6;
	v6 =	vld [tilespmem:s23+$0x30];
	(erf) = vpow2.f32 v13;
	v2 =	vadd.f32 v5, v2  }
0x436: {  	v5 =	vmul.f32 $1.442695020e+00, v11;
	v11 =	vld [tilespmem:s23+$0xB0];
	(erf) = vpow2.f32 v10  }
0x437: {  	v10 =	vld [tilespmem:s23+$0x130];
	(erf) = vpow2.f32 v4;
	v2 =	vadd.f32 v2, v7  }
0x438: {  	v4 =	vadd.f32 v8, v12;
	v7 =	vld [tilespmem:s23+$0x1B0];
	(erf) = vpow2.f32 v5  }
0x439: {  	v5 =	vld [tilespmem:s2+$0xFFFFFF20]  }
0x43a: {  	v8 =	vld [tilespmem:s2+$0xFFFFFFA0];
	v6 =	vmul.f32 $1.442695020e+00, v6  }
0x43b: {  	v11 =	vmul.f32 $1.442695020e+00, v11;
	v12 =	vld [tilespmem:s9+$0xFFFFFFD0]  }
0x43c: {  	v10 =	vmul.f32 $1.442695020e+00, v10;
	v13 =	vld [tilespmem:s23+$0x230];
	(erf) = vpow2.f32 v6  }
0x43d: {  	v6 =	vmul.f32 $1.442695020e+00, v7;
	v7 =	vpop (erf);
	(erf) = vpow2.f32 v11;
	v11 =	vld [tilespmem:s28+$0xFFFFFEF0]  }
0x43e: {  	v5 =	vadd.f32 v5, v9;
	v9 =	vpop (erf);
	(erf) = vpow2.f32 v10;
	v10 =	vld [tilespmem:s28+$0xFFFFFF70]  }
0x43f: {  	v7 =	vadd.f32 v9, v7;
	v9 =	vpop (erf);
	(erf) = vpow2.f32 v6;
	v6 =	vld [tilespmem:s28+$0xFFFFFFF0];
	s28 =	smov.u32 s9;
	s9 =	smov.u32 s2  }
0x440: {  	v4 =	vadd.f32 v5, v4;
	v5 =	vld [tilespmem:s2+$0x30];
	v14 =	vpop (erf);
	v3 =	vadd.f32 v3, v12  }
0x441: {  	v9 =	vadd.f32 v14, v9;
	v12 =	vld [tilespmem:s2+$0xB0];
	v13 =	vmul.f32 $1.442695020e+00, v13;
	v14 =	vpop (erf)  }
0x442: {  	v4 =	vadd.f32 v4, v8;
	v8 =	vld [tilespmem:s2+$0x130];
	[tilespmem:s14+$0xFFFFFFD0] =	vst v3  }
0x443: {  	v3 =	vadd.f32 v9, v7;
	v7 =	vld [tilespmem:s2+$0x1B0];
	(erf) = vpow2.f32 v13;
	[tilespmem:s7+$0xFFFFFFD0] =	vst v2;
	v11 =	vadd.f32 v10, v11  }
0x444: {  	[tilespmem:s0+$0xFFFFFFA0] =	vst v4;
	v4 =	vld [tilespmem:s31+$0xFFFFFDE0]  }
0x445: {  	v3 =	vadd.f32 v3, v14;
	v9 =	vpop (erf);
	v10 =	vld [tilespmem:s31+$0xFFFFFE60];
	v0 =	vadd.f32 v11, v0  }
0x446: {  	v2 =	vpop (erf);
	v11 =	vld [tilespmem:s31+$0xFFFFFEE0]  }
0x447: {  	[tilespmem:s13+$0xFFFFFFA0] =	vst v3;
	v3 =	vld [tilespmem:s2+$0x230];
	v13 =	vpop (erf);
	v0 =	vadd.f32 v0, v6  }
0x448: {  	v5 =	vadd.f32 v12, v5;
	v6 =	vld [tilespmem:s23+$0xFFFFFDB0];
	v7 =	vadd.f32 v7, v8;
	v8 =	vpop (erf)  }
0x449: {  	v2 =	vadd.f32 v2, v9;
	v12 =	vld [tilespmem:s23+$0xFFFFFE30];
	v8 =	vadd.f32 v8, v13;
	v4 =	vmul.f32 $1.442695020e+00, v4;
	[tilespmem:s30+$0xFFFFFFF0] =	vst v0;
	s30 =	smov.u32 s14;
	s14 =	smov.u32 s0  }
0x44a: {  	v0 =	vld [tilespmem:s23+$0xFFFFFEB0];
	v9 =	vadd.f32 v7, v5;
	v7 =	vmul.f32 $1.442695020e+00, v10;
	[tilespmem:s29+$0xFFFFFFF0] =	vst v1;
	s29 =	smov.u32 s7;
	s7 =	smov.u32 s13  }
0x44b: {  	v1 =	vld [tilespmem:s23+$0xFFFFFF30];
	v2 =	vadd.f32 v8, v2;
	v8 =	vmul.f32 $1.442695020e+00, v11;
	(erf) = vpow2.f32 v4  }
0x44c: {  	v4 =	vld [tilespmem:s23+$0xFFFFFFB0];
	v3 =	vadd.f32 v9, v3;
	v5 =	vpop (erf);
	(erf) = vpow2.f32 v7  }
0x44d: {  	v7 =	vld [tilespmem:s2+$0xFFFFFDB0];
	v6 =	vmul.f32 $1.442695020e+00, v6;
	v2 =	vadd.f32 v2, v5;
	(erf) = vpow2.f32 v8  }
0x44e: {  	v5 =	vld [tilespmem:s2+$0xFFFFFE30];
	v8 =	vmul.f32 $1.442695020e+00, v12;
	[tilespmem:s0+$0x30] =	vst v3  }
0x44f: {  	v3 =	vld [tilespmem:s2+$0xFFFFFEB0];
	v0 =	vmul.f32 $1.442695020e+00, v0;
	[tilespmem:s13+$0x30] =	vst v2;
	(erf) = vpow2.f32 v6  }
0x450: {  	v1 =	vmul.f32 $1.442695020e+00, v1;
	v2 =	vld [tilespmem:s23+$0x40];
	(erf) = vpow2.f32 v8  }
0x451: {  	v4 =	vmul.f32 $1.442695020e+00, v4;
	v6 =	vld [tilespmem:s23+$0xC0];
	(erf) = vpow2.f32 v0  }
0x452: {  	v0 =	vld [tilespmem:s23+$0x140];
	(erf) = vpow2.f32 v1  }
0x453: {  	v1 =	vadd.f32 v5, v7;
	v5 =	vld [tilespmem:s23+$0x1C0];
	(erf) = vpow2.f32 v4  }
0x454: {  	v4 =	vld [tilespmem:s2+$0xFFFFFF30];
	v7 =	vpop (erf)  }
0x455: {  	v8 =	vld [tilespmem:s2+$0xFFFFFFB0];
	v2 =	vmul.f32 $1.442695020e+00, v2;
	v9 =	vpop (erf)  }
0x456: {  	v6 =	vmul.f32 $1.442695020e+00, v6;
	v10 =	vld [tilespmem:s31+$0xFFFFFF60];
	v7 =	vadd.f32 v9, v7;
	v9 =	vpop (erf)  }
0x457: {  	v0 =	vmul.f32 $1.442695020e+00, v0;
	v11 =	vld [tilespmem:s23+$0x240];
	(erf) = vpow2.f32 v2  }
0x458: {  	v2 =	vmul.f32 $1.442695020e+00, v5;
	v5 =	vpop (erf);
	(erf) = vpow2.f32 v6;
	v6 =	vld [tilespmem:s31+$0xFFFFFFE0]  }
0x459: {  	v3 =	vadd.f32 v4, v3;
	v4 =	vpop (erf);
	(erf) = vpow2.f32 v0;
	v0 =	vld [tilespmem:s28+$0xFFFFFDE0]  }
0x45a: {  	v4 =	vadd.f32 v4, v5;
	v5 =	vpop (erf);
	(erf) = vpow2.f32 v2;
	v2 =	vld [tilespmem:s28+$0xFFFFFE60]  }
0x45b: {  	v1 =	vadd.f32 v3, v1;
	v3 =	vld [tilespmem:s2+$0x40];
	v12 =	vpop (erf);
	v10 =	vmul.f32 $1.442695020e+00, v10  }
0x45c: {  	v5 =	vadd.f32 v12, v5;
	v12 =	vld [tilespmem:s2+$0xC0];
	v11 =	vmul.f32 $1.442695020e+00, v11;
	v13 =	vpop (erf)  }
0x45d: {  	v1 =	vadd.f32 v1, v8;
	v8 =	vld [tilespmem:s2+$0x140];
	v6 =	vmul.f32 $1.442695020e+00, v6;
	(erf) = vpow2.f32 v10  }
0x45e: {  	v14 =	vadd.f32 v5, v4;
	v5 =	vld [tilespmem:s2+$0x1C0];
	(erf) = vpow2.f32 v11  }
0x45f: {  	[tilespmem:s0+$0xFFFFFFB0] =	vst v1;
	v1 =	vld [tilespmem:s28+$0xFFFFFEE0];
	v0 =	vadd.f32 v2, v0;
	(erf) = vpow2.f32 v6  }
0x460: {  	v2 =	vadd.f32 v14, v13;
	v4 =	vpop (erf);
	v6 =	vld [tilespmem:s28+$0xFFFFFF60]  }
0x461: {  	v10 =	vpop (erf);
	v11 =	vld [tilespmem:s28+$0xFFFFFFE0]  }
0x462: {  	[tilespmem:s13+$0xFFFFFFB0] =	vst v2;
	v2 =	vld [tilespmem:s2+$0x240];
	v13 =	vpop (erf)  }
0x463: {  	v3 =	vadd.f32 v12, v3;
	v14 =	vld [tilespmem:s23+$0xFFFFFDC0];
	v5 =	vadd.f32 v5, v8;
	v8 =	vpop (erf)  }
0x464: {  	v4 =	vadd.f32 v10, v4;
	v12 =	vld [tilespmem:s23+$0xFFFFFE40];
	v8 =	vadd.f32 v8, v13  }
0x465: {  	v10 =	vld [tilespmem:s23+$0xFFFFFEC0];
	v13 =	vadd.f32 v5, v3;
	v15 =	vadd.f32 v6, v1  }
0x466: {  	v5 =	vld [tilespmem:s23+$0xFFFFFF40];
	v4 =	vadd.f32 v8, v4;
	v6 =	vpop (erf)  }
0x467: {  	v8 =	vld [tilespmem:s23+$0xFFFFFFC0];
	v2 =	vadd.f32 v13, v2;
	v3 =	vpop (erf);
	v6 =	vadd.f32 v6, v9  }
0x468: {  	v0 =	vadd.f32 v15, v0;
	v9 =	vld [tilespmem:s2+$0xFFFFFDC0];
	v13 =	vmul.f32 $1.442695020e+00, v14;
	v3 =	vadd.f32 v4, v3;
	v1 =	vpop (erf)  }
0x469: {  	v4 =	vld [tilespmem:s2+$0xFFFFFE40];
	v12 =	vmul.f32 $1.442695020e+00, v12;
	[tilespmem:s0+$0x40] =	vst v2;
	v2 =	vadd.f32 v6, v7  }
0x46a: {  	v0 =	vadd.f32 v0, v11;
	v6 =	vld [tilespmem:s2+$0xFFFFFEC0];
	v7 =	vmul.f32 $1.442695020e+00, v10;
	[tilespmem:s13+$0x40] =	vst v3;
	(erf) = vpow2.f32 v13  }
0x46b: {  	v3 =	vmul.f32 $1.442695020e+00, v5;
	v5 =	vld [tilespmem:s23+$0x50];
	(erf) = vpow2.f32 v12;
	v1 =	vadd.f32 v2, v1  }
0x46c: {  	v2 =	vmul.f32 $1.442695020e+00, v8;
	v8 =	vld [tilespmem:s23+$0xD0];
	(erf) = vpow2.f32 v7;
	[tilespmem:s30+$0xFFFFFFE0] =	vst v0  }
0x46d: {  	v0 =	vld [tilespmem:s23+$0x150];
	(erf) = vpow2.f32 v3;
	[tilespmem:s29+$0xFFFFFFE0] =	vst v1  }
0x46e: {  	v1 =	vadd.f32 v4, v9;
	v3 =	vld [tilespmem:s23+$0x1D0];
	(erf) = vpow2.f32 v2  }
0x46f: {  	v2 =	vld [tilespmem:s2+$0xFFFFFF40]  }
0x470: {  	v4 =	vld [tilespmem:s2+$0xFFFFFFC0];
	v10 =	vmul.f32 $1.442695020e+00, v5  }
0x471: {  	v7 =	vmul.f32 $1.442695020e+00, v8;
	v8 =	vld [tilespmem:s31+$0xFFFFFDF0]  }
0x472: {  	v0 =	vmul.f32 $1.442695020e+00, v0;
	v9 =	vld [tilespmem:s23+$0x250];
	(erf) = vpow2.f32 v10  }
0x473: {  	v3 =	vmul.f32 $1.442695020e+00, v3;
	v5 =	vpop (erf);
	(erf) = vpow2.f32 v7;
	v7 =	vld [tilespmem:s31+$0xFFFFFE70]  }
0x474: {  	v12 =	vadd.f32 v2, v6;
	v6 =	vpop (erf);
	(erf) = vpow2.f32 v0;
	v0 =	vld [tilespmem:s31+$0xFFFFFEF0]  }
0x475: {  	v5 =	vadd.f32 v6, v5;
	v6 =	vpop (erf);
	(erf) = vpow2.f32 v3;
	v3 =	vld [tilespmem:s31+$0xFFFFFF70]  }
0x476: {  	v1 =	vadd.f32 v12, v1;
	v10 =	vld [tilespmem:s2+$0x50];
	v2 =	vpop (erf);
	v8 =	vmul.f32 $1.442695020e+00, v8  }
0x477: {  	v2 =	vadd.f32 v2, v6;
	v6 =	vld [tilespmem:s2+$0xD0];
	v9 =	vmul.f32 $1.442695020e+00, v9;
	v11 =	vpop (erf)  }
0x478: {  	v1 =	vadd.f32 v1, v4;
	v4 =	vld [tilespmem:s2+$0x150];
	v7 =	vmul.f32 $1.442695020e+00, v7;
	(erf) = vpow2.f32 v8  }
0x479: {  	v2 =	vadd.f32 v2, v5;
	v8 =	vld [tilespmem:s2+$0x1D0];
	(erf) = vpow2.f32 v9;
	v5 =	vmul.f32 $1.442695020e+00, v0  }
0x47a: {  	[tilespmem:s0+$0xFFFFFFC0] =	vst v1;
	v3 =	vmul.f32 $1.442695020e+00, v3;
	v12 =	vld [tilespmem:s31+$0xFFFFFFF0];
	(erf) = vpow2.f32 v7;
	s31 =	smov.u32 s23  }
.Ltmp3:
0x47b: {  	v2 =	vadd.f32 v2, v11;
	v9 =	vpop (erf);
	v0 =	vld [tilespmem:s28+$0xFFFFFDF0];
	(erf) = vpow2.f32 v5;
	(pc) =	sbr.rel @p0 .LBB2_5-.Ltmp3, $4  }
0x47c: {  	v11 =	vpop (erf);
	v1 =	vld [tilespmem:s28+$0xFFFFFE70];
	(erf) = vpow2.f32 v3  }
0x47d: {  	[tilespmem:s13+$0xFFFFFFC0] =	vst v2;
	v5 =	vld [tilespmem:s2+$0x250];
	v13 =	vpop (erf)  }
0x47e: {  	v3 =	vadd.f32 v6, v10;
	v2 =	vld [tilespmem:s23+$0xFFFFFDD0];
	v7 =	vadd.f32 v8, v4;
	v6 =	vpop (erf)  }
0x47f: {  	v8 =	vadd.f32 v11, v9;
	s23 =	sadd.s32 $0x500, s23;
	v4 =	vld [tilespmem:s31+$0xFFFFFE50];
	v9 =	vadd.f32 v6, v13;
	v6 =	vmul.f32 $1.442695020e+00, v12  }
0x480: {  	v7 =	vadd.f32 v7, v3  }
0x481: {  	v8 =	vadd.f32 v9, v8;
	v3 =	vpop (erf)  }
0x482: {  	v5 =	vadd.f32 v7, v5;
	v29 =	vpop (erf)  }
0x483: {  	v7 =	vadd.f32 v8, v29  }
0x484: {  	[tilespmem:s0+$0x50] =	vst v5  }
0x485: {  	[tilespmem:s13+$0x50] =	vst v7  }
0x486: {  	v5 =	vld [tilespmem:s31+$0x60]  }
0x487: {  	v7 =	vld [tilespmem:s31+$0xE0]  }
0x488: {  	v30 =	vld [tilespmem:s31+$0x160]  }
0x489: {  	v2 =	vmul.f32 $1.442695020e+00, v2;
	v31 =	vld [tilespmem:s31+$0x1E0]  }
0x48a: {  	(erf) = vpow2.f32 v6;
	v4 =	vmul.f32 $1.442695020e+00, v4  }
0x48b: {  	(erf) = vpow2.f32 v2;
	v32 =	vmul.f32 $1.442695020e+00, v5  }
0x48c: {  	(erf) = vpow2.f32 v4;
	v33 =	vmul.f32 $1.442695020e+00, v7  }
0x48d: {  	v35 =	vld [tilespmem:s31+$0x260];
	v34 =	vmul.f32 $1.442695020e+00, v30;
	(erf) = vpow2.f32 v32  }
0x48e: {  	v36 =	vmul.f32 $1.442695020e+00, v31;
	(erf) = vpow2.f32 v33  }
0x48f: {  	(erf) = vpow2.f32 v34  }
0x490: {  	v6 =	vpop (erf);
	(erf) = vpow2.f32 v36  }
0x491: {  	v37 =	vld [tilespmem:s9+$0x60];
	v4 =	vpop (erf)  }
0x492: {  	v38 =	vld [tilespmem:s9+$0xE0];
	v5 =	vpop (erf);
	v7 =	vmul.f32 $1.442695020e+00, v35  }
0x493: {  	v10 =	vld [tilespmem:s9+$0x160];
	v2 =	vpop (erf)  }
0x494: {  	v12 =	vld [tilespmem:s9+$0x1E0];
	v11 =	vpop (erf);
	(erf) = vpow2.f32 v7  }
0x495: {  	v39 =	vpop (erf)  }
0x496: {  	v13 =	vpop (erf)  }
0x497: {  	v14 =	vpop (erf)  }
0x498: {  	v15 =	vld [tilespmem:s9+$0x260];
	v16 =	vpop (erf)  }
0x499: {  	v8 =	vadd.f32 v38, v37;
	v40 =	vadd.f32 v12, v10;
	v41 =	vpop (erf)  }
0x49a: {  	v42 =	vadd.f32 v14, v13;
	v10 =	vadd.f32 v41, v16  }
0x49b: {  	v8 =	vadd.f32 v40, v8  }
0x49c: {  	v43 =	vadd.f32 v10, v42  }
0x49d: {  	v8 =	vadd.f32 v8, v15;
	v44 =	vpop (erf)  }
0x49e: {  	v9 =	vadd.f32 v43, v44  }
0x49f: {  	[tilespmem:s14+$0x60] =	vst v8  }
0x4a0: {  	[tilespmem:s7+$0x60] =	vst v9  }
0x4a1: {  	v8 =	vld [tilespmem:s31+$0x70]  }
0x4a2: {  	v9 =	vld [tilespmem:s31+$0xF0]  }
0x4a3: {  	v45 =	vld [tilespmem:s31+$0x170]  }
0x4a4: {  	v46 =	vld [tilespmem:s31+$0x1F0]  }
0x4a5: {  	v47 =	vld [tilespmem:s31+$0x270]  }
0x4a6: {  	v48 =	vld [tilespmem:s31+$0xFFFFFED0];
	v8 =	vmul.f32 $1.442695020e+00, v8  }
0x4a7: {  	v49 =	vld [tilespmem:s31+$0xFFFFFF50];
	v9 =	vmul.f32 $1.442695020e+00, v9  }
0x4a8: {  	v10 =	vmul.f32 $1.442695020e+00, v45;
	(erf) = vpow2.f32 v8  }
0x4a9: {  	v50 =	vmul.f32 $1.442695020e+00, v46;
	(erf) = vpow2.f32 v9  }
0x4aa: {  	v51 =	vmul.f32 $1.442695020e+00, v47;
	(erf) = vpow2.f32 v10  }
0x4ab: {  	v52 =	vld [tilespmem:s31+$0xFFFFFFD0];
	v53 =	vmul.f32 $1.442695020e+00, v48;
	(erf) = vpow2.f32 v50  }
0x4ac: {  	v54 =	vmul.f32 $1.442695020e+00, v49;
	(erf) = vpow2.f32 v51  }
0x4ad: {  	(erf) = vpow2.f32 v53  }
0x4ae: {  	(erf) = vpow2.f32 v54  }
0x4af: {  	v55 =	vld [tilespmem:s9+$0xFFFFFDD0]  }
0x4b0: {  	v56 =	vld [tilespmem:s9+$0xFFFFFE50];
	v8 =	vmul.f32 $1.442695020e+00, v52  }
0x4b1: {  	v58 =	vld [tilespmem:s9+$0xFFFFFED0];
	v57 =	vpop (erf)  }
0x4b2: {  	v60 =	vld [tilespmem:s9+$0xFFFFFF50];
	v59 =	vpop (erf);
	(erf) = vpow2.f32 v8  }
0x4b3: {  	v61 =	vpop (erf)  }
0x4b4: {  	v62 =	vpop (erf)  }
0x4b5: {  	v17 =	vpop (erf)  }
0x4b6: {  	v19 =	vld [tilespmem:s9+$0xFFFFFFD0];
	v18 =	vpop (erf)  }
0x4b7: {  	v9 =	vadd.f32 v56, v55;
	v8 =	vadd.f32 v60, v58;
	v63 =	vpop (erf)  }
0x4b8: {  	v7 =	vadd.f32 v39, v11;
	v10 =	vadd.f32 v63, v18  }
0x4b9: {  	v8 =	vadd.f32 v8, v9  }
0x4ba: {  	v7 =	vadd.f32 v10, v7  }
0x4bb: {  	v8 =	vadd.f32 v8, v19;
	v13 =	vpop (erf)  }
0x4bc: {  	v7 =	vadd.f32 v7, v13  }
0x4bd: {  	[tilespmem:s14+$0xFFFFFFD0] =	vst v8  }
0x4be: {  	[tilespmem:s7+$0xFFFFFFD0] =	vst v7  }
0x4bf: {  	v7 =	vld [tilespmem:s31+$0xFFFFFDE0]  }
0x4c0: {  	v8 =	vld [tilespmem:s31+$0xFFFFFE60]  }
0x4c1: {  	v18 =	vld [tilespmem:s31+$0xFFFFFEE0]  }
0x4c2: {  	v19 =	vld [tilespmem:s31+$0xFFFFFF60];
	_ =	sdelay $0x1  }
0x4c3: {  	v7 =	vmul.f32 $1.442695020e+00, v7  }
0x4c4: {  	v8 =	vmul.f32 $1.442695020e+00, v8  }
0x4c5: {  	v20 =	vld [tilespmem:s31+$0xFFFFFFE0];
	v9 =	vmul.f32 $1.442695020e+00, v18;
	(erf) = vpow2.f32 v7  }
0x4c6: {  	v21 =	vmul.f32 $1.442695020e+00, v19;
	(erf) = vpow2.f32 v8  }
0x4c7: {  	(erf) = vpow2.f32 v9  }
0x4c8: {  	(erf) = vpow2.f32 v21  }
0x4c9: {  	v22 =	vld [tilespmem:s9+$0xFFFFFDE0]  }
0x4ca: {  	v23 =	vld [tilespmem:s9+$0xFFFFFE60];
	v7 =	vmul.f32 $1.442695020e+00, v20  }
0x4cb: {  	v24 =	vld [tilespmem:s9+$0xFFFFFEE0]  }
0x4cc: {  	v25 =	vld [tilespmem:s9+$0xFFFFFF60];
	(erf) = vpow2.f32 v7;
	_ =	sdelay $0x1  }
0x4cd: {  	v26 =	vpop (erf)  }
0x4ce: {  	v27 =	vpop (erf)  }
0x4cf: {  	v29 =	vld [tilespmem:s9+$0xFFFFFFE0];
	v28 =	vpop (erf)  }
0x4d0: {  	v8 =	vadd.f32 v23, v22;
	v7 =	vadd.f32 v25, v24;
	v30 =	vpop (erf)  }
0x4d1: {  	v31 =	vadd.f32 v27, v26;
	v9 =	vadd.f32 v30, v28  }
0x4d2: {  	v7 =	vadd.f32 v7, v8  }
0x4d3: {  	v32 =	vadd.f32 v9, v31  }
0x4d4: {  	v7 =	vadd.f32 v7, v29;
	v33 =	vpop (erf)  }
0x4d5: {  	v8 =	vadd.f32 v32, v33  }
0x4d6: {  	v43 =	vld [tilespmem:s28+$0xFFFFFEF0];
	[tilespmem:s14+$0xFFFFFFE0] =	vst v7  }
0x4d7: {  	v44 =	vld [tilespmem:s28+$0xFFFFFF70];
	[tilespmem:s7+$0xFFFFFFE0] =	vst v8  }
0x4d8: {  	v8 =	vld [tilespmem:s31+$0xFFFFFDF0]  }
0x4d9: {  	v35 =	vld [tilespmem:s31+$0xFFFFFE70]  }
0x4da: {  	v36 =	vld [tilespmem:s31+$0xFFFFFEF0]  }
0x4db: {  	v37 =	vld [tilespmem:s31+$0xFFFFFF70]  }
0x4dc: {  	v34 =	vld [tilespmem:s9+$0x70]  }
0x4dd: {  	v38 =	vld [tilespmem:s9+$0xF0];
	v8 =	vmul.f32 $1.442695020e+00, v8  }
0x4de: {  	v39 =	vld [tilespmem:s9+$0x170];
	v9 =	vmul.f32 $1.442695020e+00, v35  }
0x4df: {  	v42 =	vld [tilespmem:s31+$0xFFFFFFF0];
	v41 =	vmul.f32 $1.442695020e+00, v36;
	(erf) = vpow2.f32 v8  }
0x4e0: {  	v40 =	vld [tilespmem:s9+$0x1F0];
	v11 =	vmul.f32 $1.442695020e+00, v37;
	(erf) = vpow2.f32 v9  }
0x4e1: {  	v45 =	vld [tilespmem:s9+$0xFFFFFDF0];
	(erf) = vpow2.f32 v41  }
0x4e2: {  	v47 =	vld [tilespmem:s9+$0xFFFFFE70];
	(erf) = vpow2.f32 v11  }
0x4e3: {  	v50 =	vld [tilespmem:s9+$0xFFFFFEF0]  }
0x4e4: {  	v0 =	vadd.f32 v1, v0;
	v4 =	vadd.f32 v5, v4;
	v52 =	vld [tilespmem:s9+$0xFFFFFF70];
	v48 =	vmul.f32 $1.442695020e+00, v42  }
0x4e5: {  	v12 =	vadd.f32 v59, v57;
	v51 =	vadd.f32 v62, v61;
	v20 =	vld [tilespmem:s9+$0x270]  }
0x4e6: {  	v49 =	vadd.f32 v40, v39;
	v7 =	vadd.f32 v38, v34;
	(erf) = vpow2.f32 v48  }
0x4e7: {  	v46 =	vadd.f32 v6, v3;
	v54 =	vadd.f32 v51, v12  }
0x4e8: {  	v53 =	vadd.f32 v49, v7;
	v60 =	vld [tilespmem:s9+$0xFFFFFFF0];
	v3 =	vadd.f32 v47, v45;
	v56 =	vpop (erf)  }
0x4e9: {  	v55 =	vld [tilespmem:s28+$0xFFFFFFF0];
	v6 =	vadd.f32 v52, v50;
	v8 =	vadd.f32 v44, v43;
	v58 =	vpop (erf)  }
0x4ea: {  	v7 =	vadd.f32 v54, v17;
	v57 =	vadd.f32 v53, v20;
	v59 =	vpop (erf)  }
0x4eb: {  	v3 =	vadd.f32 v6, v3;
	v0 =	vadd.f32 v8, v0;
	v61 =	vpop (erf)  }
0x4ec: {  	v5 =	vadd.f32 v58, v56;
	v8 =	vadd.f32 v61, v59  }
0x4ed: {  	v1 =	vadd.f32 v4, v46;
	[tilespmem:s14+$0x70] =	vst v57;
	v3 =	vadd.f32 v3, v60  }
0x4ee: {  	[tilespmem:s7+$0x70] =	vst v7;
	v0 =	vadd.f32 v0, v55;
	v62 =	vadd.f32 v8, v5  }
0x4ef: {  	v1 =	vadd.f32 v1, v2;
	[tilespmem:s14+$0xFFFFFFF0] =	vst v3;
	v63 =	vpop (erf)  }
0x4f0: {  	s31 =	sshll.u32 s26, $0x9;
	[tilespmem:s30+$0xFFFFFFF0] =	vst v0;
	v0 =	vadd.f32 v62, v63  }
.Ltmp4:
0x4f1: {  	s0 =	sadd.s32 s10, s31;
	[tilespmem:s29+$0xFFFFFFF0] =	vst v1;
	(pc) =	sbr.rel @p1 .LBB2_8-.Ltmp4, $4  }
0x4f2: {  	s2 =	sadd.s32 s5, s0;
	[tilespmem:s7+$0xFFFFFFF0] =	vst v0  }
0x4f3: {  	[hbm4b:s2+s4] =	stream.linear.scatter [tilespmem:s21], [sflag:$0x4], $0x800, $0x38;
	[tilespmem:$0xCC80] =	vst v63  }
0x4f4: {  	s0 =	sadd.s32 s6, s0  }
0x4f5: {  	[hbm4b:s0+s4] =	stream.linear.scatter [tilespmem:s22], [sflag:$0x4], $0x800, $0x38;
	[tilespmem:$0xCC80] =	vst v63  }
0x4f6: {  	s0 =	smul.u32 $0x280, s26;
	_ =	sdelay $0x1  }
.Ltmp5:
0x4f7: {  	s0 =	sshra.s32 s0, $0x2;
	(pc) =	sbr.rel .LBB2_2-.Ltmp5, $4  }
0x4f8: {  	s0 =	sadd.s32 $0xF0, s0  }
0x4f9: {  	[tilespmem:s15], [sflag:$0x2] =	stream.indirect.gather [hbm4b:s1+s12], $0x80, s0, s12, $0xb8;
	[tilespmem:$0xCC80] =	vst v63  }
0x4fa: {  	s26 =	sadd.s32 $0x1, s26  }
0x4fb: {  	[tilespmem:s16], [sflag:$0x2] =	stream.indirect.gather [hbm4b:s3+s12], $0x80, s0, s12, $0xb8;
	[tilespmem:$0xCC80] =	vst v63  }
.LBB2_9:
0x4fc: {  	_ =	sfence.sel $0x180000  }
0x4fd: {  	[bflag:$0x0] =	sbarrier.arrive $0xFFFF  }
0x4fe: {  	_ =	strace $0x9000004A  }
0x4ff: {  	s0 =	stileid.u32;
	[bflag:$0x2] =	sbarrier.arrive $0xFFFF  }
0x500: {  	p0 =	sne.s32 s0, $0x0;
	s0 =	rddreg [dreg:$0x3]  }
0x501: {  	s0 =	sadd.s32 @!p0 $0x100000, s0  }
0x502: {  	[sflag:s0] =	ssyncadd.tile.s32 @!p0 $0x1;
	_ =	shalt  }
.Lfunc_end2:
_tile_overlayer_lowered:
.L_overlay_start_2:
0x503: {  	(tag) =	ssettag $0x2  }
0x504: {  	s0 =	rddreg [dreg:$0x0];
	s2 =	stileid.u32  }
0x505: {  	s1 =	rddreg [dreg:$0x1];
	p0 =	sne.s32 s2, $0x0  }
0x506: {  	s3 =	rddreg [dreg:$0x2];
	[bflag:$0x3] =	sbarrier.arrive $0xFFFF;
	s2 =	simm.s32 @!p0 $0x1C05  }
0x507: {  	[timem:s3], [sflag:s2] =	dma.local @!p0 [hbm:s0], s1  }
0x508: {  	s0 =	simm.s32 @!p0 $0x5  }
0x509: {  	_ =	swait.ge @!p0 [sflag:s0], s1  }
0x50a: {  	s1 =	ssub.s32 @!p0 $0x0, s1;
	[sflag:s0] =	ssyncset.done @!p0 $0x0  }
0x50b: {  	[sflag:s0] =	ssyncadd.s32 @!p0 s1  }
0x50c: {  	[bflag:$0x3] =	sbarrier.arrive $0xFFFF  }
0x50d: {  	_ =	shalt  }

</sc_bundles>
